<compile_context>
chip_gen: v7x
topology: tpu7x:2x2x1
jax: 0.10.2.dev20260603
libtpu: 0.0.44.dev20260713+nightly
codegen_flags: <defaults>
</compile_context>

<pallas_src>
import functools

import jax
import jax.numpy as jnp
from jax import lax
from jax.experimental import pallas as pl
from jax.experimental.pallas import tpu as pltpu
from jax.experimental.pallas import tpu_sc as plsc

N_RAIN = 4 * 8 * 1 * 256 * 256
N_OBS = 4 * 8 * 200
NW = 32
ROWS = N_RAIN // 128
SHARD_ROWS = ROWS // NW
CROWS = 128
NCHUNK = SHARD_ROWS // CROWS
L1B = 32768
L2B = 65536
PCT = 95

_MESH = plsc.VectorSubcoreMesh(core_axis_name="c", subcore_axis_name="s")
_SC_PARAMS = pltpu.CompilerParams(needs_layout_passes=False)


def _zero_rows(ref, nrows):
    zf = jnp.zeros((16,), jnp.float32)

    @plsc.parallel_loop(0, nrows, unroll=4)
    def _(r):
        for j in range(8):
            ref[r, pl.ds(j * 16, 16)] = zf


def _stream_chunks(rain_hbm, row_base, bufs, sems, process):
    cp = pltpu.async_copy(
        rain_hbm.at[pl.ds(row_base, CROWS), :], bufs[0], sems[0]
    )
    for c in range(NCHUNK):
        nxt = None
        if c + 1 < NCHUNK:
            nxt = pltpu.async_copy(
                rain_hbm.at[pl.ds(row_base + (c + 1) * CROWS, CROWS), :],
                bufs[(c + 1) % 2],
                sems[(c + 1) % 2],
            )
        cp.wait()
        process(bufs[c % 2])
        cp = nxt


@functools.partial(
    pl.kernel,
    mesh=_MESH,
    compiler_params=_SC_PARAMS,
    out_type=jax.ShapeDtypeStruct((NW * (L1B // 128), 128), jnp.float32),
    scratch_types=[
        pltpu.VMEM((L1B // 128, 128), jnp.float32),
        pltpu.VMEM((CROWS, 128), jnp.float32),
        pltpu.VMEM((CROWS, 128), jnp.float32),
        pltpu.SemaphoreType.DMA,
        pltpu.SemaphoreType.DMA,
    ],
)
def _sc_hist1(rain_hbm, cnt_out, h_cnt, buf0, buf1, sem0, sem1):
    wid = lax.axis_index("s") * 2 + lax.axis_index("c")
    ones = jnp.ones((16,), jnp.float32)
    _zero_rows(h_cnt, L1B // 128)

    def process(cur):
        @plsc.parallel_loop(0, CROWS, unroll=2)
        def _(r):
            for j in range(8):
                v = cur[r, pl.ds(j * 16, 16)]
                u = plsc.bitcast(v, jnp.int32)
                m = u > 0
                row = jnp.where(m, lax.shift_right_logical(u, 23), 0)
                col = lax.shift_right_logical(u, 16) & 127
                plsc.addupdate_scatter(h_cnt, [row, col], ones, mask=m)

    _stream_chunks(rain_hbm, wid * SHARD_ROWS, (buf0, buf1), (sem0, sem1), process)
    pltpu.sync_copy(h_cnt, cnt_out.at[pl.ds(wid * (L1B // 128), L1B // 128), :])


def _tc_merge1_body(cnt_ref, ints_ref, flts_ref):
    rows = L1B // 128

    def body(t, acc):
        return acc + cnt_ref[t]

    cnt = lax.fori_loop(0, NW, body, jnp.zeros((rows, 128), jnp.float32))
    n_f = jnp.sum(cnt)
    n = n_f.astype(jnp.int32)
    k = jnp.maximum(jnp.int32(1), (n * PCT) // 100)
    k_f = k.astype(jnp.float32)

    idx = (
        lax.broadcasted_iota(jnp.int32, (rows, 128), 0) * 128
        + lax.broadcasted_iota(jnp.int32, (rows, 128), 1)
    )

    def bis(_, lo_hi):
        lo, hi = lo_hi
        mid = lo + (hi - lo) // 2
        s = jnp.sum(jnp.where(idx >= mid, cnt, 0.0))
        good = s >= k_f
        return jnp.where(good, mid, lo), jnp.where(good, hi, mid)

    lo, hi = lax.fori_loop(0, 16, bis, (jnp.int32(0), jnp.int32(L1B)))

    ints_ref[0] = n
    ints_ref[1] = k
    ints_ref[2] = lo
    for j in range(3, 16):
        ints_ref[j] = jnp.int32(0)
    flts_ref[0] = jnp.sum(jnp.where(idx > lo, cnt, 0.0))
    for j in range(1, 16):
        flts_ref[j] = jnp.float32(0)


def _tc_merge1(cnt):
    return pl.pallas_call(
        _tc_merge1_body,
        out_shape=(
            jax.ShapeDtypeStruct((16,), jnp.int32),
            jax.ShapeDtypeStruct((16,), jnp.float32),
        ),
        in_specs=[pl.BlockSpec(memory_space=pltpu.VMEM)],
        out_specs=(
            pl.BlockSpec(memory_space=pltpu.SMEM),
            pl.BlockSpec(memory_space=pltpu.SMEM),
        ),
    )(cnt)


@functools.partial(
    pl.kernel,
    mesh=_MESH,
    compiler_params=_SC_PARAMS,
    out_type=(
        jax.ShapeDtypeStruct((NW * (L2B // 128), 128), jnp.float32),
        jax.ShapeDtypeStruct((NW, 128), jnp.float32),
    ),
    scratch_types=[
        pltpu.VMEM((L2B // 128, 128), jnp.float32),
        pltpu.VMEM((CROWS, 128), jnp.float32),
        pltpu.VMEM((CROWS, 128), jnp.float32),
        pltpu.VMEM((128,), jnp.float32),
        pltpu.VMEM((16,), jnp.int32),
        pltpu.SemaphoreType.DMA,
        pltpu.SemaphoreType.DMA,
    ],
)
def _sc_hist2(rain_hbm, ints_hbm, cnt_out, stats_out, h_cnt, buf0, buf1, st, prm, sem0, sem1):
    wid = lax.axis_index("s") * 2 + lax.axis_index("c")
    pltpu.sync_copy(ints_hbm, prm)
    b15 = prm[pl.ds(0, 16)][2]
    ones = jnp.ones((16,), jnp.float32)
    zf = jnp.zeros((16,), jnp.float32)
    _zero_rows(h_cnt, L2B // 128)

    zf2 = (zf, zf)
    holder = [(zf2, zf2, zf2, zf2)]

    def process(cur):
        @plsc.parallel_loop(0, CROWS, unroll=2, carry=holder[0])
        def final(r, accs):
            accs = list(accs)
            for j in range(8):
                asum, assq = accs[j % 4]
                v = cur[r, pl.ds(j * 16, 16)]
                u = plsc.bitcast(v, jnp.int32)
                hi = lax.shift_right_arithmetic(u, 16)
                m_in = hi == b15
                m_hi = hi > b15
                row = jnp.where(m_in, lax.shift_right_arithmetic(u, 7) & 511, 0)
                col = u & 127
                plsc.addupdate_scatter(h_cnt, [row, col], ones, mask=m_in)
                w = jnp.where(m_hi, v, 0.0)
                asum = asum + w
                assq = assq + w * w
                accs[j % 4] = (asum, assq)
            return tuple(accs)

        holder[0] = final

    _stream_chunks(rain_hbm, wid * SHARD_ROWS, (buf0, buf1), (sem0, sem1), process)
    accs = holder[0]
    asum = accs[0][0] + accs[1][0] + accs[2][0] + accs[3][0]
    assq = accs[0][1] + accs[1][1] + accs[2][1] + accs[3][1]

    st[pl.ds(0, 16)] = asum
    st[pl.ds(16, 16)] = assq
    for j in range(2, 8):
        st[pl.ds(j * 16, 16)] = zf
    pltpu.sync_copy(h_cnt, cnt_out.at[pl.ds(wid * (L2B // 128), L2B // 128), :])
    pltpu.sync_copy(st, stats_out.at[wid])


def _mean_std(sum_top, ssq_top, k_f):
    mean = sum_top / k_f
    var = (ssq_top - k_f * mean * mean) / (k_f - 1.0)
    std = jnp.sqrt(jnp.maximum(var, 0.0))
    return mean, std


def _tc_merge2_body(cnt2_ref, stats_ref, ints_ref, flts_ref, obs_ref, out_ref):
    rows = L2B // 128

    def body(t, acc):
        return acc + cnt2_ref[t]

    cnt2 = lax.fori_loop(0, NW, body, jnp.zeros((rows, 128), jnp.float32))

    stats = stats_ref[...]
    col = lax.broadcasted_iota(jnp.int32, (NW, 128), 1)
    cnt_hi = flts_ref[0]
    sum_hi = jnp.sum(jnp.where(col < 16, stats, 0.0))
    ssq_hi = jnp.sum(jnp.where((col >= 16) & (col < 32), stats, 0.0))

    n = ints_ref[0]
    k = ints_ref[1]
    b15 = ints_ref[2]
    k_f = k.astype(jnp.float32)
    k2_f = k_f - cnt_hi

    idx = (
        lax.broadcasted_iota(jnp.int32, (rows, 128), 0) * 128
        + lax.broadcasted_iota(jnp.int32, (rows, 128), 1)
    )

    def bis(_, lo_hi):
        lo, hi = lo_hi
        mid = lo + (hi - lo) // 2
        s = jnp.sum(jnp.where(idx >= mid, cnt2, 0.0))
        good = s >= k2_f
        return jnp.where(good, mid, lo), jnp.where(good, hi, mid)

    lo, hi = lax.fori_loop(0, 17, bis, (jnp.int32(0), jnp.int32(L2B)))
    b2 = lo

    vals = lax.bitcast_convert_type(b15 * 65536 + idx, jnp.float32)
    above2 = idx > b2
    cnt_gt = cnt_hi + jnp.sum(jnp.where(above2, cnt2, 0.0))
    sum_gt = sum_hi + jnp.sum(jnp.where(above2, cnt2 * vals, 0.0))
    ssq_gt = ssq_hi + jnp.sum(jnp.where(above2, cnt2 * vals * vals, 0.0))
    t = jnp.sum(jnp.where(idx == b2, vals, 0.0))
    ties = k_f - cnt_gt
    gen_sum = sum_gt + ties * t
    gen_ssq = ssq_gt + ties * t * t
    gen_mean, gen_std = _mean_std(gen_sum, gen_ssq, k_f)

    obs = obs_ref[...]
    u_o = lax.bitcast_convert_type(obs, jnp.int32)
    valid = obs > 0.0
    n_o_f = jnp.sum(jnp.where(valid, 1.0, 0.0))
    n_o = n_o_f.astype(jnp.int32)
    k_o = jnp.maximum(jnp.int32(1), (n_o * PCT) // 100)
    k_o_f = k_o.astype(jnp.float32)

    def bis_o(_, lo_hi):
        lo, hi = lo_hi
        mid = lo + (hi - lo) // 2
        c = jnp.sum(jnp.where(valid & (u_o >= mid), 1.0, 0.0))
        good = c >= k_o_f
        return jnp.where(good, mid, lo), jnp.where(good, hi, mid)

    lo_o, hi_o = lax.fori_loop(
        0, 31, bis_o, (jnp.int32(1), jnp.int32(0x7F800001))
    )
    gt_o = valid & (u_o > lo_o)
    eq_o = valid & (u_o == lo_o)
    cnt_gt_o = jnp.sum(jnp.where(gt_o, 1.0, 0.0))
    sum_gt_o = jnp.sum(jnp.where(gt_o, obs, 0.0))
    ssq_gt_o = jnp.sum(jnp.where(gt_o, obs * obs, 0.0))
    t_o = jnp.max(jnp.where(eq_o, obs, -jnp.inf))
    ties_o = k_o_f - cnt_gt_o
    obs_sum = sum_gt_o + ties_o * t_o
    obs_ssq = ssq_gt_o + ties_o * t_o * t_o
    obs_mean, obs_std = _mean_std(obs_sum, obs_ssq, k_o_f)

    mean_loss = (gen_mean - obs_mean) ** 2
    std_loss = (gen_std - obs_std) ** 2
    total = mean_loss + 0.5 * std_loss
    out_ref[0] = jnp.where((n > 0) & (n_o > 0), total, jnp.float32(0.0))


def _tc_merge2(cnt2, stats, ints, flts, obs):
    return pl.pallas_call(
        _tc_merge2_body,
        out_shape=jax.ShapeDtypeStruct((1,), jnp.float32),
        in_specs=[
            pl.BlockSpec(memory_space=pltpu.VMEM),
            pl.BlockSpec(memory_space=pltpu.VMEM),
            pl.BlockSpec(memory_space=pltpu.SMEM),
            pl.BlockSpec(memory_space=pltpu.SMEM),
            pl.BlockSpec(memory_space=pltpu.VMEM),
        ],
        out_specs=pl.BlockSpec(memory_space=pltpu.SMEM),
    )(cnt2, stats, ints, flts, obs)


def kernel(rain_hr, s_values):
    rain = lax.optimization_barrier(jnp.reshape(rain_hr, (ROWS, 128)))
    obs = jnp.reshape(s_values, (N_OBS // 128, 128))
    h_cnt = _sc_hist1(rain)
    ints, flts = _tc_merge1(jnp.reshape(h_cnt, (NW, L1B // 128, 128)))
    cnt2, stats = _sc_hist2(rain, ints)
    out = _tc_merge2(
        jnp.reshape(cnt2, (NW, L2B // 128, 128)), stats, ints, flts, obs
    )
    return jnp.reshape(out, ())

# --- scband reference (transcript-rebuilt; emitter-appended) ---
"""Pipeline reference for scband-extreme-value-loss-79869211836425 (READ-ONLY COPY).

The authoritative reference and input builder live on the scoring server;
editing this copy changes nothing except your own understanding.
"""

import jax, jax.numpy as jnp
import numpy as np

PERCENTILE = 95

def setup_inputs(seed: int = 0) -> dict:
    key = jax.random.key(seed)
    k1, k2 = jax.random.split(key)
    rain_hr = jax.random.normal(k1, (4, 8, 1, 256, 256), dtype=jnp.float32)
    s_values = jax.random.normal(k2, (4, 8, 200), dtype=jnp.float32)
    return {"rain_hr": rain_hr, "s_values": s_values}

def _masked_extreme_stats(flat, valid):
    n = jnp.sum(valid).astype(jnp.int32)
    k = jnp.maximum(jnp.int32(1), n * PERCENTILE // 100)
    neg_inf = jnp.array(-jnp.inf, dtype=flat.dtype)
    sorted_desc = jnp.sort(jnp.where(valid, flat, neg_inf))[::-1]
    topk_mask = jnp.arange(flat.shape[0], dtype=jnp.int32) < k
    kf = k.astype(flat.dtype)
    zero = jnp.array(0.0, dtype=flat.dtype)
    mean = jnp.sum(jnp.where(topk_mask, sorted_desc, zero)) / kf
    dev = jnp.where(topk_mask, sorted_desc - mean, zero)
    std = jnp.sqrt(jnp.sum(dev * dev) / (kf - 1))
    return n, mean, std

def reference(rain_hr, s_values):
    # generated precipitation extremes
    gen_flat = rain_hr.flatten()
    n_gen, gen_mean, gen_std = _masked_extreme_stats(gen_flat, gen_flat > 0)
    # observed station extremes
    obs_flat = s_values.flatten()
    obs_valid = (~jnp.isnan(obs_flat)) & (obs_flat > 0)
    n_obs, obs_mean, obs_std = _masked_extreme_stats(obs_flat, obs_valid)
    # torch F.mse_loss on scalars == squared difference; torch .std() is unbiased (ddof=1)
    mean_loss = (gen_mean - obs_mean) ** 2
    std_loss = (gen_std - obs_std) ** 2
    total_loss = mean_loss + 0.5 * std_loss
    return jnp.where((n_gen > 0) & (n_obs > 0), total_loss, jnp.float32(0.0))

if __name__ == "__main__":
    import jax
    _d = setup_inputs()
    print(jax.jit(kernel)(*tuple(_d.values())))

</pallas_src>

<mosaic_0001>
#map = affine_map<(d0, d1) -> (0, 0)>
module attributes {stable_mosaic.version = 14 : i64} {
  func.func @_sc_hist1(%arg0: i32, %arg1: i32, %arg2: memref<16384x128xf32, #tpu.memory_space<hbm>>, %arg3: memref<8192x128xf32, #tpu.memory_space<hbm>>, %arg4: memref<256x128xf32, #tpu.memory_space<vmem>>, %arg5: memref<128x128xf32, #tpu.memory_space<vmem>>, %arg6: memref<128x128xf32, #tpu.memory_space<vmem>>, %arg7: memref<!tpu.dma_semaphore, #tpu.memory_space<semaphore_mem>>, %arg8: memref<!tpu.dma_semaphore, #tpu.memory_space<semaphore_mem>>) attributes {dimension_semantics = [#tpu.dimension_semantics<core_parallel>, #tpu.dimension_semantics<subcore_parallel>], iteration_bounds = array<i64: 2, 16>, scalar_prefetch = 0 : i64, scratch_operands = 5 : i64, tpu.core_type = #tpu.core_type<sc_vector_subcore>, window_params = [{transform_indices = #map}, {transform_indices = #map}]} {
    %mul3A = arith.constant 2 : i32
    %mul3A_0 = arith.muli %arg1, %mul3A : i32
    %add3A = arith.addi %mul3A_0, %arg0 : i32
    %broadcast_in_dim3A = arith.constant 1.000000e+00 : f32
    %broadcast_in_dim3A_1 = vector.broadcast %broadcast_in_dim3A : f32 to vector<16xf32>
    %broadcast_in_dim3A_2 = arith.constant 0.000000e+00 : f32
    %broadcast_in_dim3A_3 = vector.broadcast %broadcast_in_dim3A_2 : f32 to vector<16xf32>
    %parallel_loop3A = arith.constant 0 : i32
    %parallel_loop3A_4 = arith.constant 256 : i32
    %parallel_loop3A_5 = arith.constant 1 : i32
    scf.for %parallel_loop3A_58 = %parallel_loop3A to %parallel_loop3A_4 step %parallel_loop3A_5  : i32 {
      %parallel_loop3A_59 = arith.index_cast %parallel_loop3A_58 : i32 to index
      %parallel_loop3A_60 = arith.constant 0 : index
      %parallel_loop3A_61 = tpu.vector_load %arg4[%parallel_loop3A_59, %parallel_loop3A_60] {strides = array<i32>} : memref<256x128xf32, #tpu.memory_space<vmem>>, vector<16xf32>,
      tpu.vector_store %arg4[%parallel_loop3A_59, %parallel_loop3A_60], %broadcast_in_dim3A_3 {strides = array<i32>} : memref<256x128xf32, #tpu.memory_space<vmem>>, vector<16xf32>,
      %parallel_loop3A_62 = arith.index_cast %parallel_loop3A_58 : i32 to index
      %parallel_loop3A_63 = arith.constant 16 : index
      %parallel_loop3A_64 = tpu.vector_load %arg4[%parallel_loop3A_62, %parallel_loop3A_63] {strides = array<i32>} : memref<256x128xf32, #tpu.memory_space<vmem>>, vector<16xf32>,
      tpu.vector_store %arg4[%parallel_loop3A_62, %parallel_loop3A_63], %broadcast_in_dim3A_3 {strides = array<i32>} : memref<256x128xf32, #tpu.memory_space<vmem>>, vector<16xf32>,
      %parallel_loop3A_65 = arith.index_cast %parallel_loop3A_58 : i32 to index
      %parallel_loop3A_66 = arith.constant 32 : index
      %parallel_loop3A_67 = tpu.vector_load %arg4[%parallel_loop3A_65, %parallel_loop3A_66] {strides = array<i32>} : memref<256x128xf32, #tpu.memory_space<vmem>>, vector<16xf32>,
      tpu.vector_store %arg4[%parallel_loop3A_65, %parallel_loop3A_66], %broadcast_in_dim3A_3 {strides = array<i32>} : memref<256x128xf32, #tpu.memory_space<vmem>>, vector<16xf32>,
      %parallel_loop3A_68 = arith.index_cast %parallel_loop3A_58 : i32 to index
      %parallel_loop3A_69 = arith.constant 48 : index
      %parallel_loop3A_70 = tpu.vector_load %arg4[%parallel_loop3A_68, %parallel_loop3A_69] {strides = array<i32>} : memref<256x128xf32, #tpu.memory_space<vmem>>, vector<16xf32>,
      tpu.vector_store %arg4[%parallel_loop3A_68, %parallel_loop3A_69], %broadcast_in_dim3A_3 {strides = array<i32>} : memref<256x128xf32, #tpu.memory_space<vmem>>, vector<16xf32>,
      %parallel_loop3A_71 = arith.index_cast %parallel_loop3A_58 : i32 to index
      %parallel_loop3A_72 = arith.constant 64 : index
      %parallel_loop3A_73 = tpu.vector_load %arg4[%parallel_loop3A_71, %parallel_loop3A_72] {strides = array<i32>} : memref<256x128xf32, #tpu.memory_space<vmem>>, vector<16xf32>,
      tpu.vector_store %arg4[%parallel_loop3A_71, %parallel_loop3A_72], %broadcast_in_dim3A_3 {strides = array<i32>} : memref<256x128xf32, #tpu.memory_space<vmem>>, vector<16xf32>,
      %parallel_loop3A_74 = arith.index_cast %parallel_loop3A_58 : i32 to index
      %parallel_loop3A_75 = arith.constant 80 : index
      %parallel_loop3A_76 = tpu.vector_load %arg4[%parallel_loop3A_74, %parallel_loop3A_75] {strides = array<i32>} : memref<256x128xf32, #tpu.memory_space<vmem>>, vector<16xf32>,
      tpu.vector_store %arg4[%parallel_loop3A_74, %parallel_loop3A_75], %broadcast_in_dim3A_3 {strides = array<i32>} : memref<256x128xf32, #tpu.memory_space<vmem>>, vector<16xf32>,
      %parallel_loop3A_77 = arith.index_cast %parallel_loop3A_58 : i32 to index
      %parallel_loop3A_78 = arith.constant 96 : index
      %parallel_loop3A_79 = tpu.vector_load %arg4[%parallel_loop3A_77, %parallel_loop3A_78] {strides = array<i32>} : memref<256x128xf32, #tpu.memory_space<vmem>>, vector<16xf32>,
      tpu.vector_store %arg4[%parallel_loop3A_77, %parallel_loop3A_78], %broadcast_in_dim3A_3 {strides = array<i32>} : memref<256x128xf32, #tpu.memory_space<vmem>>, vector<16xf32>,
      %parallel_loop3A_80 = arith.index_cast %parallel_loop3A_58 : i32 to index
      %parallel_loop3A_81 = arith.constant 112 : index
      %parallel_loop3A_82 = tpu.vector_load %arg4[%parallel_loop3A_80, %parallel_loop3A_81] {strides = array<i32>} : memref<256x128xf32, #tpu.memory_space<vmem>>, vector<16xf32>,
      tpu.vector_store %arg4[%parallel_loop3A_80, %parallel_loop3A_81], %broadcast_in_dim3A_3 {strides = array<i32>} : memref<256x128xf32, #tpu.memory_space<vmem>>, vector<16xf32>,
    } {sc.loop_unroll_factor = 4 : i64, sc.parallel_access}
    %mul3A_6 = arith.constant 512 : i32
    %mul3A_7 = arith.muli %add3A, %mul3A_6 : i32
    %dma_start3A = arith.constant 0 : i32
    %dma_start3A_8 = tpu.memref_slice %arg2[%mul3A_7, %dma_start3A] : memref<16384x128xf32, #tpu.memory_space<hbm>> -> memref<128x128xf32, #tpu.memory_space<hbm>>
    %dma_start3A_9 = arith.constant 0 : i32
    %dma_start3A_10 = tpu.memref_slice %arg2[%mul3A_7, %dma_start3A_9] : memref<16384x128xf32, #tpu.memory_space<hbm>> -> memref<128x128xf32, #tpu.memory_space<hbm>>
    tpu.enqueue_dma source(%dma_start3A_10 : memref<128x128xf32, #tpu.memory_space<hbm>>) target(%arg5 : memref<128x128xf32, #tpu.memory_space<vmem>>) target_semaphore(%arg7 : memref<!tpu.dma_semaphore, #tpu.memory_space<semaphore_mem>>)
    %add3A_11 = arith.constant 128 : i32
    %add3A_12 = arith.addi %mul3A_7, %add3A_11 : i32
    %dma_start3A_13 = arith.constant 0 : i32
    %dma_start3A_14 = tpu.memref_slice %arg2[%add3A_12, %dma_start3A_13] : memref<16384x128xf32, #tpu.memory_space<hbm>> -> memref<128x128xf32, #tpu.memory_space<hbm>>
    %dma_start3A_15 = arith.constant 0 : i32
    %dma_start3A_16 = tpu.memref_slice %arg2[%add3A_12, %dma_start3A_15] : memref<16384x128xf32, #tpu.memory_space<hbm>> -> memref<128x128xf32, #tpu.memory_space<hbm>>
    tpu.enqueue_dma source(%dma_start3A_16 : memref<128x128xf32, #tpu.memory_space<hbm>>) target(%arg6 : memref<128x128xf32, #tpu.memory_space<vmem>>) target_semaphore(%arg8 : memref<!tpu.dma_semaphore, #tpu.memory_space<semaphore_mem>>)
    %dma_wait3A = arith.constant 0 : i32
    %dma_wait3A_17 = tpu.memref_slice %arg2[%mul3A_7, %dma_wait3A] : memref<16384x128xf32, #tpu.memory_space<hbm>> -> memref<128x128xf32, #tpu.memory_space<hbm>>
    %dma_wait3A_18 = arith.constant 0 : i32
    %dma_wait3A_19 = tpu.memref_slice %arg2[%mul3A_7, %dma_wait3A_18] : memref<16384x128xf32, #tpu.memory_space<hbm>> -> memref<128x128xf32, #tpu.memory_space<hbm>>
    tpu.wait_dma2 semaphore(%arg7 : memref<!tpu.dma_semaphore, #tpu.memory_space<semaphore_mem>>) src(%dma_wait3A_19 : memref<128x128xf32, #tpu.memory_space<hbm>>) dst(%arg5 : memref<128x128xf32, #tpu.memory_space<vmem>>)
    %parallel_loop3A_20 = arith.constant 0 : i32
    %parallel_loop3A_21 = arith.constant 128 : i32
    %parallel_loop3A_22 = arith.constant 1 : i32
    scf.for %parallel_loop3A_58 = %parallel_loop3A_20 to %parallel_loop3A_21 step %parallel_loop3A_22  : i32 {
      %parallel_loop3A_59 = arith.index_cast %parallel_loop3A_58 : i32 to index
      %parallel_loop3A_60 = arith.constant 0 : index
      %parallel_loop3A_61 = tpu.vector_load %arg5[%parallel_loop3A_59, %parallel_loop3A_60] {strides = array<i32>} : memref<128x128xf32, #tpu.memory_space<vmem>>, vector<16xf32>,
      %parallel_loop3A_62 = vector.bitcast %parallel_loop3A_61 : vector<16xf32> to vector<16xi32>
      %parallel_loop3A_63 = arith.constant 0 : i32
      %parallel_loop3A_64 = vector.broadcast %parallel_loop3A_63 : i32 to vector<16xi32>
      %parallel_loop3A_65 = arith.cmpi sgt, %parallel_loop3A_62, %parallel_loop3A_64 : vector<16xi32>
      %parallel_loop3A_66 = arith.constant 23 : i32
      %parallel_loop3A_67 = vector.broadcast %parallel_loop3A_66 : i32 to vector<16xi32>
      %parallel_loop3A_68 = arith.shrui %parallel_loop3A_62, %parallel_loop3A_67 : vector<16xi32>
      %parallel_loop3A_69 = arith.constant 0 : i32
      %parallel_loop3A_70 = vector.broadcast %parallel_loop3A_69 : i32 to vector<16xi32>
      %parallel_loop3A_71 = arith.select %parallel_loop3A_65, %parallel_loop3A_68, %parallel_loop3A_70 : vector<16xi1>, vector<16xi32>
      %parallel_loop3A_72 = arith.constant 16 : i32
      %parallel_loop3A_73 = vector.broadcast %parallel_loop3A_72 : i32 to vector<16xi32>
      %parallel_loop3A_74 = arith.shrui %parallel_loop3A_62, %parallel_loop3A_73 : vector<16xi32>
      %parallel_loop3A_75 = arith.constant 127 : i32
      %parallel_loop3A_76 = vector.broadcast %parallel_loop3A_75 : i32 to vector<16xi32>
      %parallel_loop3A_77 = arith.andi %parallel_loop3A_74, %parallel_loop3A_76 : vector<16xi32>
      tpu.vector_store_idx %arg4[%parallel_loop3A_71, %parallel_loop3A_77], %broadcast_in_dim3A_1 masked %parallel_loop3A_65 {add = true} : memref<256x128xf32, #tpu.memory_space<vmem>>[vector<16xi32>, vector<16xi32>], vector<16xf32>, vector<16xi1>
      %parallel_loop3A_78 = arith.index_cast %parallel_loop3A_58 : i32 to index
      %parallel_loop3A_79 = arith.constant 16 : index
      %parallel_loop3A_80 = tpu.vector_load %arg5[%parallel_loop3A_78, %parallel_loop3A_79] {strides = array<i32>} : memref<128x128xf32, #tpu.memory_space<vmem>>, vector<16xf32>,
      %parallel_loop3A_81 = vector.bitcast %parallel_loop3A_80 : vector<16xf32> to vector<16xi32>
      %parallel_loop3A_82 = arith.constant 0 : i32
      %parallel_loop3A_83 = vector.broadcast %parallel_loop3A_82 : i32 to vector<16xi32>
      %parallel_loop3A_84 = arith.cmpi sgt, %parallel_loop3A_81, %parallel_loop3A_83 : vector<16xi32>
      %parallel_loop3A_85 = arith.constant 23 : i32
      %parallel_loop3A_86 = vector.broadcast %parallel_loop3A_85 : i32 to vector<16xi32>
      %parallel_loop3A_87 = arith.shrui %parallel_loop3A_81, %parallel_loop3A_86 : vector<16xi32>
      %parallel_loop3A_88 = arith.constant 0 : i32
      %parallel_loop3A_89 = vector.broadcast %parallel_loop3A_88 : i32 to vector<16xi32>
      %parallel_loop3A_90 = arith.select %parallel_loop3A_84, %parallel_loop3A_87, %parallel_loop3A_89 : vector<16xi1>, vector<16xi32>
      %parallel_loop3A_91 = arith.constant 16 : i32
      %parallel_loop3A_92 = vector.broadcast %parallel_loop3A_91 : i32 to vector<16xi32>
      %parallel_loop3A_93 = arith.shrui %parallel_loop3A_81, %parallel_loop3A_92 : vector<16xi32>
      %parallel_loop3A_94 = arith.constant 127 : i32
      %parallel_loop3A_95 = vector.broadcast %parallel_loop3A_94 : i32 to vector<16xi32>
      %parallel_loop3A_96 = arith.andi %parallel_loop3A_93, %parallel_loop3A_95 : vector<16xi32>
      tpu.vector_store_idx %arg4[%parallel_loop3A_90, %parallel_loop3A_96], %broadcast_in_dim3A_1 masked %parallel_loop3A_84 {add = true} : memref<256x128xf32, #tpu.memory_space<vmem>>[vector<16xi32>, vector<16xi32>], vector<16xf32>, vector<16xi1>
      %parallel_loop3A_97 = arith.index_cast %parallel_loop3A_58 : i32 to index
      %parallel_loop3A_98 = arith.constant 32 : index
      %parallel_loop3A_99 = tpu.vector_load %arg5[%parallel_loop3A_97, %parallel_loop3A_98] {strides = array<i32>} : memref<128x128xf32, #tpu.memory_space<vmem>>, vector<16xf32>,
      %parallel_loop3A_100 = vector.bitcast %parallel_loop3A_99 : vector<16xf32> to vector<16xi32>
      %parallel_loop3A_101 = arith.constant 0 : i32
      %parallel_loop3A_102 = vector.broadcast %parallel_loop3A_101 : i32 to vector<16xi32>
      %parallel_loop3A_103 = arith.cmpi sgt, %parallel_loop3A_100, %parallel_loop3A_102 : vector<16xi32>
      %parallel_loop3A_104 = arith.constant 23 : i32
      %parallel_loop3A_105 = vector.broadcast %parallel_loop3A_104 : i32 to vector<16xi32>
      %parallel_loop3A_106 = arith.shrui %parallel_loop3A_100, %parallel_loop3A_105 : vector<16xi32>
      %parallel_loop3A_107 = arith.constant 0 : i32
      %parallel_loop3A_108 = vector.broadcast %parallel_loop3A_107 : i32 to vector<16xi32>
      %parallel_loop3A_109 = arith.select %parallel_loop3A_103, %parallel_loop3A_106, %parallel_loop3A_108 : vector<16xi1>, vector<16xi32>
      %parallel_loop3A_110 = arith.constant 16 : i32
      %parallel_loop3A_111 = vector.broadcast %parallel_loop3A_110 : i32 to vector<16xi32>
      %parallel_loop3A_112 = arith.shrui %parallel_loop3A_100, %parallel_loop3A_111 : vector<16xi32>
      %parallel_loop3A_113 = arith.constant 127 : i32
      %parallel_loop3A_114 = vector.broadcast %parallel_loop3A_113 : i32 to vector<16xi32>
      %parallel_loop3A_115 = arith.andi %parallel_loop3A_112, %parallel_loop3A_114 : vector<16xi32>
      tpu.vector_store_idx %arg4[%parallel_loop3A_109, %parallel_loop3A_115], %broadcast_in_dim3A_1 masked %parallel_loop3A_103 {add = true} : memref<256x128xf32, #tpu.memory_space<vmem>>[vector<16xi32>, vector<16xi32>], vector<16xf32>, vector<16xi1>
      %parallel_loop3A_116 = arith.index_cast %parallel_loop3A_58 : i32 to index
      %parallel_loop3A_117 = arith.constant 48 : index
      %parallel_loop3A_118 = tpu.vector_load %arg5[%parallel_loop3A_116, %parallel_loop3A_117] {strides = array<i32>} : memref<128x128xf32, #tpu.memory_space<vmem>>, vector<16xf32>,
      %parallel_loop3A_119 = vector.bitcast %parallel_loop3A_118 : vector<16xf32> to vector<16xi32>
      %parallel_loop3A_120 = arith.constant 0 : i32
      %parallel_loop3A_121 = vector.broadcast %parallel_loop3A_120 : i32 to vector<16xi32>
      %parallel_loop3A_122 = arith.cmpi sgt, %parallel_loop3A_119, %parallel_loop3A_121 : vector<16xi32>
      %parallel_loop3A_123 = arith.constant 23 : i32
      %parallel_loop3A_124 = vector.broadcast %parallel_loop3A_123 : i32 to vector<16xi32>
      %parallel_loop3A_125 = arith.shrui %parallel_loop3A_119, %parallel_loop3A_124 : vector<16xi32>
      %parallel_loop3A_126 = arith.constant 0 : i32
      %parallel_loop3A_127 = vector.broadcast %parallel_loop3A_126 : i32 to vector<16xi32>
      %parallel_loop3A_128 = arith.select %parallel_loop3A_122, %parallel_loop3A_125, %parallel_loop3A_127 : vector<16xi1>, vector<16xi32>
      %parallel_loop3A_129 = arith.constant 16 : i32
      %parallel_loop3A_130 = vector.broadcast %parallel_loop3A_129 : i32 to vector<16xi32>
      %parallel_loop3A_131 = arith.shrui %parallel_loop3A_119, %parallel_loop3A_130 : vector<16xi32>
      %parallel_loop3A_132 = arith.constant 127 : i32
      %parallel_loop3A_133 = vector.broadcast %parallel_loop3A_132 : i32 to vector<16xi32>
      %parallel_loop3A_134 = arith.andi %parallel_loop3A_131, %parallel_loop3A_133 : vector<16xi32>
      tpu.vector_store_idx %arg4[%parallel_loop3A_128, %parallel_loop3A_134], %broadcast_in_dim3A_1 masked %parallel_loop3A_122 {add = true} : memref<256x128xf32, #tpu.memory_space<vmem>>[vector<16xi32>, vector<16xi32>], vector<16xf32>, vector<16xi1>
      %parallel_loop3A_135 = arith.index_cast %parallel_loop3A_58 : i32 to index
      %parallel_loop3A_136 = arith.constant 64 : index
      %parallel_loop3A_137 = tpu.vector_load %arg5[%parallel_loop3A_135, %parallel_loop3A_136] {strides = array<i32>} : memref<128x128xf32, #tpu.memory_space<vmem>>, vector<16xf32>,
      %parallel_loop3A_138 = vector.bitcast %parallel_loop3A_137 : vector<16xf32> to vector<16xi32>
      %parallel_loop3A_139 = arith.constant 0 : i32
      %parallel_loop3A_140 = vector.broadcast %parallel_loop3A_139 : i32 to vector<16xi32>
      %parallel_loop3A_141 = arith.cmpi sgt, %parallel_loop3A_138, %parallel_loop3A_140 : vector<16xi32>
      %parallel_loop3A_142 = arith.constant 23 : i32
      %parallel_loop3A_143 = vector.broadcast %parallel_loop3A_142 : i32 to vector<16xi32>
      %parallel_loop3A_144 = arith.shrui %parallel_loop3A_138, %parallel_loop3A_143 : vector<16xi32>
      %parallel_loop3A_145 = arith.constant 0 : i32
      %parallel_loop3A_146 = vector.broadcast %parallel_loop3A_145 : i32 to vector<16xi32>
      %parallel_loop3A_147 = arith.select %parallel_loop3A_141, %parallel_loop3A_144, %parallel_loop3A_146 : vector<16xi1>, vector<16xi32>
      %parallel_loop3A_148 = arith.constant 16 : i32
      %parallel_loop3A_149 = vector.broadcast %parallel_loop3A_148 : i32 to vector<16xi32>
      %parallel_loop3A_150 = arith.shrui %parallel_loop3A_138, %parallel_loop3A_149 : vector<16xi32>
      %parallel_loop3A_151 = arith.constant 127 : i32
      %parallel_loop3A_152 = vector.broadcast %parallel_loop3A_151 : i32 to vector<16xi32>
      %parallel_loop3A_153 = arith.andi %parallel_loop3A_150, %parallel_loop3A_152 : vector<16xi32>
      tpu.vector_store_idx %arg4[%parallel_loop3A_147, %parallel_loop3A_153], %broadcast_in_dim3A_1 masked %parallel_loop3A_141 {add = true} : memref<256x128xf32, #tpu.memory_space<vmem>>[vector<16xi32>, vector<16xi32>], vector<16xf32>, vector<16xi1>
      %parallel_loop3A_154 = arith.index_cast %parallel_loop3A_58 : i32 to index
      %parallel_loop3A_155 = arith.constant 80 : index
      %parallel_loop3A_156 = tpu.vector_load %arg5[%parallel_loop3A_154, %parallel_loop3A_155] {strides = array<i32>} : memref<128x128xf32, #tpu.memory_space<vmem>>, vector<16xf32>,
      %parallel_loop3A_157 = vector.bitcast %parallel_loop3A_156 : vector<16xf32> to vector<16xi32>
      %parallel_loop3A_158 = arith.constant 0 : i32
      %parallel_loop3A_159 = vector.broadcast %parallel_loop3A_158 : i32 to vector<16xi32>
      %parallel_loop3A_160 = arith.cmpi sgt, %parallel_loop3A_157, %parallel_loop3A_159 : vector<16xi32>
      %parallel_loop3A_161 = arith.constant 23 : i32
      %parallel_loop3A_162 = vector.broadcast %parallel_loop3A_161 : i32 to vector<16xi32>
      %parallel_loop3A_163 = arith.shrui %parallel_loop3A_157, %parallel_loop3A_162 : vector<16xi32>
      %parallel_loop3A_164 = arith.constant 0 : i32
      %parallel_loop3A_165 = vector.broadcast %parallel_loop3A_164 : i32 to vector<16xi32>
      %parallel_loop3A_166 = arith.select %parallel_loop3A_160, %parallel_loop3A_163, %parallel_loop3A_165 : vector<16xi1>, vector<16xi32>
      %parallel_loop3A_167 = arith.constant 16 : i32
      %parallel_loop3A_168 = vector.broadcast %parallel_loop3A_167 : i32 to vector<16xi32>
      %parallel_loop3A_169 = arith.shrui %parallel_loop3A_157, %parallel_loop3A_168 : vector<16xi32>
      %parallel_loop3A_170 = arith.constant 127 : i32
      %parallel_loop3A_171 = vector.broadcast %parallel_loop3A_170 : i32 to vector<16xi32>
      %parallel_loop3A_172 = arith.andi %parallel_loop3A_169, %parallel_loop3A_171 : vector<16xi32>
      tpu.vector_store_idx %arg4[%parallel_loop3A_166, %parallel_loop3A_172], %broadcast_in_dim3A_1 masked %parallel_loop3A_160 {add = true} : memref<256x128xf32, #tpu.memory_space<vmem>>[vector<16xi32>, vector<16xi32>], vector<16xf32>, vector<16xi1>
      %parallel_loop3A_173 = arith.index_cast %parallel_loop3A_58 : i32 to index
      %parallel_loop3A_174 = arith.constant 96 : index
      %parallel_loop3A_175 = tpu.vector_load %arg5[%parallel_loop3A_173, %parallel_loop3A_174] {strides = array<i32>} : memref<128x128xf32, #tpu.memory_space<vmem>>, vector<16xf32>,
      %parallel_loop3A_176 = vector.bitcast %parallel_loop3A_175 : vector<16xf32> to vector<16xi32>
      %parallel_loop3A_177 = arith.constant 0 : i32
      %parallel_loop3A_178 = vector.broadcast %parallel_loop3A_177 : i32 to vector<16xi32>
      %parallel_loop3A_179 = arith.cmpi sgt, %parallel_loop3A_176, %parallel_loop3A_178 : vector<16xi32>
      %parallel_loop3A_180 = arith.constant 23 : i32
      %parallel_loop3A_181 = vector.broadcast %parallel_loop3A_180 : i32 to vector<16xi32>
      %parallel_loop3A_182 = arith.shrui %parallel_loop3A_176, %parallel_loop3A_181 : vector<16xi32>
      %parallel_loop3A_183 = arith.constant 0 : i32
      %parallel_loop3A_184 = vector.broadcast %parallel_loop3A_183 : i32 to vector<16xi32>
      %parallel_loop3A_185 = arith.select %parallel_loop3A_179, %parallel_loop3A_182, %parallel_loop3A_184 : vector<16xi1>, vector<16xi32>
      %parallel_loop3A_186 = arith.constant 16 : i32
      %parallel_loop3A_187 = vector.broadcast %parallel_loop3A_186 : i32 to vector<16xi32>
      %parallel_loop3A_188 = arith.shrui %parallel_loop3A_176, %parallel_loop3A_187 : vector<16xi32>
      %parallel_loop3A_189 = arith.constant 127 : i32
      %parallel_loop3A_190 = vector.broadcast %parallel_loop3A_189 : i32 to vector<16xi32>
      %parallel_loop3A_191 = arith.andi %parallel_loop3A_188, %parallel_loop3A_190 : vector<16xi32>
      tpu.vector_store_idx %arg4[%parallel_loop3A_185, %parallel_loop3A_191], %broadcast_in_dim3A_1 masked %parallel_loop3A_179 {add = true} : memref<256x128xf32, #tpu.memory_space<vmem>>[vector<16xi32>, vector<16xi32>], vector<16xf32>, vector<16xi1>
      %parallel_loop3A_192 = arith.index_cast %parallel_loop3A_58 : i32 to index
      %parallel_loop3A_193 = arith.constant 112 : index
      %parallel_loop3A_194 = tpu.vector_load %arg5[%parallel_loop3A_192, %parallel_loop3A_193] {strides = array<i32>} : memref<128x128xf32, #tpu.memory_space<vmem>>, vector<16xf32>,
      %parallel_loop3A_195 = vector.bitcast %parallel_loop3A_194 : vector<16xf32> to vector<16xi32>
      %parallel_loop3A_196 = arith.constant 0 : i32
      %parallel_loop3A_197 = vector.broadcast %parallel_loop3A_196 : i32 to vector<16xi32>
      %parallel_loop3A_198 = arith.cmpi sgt, %parallel_loop3A_195, %parallel_loop3A_197 : vector<16xi32>
      %parallel_loop3A_199 = arith.constant 23 : i32
      %parallel_loop3A_200 = vector.broadcast %parallel_loop3A_199 : i32 to vector<16xi32>
      %parallel_loop3A_201 = arith.shrui %parallel_loop3A_195, %parallel_loop3A_200 : vector<16xi32>
      %parallel_loop3A_202 = arith.constant 0 : i32
      %parallel_loop3A_203 = vector.broadcast %parallel_loop3A_202 : i32 to vector<16xi32>
      %parallel_loop3A_204 = arith.select %parallel_loop3A_198, %parallel_loop3A_201, %parallel_loop3A_203 : vector<16xi1>, vector<16xi32>
      %parallel_loop3A_205 = arith.constant 16 : i32
      %parallel_loop3A_206 = vector.broadcast %parallel_loop3A_205 : i32 to vector<16xi32>
      %parallel_loop3A_207 = arith.shrui %parallel_loop3A_195, %parallel_loop3A_206 : vector<16xi32>
      %parallel_loop3A_208 = arith.constant 127 : i32
      %parallel_loop3A_209 = vector.broadcast %parallel_loop3A_208 : i32 to vector<16xi32>
      %parallel_loop3A_210 = arith.andi %parallel_loop3A_207, %parallel_loop3A_209 : vector<16xi32>
      tpu.vector_store_idx %arg4[%parallel_loop3A_204, %parallel_loop3A_210], %broadcast_in_dim3A_1 masked %parallel_loop3A_198 {add = true} : memref<256x128xf32, #tpu.memory_space<vmem>>[vector<16xi32>, vector<16xi32>], vector<16xf32>, vector<16xi1>
    } {sc.loop_unroll_factor = 2 : i64, sc.parallel_access}
    %add3A_23 = arith.constant 256 : i32
    %add3A_24 = arith.addi %mul3A_7, %add3A_23 : i32
    %dma_start3A_25 = arith.constant 0 : i32
    %dma_start3A_26 = tpu.memref_slice %arg2[%add3A_24, %dma_start3A_25] : memref<16384x128xf32, #tpu.memory_space<hbm>> -> memref<128x128xf32, #tpu.memory_space<hbm>>
    %dma_start3A_27 = arith.constant 0 : i32
    %dma_start3A_28 = tpu.memref_slice %arg2[%add3A_24, %dma_start3A_27] : memref<16384x128xf32, #tpu.memory_space<hbm>> -> memref<128x128xf32, #tpu.memory_space<hbm>>
    tpu.enqueue_dma source(%dma_start3A_28 : memref<128x128xf32, #tpu.memory_space<hbm>>) target(%arg5 : memref<128x128xf32, #tpu.memory_space<vmem>>) target_semaphore(%arg7 : memref<!tpu.dma_semaphore, #tpu.memory_space<semaphore_mem>>)
    %dma_wait3A_29 = arith.constant 0 : i32
    %dma_wait3A_30 = tpu.memref_slice %arg2[%add3A_12, %dma_wait3A_29] : memref<16384x128xf32, #tpu.memory_space<hbm>> -> memref<128x128xf32, #tpu.memory_space<hbm>>
    %dma_wait3A_31 = arith.constant 0 : i32
    %dma_wait3A_32 = tpu.memref_slice %arg2[%add3A_12, %dma_wait3A_31] : memref<16384x128xf32, #tpu.memory_space<hbm>> -> memref<128x128xf32, #tpu.memory_space<hbm>>
    tpu.wait_dma2 semaphore(%arg8 : memref<!tpu.dma_semaphore, #tpu.memory_space<semaphore_mem>>) src(%dma_wait3A_32 : memref<128x128xf32, #tpu.memory_space<hbm>>) dst(%arg6 : memref<128x128xf32, #tpu.memory_space<vmem>>)
    %parallel_loop3A_33 = arith.constant 0 : i32
    %parallel_loop3A_34 = arith.constant 128 : i32
    %parallel_loop3A_35 = arith.constant 1 : i32
    scf.for %parallel_loop3A_58 = %parallel_loop3A_33 to %parallel_loop3A_34 step %parallel_loop3A_35  : i32 {
      %parallel_loop3A_59 = arith.index_cast %parallel_loop3A_58 : i32 to index
      %parallel_loop3A_60 = arith.constant 0 : index
      %parallel_loop3A_61 = tpu.vector_load %arg6[%parallel_loop3A_59, %parallel_loop3A_60] {strides = array<i32>} : memref<128x128xf32, #tpu.memory_space<vmem>>, vector<16xf32>,
      %parallel_loop3A_62 = vector.bitcast %parallel_loop3A_61 : vector<16xf32> to vector<16xi32>
      %parallel_loop3A_63 = arith.constant 0 : i32
      %parallel_loop3A_64 = vector.broadcast %parallel_loop3A_63 : i32 to vector<16xi32>
      %parallel_loop3A_65 = arith.cmpi sgt, %parallel_loop3A_62, %parallel_loop3A_64 : vector<16xi32>
      %parallel_loop3A_66 = arith.constant 23 : i32
      %parallel_loop3A_67 = vector.broadcast %parallel_loop3A_66 : i32 to vector<16xi32>
      %parallel_loop3A_68 = arith.shrui %parallel_loop3A_62, %parallel_loop3A_67 : vector<16xi32>
      %parallel_loop3A_69 = arith.constant 0 : i32
      %parallel_loop3A_70 = vector.broadcast %parallel_loop3A_69 : i32 to vector<16xi32>
      %parallel_loop3A_71 = arith.select %parallel_loop3A_65, %parallel_loop3A_68, %parallel_loop3A_70 : vector<16xi1>, vector<16xi32>
      %parallel_loop3A_72 = arith.constant 16 : i32
      %parallel_loop3A_73 = vector.broadcast %parallel_loop3A_72 : i32 to vector<16xi32>
      %parallel_loop3A_74 = arith.shrui %parallel_loop3A_62, %parallel_loop3A_73 : vector<16xi32>
      %parallel_loop3A_75 = arith.constant 127 : i32
      %parallel_loop3A_76 = vector.broadcast %parallel_loop3A_75 : i32 to vector<16xi32>
      %parallel_loop3A_77 = arith.andi %parallel_loop3A_74, %parallel_loop3A_76 : vector<16xi32>
      tpu.vector_store_idx %arg4[%parallel_loop3A_71, %parallel_loop3A_77], %broadcast_in_dim3A_1 masked %parallel_loop3A_65 {add = true} : memref<256x128xf32, #tpu.memory_space<vmem>>[vector<16xi32>, vector<16xi32>], vector<16xf32>, vector<16xi1>
      %parallel_loop3A_78 = arith.index_cast %parallel_loop3A_58 : i32 to index
      %parallel_loop3A_79 = arith.constant 16 : index
      %parallel_loop3A_80 = tpu.vector_load %arg6[%parallel_loop3A_78, %parallel_loop3A_79] {strides = array<i32>} : memref<128x128xf32, #tpu.memory_space<vmem>>, vector<16xf32>,
      %parallel_loop3A_81 = vector.bitcast %parallel_loop3A_80 : vector<16xf32> to vector<16xi32>
      %parallel_loop3A_82 = arith.constant 0 : i32
      %parallel_loop3A_83 = vector.broadcast %parallel_loop3A_82 : i32 to vector<16xi32>
      %parallel_loop3A_84 = arith.cmpi sgt, %parallel_loop3A_81, %parallel_loop3A_83 : vector<16xi32>
      %parallel_loop3A_85 = arith.constant 23 : i32
      %parallel_loop3A_86 = vector.broadcast %parallel_loop3A_85 : i32 to vector<16xi32>
      %parallel_loop3A_87 = arith.shrui %parallel_loop3A_81, %parallel_loop3A_86 : vector<16xi32>
      %parallel_loop3A_88 = arith.constant 0 : i32
      %parallel_loop3A_89 = vector.broadcast %parallel_loop3A_88 : i32 to vector<16xi32>
      %parallel_loop3A_90 = arith.select %parallel_loop3A_84, %parallel_loop3A_87, %parallel_loop3A_89 : vector<16xi1>, vector<16xi32>
      %parallel_loop3A_91 = arith.constant 16 : i32
      %parallel_loop3A_92 = vector.broadcast %parallel_loop3A_91 : i32 to vector<16xi32>
      %parallel_loop3A_93 = arith.shrui %parallel_loop3A_81, %parallel_loop3A_92 : vector<16xi32>
      %parallel_loop3A_94 = arith.constant 127 : i32
      %parallel_loop3A_95 = vector.broadcast %parallel_loop3A_94 : i32 to vector<16xi32>
      %parallel_loop3A_96 = arith.andi %parallel_loop3A_93, %parallel_loop3A_95 : vector<16xi32>
      tpu.vector_store_idx %arg4[%parallel_loop3A_90, %parallel_loop3A_96], %broadcast_in_dim3A_1 masked %parallel_loop3A_84 {add = true} : memref<256x128xf32, #tpu.memory_space<vmem>>[vector<16xi32>, vector<16xi32>], vector<16xf32>, vector<16xi1>
      %parallel_loop3A_97 = arith.index_cast %parallel_loop3A_58 : i32 to index
      %parallel_loop3A_98 = arith.constant 32 : index
      %parallel_loop3A_99 = tpu.vector_load %arg6[%parallel_loop3A_97, %parallel_loop3A_98] {strides = array<i32>} : memref<128x128xf32, #tpu.memory_space<vmem>>, vector<16xf32>,
      %parallel_loop3A_100 = vector.bitcast %parallel_loop3A_99 : vector<16xf32> to vector<16xi32>
      %parallel_loop3A_101 = arith.constant 0 : i32
      %parallel_loop3A_102 = vector.broadcast %parallel_loop3A_101 : i32 to vector<16xi32>
      %parallel_loop3A_103 = arith.cmpi sgt, %parallel_loop3A_100, %parallel_loop3A_102 : vector<16xi32>
      %parallel_loop3A_104 = arith.constant 23 : i32
      %parallel_loop3A_105 = vector.broadcast %parallel_loop3A_104 : i32 to vector<16xi32>
      %parallel_loop3A_106 = arith.shrui %parallel_loop3A_100, %parallel_loop3A_105 : vector<16xi32>
      %parallel_loop3A_107 = arith.constant 0 : i32
      %parallel_loop3A_108 = vector.broadcast %parallel_loop3A_107 : i32 to vector<16xi32>
      %parallel_loop3A_109 = arith.select %parallel_loop3A_103, %parallel_loop3A_106, %parallel_loop3A_108 : vector<16xi1>, vector<16xi32>
      %parallel_loop3A_110 = arith.constant 16 : i32
      %parallel_loop3A_111 = vector.broadcast %parallel_loop3A_110 : i32 to vector<16xi32>
      %parallel_loop3A_112 = arith.shrui %parallel_loop3A_100, %parallel_loop3A_111 : vector<16xi32>
      %parallel_loop3A_113 = arith.constant 127 : i32
      %parallel_loop3A_114 = vector.broadcast %parallel_loop3A_113 : i32 to vector<16xi32>
      %parallel_loop3A_115 = arith.andi %parallel_loop3A_112, %parallel_loop3A_114 : vector<16xi32>
      tpu.vector_store_idx %arg4[%parallel_loop3A_109, %parallel_loop3A_115], %broadcast_in_dim3A_1 masked %parallel_loop3A_103 {add = true} : memref<256x128xf32, #tpu.memory_space<vmem>>[vector<16xi32>, vector<16xi32>], vector<16xf32>, vector<16xi1>
      %parallel_loop3A_116 = arith.index_cast %parallel_loop3A_58 : i32 to index
      %parallel_loop3A_117 = arith.constant 48 : index
      %parallel_loop3A_118 = tpu.vector_load %arg6[%parallel_loop3A_116, %parallel_loop3A_117] {strides = array<i32>} : memref<128x128xf32, #tpu.memory_space<vmem>>, vector<16xf32>,
      %parallel_loop3A_119 = vector.bitcast %parallel_loop3A_118 : vector<16xf32> to vector<16xi32>
      %parallel_loop3A_120 = arith.constant 0 : i32
      %parallel_loop3A_121 = vector.broadcast %parallel_loop3A_120 : i32 to vector<16xi32>
      %parallel_loop3A_122 = arith.cmpi sgt, %parallel_loop3A_119, %parallel_loop3A_121 : vector<16xi32>
      %parallel_loop3A_123 = arith.constant 23 : i32
      %parallel_loop3A_124 = vector.broadcast %parallel_loop3A_123 : i32 to vector<16xi32>
      %parallel_loop3A_125 = arith.shrui %parallel_loop3A_119, %parallel_loop3A_124 : vector<16xi32>
      %parallel_loop3A_126 = arith.constant 0 : i32
      %parallel_loop3A_127 = vector.broadcast %parallel_loop3A_126 : i32 to vector<16xi32>
      %parallel_loop3A_128 = arith.select %parallel_loop3A_122, %parallel_loop3A_125, %parallel_loop3A_127 : vector<16xi1>, vector<16xi32>
      %parallel_loop3A_129 = arith.constant 16 : i32
      %parallel_loop3A_130 = vector.broadcast %parallel_loop3A_129 : i32 to vector<16xi32>
      %parallel_loop3A_131 = arith.shrui %parallel_loop3A_119, %parallel_loop3A_130 : vector<16xi32>
      %parallel_loop3A_132 = arith.constant 127 : i32
      %parallel_loop3A_133 = vector.broadcast %parallel_loop3A_132 : i32 to vector<16xi32>
      %parallel_loop3A_134 = arith.andi %parallel_loop3A_131, %parallel_loop3A_133 : vector<16xi32>
      tpu.vector_store_idx %arg4[%parallel_loop3A_128, %parallel_loop3A_134], %broadcast_in_dim3A_1 masked %parallel_loop3A_122 {add = true} : memref<256x128xf32, #tpu.memory_space<vmem>>[vector<16xi32>, vector<16xi32>], vector<16xf32>, vector<16xi1>
      %parallel_loop3A_135 = arith.index_cast %parallel_loop3A_58 : i32 to index
      %parallel_loop3A_136 = arith.constant 64 : index
      %parallel_loop3A_137 = tpu.vector_load %arg6[%parallel_loop3A_135, %parallel_loop3A_136] {strides = array<i32>} : memref<128x128xf32, #tpu.memory_space<vmem>>, vector<16xf32>,
      %parallel_loop3A_138 = vector.bitcast %parallel_loop3A_137 : vector<16xf32> to vector<16xi32>
      %parallel_loop3A_139 = arith.constant 0 : i32
      %parallel_loop3A_140 = vector.broadcast %parallel_loop3A_139 : i32 to vector<16xi32>
      %parallel_loop3A_141 = arith.cmpi sgt, %parallel_loop3A_138, %parallel_loop3A_140 : vector<16xi32>
      %parallel_loop3A_142 = arith.constant 23 : i32
      %parallel_loop3A_143 = vector.broadcast %parallel_loop3A_142 : i32 to vector<16xi32>
      %parallel_loop3A_144 = arith.shrui %parallel_loop3A_138, %parallel_loop3A_143 : vector<16xi32>
      %parallel_loop3A_145 = arith.constant 0 : i32
      %parallel_loop3A_146 = vector.broadcast %parallel_loop3A_145 : i32 to vector<16xi32>
      %parallel_loop3A_147 = arith.select %parallel_loop3A_141, %parallel_loop3A_144, %parallel_loop3A_146 : vector<16xi1>, vector<16xi32>
      %parallel_loop3A_148 = arith.constant 16 : i32
      %parallel_loop3A_149 = vector.broadcast %parallel_loop3A_148 : i32 to vector<16xi32>
      %parallel_loop3A_150 = arith.shrui %parallel_loop3A_138, %parallel_loop3A_149 : vector<16xi32>
      %parallel_loop3A_151 = arith.constant 127 : i32
      %parallel_loop3A_152 = vector.broadcast %parallel_loop3A_151 : i32 to vector<16xi32>
      %parallel_loop3A_153 = arith.andi %parallel_loop3A_150, %parallel_loop3A_152 : vector<16xi32>
      tpu.vector_store_idx %arg4[%parallel_loop3A_147, %parallel_loop3A_153], %broadcast_in_dim3A_1 masked %parallel_loop3A_141 {add = true} : memref<256x128xf32, #tpu.memory_space<vmem>>[vector<16xi32>, vector<16xi32>], vector<16xf32>, vector<16xi1>
      %parallel_loop3A_154 = arith.index_cast %parallel_loop3A_58 : i32 to index
      %parallel_loop3A_155 = arith.constant 80 : index
      %parallel_loop3A_156 = tpu.vector_load %arg6[%parallel_loop3A_154, %parallel_loop3A_155] {strides = array<i32>} : memref<128x128xf32, #tpu.memory_space<vmem>>, vector<16xf32>,
      %parallel_loop3A_157 = vector.bitcast %parallel_loop3A_156 : vector<16xf32> to vector<16xi32>
      %parallel_loop3A_158 = arith.constant 0 : i32
      %parallel_loop3A_159 = vector.broadcast %parallel_loop3A_158 : i32 to vector<16xi32>
      %parallel_loop3A_160 = arith.cmpi sgt, %parallel_loop3A_157, %parallel_loop3A_159 : vector<16xi32>
      %parallel_loop3A_161 = arith.constant 23 : i32
      %parallel_loop3A_162 = vector.broadcast %parallel_loop3A_161 : i32 to vector<16xi32>
      %parallel_loop3A_163 = arith.shrui %parallel_loop3A_157, %parallel_loop3A_162 : vector<16xi32>
      %parallel_loop3A_164 = arith.constant 0 : i32
      %parallel_loop3A_165 = vector.broadcast %parallel_loop3A_164 : i32 to vector<16xi32>
      %parallel_loop3A_166 = arith.select %parallel_loop3A_160, %parallel_loop3A_163, %parallel_loop3A_165 : vector<16xi1>, vector<16xi32>
      %parallel_loop3A_167 = arith.constant 16 : i32
      %parallel_loop3A_168 = vector.broadcast %parallel_loop3A_167 : i32 to vector<16xi32>
      %parallel_loop3A_169 = arith.shrui %parallel_loop3A_157, %parallel_loop3A_168 : vector<16xi32>
      %parallel_loop3A_170 = arith.constant 127 : i32
      %parallel_loop3A_171 = vector.broadcast %parallel_loop3A_170 : i32 to vector<16xi32>
      %parallel_loop3A_172 = arith.andi %parallel_loop3A_169, %parallel_loop3A_171 : vector<16xi32>
      tpu.vector_store_idx %arg4[%parallel_loop3A_166, %parallel_loop3A_172], %broadcast_in_dim3A_1 masked %parallel_loop3A_160 {add = true} : memref<256x128xf32, #tpu.memory_space<vmem>>[vector<16xi32>, vector<16xi32>], vector<16xf32>, vector<16xi1>
      %parallel_loop3A_173 = arith.index_cast %parallel_loop3A_58 : i32 to index
      %parallel_loop3A_174 = arith.constant 96 : index
      %parallel_loop3A_175 = tpu.vector_load %arg6[%parallel_loop3A_173, %parallel_loop3A_174] {strides = array<i32>} : memref<128x128xf32, #tpu.memory_space<vmem>>, vector<16xf32>,
      %parallel_loop3A_176 = vector.bitcast %parallel_loop3A_175 : vector<16xf32> to vector<16xi32>
      %parallel_loop3A_177 = arith.constant 0 : i32
      %parallel_loop3A_178 = vector.broadcast %parallel_loop3A_177 : i32 to vector<16xi32>
      %parallel_loop3A_179 = arith.cmpi sgt, %parallel_loop3A_176, %parallel_loop3A_178 : vector<16xi32>
      %parallel_loop3A_180 = arith.constant 23 : i32
      %parallel_loop3A_181 = vector.broadcast %parallel_loop3A_180 : i32 to vector<16xi32>
      %parallel_loop3A_182 = arith.shrui %parallel_loop3A_176, %parallel_loop3A_181 : vector<16xi32>
      %parallel_loop3A_183 = arith.constant 0 : i32
      %parallel_loop3A_184 = vector.broadcast %parallel_loop3A_183 : i32 to vector<16xi32>
      %parallel_loop3A_185 = arith.select %parallel_loop3A_179, %parallel_loop3A_182, %parallel_loop3A_184 : vector<16xi1>, vector<16xi32>
      %parallel_loop3A_186 = arith.constant 16 : i32
      %parallel_loop3A_187 = vector.broadcast %parallel_loop3A_186 : i32 to vector<16xi32>
      %parallel_loop3A_188 = arith.shrui %parallel_loop3A_176, %parallel_loop3A_187 : vector<16xi32>
      %parallel_loop3A_189 = arith.constant 127 : i32
      %parallel_loop3A_190 = vector.broadcast %parallel_loop3A_189 : i32 to vector<16xi32>
      %parallel_loop3A_191 = arith.andi %parallel_loop3A_188, %parallel_loop3A_190 : vector<16xi32>
      tpu.vector_store_idx %arg4[%parallel_loop3A_185, %parallel_loop3A_191], %broadcast_in_dim3A_1 masked %parallel_loop3A_179 {add = true} : memref<256x128xf32, #tpu.memory_space<vmem>>[vector<16xi32>, vector<16xi32>], vector<16xf32>, vector<16xi1>
      %parallel_loop3A_192 = arith.index_cast %parallel_loop3A_58 : i32 to index
      %parallel_loop3A_193 = arith.constant 112 : index
      %parallel_loop3A_194 = tpu.vector_load %arg6[%parallel_loop3A_192, %parallel_loop3A_193] {strides = array<i32>} : memref<128x128xf32, #tpu.memory_space<vmem>>, vector<16xf32>,
      %parallel_loop3A_195 = vector.bitcast %parallel_loop3A_194 : vector<16xf32> to vector<16xi32>
      %parallel_loop3A_196 = arith.constant 0 : i32
      %parallel_loop3A_197 = vector.broadcast %parallel_loop3A_196 : i32 to vector<16xi32>
      %parallel_loop3A_198 = arith.cmpi sgt, %parallel_loop3A_195, %parallel_loop3A_197 : vector<16xi32>
      %parallel_loop3A_199 = arith.constant 23 : i32
      %parallel_loop3A_200 = vector.broadcast %parallel_loop3A_199 : i32 to vector<16xi32>
      %parallel_loop3A_201 = arith.shrui %parallel_loop3A_195, %parallel_loop3A_200 : vector<16xi32>
      %parallel_loop3A_202 = arith.constant 0 : i32
      %parallel_loop3A_203 = vector.broadcast %parallel_loop3A_202 : i32 to vector<16xi32>
      %parallel_loop3A_204 = arith.select %parallel_loop3A_198, %parallel_loop3A_201, %parallel_loop3A_203 : vector<16xi1>, vector<16xi32>
      %parallel_loop3A_205 = arith.constant 16 : i32
      %parallel_loop3A_206 = vector.broadcast %parallel_loop3A_205 : i32 to vector<16xi32>
      %parallel_loop3A_207 = arith.shrui %parallel_loop3A_195, %parallel_loop3A_206 : vector<16xi32>
      %parallel_loop3A_208 = arith.constant 127 : i32
      %parallel_loop3A_209 = vector.broadcast %parallel_loop3A_208 : i32 to vector<16xi32>
      %parallel_loop3A_210 = arith.andi %parallel_loop3A_207, %parallel_loop3A_209 : vector<16xi32>
      tpu.vector_store_idx %arg4[%parallel_loop3A_204, %parallel_loop3A_210], %broadcast_in_dim3A_1 masked %parallel_loop3A_198 {add = true} : memref<256x128xf32, #tpu.memory_space<vmem>>[vector<16xi32>, vector<16xi32>], vector<16xf32>, vector<16xi1>
    } {sc.loop_unroll_factor = 2 : i64, sc.parallel_access}
    %add3A_36 = arith.constant 384 : i32
    %add3A_37 = arith.addi %mul3A_7, %add3A_36 : i32
    %dma_start3A_38 = arith.constant 0 : i32
    %dma_start3A_39 = tpu.memref_slice %arg2[%add3A_37, %dma_start3A_38] : memref<16384x128xf32, #tpu.memory_space<hbm>> -> memref<128x128xf32, #tpu.memory_space<hbm>>
    %dma_start3A_40 = arith.constant 0 : i32
    %dma_start3A_41 = tpu.memref_slice %arg2[%add3A_37, %dma_start3A_40] : memref<16384x128xf32, #tpu.memory_space<hbm>> -> memref<128x128xf32, #tpu.memory_space<hbm>>
    tpu.enqueue_dma source(%dma_start3A_41 : memref<128x128xf32, #tpu.memory_space<hbm>>) target(%arg6 : memref<128x128xf32, #tpu.memory_space<vmem>>) target_semaphore(%arg8 : memref<!tpu.dma_semaphore, #tpu.memory_space<semaphore_mem>>)
    %dma_wait3A_42 = arith.constant 0 : i32
    %dma_wait3A_43 = tpu.memref_slice %arg2[%add3A_24, %dma_wait3A_42] : memref<16384x128xf32, #tpu.memory_space<hbm>> -> memref<128x128xf32, #tpu.memory_space<hbm>>
    %dma_wait3A_44 = arith.constant 0 : i32
    %dma_wait3A_45 = tpu.memref_slice %arg2[%add3A_24, %dma_wait3A_44] : memref<16384x128xf32, #tpu.memory_space<hbm>> -> memref<128x128xf32, #tpu.memory_space<hbm>>
    tpu.wait_dma2 semaphore(%arg7 : memref<!tpu.dma_semaphore, #tpu.memory_space<semaphore_mem>>) src(%dma_wait3A_45 : memref<128x128xf32, #tpu.memory_space<hbm>>) dst(%arg5 : memref<128x128xf32, #tpu.memory_space<vmem>>)
    %parallel_loop3A_46 = arith.constant 0 : i32
    %parallel_loop3A_47 = arith.constant 128 : i32
    %parallel_loop3A_48 = arith.constant 1 : i32
    scf.for %parallel_loop3A_58 = %parallel_loop3A_46 to %parallel_loop3A_47 step %parallel_loop3A_48  : i32 {
      %parallel_loop3A_59 = arith.index_cast %parallel_loop3A_58 : i32 to index
      %parallel_loop3A_60 = arith.constant 0 : index
      %parallel_loop3A_61 = tpu.vector_load %arg5[%parallel_loop3A_59, %parallel_loop3A_60] {strides = array<i32>} : memref<128x128xf32, #tpu.memory_space<vmem>>, vector<16xf32>,
      %parallel_loop3A_62 = vector.bitcast %parallel_loop3A_61 : vector<16xf32> to vector<16xi32>
      %parallel_loop3A_63 = arith.constant 0 : i32
      %parallel_loop3A_64 = vector.broadcast %parallel_loop3A_63 : i32 to vector<16xi32>
      %parallel_loop3A_65 = arith.cmpi sgt, %parallel_loop3A_62, %parallel_loop3A_64 : vector<16xi32>
      %parallel_loop3A_66 = arith.constant 23 : i32
      %parallel_loop3A_67 = vector.broadcast %parallel_loop3A_66 : i32 to vector<16xi32>
      %parallel_loop3A_68 = arith.shrui %parallel_loop3A_62, %parallel_loop3A_67 : vector<16xi32>
      %parallel_loop3A_69 = arith.constant 0 : i32
      %parallel_loop3A_70 = vector.broadcast %parallel_loop3A_69 : i32 to vector<16xi32>
      %parallel_loop3A_71 = arith.select %parallel_loop3A_65, %parallel_loop3A_68, %parallel_loop3A_70 : vector<16xi1>, vector<16xi32>
      %parallel_loop3A_72 = arith.constant 16 : i32
      %parallel_loop3A_73 = vector.broadcast %parallel_loop3A_72 : i32 to vector<16xi32>
      %parallel_loop3A_74 = arith.shrui %parallel_loop3A_62, %parallel_loop3A_73 : vector<16xi32>
      %parallel_loop3A_75 = arith.constant 127 : i32
      %parallel_loop3A_76 = vector.broadcast %parallel_loop3A_75 : i32 to vector<16xi32>
      %parallel_loop3A_77 = arith.andi %parallel_loop3A_74, %parallel_loop3A_76 : vector<16xi32>
      tpu.vector_store_idx %arg4[%parallel_loop3A_71, %parallel_loop3A_77], %broadcast_in_dim3A_1 masked %parallel_loop3A_65 {add = true} : memref<256x128xf32, #tpu.memory_space<vmem>>[vector<16xi32>, vector<16xi32>], vector<16xf32>, vector<16xi1>
      %parallel_loop3A_78 = arith.index_cast %parallel_loop3A_58 : i32 to index
      %parallel_loop3A_79 = arith.constant 16 : index
      %parallel_loop3A_80 = tpu.vector_load %arg5[%parallel_loop3A_78, %parallel_loop3A_79] {strides = array<i32>} : memref<128x128xf32, #tpu.memory_space<vmem>>, vector<16xf32>,
      %parallel_loop3A_81 = vector.bitcast %parallel_loop3A_80 : vector<16xf32> to vector<16xi32>
      %parallel_loop3A_82 = arith.constant 0 : i32
      %parallel_loop3A_83 = vector.broadcast %parallel_loop3A_82 : i32 to vector<16xi32>
      %parallel_loop3A_84 = arith.cmpi sgt, %parallel_loop3A_81, %parallel_loop3A_83 : vector<16xi32>
      %parallel_loop3A_85 = arith.constant 23 : i32
      %parallel_loop3A_86 = vector.broadcast %parallel_loop3A_85 : i32 to vector<16xi32>
      %parallel_loop3A_87 = arith.shrui %parallel_loop3A_81, %parallel_loop3A_86 : vector<16xi32>
      %parallel_loop3A_88 = arith.constant 0 : i32
      %parallel_loop3A_89 = vector.broadcast %parallel_loop3A_88 : i32 to vector<16xi32>
      %parallel_loop3A_90 = arith.select %parallel_loop3A_84, %parallel_loop3A_87, %parallel_loop3A_89 : vector<16xi1>, vector<16xi32>
      %parallel_loop3A_91 = arith.constant 16 : i32
      %parallel_loop3A_92 = vector.broadcast %parallel_loop3A_91 : i32 to vector<16xi32>
      %parallel_loop3A_93 = arith.shrui %parallel_loop3A_81, %parallel_loop3A_92 : vector<16xi32>
      %parallel_loop3A_94 = arith.constant 127 : i32
      %parallel_loop3A_95 = vector.broadcast %parallel_loop3A_94 : i32 to vector<16xi32>
      %parallel_loop3A_96 = arith.andi %parallel_loop3A_93, %parallel_loop3A_95 : vector<16xi32>
      tpu.vector_store_idx %arg4[%parallel_loop3A_90, %parallel_loop3A_96], %broadcast_in_dim3A_1 masked %parallel_loop3A_84 {add = true} : memref<256x128xf32, #tpu.memory_space<vmem>>[vector<16xi32>, vector<16xi32>], vector<16xf32>, vector<16xi1>
      %parallel_loop3A_97 = arith.index_cast %parallel_loop3A_58 : i32 to index
      %parallel_loop3A_98 = arith.constant 32 : index
      %parallel_loop3A_99 = tpu.vector_load %arg5[%parallel_loop3A_97, %parallel_loop3A_98] {strides = array<i32>} : memref<128x128xf32, #tpu.memory_space<vmem>>, vector<16xf32>,
      %parallel_loop3A_100 = vector.bitcast %parallel_loop3A_99 : vector<16xf32> to vector<16xi32>
      %parallel_loop3A_101 = arith.constant 0 : i32
      %parallel_loop3A_102 = vector.broadcast %parallel_loop3A_101 : i32 to vector<16xi32>
      %parallel_loop3A_103 = arith.cmpi sgt, %parallel_loop3A_100, %parallel_loop3A_102 : vector<16xi32>
      %parallel_loop3A_104 = arith.constant 23 : i32
      %parallel_loop3A_105 = vector.broadcast %parallel_loop3A_104 : i32 to vector<16xi32>
      %parallel_loop3A_106 = arith.shrui %parallel_loop3A_100, %parallel_loop3A_105 : vector<16xi32>
      %parallel_loop3A_107 = arith.constant 0 : i32
      %parallel_loop3A_108 = vector.broadcast %parallel_loop3A_107 : i32 to vector<16xi32>
      %parallel_loop3A_109 = arith.select %parallel_loop3A_103, %parallel_loop3A_106, %parallel_loop3A_108 : vector<16xi1>, vector<16xi32>
      %parallel_loop3A_110 = arith.constant 16 : i32
      %parallel_loop3A_111 = vector.broadcast %parallel_loop3A_110 : i32 to vector<16xi32>
      %parallel_loop3A_112 = arith.shrui %parallel_loop3A_100, %parallel_loop3A_111 : vector<16xi32>
      %parallel_loop3A_113 = arith.constant 127 : i32
      %parallel_loop3A_114 = vector.broadcast %parallel_loop3A_113 : i32 to vector<16xi32>
      %parallel_loop3A_115 = arith.andi %parallel_loop3A_112, %parallel_loop3A_114 : vector<16xi32>
      tpu.vector_store_idx %arg4[%parallel_loop3A_109, %parallel_loop3A_115], %broadcast_in_dim3A_1 masked %parallel_loop3A_103 {add = true} : memref<256x128xf32, #tpu.memory_space<vmem>>[vector<16xi32>, vector<16xi32>], vector<16xf32>, vector<16xi1>
      %parallel_loop3A_116 = arith.index_cast %parallel_loop3A_58 : i32 to index
      %parallel_loop3A_117 = arith.constant 48 : index
      %parallel_loop3A_118 = tpu.vector_load %arg5[%parallel_loop3A_116, %parallel_loop3A_117] {strides = array<i32>} : memref<128x128xf32, #tpu.memory_space<vmem>>, vector<16xf32>,
      %parallel_loop3A_119 = vector.bitcast %parallel_loop3A_118 : vector<16xf32> to vector<16xi32>
      %parallel_loop3A_120 = arith.constant 0 : i32
      %parallel_loop3A_121 = vector.broadcast %parallel_loop3A_120 : i32 to vector<16xi32>
      %parallel_loop3A_122 = arith.cmpi sgt, %parallel_loop3A_119, %parallel_loop3A_121 : vector<16xi32>
      %parallel_loop3A_123 = arith.constant 23 : i32
      %parallel_loop3A_124 = vector.broadcast %parallel_loop3A_123 : i32 to vector<16xi32>
      %parallel_loop3A_125 = arith.shrui %parallel_loop3A_119, %parallel_loop3A_124 : vector<16xi32>
      %parallel_loop3A_126 = arith.constant 0 : i32
      %parallel_loop3A_127 = vector.broadcast %parallel_loop3A_126 : i32 to vector<16xi32>
      %parallel_loop3A_128 = arith.select %parallel_loop3A_122, %parallel_loop3A_125, %parallel_loop3A_127 : vector<16xi1>, vector<16xi32>
      %parallel_loop3A_129 = arith.constant 16 : i32
      %parallel_loop3A_130 = vector.broadcast %parallel_loop3A_129 : i32 to vector<16xi32>
      %parallel_loop3A_131 = arith.shrui %parallel_loop3A_119, %parallel_loop3A_130 : vector<16xi32>
      %parallel_loop3A_132 = arith.constant 127 : i32
      %parallel_loop3A_133 = vector.broadcast %parallel_loop3A_132 : i32 to vector<16xi32>
      %parallel_loop3A_134 = arith.andi %parallel_loop3A_131, %parallel_loop3A_133 : vector<16xi32>
      tpu.vector_store_idx %arg4[%parallel_loop3A_128, %parallel_loop3A_134], %broadcast_in_dim3A_1 masked %parallel_loop3A_122 {add = true} : memref<256x128xf32, #tpu.memory_space<vmem>>[vector<16xi32>, vector<16xi32>], vector<16xf32>, vector<16xi1>
      %parallel_loop3A_135 = arith.index_cast %parallel_loop3A_58 : i32 to index
      %parallel_loop3A_136 = arith.constant 64 : index
      %parallel_loop3A_137 = tpu.vector_load %arg5[%parallel_loop3A_135, %parallel_loop3A_136] {strides = array<i32>} : memref<128x128xf32, #tpu.memory_space<vmem>>, vector<16xf32>,
      %parallel_loop3A_138 = vector.bitcast %parallel_loop3A_137 : vector<16xf32> to vector<16xi32>
      %parallel_loop3A_139 = arith.constant 0 : i32
      %parallel_loop3A_140 = vector.broadcast %parallel_loop3A_139 : i32 to vector<16xi32>
      %parallel_loop3A_141 = arith.cmpi sgt, %parallel_loop3A_138, %parallel_loop3A_140 : vector<16xi32>
      %parallel_loop3A_142 = arith.constant 23 : i32
      %parallel_loop3A_143 = vector.broadcast %parallel_loop3A_142 : i32 to vector<16xi32>
      %parallel_loop3A_144 = arith.shrui %parallel_loop3A_138, %parallel_loop3A_143 : vector<16xi32>
      %parallel_loop3A_145 = arith.constant 0 : i32
      %parallel_loop3A_146 = vector.broadcast %parallel_loop3A_145 : i32 to vector<16xi32>
      %parallel_loop3A_147 = arith.select %parallel_loop3A_141, %parallel_loop3A_144, %parallel_loop3A_146 : vector<16xi1>, vector<16xi32>
      %parallel_loop3A_148 = arith.constant 16 : i32
      %parallel_loop3A_149 = vector.broadcast %parallel_loop3A_148 : i32 to vector<16xi32>
      %parallel_loop3A_150 = arith.shrui %parallel_loop3A_138, %parallel_loop3A_149 : vector<16xi32>
      %parallel_loop3A_151 = arith.constant 127 : i32
      %parallel_loop3A_152 = vector.broadcast %parallel_loop3A_151 : i32 to vector<16xi32>
      %parallel_loop3A_153 = arith.andi %parallel_loop3A_150, %parallel_loop3A_152 : vector<16xi32>
      tpu.vector_store_idx %arg4[%parallel_loop3A_147, %parallel_loop3A_153], %broadcast_in_dim3A_1 masked %parallel_loop3A_141 {add = true} : memref<256x128xf32, #tpu.memory_space<vmem>>[vector<16xi32>, vector<16xi32>], vector<16xf32>, vector<16xi1>
      %parallel_loop3A_154 = arith.index_cast %parallel_loop3A_58 : i32 to index
      %parallel_loop3A_155 = arith.constant 80 : index
      %parallel_loop3A_156 = tpu.vector_load %arg5[%parallel_loop3A_154, %parallel_loop3A_155] {strides = array<i32>} : memref<128x128xf32, #tpu.memory_space<vmem>>, vector<16xf32>,
      %parallel_loop3A_157 = vector.bitcast %parallel_loop3A_156 : vector<16xf32> to vector<16xi32>
      %parallel_loop3A_158 = arith.constant 0 : i32
      %parallel_loop3A_159 = vector.broadcast %parallel_loop3A_158 : i32 to vector<16xi32>
      %parallel_loop3A_160 = arith.cmpi sgt, %parallel_loop3A_157, %parallel_loop3A_159 : vector<16xi32>
      %parallel_loop3A_161 = arith.constant 23 : i32
      %parallel_loop3A_162 = vector.broadcast %parallel_loop3A_161 : i32 to vector<16xi32>
      %parallel_loop3A_163 = arith.shrui %parallel_loop3A_157, %parallel_loop3A_162 : vector<16xi32>
      %parallel_loop3A_164 = arith.constant 0 : i32
      %parallel_loop3A_165 = vector.broadcast %parallel_loop3A_164 : i32 to vector<16xi32>
      %parallel_loop3A_166 = arith.select %parallel_loop3A_160, %parallel_loop3A_163, %parallel_loop3A_165 : vector<16xi1>, vector<16xi32>
      %parallel_loop3A_167 = arith.constant 16 : i32
      %parallel_loop3A_168 = vector.broadcast %parallel_loop3A_167 : i32 to vector<16xi32>
      %parallel_loop3A_169 = arith.shrui %parallel_loop3A_157, %parallel_loop3A_168 : vector<16xi32>
      %parallel_loop3A_170 = arith.constant 127 : i32
      %parallel_loop3A_171 = vector.broadcast %parallel_loop3A_170 : i32 to vector<16xi32>
      %parallel_loop3A_172 = arith.andi %parallel_loop3A_169, %parallel_loop3A_171 : vector<16xi32>
      tpu.vector_store_idx %arg4[%parallel_loop3A_166, %parallel_loop3A_172], %broadcast_in_dim3A_1 masked %parallel_loop3A_160 {add = true} : memref<256x128xf32, #tpu.memory_space<vmem>>[vector<16xi32>, vector<16xi32>], vector<16xf32>, vector<16xi1>
      %parallel_loop3A_173 = arith.index_cast %parallel_loop3A_58 : i32 to index
      %parallel_loop3A_174 = arith.constant 96 : index
      %parallel_loop3A_175 = tpu.vector_load %arg5[%parallel_loop3A_173, %parallel_loop3A_174] {strides = array<i32>} : memref<128x128xf32, #tpu.memory_space<vmem>>, vector<16xf32>,
      %parallel_loop3A_176 = vector.bitcast %parallel_loop3A_175 : vector<16xf32> to vector<16xi32>
      %parallel_loop3A_177 = arith.constant 0 : i32
      %parallel_loop3A_178 = vector.broadcast %parallel_loop3A_177 : i32 to vector<16xi32>
      %parallel_loop3A_179 = arith.cmpi sgt, %parallel_loop3A_176, %parallel_loop3A_178 : vector<16xi32>
      %parallel_loop3A_180 = arith.constant 23 : i32
      %parallel_loop3A_181 = vector.broadcast %parallel_loop3A_180 : i32 to vector<16xi32>
      %parallel_loop3A_182 = arith.shrui %parallel_loop3A_176, %parallel_loop3A_181 : vector<16xi32>
      %parallel_loop3A_183 = arith.constant 0 : i32
      %parallel_loop3A_184 = vector.broadcast %parallel_loop3A_183 : i32 to vector<16xi32>
      %parallel_loop3A_185 = arith.select %parallel_loop3A_179, %parallel_loop3A_182, %parallel_loop3A_184 : vector<16xi1>, vector<16xi32>
      %parallel_loop3A_186 = arith.constant 16 : i32
      %parallel_loop3A_187 = vector.broadcast %parallel_loop3A_186 : i32 to vector<16xi32>
      %parallel_loop3A_188 = arith.shrui %parallel_loop3A_176, %parallel_loop3A_187 : vector<16xi32>
      %parallel_loop3A_189 = arith.constant 127 : i32
      %parallel_loop3A_190 = vector.broadcast %parallel_loop3A_189 : i32 to vector<16xi32>
      %parallel_loop3A_191 = arith.andi %parallel_loop3A_188, %parallel_loop3A_190 : vector<16xi32>
      tpu.vector_store_idx %arg4[%parallel_loop3A_185, %parallel_loop3A_191], %broadcast_in_dim3A_1 masked %parallel_loop3A_179 {add = true} : memref<256x128xf32, #tpu.memory_space<vmem>>[vector<16xi32>, vector<16xi32>], vector<16xf32>, vector<16xi1>
      %parallel_loop3A_192 = arith.index_cast %parallel_loop3A_58 : i32 to index
      %parallel_loop3A_193 = arith.constant 112 : index
      %parallel_loop3A_194 = tpu.vector_load %arg5[%parallel_loop3A_192, %parallel_loop3A_193] {strides = array<i32>} : memref<128x128xf32, #tpu.memory_space<vmem>>, vector<16xf32>,
      %parallel_loop3A_195 = vector.bitcast %parallel_loop3A_194 : vector<16xf32> to vector<16xi32>
      %parallel_loop3A_196 = arith.constant 0 : i32
      %parallel_loop3A_197 = vector.broadcast %parallel_loop3A_196 : i32 to vector<16xi32>
      %parallel_loop3A_198 = arith.cmpi sgt, %parallel_loop3A_195, %parallel_loop3A_197 : vector<16xi32>
      %parallel_loop3A_199 = arith.constant 23 : i32
      %parallel_loop3A_200 = vector.broadcast %parallel_loop3A_199 : i32 to vector<16xi32>
      %parallel_loop3A_201 = arith.shrui %parallel_loop3A_195, %parallel_loop3A_200 : vector<16xi32>
      %parallel_loop3A_202 = arith.constant 0 : i32
      %parallel_loop3A_203 = vector.broadcast %parallel_loop3A_202 : i32 to vector<16xi32>
      %parallel_loop3A_204 = arith.select %parallel_loop3A_198, %parallel_loop3A_201, %parallel_loop3A_203 : vector<16xi1>, vector<16xi32>
      %parallel_loop3A_205 = arith.constant 16 : i32
      %parallel_loop3A_206 = vector.broadcast %parallel_loop3A_205 : i32 to vector<16xi32>
      %parallel_loop3A_207 = arith.shrui %parallel_loop3A_195, %parallel_loop3A_206 : vector<16xi32>
      %parallel_loop3A_208 = arith.constant 127 : i32
      %parallel_loop3A_209 = vector.broadcast %parallel_loop3A_208 : i32 to vector<16xi32>
      %parallel_loop3A_210 = arith.andi %parallel_loop3A_207, %parallel_loop3A_209 : vector<16xi32>
      tpu.vector_store_idx %arg4[%parallel_loop3A_204, %parallel_loop3A_210], %broadcast_in_dim3A_1 masked %parallel_loop3A_198 {add = true} : memref<256x128xf32, #tpu.memory_space<vmem>>[vector<16xi32>, vector<16xi32>], vector<16xf32>, vector<16xi1>
    } {sc.loop_unroll_factor = 2 : i64, sc.parallel_access}
    %dma_wait3A_49 = arith.constant 0 : i32
    %dma_wait3A_50 = tpu.memref_slice %arg2[%add3A_37, %dma_wait3A_49] : memref<16384x128xf32, #tpu.memory_space<hbm>> -> memref<128x128xf32, #tpu.memory_space<hbm>>
    %dma_wait3A_51 = arith.constant 0 : i32
    %dma_wait3A_52 = tpu.memref_slice %arg2[%add3A_37, %dma_wait3A_51] : memref<16384x128xf32, #tpu.memory_space<hbm>> -> memref<128x128xf32, #tpu.memory_space<hbm>>
    tpu.wait_dma2 semaphore(%arg8 : memref<!tpu.dma_semaphore, #tpu.memory_space<semaphore_mem>>) src(%dma_wait3A_52 : memref<128x128xf32, #tpu.memory_space<hbm>>) dst(%arg6 : memref<128x128xf32, #tpu.memory_space<vmem>>)
    %parallel_loop3A_53 = arith.constant 0 : i32
    %parallel_loop3A_54 = arith.constant 128 : i32
    %parallel_loop3A_55 = arith.constant 1 : i32
    scf.for %parallel_loop3A_58 = %parallel_loop3A_53 to %parallel_loop3A_54 step %parallel_loop3A_55  : i32 {
      %parallel_loop3A_59 = arith.index_cast %parallel_loop3A_58 : i32 to index
      %parallel_loop3A_60 = arith.constant 0 : index
      %parallel_loop3A_61 = tpu.vector_load %arg6[%parallel_loop3A_59, %parallel_loop3A_60] {strides = array<i32>} : memref<128x128xf32, #tpu.memory_space<vmem>>, vector<16xf32>,
      %parallel_loop3A_62 = vector.bitcast %parallel_loop3A_61 : vector<16xf32> to vector<16xi32>
      %parallel_loop3A_63 = arith.constant 0 : i32
      %parallel_loop3A_64 = vector.broadcast %parallel_loop3A_63 : i32 to vector<16xi32>
      %parallel_loop3A_65 = arith.cmpi sgt, %parallel_loop3A_62, %parallel_loop3A_64 : vector<16xi32>
      %parallel_loop3A_66 = arith.constant 23 : i32
      %parallel_loop3A_67 = vector.broadcast %parallel_loop3A_66 : i32 to vector<16xi32>
      %parallel_loop3A_68 = arith.shrui %parallel_loop3A_62, %parallel_loop3A_67 : vector<16xi32>
      %parallel_loop3A_69 = arith.constant 0 : i32
      %parallel_loop3A_70 = vector.broadcast %parallel_loop3A_69 : i32 to vector<16xi32>
      %parallel_loop3A_71 = arith.select %parallel_loop3A_65, %parallel_loop3A_68, %parallel_loop3A_70 : vector<16xi1>, vector<16xi32>
      %parallel_loop3A_72 = arith.constant 16 : i32
      %parallel_loop3A_73 = vector.broadcast %parallel_loop3A_72 : i32 to vector<16xi32>
      %parallel_loop3A_74 = arith.shrui %parallel_loop3A_62, %parallel_loop3A_73 : vector<16xi32>
      %parallel_loop3A_75 = arith.constant 127 : i32
      %parallel_loop3A_76 = vector.broadcast %parallel_loop3A_75 : i32 to vector<16xi32>
      %parallel_loop3A_77 = arith.andi %parallel_loop3A_74, %parallel_loop3A_76 : vector<16xi32>
      tpu.vector_store_idx %arg4[%parallel_loop3A_71, %parallel_loop3A_77], %broadcast_in_dim3A_1 masked %parallel_loop3A_65 {add = true} : memref<256x128xf32, #tpu.memory_space<vmem>>[vector<16xi32>, vector<16xi32>], vector<16xf32>, vector<16xi1>
      %parallel_loop3A_78 = arith.index_cast %parallel_loop3A_58 : i32 to index
      %parallel_loop3A_79 = arith.constant 16 : index
      %parallel_loop3A_80 = tpu.vector_load %arg6[%parallel_loop3A_78, %parallel_loop3A_79] {strides = array<i32>} : memref<128x128xf32, #tpu.memory_space<vmem>>, vector<16xf32>,
      %parallel_loop3A_81 = vector.bitcast %parallel_loop3A_80 : vector<16xf32> to vector<16xi32>
      %parallel_loop3A_82 = arith.constant 0 : i32
      %parallel_loop3A_83 = vector.broadcast %parallel_loop3A_82 : i32 to vector<16xi32>
      %parallel_loop3A_84 = arith.cmpi sgt, %parallel_loop3A_81, %parallel_loop3A_83 : vector<16xi32>
      %parallel_loop3A_85 = arith.constant 23 : i32
      %parallel_loop3A_86 = vector.broadcast %parallel_loop3A_85 : i32 to vector<16xi32>
      %parallel_loop3A_87 = arith.shrui %parallel_loop3A_81, %parallel_loop3A_86 : vector<16xi32>
      %parallel_loop3A_88 = arith.constant 0 : i32
      %parallel_loop3A_89 = vector.broadcast %parallel_loop3A_88 : i32 to vector<16xi32>
      %parallel_loop3A_90 = arith.select %parallel_loop3A_84, %parallel_loop3A_87, %parallel_loop3A_89 : vector<16xi1>, vector<16xi32>
      %parallel_loop3A_91 = arith.constant 16 : i32
      %parallel_loop3A_92 = vector.broadcast %parallel_loop3A_91 : i32 to vector<16xi32>
      %parallel_loop3A_93 = arith.shrui %parallel_loop3A_81, %parallel_loop3A_92 : vector<16xi32>
      %parallel_loop3A_94 = arith.constant 127 : i32
      %parallel_loop3A_95 = vector.broadcast %parallel_loop3A_94 : i32 to vector<16xi32>
      %parallel_loop3A_96 = arith.andi %parallel_loop3A_93, %parallel_loop3A_95 : vector<16xi32>
      tpu.vector_store_idx %arg4[%parallel_loop3A_90, %parallel_loop3A_96], %broadcast_in_dim3A_1 masked %parallel_loop3A_84 {add = true} : memref<256x128xf32, #tpu.memory_space<vmem>>[vector<16xi32>, vector<16xi32>], vector<16xf32>, vector<16xi1>
      %parallel_loop3A_97 = arith.index_cast %parallel_loop3A_58 : i32 to index
      %parallel_loop3A_98 = arith.constant 32 : index
      %parallel_loop3A_99 = tpu.vector_load %arg6[%parallel_loop3A_97, %parallel_loop3A_98] {strides = array<i32>} : memref<128x128xf32, #tpu.memory_space<vmem>>, vector<16xf32>,
      %parallel_loop3A_100 = vector.bitcast %parallel_loop3A_99 : vector<16xf32> to vector<16xi32>
      %parallel_loop3A_101 = arith.constant 0 : i32
      %parallel_loop3A_102 = vector.broadcast %parallel_loop3A_101 : i32 to vector<16xi32>
      %parallel_loop3A_103 = arith.cmpi sgt, %parallel_loop3A_100, %parallel_loop3A_102 : vector<16xi32>
      %parallel_loop3A_104 = arith.constant 23 : i32
      %parallel_loop3A_105 = vector.broadcast %parallel_loop3A_104 : i32 to vector<16xi32>
      %parallel_loop3A_106 = arith.shrui %parallel_loop3A_100, %parallel_loop3A_105 : vector<16xi32>
      %parallel_loop3A_107 = arith.constant 0 : i32
      %parallel_loop3A_108 = vector.broadcast %parallel_loop3A_107 : i32 to vector<16xi32>
      %parallel_loop3A_109 = arith.select %parallel_loop3A_103, %parallel_loop3A_106, %parallel_loop3A_108 : vector<16xi1>, vector<16xi32>
      %parallel_loop3A_110 = arith.constant 16 : i32
      %parallel_loop3A_111 = vector.broadcast %parallel_loop3A_110 : i32 to vector<16xi32>
      %parallel_loop3A_112 = arith.shrui %parallel_loop3A_100, %parallel_loop3A_111 : vector<16xi32>
      %parallel_loop3A_113 = arith.constant 127 : i32
      %parallel_loop3A_114 = vector.broadcast %parallel_loop3A_113 : i32 to vector<16xi32>
      %parallel_loop3A_115 = arith.andi %parallel_loop3A_112, %parallel_loop3A_114 : vector<16xi32>
      tpu.vector_store_idx %arg4[%parallel_loop3A_109, %parallel_loop3A_115], %broadcast_in_dim3A_1 masked %parallel_loop3A_103 {add = true} : memref<256x128xf32, #tpu.memory_space<vmem>>[vector<16xi32>, vector<16xi32>], vector<16xf32>, vector<16xi1>
      %parallel_loop3A_116 = arith.index_cast %parallel_loop3A_58 : i32 to index
      %parallel_loop3A_117 = arith.constant 48 : index
      %parallel_loop3A_118 = tpu.vector_load %arg6[%parallel_loop3A_116, %parallel_loop3A_117] {strides = array<i32>} : memref<128x128xf32, #tpu.memory_space<vmem>>, vector<16xf32>,
      %parallel_loop3A_119 = vector.bitcast %parallel_loop3A_118 : vector<16xf32> to vector<16xi32>
      %parallel_loop3A_120 = arith.constant 0 : i32
      %parallel_loop3A_121 = vector.broadcast %parallel_loop3A_120 : i32 to vector<16xi32>
      %parallel_loop3A_122 = arith.cmpi sgt, %parallel_loop3A_119, %parallel_loop3A_121 : vector<16xi32>
      %parallel_loop3A_123 = arith.constant 23 : i32
      %parallel_loop3A_124 = vector.broadcast %parallel_loop3A_123 : i32 to vector<16xi32>
      %parallel_loop3A_125 = arith.shrui %parallel_loop3A_119, %parallel_loop3A_124 : vector<16xi32>
      %parallel_loop3A_126 = arith.constant 0 : i32
      %parallel_loop3A_127 = vector.broadcast %parallel_loop3A_126 : i32 to vector<16xi32>
      %parallel_loop3A_128 = arith.select %parallel_loop3A_122, %parallel_loop3A_125, %parallel_loop3A_127 : vector<16xi1>, vector<16xi32>
      %parallel_loop3A_129 = arith.constant 16 : i32
      %parallel_loop3A_130 = vector.broadcast %parallel_loop3A_129 : i32 to vector<16xi32>
      %parallel_loop3A_131 = arith.shrui %parallel_loop3A_119, %parallel_loop3A_130 : vector<16xi32>
      %parallel_loop3A_132 = arith.constant 127 : i32
      %parallel_loop3A_133 = vector.broadcast %parallel_loop3A_132 : i32 to vector<16xi32>
      %parallel_loop3A_134 = arith.andi %parallel_loop3A_131, %parallel_loop3A_133 : vector<16xi32>
      tpu.vector_store_idx %arg4[%parallel_loop3A_128, %parallel_loop3A_134], %broadcast_in_dim3A_1 masked %parallel_loop3A_122 {add = true} : memref<256x128xf32, #tpu.memory_space<vmem>>[vector<16xi32>, vector<16xi32>], vector<16xf32>, vector<16xi1>
      %parallel_loop3A_135 = arith.index_cast %parallel_loop3A_58 : i32 to index
      %parallel_loop3A_136 = arith.constant 64 : index
      %parallel_loop3A_137 = tpu.vector_load %arg6[%parallel_loop3A_135, %parallel_loop3A_136] {strides = array<i32>} : memref<128x128xf32, #tpu.memory_space<vmem>>, vector<16xf32>,
      %parallel_loop3A_138 = vector.bitcast %parallel_loop3A_137 : vector<16xf32> to vector<16xi32>
      %parallel_loop3A_139 = arith.constant 0 : i32
      %parallel_loop3A_140 = vector.broadcast %parallel_loop3A_139 : i32 to vector<16xi32>
      %parallel_loop3A_141 = arith.cmpi sgt, %parallel_loop3A_138, %parallel_loop3A_140 : vector<16xi32>
      %parallel_loop3A_142 = arith.constant 23 : i32
      %parallel_loop3A_143 = vector.broadcast %parallel_loop3A_142 : i32 to vector<16xi32>
      %parallel_loop3A_144 = arith.shrui %parallel_loop3A_138, %parallel_loop3A_143 : vector<16xi32>
      %parallel_loop3A_145 = arith.constant 0 : i32
      %parallel_loop3A_146 = vector.broadcast %parallel_loop3A_145 : i32 to vector<16xi32>
      %parallel_loop3A_147 = arith.select %parallel_loop3A_141, %parallel_loop3A_144, %parallel_loop3A_146 : vector<16xi1>, vector<16xi32>
      %parallel_loop3A_148 = arith.constant 16 : i32
      %parallel_loop3A_149 = vector.broadcast %parallel_loop3A_148 : i32 to vector<16xi32>
      %parallel_loop3A_150 = arith.shrui %parallel_loop3A_138, %parallel_loop3A_149 : vector<16xi32>
      %parallel_loop3A_151 = arith.constant 127 : i32
      %parallel_loop3A_152 = vector.broadcast %parallel_loop3A_151 : i32 to vector<16xi32>
      %parallel_loop3A_153 = arith.andi %parallel_loop3A_150, %parallel_loop3A_152 : vector<16xi32>
      tpu.vector_store_idx %arg4[%parallel_loop3A_147, %parallel_loop3A_153], %broadcast_in_dim3A_1 masked %parallel_loop3A_141 {add = true} : memref<256x128xf32, #tpu.memory_space<vmem>>[vector<16xi32>, vector<16xi32>], vector<16xf32>, vector<16xi1>
      %parallel_loop3A_154 = arith.index_cast %parallel_loop3A_58 : i32 to index
      %parallel_loop3A_155 = arith.constant 80 : index
      %parallel_loop3A_156 = tpu.vector_load %arg6[%parallel_loop3A_154, %parallel_loop3A_155] {strides = array<i32>} : memref<128x128xf32, #tpu.memory_space<vmem>>, vector<16xf32>,
      %parallel_loop3A_157 = vector.bitcast %parallel_loop3A_156 : vector<16xf32> to vector<16xi32>
      %parallel_loop3A_158 = arith.constant 0 : i32
      %parallel_loop3A_159 = vector.broadcast %parallel_loop3A_158 : i32 to vector<16xi32>
      %parallel_loop3A_160 = arith.cmpi sgt, %parallel_loop3A_157, %parallel_loop3A_159 : vector<16xi32>
      %parallel_loop3A_161 = arith.constant 23 : i32
      %parallel_loop3A_162 = vector.broadcast %parallel_loop3A_161 : i32 to vector<16xi32>
      %parallel_loop3A_163 = arith.shrui %parallel_loop3A_157, %parallel_loop3A_162 : vector<16xi32>
      %parallel_loop3A_164 = arith.constant 0 : i32
      %parallel_loop3A_165 = vector.broadcast %parallel_loop3A_164 : i32 to vector<16xi32>
      %parallel_loop3A_166 = arith.select %parallel_loop3A_160, %parallel_loop3A_163, %parallel_loop3A_165 : vector<16xi1>, vector<16xi32>
      %parallel_loop3A_167 = arith.constant 16 : i32
      %parallel_loop3A_168 = vector.broadcast %parallel_loop3A_167 : i32 to vector<16xi32>
      %parallel_loop3A_169 = arith.shrui %parallel_loop3A_157, %parallel_loop3A_168 : vector<16xi32>
      %parallel_loop3A_170 = arith.constant 127 : i32
      %parallel_loop3A_171 = vector.broadcast %parallel_loop3A_170 : i32 to vector<16xi32>
      %parallel_loop3A_172 = arith.andi %parallel_loop3A_169, %parallel_loop3A_171 : vector<16xi32>
      tpu.vector_store_idx %arg4[%parallel_loop3A_166, %parallel_loop3A_172], %broadcast_in_dim3A_1 masked %parallel_loop3A_160 {add = true} : memref<256x128xf32, #tpu.memory_space<vmem>>[vector<16xi32>, vector<16xi32>], vector<16xf32>, vector<16xi1>
      %parallel_loop3A_173 = arith.index_cast %parallel_loop3A_58 : i32 to index
      %parallel_loop3A_174 = arith.constant 96 : index
      %parallel_loop3A_175 = tpu.vector_load %arg6[%parallel_loop3A_173, %parallel_loop3A_174] {strides = array<i32>} : memref<128x128xf32, #tpu.memory_space<vmem>>, vector<16xf32>,
      %parallel_loop3A_176 = vector.bitcast %parallel_loop3A_175 : vector<16xf32> to vector<16xi32>
      %parallel_loop3A_177 = arith.constant 0 : i32
      %parallel_loop3A_178 = vector.broadcast %parallel_loop3A_177 : i32 to vector<16xi32>
      %parallel_loop3A_179 = arith.cmpi sgt, %parallel_loop3A_176, %parallel_loop3A_178 : vector<16xi32>
      %parallel_loop3A_180 = arith.constant 23 : i32
      %parallel_loop3A_181 = vector.broadcast %parallel_loop3A_180 : i32 to vector<16xi32>
      %parallel_loop3A_182 = arith.shrui %parallel_loop3A_176, %parallel_loop3A_181 : vector<16xi32>
      %parallel_loop3A_183 = arith.constant 0 : i32
      %parallel_loop3A_184 = vector.broadcast %parallel_loop3A_183 : i32 to vector<16xi32>
      %parallel_loop3A_185 = arith.select %parallel_loop3A_179, %parallel_loop3A_182, %parallel_loop3A_184 : vector<16xi1>, vector<16xi32>
      %parallel_loop3A_186 = arith.constant 16 : i32
      %parallel_loop3A_187 = vector.broadcast %parallel_loop3A_186 : i32 to vector<16xi32>
      %parallel_loop3A_188 = arith.shrui %parallel_loop3A_176, %parallel_loop3A_187 : vector<16xi32>
      %parallel_loop3A_189 = arith.constant 127 : i32
      %parallel_loop3A_190 = vector.broadcast %parallel_loop3A_189 : i32 to vector<16xi32>
      %parallel_loop3A_191 = arith.andi %parallel_loop3A_188, %parallel_loop3A_190 : vector<16xi32>
      tpu.vector_store_idx %arg4[%parallel_loop3A_185, %parallel_loop3A_191], %broadcast_in_dim3A_1 masked %parallel_loop3A_179 {add = true} : memref<256x128xf32, #tpu.memory_space<vmem>>[vector<16xi32>, vector<16xi32>], vector<16xf32>, vector<16xi1>
      %parallel_loop3A_192 = arith.index_cast %parallel_loop3A_58 : i32 to index
      %parallel_loop3A_193 = arith.constant 112 : index
      %parallel_loop3A_194 = tpu.vector_load %arg6[%parallel_loop3A_192, %parallel_loop3A_193] {strides = array<i32>} : memref<128x128xf32, #tpu.memory_space<vmem>>, vector<16xf32>,
      %parallel_loop3A_195 = vector.bitcast %parallel_loop3A_194 : vector<16xf32> to vector<16xi32>
      %parallel_loop3A_196 = arith.constant 0 : i32
      %parallel_loop3A_197 = vector.broadcast %parallel_loop3A_196 : i32 to vector<16xi32>
      %parallel_loop3A_198 = arith.cmpi sgt, %parallel_loop3A_195, %parallel_loop3A_197 : vector<16xi32>
      %parallel_loop3A_199 = arith.constant 23 : i32
      %parallel_loop3A_200 = vector.broadcast %parallel_loop3A_199 : i32 to vector<16xi32>
      %parallel_loop3A_201 = arith.shrui %parallel_loop3A_195, %parallel_loop3A_200 : vector<16xi32>
      %parallel_loop3A_202 = arith.constant 0 : i32
      %parallel_loop3A_203 = vector.broadcast %parallel_loop3A_202 : i32 to vector<16xi32>
      %parallel_loop3A_204 = arith.select %parallel_loop3A_198, %parallel_loop3A_201, %parallel_loop3A_203 : vector<16xi1>, vector<16xi32>
      %parallel_loop3A_205 = arith.constant 16 : i32
      %parallel_loop3A_206 = vector.broadcast %parallel_loop3A_205 : i32 to vector<16xi32>
      %parallel_loop3A_207 = arith.shrui %parallel_loop3A_195, %parallel_loop3A_206 : vector<16xi32>
      %parallel_loop3A_208 = arith.constant 127 : i32
      %parallel_loop3A_209 = vector.broadcast %parallel_loop3A_208 : i32 to vector<16xi32>
      %parallel_loop3A_210 = arith.andi %parallel_loop3A_207, %parallel_loop3A_209 : vector<16xi32>
      tpu.vector_store_idx %arg4[%parallel_loop3A_204, %parallel_loop3A_210], %broadcast_in_dim3A_1 masked %parallel_loop3A_198 {add = true} : memref<256x128xf32, #tpu.memory_space<vmem>>[vector<16xi32>, vector<16xi32>], vector<16xf32>, vector<16xi1>
    } {sc.loop_unroll_factor = 2 : i64, sc.parallel_access}
    %mul3A_56 = arith.constant 256 : i32
    %mul3A_57 = arith.muli %add3A, %mul3A_56 : i32
    "tpu.region"() ({
      %run_scoped3A = tpu.sem_alloc : memref<!tpu.dma_semaphore, #tpu.memory_space<semaphore_mem>>
      %dma_start3A_58 = arith.constant 0 : i32
      %dma_start3A_59 = tpu.memref_slice %arg3[%mul3A_57, %dma_start3A_58] : memref<8192x128xf32, #tpu.memory_space<hbm>> -> memref<256x128xf32, #tpu.memory_space<hbm>>
      %dma_start3A_60 = arith.constant 0 : i32
      %dma_start3A_61 = tpu.memref_slice %arg3[%mul3A_57, %dma_start3A_60] : memref<8192x128xf32, #tpu.memory_space<hbm>> -> memref<256x128xf32, #tpu.memory_space<hbm>>
      tpu.enqueue_dma source(%arg4 : memref<256x128xf32, #tpu.memory_space<vmem>>) target(%dma_start3A_61 : memref<256x128xf32, #tpu.memory_space<hbm>>) target_semaphore(%run_scoped3A : memref<!tpu.dma_semaphore, #tpu.memory_space<semaphore_mem>>)
      %dma_wait3A_62 = arith.constant 0 : i32
      %dma_wait3A_63 = tpu.memref_slice %arg3[%mul3A_57, %dma_wait3A_62] : memref<8192x128xf32, #tpu.memory_space<hbm>> -> memref<256x128xf32, #tpu.memory_space<hbm>>
      %dma_wait3A_64 = arith.constant 0 : i32
      %dma_wait3A_65 = tpu.memref_slice %arg3[%mul3A_57, %dma_wait3A_64] : memref<8192x128xf32, #tpu.memory_space<hbm>> -> memref<256x128xf32, #tpu.memory_space<hbm>>
      tpu.wait_dma2 semaphore(%run_scoped3A : memref<!tpu.dma_semaphore, #tpu.memory_space<semaphore_mem>>) src(%arg4 : memref<256x128xf32, #tpu.memory_space<vmem>>) dst(%dma_wait3A_65 : memref<256x128xf32, #tpu.memory_space<hbm>>)
      tpu.yield
    }) : () -> ()
    return
  }
}

#map = affine_map<(d0, d1) -> (0, 0)>
#map1 = affine_map<(d0, d1) -> (0)>
module attributes {stable_mosaic.version = 14 : i64} {
  func.func @_sc_hist2(%arg0: i32, %arg1: i32, %arg2: memref<16384x128xf32, #tpu.memory_space<hbm>>, %arg3: memref<16xi32, #tpu.memory_space<hbm>>, %arg4: memref<16384x128xf32, #tpu.memory_space<hbm>>, %arg5: memref<32x128xf32, #tpu.memory_space<hbm>>, %arg6: memref<512x128xf32, #tpu.memory_space<vmem>>, %arg7: memref<128x128xf32, #tpu.memory_space<vmem>>, %arg8: memref<128x128xf32, #tpu.memory_space<vmem>>, %arg9: memref<128xf32, #tpu.memory_space<vmem>>, %arg10: memref<16xi32, #tpu.memory_space<vmem>>, %arg11: memref<!tpu.dma_semaphore, #tpu.memory_space<semaphore_mem>>, %arg12: memref<!tpu.dma_semaphore, #tpu.memory_space<semaphore_mem>>) attributes {dimension_semantics = [#tpu.dimension_semantics<core_parallel>, #tpu.dimension_semantics<subcore_parallel>], iteration_bounds = array<i64: 2, 16>, scalar_prefetch = 0 : i64, scratch_operands = 7 : i64, tpu.core_type = #tpu.core_type<sc_vector_subcore>, window_params = [{transform_indices = #map}, {transform_indices = #map1}, {transform_indices = #map}, {transform_indices = #map}]} {
    %mul3A = arith.constant 2 : i32
    %mul3A_0 = arith.muli %arg1, %mul3A : i32
    %add3A = arith.addi %mul3A_0, %arg0 : i32
    "tpu.region"() ({
      %run_scoped3A = tpu.sem_alloc : memref<!tpu.dma_semaphore, #tpu.memory_space<semaphore_mem>>
      tpu.enqueue_dma source(%arg3 : memref<16xi32, #tpu.memory_space<hbm>>) target(%arg10 : memref<16xi32, #tpu.memory_space<vmem>>) target_semaphore(%run_scoped3A : memref<!tpu.dma_semaphore, #tpu.memory_space<semaphore_mem>>)
      tpu.wait_dma2 semaphore(%run_scoped3A : memref<!tpu.dma_semaphore, #tpu.memory_space<semaphore_mem>>) src(%arg3 : memref<16xi32, #tpu.memory_space<hbm>>) dst(%arg10 : memref<16xi32, #tpu.memory_space<vmem>>)
      tpu.yield
    }) : () -> ()
    %get3A = arith.constant 0 : index
    %get3A_1 = tpu.vector_load %arg10[%get3A] {strides = array<i32>} : memref<16xi32, #tpu.memory_space<vmem>>, vector<16xi32>,
    %slice3A = vector.extract_strided_slice %get3A_1 {offsets = [2], sizes = [1], strides = [1]} : vector<16xi32> to vector<1xi32>
    %squeeze3A = vector.extract %slice3A[0] : i32 from vector<1xi32>
    %broadcast_in_dim3A = arith.constant 1.000000e+00 : f32
    %broadcast_in_dim3A_2 = vector.broadcast %broadcast_in_dim3A : f32 to vector<16xf32>
    %broadcast_in_dim3A_3 = arith.constant 0.000000e+00 : f32
    %broadcast_in_dim3A_4 = vector.broadcast %broadcast_in_dim3A_3 : f32 to vector<16xf32>
    %broadcast_in_dim3A_5 = arith.constant 0.000000e+00 : f32
    %broadcast_in_dim3A_6 = vector.broadcast %broadcast_in_dim3A_5 : f32 to vector<16xf32>
    %parallel_loop3A = arith.constant 0 : i32
    %parallel_loop3A_7 = arith.constant 512 : i32
    %parallel_loop3A_8 = arith.constant 1 : i32
    scf.for %parallel_loop3A_86 = %parallel_loop3A to %parallel_loop3A_7 step %parallel_loop3A_8  : i32 {
      %parallel_loop3A_87 = arith.index_cast %parallel_loop3A_86 : i32 to index
      %parallel_loop3A_88 = arith.constant 0 : index
      %parallel_loop3A_89 = tpu.vector_load %arg6[%parallel_loop3A_87, %parallel_loop3A_88] {strides = array<i32>} : memref<512x128xf32, #tpu.memory_space<vmem>>, vector<16xf32>,
      tpu.vector_store %arg6[%parallel_loop3A_87, %parallel_loop3A_88], %broadcast_in_dim3A_6 {strides = array<i32>} : memref<512x128xf32, #tpu.memory_space<vmem>>, vector<16xf32>,
      %parallel_loop3A_90 = arith.index_cast %parallel_loop3A_86 : i32 to index
      %parallel_loop3A_91 = arith.constant 16 : index
      %parallel_loop3A_92 = tpu.vector_load %arg6[%parallel_loop3A_90, %parallel_loop3A_91] {strides = array<i32>} : memref<512x128xf32, #tpu.memory_space<vmem>>, vector<16xf32>,
      tpu.vector_store %arg6[%parallel_loop3A_90, %parallel_loop3A_91], %broadcast_in_dim3A_6 {strides = array<i32>} : memref<512x128xf32, #tpu.memory_space<vmem>>, vector<16xf32>,
      %parallel_loop3A_93 = arith.index_cast %parallel_loop3A_86 : i32 to index
      %parallel_loop3A_94 = arith.constant 32 : index
      %parallel_loop3A_95 = tpu.vector_load %arg6[%parallel_loop3A_93, %parallel_loop3A_94] {strides = array<i32>} : memref<512x128xf32, #tpu.memory_space<vmem>>, vector<16xf32>,
      tpu.vector_store %arg6[%parallel_loop3A_93, %parallel_loop3A_94], %broadcast_in_dim3A_6 {strides = array<i32>} : memref<512x128xf32, #tpu.memory_space<vmem>>, vector<16xf32>,
      %parallel_loop3A_96 = arith.index_cast %parallel_loop3A_86 : i32 to index
      %parallel_loop3A_97 = arith.constant 48 : index
      %parallel_loop3A_98 = tpu.vector_load %arg6[%parallel_loop3A_96, %parallel_loop3A_97] {strides = array<i32>} : memref<512x128xf32, #tpu.memory_space<vmem>>, vector<16xf32>,
      tpu.vector_store %arg6[%parallel_loop3A_96, %parallel_loop3A_97], %broadcast_in_dim3A_6 {strides = array<i32>} : memref<512x128xf32, #tpu.memory_space<vmem>>, vector<16xf32>,
      %parallel_loop3A_99 = arith.index_cast %parallel_loop3A_86 : i32 to index
      %parallel_loop3A_100 = arith.constant 64 : index
      %parallel_loop3A_101 = tpu.vector_load %arg6[%parallel_loop3A_99, %parallel_loop3A_100] {strides = array<i32>} : memref<512x128xf32, #tpu.memory_space<vmem>>, vector<16xf32>,
      tpu.vector_store %arg6[%parallel_loop3A_99, %parallel_loop3A_100], %broadcast_in_dim3A_6 {strides = array<i32>} : memref<512x128xf32, #tpu.memory_space<vmem>>, vector<16xf32>,
      %parallel_loop3A_102 = arith.index_cast %parallel_loop3A_86 : i32 to index
      %parallel_loop3A_103 = arith.constant 80 : index
      %parallel_loop3A_104 = tpu.vector_load %arg6[%parallel_loop3A_102, %parallel_loop3A_103] {strides = array<i32>} : memref<512x128xf32, #tpu.memory_space<vmem>>, vector<16xf32>,
      tpu.vector_store %arg6[%parallel_loop3A_102, %parallel_loop3A_103], %broadcast_in_dim3A_6 {strides = array<i32>} : memref<512x128xf32, #tpu.memory_space<vmem>>, vector<16xf32>,
      %parallel_loop3A_105 = arith.index_cast %parallel_loop3A_86 : i32 to index
      %parallel_loop3A_106 = arith.constant 96 : index
      %parallel_loop3A_107 = tpu.vector_load %arg6[%parallel_loop3A_105, %parallel_loop3A_106] {strides = array<i32>} : memref<512x128xf32, #tpu.memory_space<vmem>>, vector<16xf32>,
      tpu.vector_store %arg6[%parallel_loop3A_105, %parallel_loop3A_106], %broadcast_in_dim3A_6 {strides = array<i32>} : memref<512x128xf32, #tpu.memory_space<vmem>>, vector<16xf32>,
      %parallel_loop3A_108 = arith.index_cast %parallel_loop3A_86 : i32 to index
      %parallel_loop3A_109 = arith.constant 112 : index
      %parallel_loop3A_110 = tpu.vector_load %arg6[%parallel_loop3A_108, %parallel_loop3A_109] {strides = array<i32>} : memref<512x128xf32, #tpu.memory_space<vmem>>, vector<16xf32>,
      tpu.vector_store %arg6[%parallel_loop3A_108, %parallel_loop3A_109], %broadcast_in_dim3A_6 {strides = array<i32>} : memref<512x128xf32, #tpu.memory_space<vmem>>, vector<16xf32>,
    } {sc.loop_unroll_factor = 4 : i64, sc.parallel_access}
    %mul3A_9 = arith.constant 512 : i32
    %mul3A_10 = arith.muli %add3A, %mul3A_9 : i32
    %dma_start3A = arith.constant 0 : i32
    %dma_start3A_11 = tpu.memref_slice %arg2[%mul3A_10, %dma_start3A] : memref<16384x128xf32, #tpu.memory_space<hbm>> -> memref<128x128xf32, #tpu.memory_space<hbm>>
    %dma_start3A_12 = arith.constant 0 : i32
    %dma_start3A_13 = tpu.memref_slice %arg2[%mul3A_10, %dma_start3A_12] : memref<16384x128xf32, #tpu.memory_space<hbm>> -> memref<128x128xf32, #tpu.memory_space<hbm>>
    tpu.enqueue_dma source(%dma_start3A_13 : memref<128x128xf32, #tpu.memory_space<hbm>>) target(%arg7 : memref<128x128xf32, #tpu.memory_space<vmem>>) target_semaphore(%arg11 : memref<!tpu.dma_semaphore, #tpu.memory_space<semaphore_mem>>)
    %add3A_14 = arith.constant 128 : i32
    %add3A_15 = arith.addi %mul3A_10, %add3A_14 : i32
    %dma_start3A_16 = arith.constant 0 : i32
    %dma_start3A_17 = tpu.memref_slice %arg2[%add3A_15, %dma_start3A_16] : memref<16384x128xf32, #tpu.memory_space<hbm>> -> memref<128x128xf32, #tpu.memory_space<hbm>>
    %dma_start3A_18 = arith.constant 0 : i32
    %dma_start3A_19 = tpu.memref_slice %arg2[%add3A_15, %dma_start3A_18] : memref<16384x128xf32, #tpu.memory_space<hbm>> -> memref<128x128xf32, #tpu.memory_space<hbm>>
    tpu.enqueue_dma source(%dma_start3A_19 : memref<128x128xf32, #tpu.memory_space<hbm>>) target(%arg8 : memref<128x128xf32, #tpu.memory_space<vmem>>) target_semaphore(%arg12 : memref<!tpu.dma_semaphore, #tpu.memory_space<semaphore_mem>>)
    %dma_wait3A = arith.constant 0 : i32
    %dma_wait3A_20 = tpu.memref_slice %arg2[%mul3A_10, %dma_wait3A] : memref<16384x128xf32, #tpu.memory_space<hbm>> -> memref<128x128xf32, #tpu.memory_space<hbm>>
    %dma_wait3A_21 = arith.constant 0 : i32
    %dma_wait3A_22 = tpu.memref_slice %arg2[%mul3A_10, %dma_wait3A_21] : memref<16384x128xf32, #tpu.memory_space<hbm>> -> memref<128x128xf32, #tpu.memory_space<hbm>>
    tpu.wait_dma2 semaphore(%arg11 : memref<!tpu.dma_semaphore, #tpu.memory_space<semaphore_mem>>) src(%dma_wait3A_22 : memref<128x128xf32, #tpu.memory_space<hbm>>) dst(%arg7 : memref<128x128xf32, #tpu.memory_space<vmem>>)
    %parallel_loop3A_23 = arith.constant 0 : i32
    %parallel_loop3A_24 = arith.constant 128 : i32
    %parallel_loop3A_25 = arith.constant 1 : i32
    %parallel_loop3A_26:8 = scf.for %parallel_loop3A_86 = %parallel_loop3A_23 to %parallel_loop3A_24 step %parallel_loop3A_25 iter_args(%parallel_loop3A_87 = %broadcast_in_dim3A_4, %parallel_loop3A_88 = %broadcast_in_dim3A_4, %parallel_loop3A_89 = %broadcast_in_dim3A_4, %parallel_loop3A_90 = %broadcast_in_dim3A_4, %parallel_loop3A_91 = %broadcast_in_dim3A_4, %parallel_loop3A_92 = %broadcast_in_dim3A_4, %parallel_loop3A_93 = %broadcast_in_dim3A_4, %parallel_loop3A_94 = %broadcast_in_dim3A_4) -> (vector<16xf32>, vector<16xf32>, vector<16xf32>, vector<16xf32>, vector<16xf32>, vector<16xf32>, vector<16xf32>, vector<16xf32>)  : i32 {
      %parallel_loop3A_95 = arith.index_cast %parallel_loop3A_86 : i32 to index
      %parallel_loop3A_96 = arith.constant 0 : index
      %parallel_loop3A_97 = tpu.vector_load %arg7[%parallel_loop3A_95, %parallel_loop3A_96] {strides = array<i32>} : memref<128x128xf32, #tpu.memory_space<vmem>>, vector<16xf32>,
      %parallel_loop3A_98 = vector.bitcast %parallel_loop3A_97 : vector<16xf32> to vector<16xi32>
      %parallel_loop3A_99 = arith.constant 16 : i32
      %parallel_loop3A_100 = vector.broadcast %parallel_loop3A_99 : i32 to vector<16xi32>
      %parallel_loop3A_101 = arith.shrsi %parallel_loop3A_98, %parallel_loop3A_100 : vector<16xi32>
      %parallel_loop3A_102 = vector.broadcast %squeeze3A : i32 to vector<16xi32>
      %parallel_loop3A_103 = arith.cmpi eq, %parallel_loop3A_101, %parallel_loop3A_102 : vector<16xi32>
      %parallel_loop3A_104 = vector.broadcast %squeeze3A : i32 to vector<16xi32>
      %parallel_loop3A_105 = arith.cmpi sgt, %parallel_loop3A_101, %parallel_loop3A_104 : vector<16xi32>
      %parallel_loop3A_106 = arith.constant 7 : i32
      %parallel_loop3A_107 = vector.broadcast %parallel_loop3A_106 : i32 to vector<16xi32>
      %parallel_loop3A_108 = arith.shrsi %parallel_loop3A_98, %parallel_loop3A_107 : vector<16xi32>
      %parallel_loop3A_109 = arith.constant 511 : i32
      %parallel_loop3A_110 = vector.broadcast %parallel_loop3A_109 : i32 to vector<16xi32>
      %parallel_loop3A_111 = arith.andi %parallel_loop3A_108, %parallel_loop3A_110 : vector<16xi32>
      %parallel_loop3A_112 = arith.constant 0 : i32
      %parallel_loop3A_113 = vector.broadcast %parallel_loop3A_112 : i32 to vector<16xi32>
      %parallel_loop3A_114 = arith.select %parallel_loop3A_103, %parallel_loop3A_111, %parallel_loop3A_113 : vector<16xi1>, vector<16xi32>
      %parallel_loop3A_115 = arith.constant 127 : i32
      %parallel_loop3A_116 = vector.broadcast %parallel_loop3A_115 : i32 to vector<16xi32>
      %parallel_loop3A_117 = arith.andi %parallel_loop3A_98, %parallel_loop3A_116 : vector<16xi32>
      tpu.vector_store_idx %arg6[%parallel_loop3A_114, %parallel_loop3A_117], %broadcast_in_dim3A_2 masked %parallel_loop3A_103 {add = true} : memref<512x128xf32, #tpu.memory_space<vmem>>[vector<16xi32>, vector<16xi32>], vector<16xf32>, vector<16xi1>
      %parallel_loop3A_118 = arith.constant 0.000000e+00 : f32
      %parallel_loop3A_119 = vector.broadcast %parallel_loop3A_118 : f32 to vector<16xf32>
      %parallel_loop3A_120 = arith.select %parallel_loop3A_105, %parallel_loop3A_97, %parallel_loop3A_119 : vector<16xi1>, vector<16xf32>
      %parallel_loop3A_121 = arith.addf %parallel_loop3A_87, %parallel_loop3A_120 : vector<16xf32>
      %parallel_loop3A_122 = arith.mulf %parallel_loop3A_120, %parallel_loop3A_120 : vector<16xf32>
      %parallel_loop3A_123 = arith.addf %parallel_loop3A_88, %parallel_loop3A_122 : vector<16xf32>
      %parallel_loop3A_124 = arith.index_cast %parallel_loop3A_86 : i32 to index
      %parallel_loop3A_125 = arith.constant 16 : index
      %parallel_loop3A_126 = tpu.vector_load %arg7[%parallel_loop3A_124, %parallel_loop3A_125] {strides = array<i32>} : memref<128x128xf32, #tpu.memory_space<vmem>>, vector<16xf32>,
      %parallel_loop3A_127 = vector.bitcast %parallel_loop3A_126 : vector<16xf32> to vector<16xi32>
      %parallel_loop3A_128 = arith.constant 16 : i32
      %parallel_loop3A_129 = vector.broadcast %parallel_loop3A_128 : i32 to vector<16xi32>
      %parallel_loop3A_130 = arith.shrsi %parallel_loop3A_127, %parallel_loop3A_129 : vector<16xi32>
      %parallel_loop3A_131 = vector.broadcast %squeeze3A : i32 to vector<16xi32>
      %parallel_loop3A_132 = arith.cmpi eq, %parallel_loop3A_130, %parallel_loop3A_131 : vector<16xi32>
      %parallel_loop3A_133 = vector.broadcast %squeeze3A : i32 to vector<16xi32>
      %parallel_loop3A_134 = arith.cmpi sgt, %parallel_loop3A_130, %parallel_loop3A_133 : vector<16xi32>
      %parallel_loop3A_135 = arith.constant 7 : i32
      %parallel_loop3A_136 = vector.broadcast %parallel_loop3A_135 : i32 to vector<16xi32>
      %parallel_loop3A_137 = arith.shrsi %parallel_loop3A_127, %parallel_loop3A_136 : vector<16xi32>
      %parallel_loop3A_138 = arith.constant 511 : i32
      %parallel_loop3A_139 = vector.broadcast %parallel_loop3A_138 : i32 to vector<16xi32>
      %parallel_loop3A_140 = arith.andi %parallel_loop3A_137, %parallel_loop3A_139 : vector<16xi32>
      %parallel_loop3A_141 = arith.constant 0 : i32
      %parallel_loop3A_142 = vector.broadcast %parallel_loop3A_141 : i32 to vector<16xi32>
      %parallel_loop3A_143 = arith.select %parallel_loop3A_132, %parallel_loop3A_140, %parallel_loop3A_142 : vector<16xi1>, vector<16xi32>
      %parallel_loop3A_144 = arith.constant 127 : i32
      %parallel_loop3A_145 = vector.broadcast %parallel_loop3A_144 : i32 to vector<16xi32>
      %parallel_loop3A_146 = arith.andi %parallel_loop3A_127, %parallel_loop3A_145 : vector<16xi32>
      tpu.vector_store_idx %arg6[%parallel_loop3A_143, %parallel_loop3A_146], %broadcast_in_dim3A_2 masked %parallel_loop3A_132 {add = true} : memref<512x128xf32, #tpu.memory_space<vmem>>[vector<16xi32>, vector<16xi32>], vector<16xf32>, vector<16xi1>
      %parallel_loop3A_147 = arith.constant 0.000000e+00 : f32
      %parallel_loop3A_148 = vector.broadcast %parallel_loop3A_147 : f32 to vector<16xf32>
      %parallel_loop3A_149 = arith.select %parallel_loop3A_134, %parallel_loop3A_126, %parallel_loop3A_148 : vector<16xi1>, vector<16xf32>
      %parallel_loop3A_150 = arith.addf %parallel_loop3A_89, %parallel_loop3A_149 : vector<16xf32>
      %parallel_loop3A_151 = arith.mulf %parallel_loop3A_149, %parallel_loop3A_149 : vector<16xf32>
      %parallel_loop3A_152 = arith.addf %parallel_loop3A_90, %parallel_loop3A_151 : vector<16xf32>
      %parallel_loop3A_153 = arith.index_cast %parallel_loop3A_86 : i32 to index
      %parallel_loop3A_154 = arith.constant 32 : index
      %parallel_loop3A_155 = tpu.vector_load %arg7[%parallel_loop3A_153, %parallel_loop3A_154] {strides = array<i32>} : memref<128x128xf32, #tpu.memory_space<vmem>>, vector<16xf32>,
      %parallel_loop3A_156 = vector.bitcast %parallel_loop3A_155 : vector<16xf32> to vector<16xi32>
      %parallel_loop3A_157 = arith.constant 16 : i32
      %parallel_loop3A_158 = vector.broadcast %parallel_loop3A_157 : i32 to vector<16xi32>
      %parallel_loop3A_159 = arith.shrsi %parallel_loop3A_156, %parallel_loop3A_158 : vector<16xi32>
      %parallel_loop3A_160 = vector.broadcast %squeeze3A : i32 to vector<16xi32>
      %parallel_loop3A_161 = arith.cmpi eq, %parallel_loop3A_159, %parallel_loop3A_160 : vector<16xi32>
      %parallel_loop3A_162 = vector.broadcast %squeeze3A : i32 to vector<16xi32>
      %parallel_loop3A_163 = arith.cmpi sgt, %parallel_loop3A_159, %parallel_loop3A_162 : vector<16xi32>
      %parallel_loop3A_164 = arith.constant 7 : i32
      %parallel_loop3A_165 = vector.broadcast %parallel_loop3A_164 : i32 to vector<16xi32>
      %parallel_loop3A_166 = arith.shrsi %parallel_loop3A_156, %parallel_loop3A_165 : vector<16xi32>
      %parallel_loop3A_167 = arith.constant 511 : i32
      %parallel_loop3A_168 = vector.broadcast %parallel_loop3A_167 : i32 to vector<16xi32>
      %parallel_loop3A_169 = arith.andi %parallel_loop3A_166, %parallel_loop3A_168 : vector<16xi32>
      %parallel_loop3A_170 = arith.constant 0 : i32
      %parallel_loop3A_171 = vector.broadcast %parallel_loop3A_170 : i32 to vector<16xi32>
      %parallel_loop3A_172 = arith.select %parallel_loop3A_161, %parallel_loop3A_169, %parallel_loop3A_171 : vector<16xi1>, vector<16xi32>
      %parallel_loop3A_173 = arith.constant 127 : i32
      %parallel_loop3A_174 = vector.broadcast %parallel_loop3A_173 : i32 to vector<16xi32>
      %parallel_loop3A_175 = arith.andi %parallel_loop3A_156, %parallel_loop3A_174 : vector<16xi32>
      tpu.vector_store_idx %arg6[%parallel_loop3A_172, %parallel_loop3A_175], %broadcast_in_dim3A_2 masked %parallel_loop3A_161 {add = true} : memref<512x128xf32, #tpu.memory_space<vmem>>[vector<16xi32>, vector<16xi32>], vector<16xf32>, vector<16xi1>
      %parallel_loop3A_176 = arith.constant 0.000000e+00 : f32
      %parallel_loop3A_177 = vector.broadcast %parallel_loop3A_176 : f32 to vector<16xf32>
      %parallel_loop3A_178 = arith.select %parallel_loop3A_163, %parallel_loop3A_155, %parallel_loop3A_177 : vector<16xi1>, vector<16xf32>
      %parallel_loop3A_179 = arith.addf %parallel_loop3A_91, %parallel_loop3A_178 : vector<16xf32>
      %parallel_loop3A_180 = arith.mulf %parallel_loop3A_178, %parallel_loop3A_178 : vector<16xf32>
      %parallel_loop3A_181 = arith.addf %parallel_loop3A_92, %parallel_loop3A_180 : vector<16xf32>
      %parallel_loop3A_182 = arith.index_cast %parallel_loop3A_86 : i32 to index
      %parallel_loop3A_183 = arith.constant 48 : index
      %parallel_loop3A_184 = tpu.vector_load %arg7[%parallel_loop3A_182, %parallel_loop3A_183] {strides = array<i32>} : memref<128x128xf32, #tpu.memory_space<vmem>>, vector<16xf32>,
      %parallel_loop3A_185 = vector.bitcast %parallel_loop3A_184 : vector<16xf32> to vector<16xi32>
      %parallel_loop3A_186 = arith.constant 16 : i32
      %parallel_loop3A_187 = vector.broadcast %parallel_loop3A_186 : i32 to vector<16xi32>
      %parallel_loop3A_188 = arith.shrsi %parallel_loop3A_185, %parallel_loop3A_187 : vector<16xi32>
      %parallel_loop3A_189 = vector.broadcast %squeeze3A : i32 to vector<16xi32>
      %parallel_loop3A_190 = arith.cmpi eq, %parallel_loop3A_188, %parallel_loop3A_189 : vector<16xi32>
      %parallel_loop3A_191 = vector.broadcast %squeeze3A : i32 to vector<16xi32>
      %parallel_loop3A_192 = arith.cmpi sgt, %parallel_loop3A_188, %parallel_loop3A_191 : vector<16xi32>
      %parallel_loop3A_193 = arith.constant 7 : i32
      %parallel_loop3A_194 = vector.broadcast %parallel_loop3A_193 : i32 to vector<16xi32>
      %parallel_loop3A_195 = arith.shrsi %parallel_loop3A_185, %parallel_loop3A_194 : vector<16xi32>
      %parallel_loop3A_196 = arith.constant 511 : i32
      %parallel_loop3A_197 = vector.broadcast %parallel_loop3A_196 : i32 to vector<16xi32>
      %parallel_loop3A_198 = arith.andi %parallel_loop3A_195, %parallel_loop3A_197 : vector<16xi32>
      %parallel_loop3A_199 = arith.constant 0 : i32
      %parallel_loop3A_200 = vector.broadcast %parallel_loop3A_199 : i32 to vector<16xi32>
      %parallel_loop3A_201 = arith.select %parallel_loop3A_190, %parallel_loop3A_198, %parallel_loop3A_200 : vector<16xi1>, vector<16xi32>
      %parallel_loop3A_202 = arith.constant 127 : i32
      %parallel_loop3A_203 = vector.broadcast %parallel_loop3A_202 : i32 to vector<16xi32>
      %parallel_loop3A_204 = arith.andi %parallel_loop3A_185, %parallel_loop3A_203 : vector<16xi32>
      tpu.vector_store_idx %arg6[%parallel_loop3A_201, %parallel_loop3A_204], %broadcast_in_dim3A_2 masked %parallel_loop3A_190 {add = true} : memref<512x128xf32, #tpu.memory_space<vmem>>[vector<16xi32>, vector<16xi32>], vector<16xf32>, vector<16xi1>
      %parallel_loop3A_205 = arith.constant 0.000000e+00 : f32
      %parallel_loop3A_206 = vector.broadcast %parallel_loop3A_205 : f32 to vector<16xf32>
      %parallel_loop3A_207 = arith.select %parallel_loop3A_192, %parallel_loop3A_184, %parallel_loop3A_206 : vector<16xi1>, vector<16xf32>
      %parallel_loop3A_208 = arith.addf %parallel_loop3A_93, %parallel_loop3A_207 : vector<16xf32>
      %parallel_loop3A_209 = arith.mulf %parallel_loop3A_207, %parallel_loop3A_207 : vector<16xf32>
      %parallel_loop3A_210 = arith.addf %parallel_loop3A_94, %parallel_loop3A_209 : vector<16xf32>
      %parallel_loop3A_211 = arith.index_cast %parallel_loop3A_86 : i32 to index
      %parallel_loop3A_212 = arith.constant 64 : index
      %parallel_loop3A_213 = tpu.vector_load %arg7[%parallel_loop3A_211, %parallel_loop3A_212] {strides = array<i32>} : memref<128x128xf32, #tpu.memory_space<vmem>>, vector<16xf32>,
      %parallel_loop3A_214 = vector.bitcast %parallel_loop3A_213 : vector<16xf32> to vector<16xi32>
      %parallel_loop3A_215 = arith.constant 16 : i32
      %parallel_loop3A_216 = vector.broadcast %parallel_loop3A_215 : i32 to vector<16xi32>
      %parallel_loop3A_217 = arith.shrsi %parallel_loop3A_214, %parallel_loop3A_216 : vector<16xi32>
      %parallel_loop3A_218 = vector.broadcast %squeeze3A : i32 to vector<16xi32>
      %parallel_loop3A_219 = arith.cmpi eq, %parallel_loop3A_217, %parallel_loop3A_218 : vector<16xi32>
      %parallel_loop3A_220 = vector.broadcast %squeeze3A : i32 to vector<16xi32>
      %parallel_loop3A_221 = arith.cmpi sgt, %parallel_loop3A_217, %parallel_loop3A_220 : vector<16xi32>
      %parallel_loop3A_222 = arith.constant 7 : i32
      %parallel_loop3A_223 = vector.broadcast %parallel_loop3A_222 : i32 to vector<16xi32>
      %parallel_loop3A_224 = arith.shrsi %parallel_loop3A_214, %parallel_loop3A_223 : vector<16xi32>
      %parallel_loop3A_225 = arith.constant 511 : i32
      %parallel_loop3A_226 = vector.broadcast %parallel_loop3A_225 : i32 to vector<16xi32>
      %parallel_loop3A_227 = arith.andi %parallel_loop3A_224, %parallel_loop3A_226 : vector<16xi32>
      %parallel_loop3A_228 = arith.constant 0 : i32
      %parallel_loop3A_229 = vector.broadcast %parallel_loop3A_228 : i32 to vector<16xi32>
      %parallel_loop3A_230 = arith.select %parallel_loop3A_219, %parallel_loop3A_227, %parallel_loop3A_229 : vector<16xi1>, vector<16xi32>
      %parallel_loop3A_231 = arith.constant 127 : i32
      %parallel_loop3A_232 = vector.broadcast %parallel_loop3A_231 : i32 to vector<16xi32>
      %parallel_loop3A_233 = arith.andi %parallel_loop3A_214, %parallel_loop3A_232 : vector<16xi32>
      tpu.vector_store_idx %arg6[%parallel_loop3A_230, %parallel_loop3A_233], %broadcast_in_dim3A_2 masked %parallel_loop3A_219 {add = true} : memref<512x128xf32, #tpu.memory_space<vmem>>[vector<16xi32>, vector<16xi32>], vector<16xf32>, vector<16xi1>
      %parallel_loop3A_234 = arith.constant 0.000000e+00 : f32
      %parallel_loop3A_235 = vector.broadcast %parallel_loop3A_234 : f32 to vector<16xf32>
      %parallel_loop3A_236 = arith.select %parallel_loop3A_221, %parallel_loop3A_213, %parallel_loop3A_235 : vector<16xi1>, vector<16xf32>
      %parallel_loop3A_237 = arith.addf %parallel_loop3A_121, %parallel_loop3A_236 : vector<16xf32>
      %parallel_loop3A_238 = arith.mulf %parallel_loop3A_236, %parallel_loop3A_236 : vector<16xf32>
      %parallel_loop3A_239 = arith.addf %parallel_loop3A_123, %parallel_loop3A_238 : vector<16xf32>
      %parallel_loop3A_240 = arith.index_cast %parallel_loop3A_86 : i32 to index
      %parallel_loop3A_241 = arith.constant 80 : index
      %parallel_loop3A_242 = tpu.vector_load %arg7[%parallel_loop3A_240, %parallel_loop3A_241] {strides = array<i32>} : memref<128x128xf32, #tpu.memory_space<vmem>>, vector<16xf32>,
      %parallel_loop3A_243 = vector.bitcast %parallel_loop3A_242 : vector<16xf32> to vector<16xi32>
      %parallel_loop3A_244 = arith.constant 16 : i32
      %parallel_loop3A_245 = vector.broadcast %parallel_loop3A_244 : i32 to vector<16xi32>
      %parallel_loop3A_246 = arith.shrsi %parallel_loop3A_243, %parallel_loop3A_245 : vector<16xi32>
      %parallel_loop3A_247 = vector.broadcast %squeeze3A : i32 to vector<16xi32>
      %parallel_loop3A_248 = arith.cmpi eq, %parallel_loop3A_246, %parallel_loop3A_247 : vector<16xi32>
      %parallel_loop3A_249 = vector.broadcast %squeeze3A : i32 to vector<16xi32>
      %parallel_loop3A_250 = arith.cmpi sgt, %parallel_loop3A_246, %parallel_loop3A_249 : vector<16xi32>
      %parallel_loop3A_251 = arith.constant 7 : i32
      %parallel_loop3A_252 = vector.broadcast %parallel_loop3A_251 : i32 to vector<16xi32>
      %parallel_loop3A_253 = arith.shrsi %parallel_loop3A_243, %parallel_loop3A_252 : vector<16xi32>
      %parallel_loop3A_254 = arith.constant 511 : i32
      %parallel_loop3A_255 = vector.broadcast %parallel_loop3A_254 : i32 to vector<16xi32>
      %parallel_loop3A_256 = arith.andi %parallel_loop3A_253, %parallel_loop3A_255 : vector<16xi32>
      %parallel_loop3A_257 = arith.constant 0 : i32
      %parallel_loop3A_258 = vector.broadcast %parallel_loop3A_257 : i32 to vector<16xi32>
      %parallel_loop3A_259 = arith.select %parallel_loop3A_248, %parallel_loop3A_256, %parallel_loop3A_258 : vector<16xi1>, vector<16xi32>
      %parallel_loop3A_260 = arith.constant 127 : i32
      %parallel_loop3A_261 = vector.broadcast %parallel_loop3A_260 : i32 to vector<16xi32>
      %parallel_loop3A_262 = arith.andi %parallel_loop3A_243, %parallel_loop3A_261 : vector<16xi32>
      tpu.vector_store_idx %arg6[%parallel_loop3A_259, %parallel_loop3A_262], %broadcast_in_dim3A_2 masked %parallel_loop3A_248 {add = true} : memref<512x128xf32, #tpu.memory_space<vmem>>[vector<16xi32>, vector<16xi32>], vector<16xf32>, vector<16xi1>
      %parallel_loop3A_263 = arith.constant 0.000000e+00 : f32
      %parallel_loop3A_264 = vector.broadcast %parallel_loop3A_263 : f32 to vector<16xf32>
      %parallel_loop3A_265 = arith.select %parallel_loop3A_250, %parallel_loop3A_242, %parallel_loop3A_264 : vector<16xi1>, vector<16xf32>
      %parallel_loop3A_266 = arith.addf %parallel_loop3A_150, %parallel_loop3A_265 : vector<16xf32>
      %parallel_loop3A_267 = arith.mulf %parallel_loop3A_265, %parallel_loop3A_265 : vector<16xf32>
      %parallel_loop3A_268 = arith.addf %parallel_loop3A_152, %parallel_loop3A_267 : vector<16xf32>
      %parallel_loop3A_269 = arith.index_cast %parallel_loop3A_86 : i32 to index
      %parallel_loop3A_270 = arith.constant 96 : index
      %parallel_loop3A_271 = tpu.vector_load %arg7[%parallel_loop3A_269, %parallel_loop3A_270] {strides = array<i32>} : memref<128x128xf32, #tpu.memory_space<vmem>>, vector<16xf32>,
      %parallel_loop3A_272 = vector.bitcast %parallel_loop3A_271 : vector<16xf32> to vector<16xi32>
      %parallel_loop3A_273 = arith.constant 16 : i32
      %parallel_loop3A_274 = vector.broadcast %parallel_loop3A_273 : i32 to vector<16xi32>
      %parallel_loop3A_275 = arith.shrsi %parallel_loop3A_272, %parallel_loop3A_274 : vector<16xi32>
      %parallel_loop3A_276 = vector.broadcast %squeeze3A : i32 to vector<16xi32>
      %parallel_loop3A_277 = arith.cmpi eq, %parallel_loop3A_275, %parallel_loop3A_276 : vector<16xi32>
      %parallel_loop3A_278 = vector.broadcast %squeeze3A : i32 to vector<16xi32>
      %parallel_loop3A_279 = arith.cmpi sgt, %parallel_loop3A_275, %parallel_loop3A_278 : vector<16xi32>
      %parallel_loop3A_280 = arith.constant 7 : i32
      %parallel_loop3A_281 = vector.broadcast %parallel_loop3A_280 : i32 to vector<16xi32>
      %parallel_loop3A_282 = arith.shrsi %parallel_loop3A_272, %parallel_loop3A_281 : vector<16xi32>
      %parallel_loop3A_283 = arith.constant 511 : i32
      %parallel_loop3A_284 = vector.broadcast %parallel_loop3A_283 : i32 to vector<16xi32>
      %parallel_loop3A_285 = arith.andi %parallel_loop3A_282, %parallel_loop3A_284 : vector<16xi32>
      %parallel_loop3A_286 = arith.constant 0 : i32
      %parallel_loop3A_287 = vector.broadcast %parallel_loop3A_286 : i32 to vector<16xi32>
      %parallel_loop3A_288 = arith.select %parallel_loop3A_277, %parallel_loop3A_285, %parallel_loop3A_287 : vector<16xi1>, vector<16xi32>
      %parallel_loop3A_289 = arith.constant 127 : i32
      %parallel_loop3A_290 = vector.broadcast %parallel_loop3A_289 : i32 to vector<16xi32>
      %parallel_loop3A_291 = arith.andi %parallel_loop3A_272, %parallel_loop3A_290 : vector<16xi32>
      tpu.vector_store_idx %arg6[%parallel_loop3A_288, %parallel_loop3A_291], %broadcast_in_dim3A_2 masked %parallel_loop3A_277 {add = true} : memref<512x128xf32, #tpu.memory_space<vmem>>[vector<16xi32>, vector<16xi32>], vector<16xf32>, vector<16xi1>
      %parallel_loop3A_292 = arith.constant 0.000000e+00 : f32
      %parallel_loop3A_293 = vector.broadcast %parallel_loop3A_292 : f32 to vector<16xf32>
      %parallel_loop3A_294 = arith.select %parallel_loop3A_279, %parallel_loop3A_271, %parallel_loop3A_293 : vector<16xi1>, vector<16xf32>
      %parallel_loop3A_295 = arith.addf %parallel_loop3A_179, %parallel_loop3A_294 : vector<16xf32>
      %parallel_loop3A_296 = arith.mulf %parallel_loop3A_294, %parallel_loop3A_294 : vector<16xf32>
      %parallel_loop3A_297 = arith.addf %parallel_loop3A_181, %parallel_loop3A_296 : vector<16xf32>
      %parallel_loop3A_298 = arith.index_cast %parallel_loop3A_86 : i32 to index
      %parallel_loop3A_299 = arith.constant 112 : index
      %parallel_loop3A_300 = tpu.vector_load %arg7[%parallel_loop3A_298, %parallel_loop3A_299] {strides = array<i32>} : memref<128x128xf32, #tpu.memory_space<vmem>>, vector<16xf32>,
      %parallel_loop3A_301 = vector.bitcast %parallel_loop3A_300 : vector<16xf32> to vector<16xi32>
      %parallel_loop3A_302 = arith.constant 16 : i32
      %parallel_loop3A_303 = vector.broadcast %parallel_loop3A_302 : i32 to vector<16xi32>
      %parallel_loop3A_304 = arith.shrsi %parallel_loop3A_301, %parallel_loop3A_303 : vector<16xi32>
      %parallel_loop3A_305 = vector.broadcast %squeeze3A : i32 to vector<16xi32>
      %parallel_loop3A_306 = arith.cmpi eq, %parallel_loop3A_304, %parallel_loop3A_305 : vector<16xi32>
      %parallel_loop3A_307 = vector.broadcast %squeeze3A : i32 to vector<16xi32>
      %parallel_loop3A_308 = arith.cmpi sgt, %parallel_loop3A_304, %parallel_loop3A_307 : vector<16xi32>
      %parallel_loop3A_309 = arith.constant 7 : i32
      %parallel_loop3A_310 = vector.broadcast %parallel_loop3A_309 : i32 to vector<16xi32>
      %parallel_loop3A_311 = arith.shrsi %parallel_loop3A_301, %parallel_loop3A_310 : vector<16xi32>
      %parallel_loop3A_312 = arith.constant 511 : i32
      %parallel_loop3A_313 = vector.broadcast %parallel_loop3A_312 : i32 to vector<16xi32>
      %parallel_loop3A_314 = arith.andi %parallel_loop3A_311, %parallel_loop3A_313 : vector<16xi32>
      %parallel_loop3A_315 = arith.constant 0 : i32
      %parallel_loop3A_316 = vector.broadcast %parallel_loop3A_315 : i32 to vector<16xi32>
      %parallel_loop3A_317 = arith.select %parallel_loop3A_306, %parallel_loop3A_314, %parallel_loop3A_316 : vector<16xi1>, vector<16xi32>
      %parallel_loop3A_318 = arith.constant 127 : i32
      %parallel_loop3A_319 = vector.broadcast %parallel_loop3A_318 : i32 to vector<16xi32>
      %parallel_loop3A_320 = arith.andi %parallel_loop3A_301, %parallel_loop3A_319 : vector<16xi32>
      tpu.vector_store_idx %arg6[%parallel_loop3A_317, %parallel_loop3A_320], %broadcast_in_dim3A_2 masked %parallel_loop3A_306 {add = true} : memref<512x128xf32, #tpu.memory_space<vmem>>[vector<16xi32>, vector<16xi32>], vector<16xf32>, vector<16xi1>
      %parallel_loop3A_321 = arith.constant 0.000000e+00 : f32
      %parallel_loop3A_322 = vector.broadcast %parallel_loop3A_321 : f32 to vector<16xf32>
      %parallel_loop3A_323 = arith.select %parallel_loop3A_308, %parallel_loop3A_300, %parallel_loop3A_322 : vector<16xi1>, vector<16xf32>
      %parallel_loop3A_324 = arith.addf %parallel_loop3A_208, %parallel_loop3A_323 : vector<16xf32>
      %parallel_loop3A_325 = arith.mulf %parallel_loop3A_323, %parallel_loop3A_323 : vector<16xf32>
      %parallel_loop3A_326 = arith.addf %parallel_loop3A_210, %parallel_loop3A_325 : vector<16xf32>
      scf.yield %parallel_loop3A_237, %parallel_loop3A_239, %parallel_loop3A_266, %parallel_loop3A_268, %parallel_loop3A_295, %parallel_loop3A_297, %parallel_loop3A_324, %parallel_loop3A_326 : vector<16xf32>, vector<16xf32>, vector<16xf32>, vector<16xf32>, vector<16xf32>, vector<16xf32>, vector<16xf32>, vector<16xf32>
    } {sc.loop_unroll_factor = 2 : i64, sc.parallel_access}
    %add3A_27 = arith.constant 256 : i32
    %add3A_28 = arith.addi %mul3A_10, %add3A_27 : i32
    %dma_start3A_29 = arith.constant 0 : i32
    %dma_start3A_30 = tpu.memref_slice %arg2[%add3A_28, %dma_start3A_29] : memref<16384x128xf32, #tpu.memory_space<hbm>> -> memref<128x128xf32, #tpu.memory_space<hbm>>
    %dma_start3A_31 = arith.constant 0 : i32
    %dma_start3A_32 = tpu.memref_slice %arg2[%add3A_28, %dma_start3A_31] : memref<16384x128xf32, #tpu.memory_space<hbm>> -> memref<128x128xf32, #tpu.memory_space<hbm>>
    tpu.enqueue_dma source(%dma_start3A_32 : memref<128x128xf32, #tpu.memory_space<hbm>>) target(%arg7 : memref<128x128xf32, #tpu.memory_space<vmem>>) target_semaphore(%arg11 : memref<!tpu.dma_semaphore, #tpu.memory_space<semaphore_mem>>)
    %dma_wait3A_33 = arith.constant 0 : i32
    %dma_wait3A_34 = tpu.memref_slice %arg2[%add3A_15, %dma_wait3A_33] : memref<16384x128xf32, #tpu.memory_space<hbm>> -> memref<128x128xf32, #tpu.memory_space<hbm>>
    %dma_wait3A_35 = arith.constant 0 : i32
    %dma_wait3A_36 = tpu.memref_slice %arg2[%add3A_15, %dma_wait3A_35] : memref<16384x128xf32, #tpu.memory_space<hbm>> -> memref<128x128xf32, #tpu.memory_space<hbm>>
    tpu.wait_dma2 semaphore(%arg12 : memref<!tpu.dma_semaphore, #tpu.memory_space<semaphore_mem>>) src(%dma_wait3A_36 : memref<128x128xf32, #tpu.memory_space<hbm>>) dst(%arg8 : memref<128x128xf32, #tpu.memory_space<vmem>>)
    %parallel_loop3A_37 = arith.constant 0 : i32
    %parallel_loop3A_38 = arith.constant 128 : i32
    %parallel_loop3A_39 = arith.constant 1 : i32
    %parallel_loop3A_40:8 = scf.for %parallel_loop3A_86 = %parallel_loop3A_37 to %parallel_loop3A_38 step %parallel_loop3A_39 iter_args(%parallel_loop3A_87 = %parallel_loop3A_26#0, %parallel_loop3A_88 = %parallel_loop3A_26#1, %parallel_loop3A_89 = %parallel_loop3A_26#2, %parallel_loop3A_90 = %parallel_loop3A_26#3, %parallel_loop3A_91 = %parallel_loop3A_26#4, %parallel_loop3A_92 = %parallel_loop3A_26#5, %parallel_loop3A_93 = %parallel_loop3A_26#6, %parallel_loop3A_94 = %parallel_loop3A_26#7) -> (vector<16xf32>, vector<16xf32>, vector<16xf32>, vector<16xf32>, vector<16xf32>, vector<16xf32>, vector<16xf32>, vector<16xf32>)  : i32 {
      %parallel_loop3A_95 = arith.index_cast %parallel_loop3A_86 : i32 to index
      %parallel_loop3A_96 = arith.constant 0 : index
      %parallel_loop3A_97 = tpu.vector_load %arg8[%parallel_loop3A_95, %parallel_loop3A_96] {strides = array<i32>} : memref<128x128xf32, #tpu.memory_space<vmem>>, vector<16xf32>,
      %parallel_loop3A_98 = vector.bitcast %parallel_loop3A_97 : vector<16xf32> to vector<16xi32>
      %parallel_loop3A_99 = arith.constant 16 : i32
      %parallel_loop3A_100 = vector.broadcast %parallel_loop3A_99 : i32 to vector<16xi32>
      %parallel_loop3A_101 = arith.shrsi %parallel_loop3A_98, %parallel_loop3A_100 : vector<16xi32>
      %parallel_loop3A_102 = vector.broadcast %squeeze3A : i32 to vector<16xi32>
      %parallel_loop3A_103 = arith.cmpi eq, %parallel_loop3A_101, %parallel_loop3A_102 : vector<16xi32>
      %parallel_loop3A_104 = vector.broadcast %squeeze3A : i32 to vector<16xi32>
      %parallel_loop3A_105 = arith.cmpi sgt, %parallel_loop3A_101, %parallel_loop3A_104 : vector<16xi32>
      %parallel_loop3A_106 = arith.constant 7 : i32
      %parallel_loop3A_107 = vector.broadcast %parallel_loop3A_106 : i32 to vector<16xi32>
      %parallel_loop3A_108 = arith.shrsi %parallel_loop3A_98, %parallel_loop3A_107 : vector<16xi32>
      %parallel_loop3A_109 = arith.constant 511 : i32
      %parallel_loop3A_110 = vector.broadcast %parallel_loop3A_109 : i32 to vector<16xi32>
      %parallel_loop3A_111 = arith.andi %parallel_loop3A_108, %parallel_loop3A_110 : vector<16xi32>
      %parallel_loop3A_112 = arith.constant 0 : i32
      %parallel_loop3A_113 = vector.broadcast %parallel_loop3A_112 : i32 to vector<16xi32>
      %parallel_loop3A_114 = arith.select %parallel_loop3A_103, %parallel_loop3A_111, %parallel_loop3A_113 : vector<16xi1>, vector<16xi32>
      %parallel_loop3A_115 = arith.constant 127 : i32
      %parallel_loop3A_116 = vector.broadcast %parallel_loop3A_115 : i32 to vector<16xi32>
      %parallel_loop3A_117 = arith.andi %parallel_loop3A_98, %parallel_loop3A_116 : vector<16xi32>
      tpu.vector_store_idx %arg6[%parallel_loop3A_114, %parallel_loop3A_117], %broadcast_in_dim3A_2 masked %parallel_loop3A_103 {add = true} : memref<512x128xf32, #tpu.memory_space<vmem>>[vector<16xi32>, vector<16xi32>], vector<16xf32>, vector<16xi1>
      %parallel_loop3A_118 = arith.constant 0.000000e+00 : f32
      %parallel_loop3A_119 = vector.broadcast %parallel_loop3A_118 : f32 to vector<16xf32>
      %parallel_loop3A_120 = arith.select %parallel_loop3A_105, %parallel_loop3A_97, %parallel_loop3A_119 : vector<16xi1>, vector<16xf32>
      %parallel_loop3A_121 = arith.addf %parallel_loop3A_87, %parallel_loop3A_120 : vector<16xf32>
      %parallel_loop3A_122 = arith.mulf %parallel_loop3A_120, %parallel_loop3A_120 : vector<16xf32>
      %parallel_loop3A_123 = arith.addf %parallel_loop3A_88, %parallel_loop3A_122 : vector<16xf32>
      %parallel_loop3A_124 = arith.index_cast %parallel_loop3A_86 : i32 to index
      %parallel_loop3A_125 = arith.constant 16 : index
      %parallel_loop3A_126 = tpu.vector_load %arg8[%parallel_loop3A_124, %parallel_loop3A_125] {strides = array<i32>} : memref<128x128xf32, #tpu.memory_space<vmem>>, vector<16xf32>,
      %parallel_loop3A_127 = vector.bitcast %parallel_loop3A_126 : vector<16xf32> to vector<16xi32>
      %parallel_loop3A_128 = arith.constant 16 : i32
      %parallel_loop3A_129 = vector.broadcast %parallel_loop3A_128 : i32 to vector<16xi32>
      %parallel_loop3A_130 = arith.shrsi %parallel_loop3A_127, %parallel_loop3A_129 : vector<16xi32>
      %parallel_loop3A_131 = vector.broadcast %squeeze3A : i32 to vector<16xi32>
      %parallel_loop3A_132 = arith.cmpi eq, %parallel_loop3A_130, %parallel_loop3A_131 : vector<16xi32>
      %parallel_loop3A_133 = vector.broadcast %squeeze3A : i32 to vector<16xi32>
      %parallel_loop3A_134 = arith.cmpi sgt, %parallel_loop3A_130, %parallel_loop3A_133 : vector<16xi32>
      %parallel_loop3A_135 = arith.constant 7 : i32
      %parallel_loop3A_136 = vector.broadcast %parallel_loop3A_135 : i32 to vector<16xi32>
      %parallel_loop3A_137 = arith.shrsi %parallel_loop3A_127, %parallel_loop3A_136 : vector<16xi32>
      %parallel_loop3A_138 = arith.constant 511 : i32
      %parallel_loop3A_139 = vector.broadcast %parallel_loop3A_138 : i32 to vector<16xi32>
      %parallel_loop3A_140 = arith.andi %parallel_loop3A_137, %parallel_loop3A_139 : vector<16xi32>
      %parallel_loop3A_141 = arith.constant 0 : i32
      %parallel_loop3A_142 = vector.broadcast %parallel_loop3A_141 : i32 to vector<16xi32>
      %parallel_loop3A_143 = arith.select %parallel_loop3A_132, %parallel_loop3A_140, %parallel_loop3A_142 : vector<16xi1>, vector<16xi32>
      %parallel_loop3A_144 = arith.constant 127 : i32
      %parallel_loop3A_145 = vector.broadcast %parallel_loop3A_144 : i32 to vector<16xi32>
      %parallel_loop3A_146 = arith.andi %parallel_loop3A_127, %parallel_loop3A_145 : vector<16xi32>
      tpu.vector_store_idx %arg6[%parallel_loop3A_143, %parallel_loop3A_146], %broadcast_in_dim3A_2 masked %parallel_loop3A_132 {add = true} : memref<512x128xf32, #tpu.memory_space<vmem>>[vector<16xi32>, vector<16xi32>], vector<16xf32>, vector<16xi1>
      %parallel_loop3A_147 = arith.constant 0.000000e+00 : f32
      %parallel_loop3A_148 = vector.broadcast %parallel_loop3A_147 : f32 to vector<16xf32>
      %parallel_loop3A_149 = arith.select %parallel_loop3A_134, %parallel_loop3A_126, %parallel_loop3A_148 : vector<16xi1>, vector<16xf32>
      %parallel_loop3A_150 = arith.addf %parallel_loop3A_89, %parallel_loop3A_149 : vector<16xf32>
      %parallel_loop3A_151 = arith.mulf %parallel_loop3A_149, %parallel_loop3A_149 : vector<16xf32>
      %parallel_loop3A_152 = arith.addf %parallel_loop3A_90, %parallel_loop3A_151 : vector<16xf32>
      %parallel_loop3A_153 = arith.index_cast %parallel_loop3A_86 : i32 to index
      %parallel_loop3A_154 = arith.constant 32 : index
      %parallel_loop3A_155 = tpu.vector_load %arg8[%parallel_loop3A_153, %parallel_loop3A_154] {strides = array<i32>} : memref<128x128xf32, #tpu.memory_space<vmem>>, vector<16xf32>,
      %parallel_loop3A_156 = vector.bitcast %parallel_loop3A_155 : vector<16xf32> to vector<16xi32>
      %parallel_loop3A_157 = arith.constant 16 : i32
      %parallel_loop3A_158 = vector.broadcast %parallel_loop3A_157 : i32 to vector<16xi32>
      %parallel_loop3A_159 = arith.shrsi %parallel_loop3A_156, %parallel_loop3A_158 : vector<16xi32>
      %parallel_loop3A_160 = vector.broadcast %squeeze3A : i32 to vector<16xi32>
      %parallel_loop3A_161 = arith.cmpi eq, %parallel_loop3A_159, %parallel_loop3A_160 : vector<16xi32>
      %parallel_loop3A_162 = vector.broadcast %squeeze3A : i32 to vector<16xi32>
      %parallel_loop3A_163 = arith.cmpi sgt, %parallel_loop3A_159, %parallel_loop3A_162 : vector<16xi32>
      %parallel_loop3A_164 = arith.constant 7 : i32
      %parallel_loop3A_165 = vector.broadcast %parallel_loop3A_164 : i32 to vector<16xi32>
      %parallel_loop3A_166 = arith.shrsi %parallel_loop3A_156, %parallel_loop3A_165 : vector<16xi32>
      %parallel_loop3A_167 = arith.constant 511 : i32
      %parallel_loop3A_168 = vector.broadcast %parallel_loop3A_167 : i32 to vector<16xi32>
      %parallel_loop3A_169 = arith.andi %parallel_loop3A_166, %parallel_loop3A_168 : vector<16xi32>
      %parallel_loop3A_170 = arith.constant 0 : i32
      %parallel_loop3A_171 = vector.broadcast %parallel_loop3A_170 : i32 to vector<16xi32>
      %parallel_loop3A_172 = arith.select %parallel_loop3A_161, %parallel_loop3A_169, %parallel_loop3A_171 : vector<16xi1>, vector<16xi32>
      %parallel_loop3A_173 = arith.constant 127 : i32
      %parallel_loop3A_174 = vector.broadcast %parallel_loop3A_173 : i32 to vector<16xi32>
      %parallel_loop3A_175 = arith.andi %parallel_loop3A_156, %parallel_loop3A_174 : vector<16xi32>
      tpu.vector_store_idx %arg6[%parallel_loop3A_172, %parallel_loop3A_175], %broadcast_in_dim3A_2 masked %parallel_loop3A_161 {add = true} : memref<512x128xf32, #tpu.memory_space<vmem>>[vector<16xi32>, vector<16xi32>], vector<16xf32>, vector<16xi1>
      %parallel_loop3A_176 = arith.constant 0.000000e+00 : f32
      %parallel_loop3A_177 = vector.broadcast %parallel_loop3A_176 : f32 to vector<16xf32>
      %parallel_loop3A_178 = arith.select %parallel_loop3A_163, %parallel_loop3A_155, %parallel_loop3A_177 : vector<16xi1>, vector<16xf32>
      %parallel_loop3A_179 = arith.addf %parallel_loop3A_91, %parallel_loop3A_178 : vector<16xf32>
      %parallel_loop3A_180 = arith.mulf %parallel_loop3A_178, %parallel_loop3A_178 : vector<16xf32>
      %parallel_loop3A_181 = arith.addf %parallel_loop3A_92, %parallel_loop3A_180 : vector<16xf32>
      %parallel_loop3A_182 = arith.index_cast %parallel_loop3A_86 : i32 to index
      %parallel_loop3A_183 = arith.constant 48 : index
      %parallel_loop3A_184 = tpu.vector_load %arg8[%parallel_loop3A_182, %parallel_loop3A_183] {strides = array<i32>} : memref<128x128xf32, #tpu.memory_space<vmem>>, vector<16xf32>,
      %parallel_loop3A_185 = vector.bitcast %parallel_loop3A_184 : vector<16xf32> to vector<16xi32>
      %parallel_loop3A_186 = arith.constant 16 : i32
      %parallel_loop3A_187 = vector.broadcast %parallel_loop3A_186 : i32 to vector<16xi32>
      %parallel_loop3A_188 = arith.shrsi %parallel_loop3A_185, %parallel_loop3A_187 : vector<16xi32>
      %parallel_loop3A_189 = vector.broadcast %squeeze3A : i32 to vector<16xi32>
      %parallel_loop3A_190 = arith.cmpi eq, %parallel_loop3A_188, %parallel_loop3A_189 : vector<16xi32>
      %parallel_loop3A_191 = vector.broadcast %squeeze3A : i32 to vector<16xi32>
      %parallel_loop3A_192 = arith.cmpi sgt, %parallel_loop3A_188, %parallel_loop3A_191 : vector<16xi32>
      %parallel_loop3A_193 = arith.constant 7 : i32
      %parallel_loop3A_194 = vector.broadcast %parallel_loop3A_193 : i32 to vector<16xi32>
      %parallel_loop3A_195 = arith.shrsi %parallel_loop3A_185, %parallel_loop3A_194 : vector<16xi32>
      %parallel_loop3A_196 = arith.constant 511 : i32
      %parallel_loop3A_197 = vector.broadcast %parallel_loop3A_196 : i32 to vector<16xi32>
      %parallel_loop3A_198 = arith.andi %parallel_loop3A_195, %parallel_loop3A_197 : vector<16xi32>
      %parallel_loop3A_199 = arith.constant 0 : i32
      %parallel_loop3A_200 = vector.broadcast %parallel_loop3A_199 : i32 to vector<16xi32>
      %parallel_loop3A_201 = arith.select %parallel_loop3A_190, %parallel_loop3A_198, %parallel_loop3A_200 : vector<16xi1>, vector<16xi32>
      %parallel_loop3A_202 = arith.constant 127 : i32
      %parallel_loop3A_203 = vector.broadcast %parallel_loop3A_202 : i32 to vector<16xi32>
      %parallel_loop3A_204 = arith.andi %parallel_loop3A_185, %parallel_loop3A_203 : vector<16xi32>
      tpu.vector_store_idx %arg6[%parallel_loop3A_201, %parallel_loop3A_204], %broadcast_in_dim3A_2 masked %parallel_loop3A_190 {add = true} : memref<512x128xf32, #tpu.memory_space<vmem>>[vector<16xi32>, vector<16xi32>], vector<16xf32>, vector<16xi1>
      %parallel_loop3A_205 = arith.constant 0.000000e+00 : f32
      %parallel_loop3A_206 = vector.broadcast %parallel_loop3A_205 : f32 to vector<16xf32>
      %parallel_loop3A_207 = arith.select %parallel_loop3A_192, %parallel_loop3A_184, %parallel_loop3A_206 : vector<16xi1>, vector<16xf32>
      %parallel_loop3A_208 = arith.addf %parallel_loop3A_93, %parallel_loop3A_207 : vector<16xf32>
      %parallel_loop3A_209 = arith.mulf %parallel_loop3A_207, %parallel_loop3A_207 : vector<16xf32>
      %parallel_loop3A_210 = arith.addf %parallel_loop3A_94, %parallel_loop3A_209 : vector<16xf32>
      %parallel_loop3A_211 = arith.index_cast %parallel_loop3A_86 : i32 to index
      %parallel_loop3A_212 = arith.constant 64 : index
      %parallel_loop3A_213 = tpu.vector_load %arg8[%parallel_loop3A_211, %parallel_loop3A_212] {strides = array<i32>} : memref<128x128xf32, #tpu.memory_space<vmem>>, vector<16xf32>,
      %parallel_loop3A_214 = vector.bitcast %parallel_loop3A_213 : vector<16xf32> to vector<16xi32>
      %parallel_loop3A_215 = arith.constant 16 : i32
      %parallel_loop3A_216 = vector.broadcast %parallel_loop3A_215 : i32 to vector<16xi32>
      %parallel_loop3A_217 = arith.shrsi %parallel_loop3A_214, %parallel_loop3A_216 : vector<16xi32>
      %parallel_loop3A_218 = vector.broadcast %squeeze3A : i32 to vector<16xi32>
      %parallel_loop3A_219 = arith.cmpi eq, %parallel_loop3A_217, %parallel_loop3A_218 : vector<16xi32>
      %parallel_loop3A_220 = vector.broadcast %squeeze3A : i32 to vector<16xi32>
      %parallel_loop3A_221 = arith.cmpi sgt, %parallel_loop3A_217, %parallel_loop3A_220 : vector<16xi32>
      %parallel_loop3A_222 = arith.constant 7 : i32
      %parallel_loop3A_223 = vector.broadcast %parallel_loop3A_222 : i32 to vector<16xi32>
      %parallel_loop3A_224 = arith.shrsi %parallel_loop3A_214, %parallel_loop3A_223 : vector<16xi32>
      %parallel_loop3A_225 = arith.constant 511 : i32
      %parallel_loop3A_226 = vector.broadcast %parallel_loop3A_225 : i32 to vector<16xi32>
      %parallel_loop3A_227 = arith.andi %parallel_loop3A_224, %parallel_loop3A_226 : vector<16xi32>
      %parallel_loop3A_228 = arith.constant 0 : i32
      %parallel_loop3A_229 = vector.broadcast %parallel_loop3A_228 : i32 to vector<16xi32>
      %parallel_loop3A_230 = arith.select %parallel_loop3A_219, %parallel_loop3A_227, %parallel_loop3A_229 : vector<16xi1>, vector<16xi32>
      %parallel_loop3A_231 = arith.constant 127 : i32
      %parallel_loop3A_232 = vector.broadcast %parallel_loop3A_231 : i32 to vector<16xi32>
      %parallel_loop3A_233 = arith.andi %parallel_loop3A_214, %parallel_loop3A_232 : vector<16xi32>
      tpu.vector_store_idx %arg6[%parallel_loop3A_230, %parallel_loop3A_233], %broadcast_in_dim3A_2 masked %parallel_loop3A_219 {add = true} : memref<512x128xf32, #tpu.memory_space<vmem>>[vector<16xi32>, vector<16xi32>], vector<16xf32>, vector<16xi1>
      %parallel_loop3A_234 = arith.constant 0.000000e+00 : f32
      %parallel_loop3A_235 = vector.broadcast %parallel_loop3A_234 : f32 to vector<16xf32>
      %parallel_loop3A_236 = arith.select %parallel_loop3A_221, %parallel_loop3A_213, %parallel_loop3A_235 : vector<16xi1>, vector<16xf32>
      %parallel_loop3A_237 = arith.addf %parallel_loop3A_121, %parallel_loop3A_236 : vector<16xf32>
      %parallel_loop3A_238 = arith.mulf %parallel_loop3A_236, %parallel_loop3A_236 : vector<16xf32>
      %parallel_loop3A_239 = arith.addf %parallel_loop3A_123, %parallel_loop3A_238 : vector<16xf32>
      %parallel_loop3A_240 = arith.index_cast %parallel_loop3A_86 : i32 to index
      %parallel_loop3A_241 = arith.constant 80 : index
      %parallel_loop3A_242 = tpu.vector_load %arg8[%parallel_loop3A_240, %parallel_loop3A_241] {strides = array<i32>} : memref<128x128xf32, #tpu.memory_space<vmem>>, vector<16xf32>,
      %parallel_loop3A_243 = vector.bitcast %parallel_loop3A_242 : vector<16xf32> to vector<16xi32>
      %parallel_loop3A_244 = arith.constant 16 : i32
      %parallel_loop3A_245 = vector.broadcast %parallel_loop3A_244 : i32 to vector<16xi32>
      %parallel_loop3A_246 = arith.shrsi %parallel_loop3A_243, %parallel_loop3A_245 : vector<16xi32>
      %parallel_loop3A_247 = vector.broadcast %squeeze3A : i32 to vector<16xi32>
      %parallel_loop3A_248 = arith.cmpi eq, %parallel_loop3A_246, %parallel_loop3A_247 : vector<16xi32>
      %parallel_loop3A_249 = vector.broadcast %squeeze3A : i32 to vector<16xi32>
      %parallel_loop3A_250 = arith.cmpi sgt, %parallel_loop3A_246, %parallel_loop3A_249 : vector<16xi32>
      %parallel_loop3A_251 = arith.constant 7 : i32
      %parallel_loop3A_252 = vector.broadcast %parallel_loop3A_251 : i32 to vector<16xi32>
      %parallel_loop3A_253 = arith.shrsi %parallel_loop3A_243, %parallel_loop3A_252 : vector<16xi32>
      %parallel_loop3A_254 = arith.constant 511 : i32
      %parallel_loop3A_255 = vector.broadcast %parallel_loop3A_254 : i32 to vector<16xi32>
      %parallel_loop3A_256 = arith.andi %parallel_loop3A_253, %parallel_loop3A_255 : vector<16xi32>
      %parallel_loop3A_257 = arith.constant 0 : i32
      %parallel_loop3A_258 = vector.broadcast %parallel_loop3A_257 : i32 to vector<16xi32>
      %parallel_loop3A_259 = arith.select %parallel_loop3A_248, %parallel_loop3A_256, %parallel_loop3A_258 : vector<16xi1>, vector<16xi32>
      %parallel_loop3A_260 = arith.constant 127 : i32
      %parallel_loop3A_261 = vector.broadcast %parallel_loop3A_260 : i32 to vector<16xi32>
      %parallel_loop3A_262 = arith.andi %parallel_loop3A_243, %parallel_loop3A_261 : vector<16xi32>
      tpu.vector_store_idx %arg6[%parallel_loop3A_259, %parallel_loop3A_262], %broadcast_in_dim3A_2 masked %parallel_loop3A_248 {add = true} : memref<512x128xf32, #tpu.memory_space<vmem>>[vector<16xi32>, vector<16xi32>], vector<16xf32>, vector<16xi1>
      %parallel_loop3A_263 = arith.constant 0.000000e+00 : f32
      %parallel_loop3A_264 = vector.broadcast %parallel_loop3A_263 : f32 to vector<16xf32>
      %parallel_loop3A_265 = arith.select %parallel_loop3A_250, %parallel_loop3A_242, %parallel_loop3A_264 : vector<16xi1>, vector<16xf32>
      %parallel_loop3A_266 = arith.addf %parallel_loop3A_150, %parallel_loop3A_265 : vector<16xf32>
      %parallel_loop3A_267 = arith.mulf %parallel_loop3A_265, %parallel_loop3A_265 : vector<16xf32>
      %parallel_loop3A_268 = arith.addf %parallel_loop3A_152, %parallel_loop3A_267 : vector<16xf32>
      %parallel_loop3A_269 = arith.index_cast %parallel_loop3A_86 : i32 to index
      %parallel_loop3A_270 = arith.constant 96 : index
      %parallel_loop3A_271 = tpu.vector_load %arg8[%parallel_loop3A_269, %parallel_loop3A_270] {strides = array<i32>} : memref<128x128xf32, #tpu.memory_space<vmem>>, vector<16xf32>,
      %parallel_loop3A_272 = vector.bitcast %parallel_loop3A_271 : vector<16xf32> to vector<16xi32>
      %parallel_loop3A_273 = arith.constant 16 : i32
      %parallel_loop3A_274 = vector.broadcast %parallel_loop3A_273 : i32 to vector<16xi32>
      %parallel_loop3A_275 = arith.shrsi %parallel_loop3A_272, %parallel_loop3A_274 : vector<16xi32>
      %parallel_loop3A_276 = vector.broadcast %squeeze3A : i32 to vector<16xi32>
      %parallel_loop3A_277 = arith.cmpi eq, %parallel_loop3A_275, %parallel_loop3A_276 : vector<16xi32>
      %parallel_loop3A_278 = vector.broadcast %squeeze3A : i32 to vector<16xi32>
      %parallel_loop3A_279 = arith.cmpi sgt, %parallel_loop3A_275, %parallel_loop3A_278 : vector<16xi32>
      %parallel_loop3A_280 = arith.constant 7 : i32
      %parallel_loop3A_281 = vector.broadcast %parallel_loop3A_280 : i32 to vector<16xi32>
      %parallel_loop3A_282 = arith.shrsi %parallel_loop3A_272, %parallel_loop3A_281 : vector<16xi32>
      %parallel_loop3A_283 = arith.constant 511 : i32
      %parallel_loop3A_284 = vector.broadcast %parallel_loop3A_283 : i32 to vector<16xi32>
      %parallel_loop3A_285 = arith.andi %parallel_loop3A_282, %parallel_loop3A_284 : vector<16xi32>
      %parallel_loop3A_286 = arith.constant 0 : i32
      %parallel_loop3A_287 = vector.broadcast %parallel_loop3A_286 : i32 to vector<16xi32>
      %parallel_loop3A_288 = arith.select %parallel_loop3A_277, %parallel_loop3A_285, %parallel_loop3A_287 : vector<16xi1>, vector<16xi32>
      %parallel_loop3A_289 = arith.constant 127 : i32
      %parallel_loop3A_290 = vector.broadcast %parallel_loop3A_289 : i32 to vector<16xi32>
      %parallel_loop3A_291 = arith.andi %parallel_loop3A_272, %parallel_loop3A_290 : vector<16xi32>
      tpu.vector_store_idx %arg6[%parallel_loop3A_288, %parallel_loop3A_291], %broadcast_in_dim3A_2 masked %parallel_loop3A_277 {add = true} : memref<512x128xf32, #tpu.memory_space<vmem>>[vector<16xi32>, vector<16xi32>], vector<16xf32>, vector<16xi1>
      %parallel_loop3A_292 = arith.constant 0.000000e+00 : f32
      %parallel_loop3A_293 = vector.broadcast %parallel_loop3A_292 : f32 to vector<16xf32>
      %parallel_loop3A_294 = arith.select %parallel_loop3A_279, %parallel_loop3A_271, %parallel_loop3A_293 : vector<16xi1>, vector<16xf32>
      %parallel_loop3A_295 = arith.addf %parallel_loop3A_179, %parallel_loop3A_294 : vector<16xf32>
      %parallel_loop3A_296 = arith.mulf %parallel_loop3A_294, %parallel_loop3A_294 : vector<16xf32>
      %parallel_loop3A_297 = arith.addf %parallel_loop3A_181, %parallel_loop3A_296 : vector<16xf32>
      %parallel_loop3A_298 = arith.index_cast %parallel_loop3A_86 : i32 to index
      %parallel_loop3A_299 = arith.constant 112 : index
      %parallel_loop3A_300 = tpu.vector_load %arg8[%parallel_loop3A_298, %parallel_loop3A_299] {strides = array<i32>} : memref<128x128xf32, #tpu.memory_space<vmem>>, vector<16xf32>,
      %parallel_loop3A_301 = vector.bitcast %parallel_loop3A_300 : vector<16xf32> to vector<16xi32>
      %parallel_loop3A_302 = arith.constant 16 : i32
      %parallel_loop3A_303 = vector.broadcast %parallel_loop3A_302 : i32 to vector<16xi32>
      %parallel_loop3A_304 = arith.shrsi %parallel_loop3A_301, %parallel_loop3A_303 : vector<16xi32>
      %parallel_loop3A_305 = vector.broadcast %squeeze3A : i32 to vector<16xi32>
      %parallel_loop3A_306 = arith.cmpi eq, %parallel_loop3A_304, %parallel_loop3A_305 : vector<16xi32>
      %parallel_loop3A_307 = vector.broadcast %squeeze3A : i32 to vector<16xi32>
      %parallel_loop3A_308 = arith.cmpi sgt, %parallel_loop3A_304, %parallel_loop3A_307 : vector<16xi32>
      %parallel_loop3A_309 = arith.constant 7 : i32
      %parallel_loop3A_310 = vector.broadcast %parallel_loop3A_309 : i32 to vector<16xi32>
      %parallel_loop3A_311 = arith.shrsi %parallel_loop3A_301, %parallel_loop3A_310 : vector<16xi32>
      %parallel_loop3A_312 = arith.constant 511 : i32
      %parallel_loop3A_313 = vector.broadcast %parallel_loop3A_312 : i32 to vector<16xi32>
      %parallel_loop3A_314 = arith.andi %parallel_loop3A_311, %parallel_loop3A_313 : vector<16xi32>
      %parallel_loop3A_315 = arith.constant 0 : i32
      %parallel_loop3A_316 = vector.broadcast %parallel_loop3A_315 : i32 to vector<16xi32>
      %parallel_loop3A_317 = arith.select %parallel_loop3A_306, %parallel_loop3A_314, %parallel_loop3A_316 : vector<16xi1>, vector<16xi32>
      %parallel_loop3A_318 = arith.constant 127 : i32
      %parallel_loop3A_319 = vector.broadcast %parallel_loop3A_318 : i32 to vector<16xi32>
      %parallel_loop3A_320 = arith.andi %parallel_loop3A_301, %parallel_loop3A_319 : vector<16xi32>
      tpu.vector_store_idx %arg6[%parallel_loop3A_317, %parallel_loop3A_320], %broadcast_in_dim3A_2 masked %parallel_loop3A_306 {add = true} : memref<512x128xf32, #tpu.memory_space<vmem>>[vector<16xi32>, vector<16xi32>], vector<16xf32>, vector<16xi1>
      %parallel_loop3A_321 = arith.constant 0.000000e+00 : f32
      %parallel_loop3A_322 = vector.broadcast %parallel_loop3A_321 : f32 to vector<16xf32>
      %parallel_loop3A_323 = arith.select %parallel_loop3A_308, %parallel_loop3A_300, %parallel_loop3A_322 : vector<16xi1>, vector<16xf32>
      %parallel_loop3A_324 = arith.addf %parallel_loop3A_208, %parallel_loop3A_323 : vector<16xf32>
      %parallel_loop3A_325 = arith.mulf %parallel_loop3A_323, %parallel_loop3A_323 : vector<16xf32>
      %parallel_loop3A_326 = arith.addf %parallel_loop3A_210, %parallel_loop3A_325 : vector<16xf32>
      scf.yield %parallel_loop3A_237, %parallel_loop3A_239, %parallel_loop3A_266, %parallel_loop3A_268, %parallel_loop3A_295, %parallel_loop3A_297, %parallel_loop3A_324, %parallel_loop3A_326 : vector<16xf32>, vector<16xf32>, vector<16xf32>, vector<16xf32>, vector<16xf32>, vector<16xf32>, vector<16xf32>, vector<16xf32>
    } {sc.loop_unroll_factor = 2 : i64, sc.parallel_access}
    %add3A_41 = arith.constant 384 : i32
    %add3A_42 = arith.addi %mul3A_10, %add3A_41 : i32
    %dma_start3A_43 = arith.constant 0 : i32
    %dma_start3A_44 = tpu.memref_slice %arg2[%add3A_42, %dma_start3A_43] : memref<16384x128xf32, #tpu.memory_space<hbm>> -> memref<128x128xf32, #tpu.memory_space<hbm>>
    %dma_start3A_45 = arith.constant 0 : i32
    %dma_start3A_46 = tpu.memref_slice %arg2[%add3A_42, %dma_start3A_45] : memref<16384x128xf32, #tpu.memory_space<hbm>> -> memref<128x128xf32, #tpu.memory_space<hbm>>
    tpu.enqueue_dma source(%dma_start3A_46 : memref<128x128xf32, #tpu.memory_space<hbm>>) target(%arg8 : memref<128x128xf32, #tpu.memory_space<vmem>>) target_semaphore(%arg12 : memref<!tpu.dma_semaphore, #tpu.memory_space<semaphore_mem>>)
    %dma_wait3A_47 = arith.constant 0 : i32
    %dma_wait3A_48 = tpu.memref_slice %arg2[%add3A_28, %dma_wait3A_47] : memref<16384x128xf32, #tpu.memory_space<hbm>> -> memref<128x128xf32, #tpu.memory_space<hbm>>
    %dma_wait3A_49 = arith.constant 0 : i32
    %dma_wait3A_50 = tpu.memref_slice %arg2[%add3A_28, %dma_wait3A_49] : memref<16384x128xf32, #tpu.memory_space<hbm>> -> memref<128x128xf32, #tpu.memory_space<hbm>>
    tpu.wait_dma2 semaphore(%arg11 : memref<!tpu.dma_semaphore, #tpu.memory_space<semaphore_mem>>) src(%dma_wait3A_50 : memref<128x128xf32, #tpu.memory_space<hbm>>) dst(%arg7 : memref<128x128xf32, #tpu.memory_space<vmem>>)
    %parallel_loop3A_51 = arith.constant 0 : i32
    %parallel_loop3A_52 = arith.constant 128 : i32
    %parallel_loop3A_53 = arith.constant 1 : i32
    %parallel_loop3A_54:8 = scf.for %parallel_loop3A_86 = %parallel_loop3A_51 to %parallel_loop3A_52 step %parallel_loop3A_53 iter_args(%parallel_loop3A_87 = %parallel_loop3A_40#0, %parallel_loop3A_88 = %parallel_loop3A_40#1, %parallel_loop3A_89 = %parallel_loop3A_40#2, %parallel_loop3A_90 = %parallel_loop3A_40#3, %parallel_loop3A_91 = %parallel_loop3A_40#4, %parallel_loop3A_92 = %parallel_loop3A_40#5, %parallel_loop3A_93 = %parallel_loop3A_40#6, %parallel_loop3A_94 = %parallel_loop3A_40#7) -> (vector<16xf32>, vector<16xf32>, vector<16xf32>, vector<16xf32>, vector<16xf32>, vector<16xf32>, vector<16xf32>, vector<16xf32>)  : i32 {
      %parallel_loop3A_95 = arith.index_cast %parallel_loop3A_86 : i32 to index
      %parallel_loop3A_96 = arith.constant 0 : index
      %parallel_loop3A_97 = tpu.vector_load %arg7[%parallel_loop3A_95, %parallel_loop3A_96] {strides = array<i32>} : memref<128x128xf32, #tpu.memory_space<vmem>>, vector<16xf32>,
      %parallel_loop3A_98 = vector.bitcast %parallel_loop3A_97 : vector<16xf32> to vector<16xi32>
      %parallel_loop3A_99 = arith.constant 16 : i32
      %parallel_loop3A_100 = vector.broadcast %parallel_loop3A_99 : i32 to vector<16xi32>
      %parallel_loop3A_101 = arith.shrsi %parallel_loop3A_98, %parallel_loop3A_100 : vector<16xi32>
      %parallel_loop3A_102 = vector.broadcast %squeeze3A : i32 to vector<16xi32>
      %parallel_loop3A_103 = arith.cmpi eq, %parallel_loop3A_101, %parallel_loop3A_102 : vector<16xi32>
      %parallel_loop3A_104 = vector.broadcast %squeeze3A : i32 to vector<16xi32>
      %parallel_loop3A_105 = arith.cmpi sgt, %parallel_loop3A_101, %parallel_loop3A_104 : vector<16xi32>
      %parallel_loop3A_106 = arith.constant 7 : i32
      %parallel_loop3A_107 = vector.broadcast %parallel_loop3A_106 : i32 to vector<16xi32>
      %parallel_loop3A_108 = arith.shrsi %parallel_loop3A_98, %parallel_loop3A_107 : vector<16xi32>
      %parallel_loop3A_109 = arith.constant 511 : i32
      %parallel_loop3A_110 = vector.broadcast %parallel_loop3A_109 : i32 to vector<16xi32>
      %parallel_loop3A_111 = arith.andi %parallel_loop3A_108, %parallel_loop3A_110 : vector<16xi32>
      %parallel_loop3A_112 = arith.constant 0 : i32
      %parallel_loop3A_113 = vector.broadcast %parallel_loop3A_112 : i32 to vector<16xi32>
      %parallel_loop3A_114 = arith.select %parallel_loop3A_103, %parallel_loop3A_111, %parallel_loop3A_113 : vector<16xi1>, vector<16xi32>
      %parallel_loop3A_115 = arith.constant 127 : i32
      %parallel_loop3A_116 = vector.broadcast %parallel_loop3A_115 : i32 to vector<16xi32>
      %parallel_loop3A_117 = arith.andi %parallel_loop3A_98, %parallel_loop3A_116 : vector<16xi32>
      tpu.vector_store_idx %arg6[%parallel_loop3A_114, %parallel_loop3A_117], %broadcast_in_dim3A_2 masked %parallel_loop3A_103 {add = true} : memref<512x128xf32, #tpu.memory_space<vmem>>[vector<16xi32>, vector<16xi32>], vector<16xf32>, vector<16xi1>
      %parallel_loop3A_118 = arith.constant 0.000000e+00 : f32
      %parallel_loop3A_119 = vector.broadcast %parallel_loop3A_118 : f32 to vector<16xf32>
      %parallel_loop3A_120 = arith.select %parallel_loop3A_105, %parallel_loop3A_97, %parallel_loop3A_119 : vector<16xi1>, vector<16xf32>
      %parallel_loop3A_121 = arith.addf %parallel_loop3A_87, %parallel_loop3A_120 : vector<16xf32>
      %parallel_loop3A_122 = arith.mulf %parallel_loop3A_120, %parallel_loop3A_120 : vector<16xf32>
      %parallel_loop3A_123 = arith.addf %parallel_loop3A_88, %parallel_loop3A_122 : vector<16xf32>
      %parallel_loop3A_124 = arith.index_cast %parallel_loop3A_86 : i32 to index
      %parallel_loop3A_125 = arith.constant 16 : index
      %parallel_loop3A_126 = tpu.vector_load %arg7[%parallel_loop3A_124, %parallel_loop3A_125] {strides = array<i32>} : memref<128x128xf32, #tpu.memory_space<vmem>>, vector<16xf32>,
      %parallel_loop3A_127 = vector.bitcast %parallel_loop3A_126 : vector<16xf32> to vector<16xi32>
      %parallel_loop3A_128 = arith.constant 16 : i32
      %parallel_loop3A_129 = vector.broadcast %parallel_loop3A_128 : i32 to vector<16xi32>
      %parallel_loop3A_130 = arith.shrsi %parallel_loop3A_127, %parallel_loop3A_129 : vector<16xi32>
      %parallel_loop3A_131 = vector.broadcast %squeeze3A : i32 to vector<16xi32>
      %parallel_loop3A_132 = arith.cmpi eq, %parallel_loop3A_130, %parallel_loop3A_131 : vector<16xi32>
      %parallel_loop3A_133 = vector.broadcast %squeeze3A : i32 to vector<16xi32>
      %parallel_loop3A_134 = arith.cmpi sgt, %parallel_loop3A_130, %parallel_loop3A_133 : vector<16xi32>
      %parallel_loop3A_135 = arith.constant 7 : i32
      %parallel_loop3A_136 = vector.broadcast %parallel_loop3A_135 : i32 to vector<16xi32>
      %parallel_loop3A_137 = arith.shrsi %parallel_loop3A_127, %parallel_loop3A_136 : vector<16xi32>
      %parallel_loop3A_138 = arith.constant 511 : i32
      %parallel_loop3A_139 = vector.broadcast %parallel_loop3A_138 : i32 to vector<16xi32>
      %parallel_loop3A_140 = arith.andi %parallel_loop3A_137, %parallel_loop3A_139 : vector<16xi32>
      %parallel_loop3A_141 = arith.constant 0 : i32
      %parallel_loop3A_142 = vector.broadcast %parallel_loop3A_141 : i32 to vector<16xi32>
      %parallel_loop3A_143 = arith.select %parallel_loop3A_132, %parallel_loop3A_140, %parallel_loop3A_142 : vector<16xi1>, vector<16xi32>
      %parallel_loop3A_144 = arith.constant 127 : i32
      %parallel_loop3A_145 = vector.broadcast %parallel_loop3A_144 : i32 to vector<16xi32>
      %parallel_loop3A_146 = arith.andi %parallel_loop3A_127, %parallel_loop3A_145 : vector<16xi32>
      tpu.vector_store_idx %arg6[%parallel_loop3A_143, %parallel_loop3A_146], %broadcast_in_dim3A_2 masked %parallel_loop3A_132 {add = true} : memref<512x128xf32, #tpu.memory_space<vmem>>[vector<16xi32>, vector<16xi32>], vector<16xf32>, vector<16xi1>
      %parallel_loop3A_147 = arith.constant 0.000000e+00 : f32
      %parallel_loop3A_148 = vector.broadcast %parallel_loop3A_147 : f32 to vector<16xf32>
      %parallel_loop3A_149 = arith.select %parallel_loop3A_134, %parallel_loop3A_126, %parallel_loop3A_148 : vector<16xi1>, vector<16xf32>
      %parallel_loop3A_150 = arith.addf %parallel_loop3A_89, %parallel_loop3A_149 : vector<16xf32>
      %parallel_loop3A_151 = arith.mulf %parallel_loop3A_149, %parallel_loop3A_149 : vector<16xf32>
      %parallel_loop3A_152 = arith.addf %parallel_loop3A_90, %parallel_loop3A_151 : vector<16xf32>
      %parallel_loop3A_153 = arith.index_cast %parallel_loop3A_86 : i32 to index
      %parallel_loop3A_154 = arith.constant 32 : index
      %parallel_loop3A_155 = tpu.vector_load %arg7[%parallel_loop3A_153, %parallel_loop3A_154] {strides = array<i32>} : memref<128x128xf32, #tpu.memory_space<vmem>>, vector<16xf32>,
      %parallel_loop3A_156 = vector.bitcast %parallel_loop3A_155 : vector<16xf32> to vector<16xi32>
      %parallel_loop3A_157 = arith.constant 16 : i32
      %parallel_loop3A_158 = vector.broadcast %parallel_loop3A_157 : i32 to vector<16xi32>
      %parallel_loop3A_159 = arith.shrsi %parallel_loop3A_156, %parallel_loop3A_158 : vector<16xi32>
      %parallel_loop3A_160 = vector.broadcast %squeeze3A : i32 to vector<16xi32>
      %parallel_loop3A_161 = arith.cmpi eq, %parallel_loop3A_159, %parallel_loop3A_160 : vector<16xi32>
      %parallel_loop3A_162 = vector.broadcast %squeeze3A : i32 to vector<16xi32>
      %parallel_loop3A_163 = arith.cmpi sgt, %parallel_loop3A_159, %parallel_loop3A_162 : vector<16xi32>
      %parallel_loop3A_164 = arith.constant 7 : i32
      %parallel_loop3A_165 = vector.broadcast %parallel_loop3A_164 : i32 to vector<16xi32>
      %parallel_loop3A_166 = arith.shrsi %parallel_loop3A_156, %parallel_loop3A_165 : vector<16xi32>
      %parallel_loop3A_167 = arith.constant 511 : i32
      %parallel_loop3A_168 = vector.broadcast %parallel_loop3A_167 : i32 to vector<16xi32>
      %parallel_loop3A_169 = arith.andi %parallel_loop3A_166, %parallel_loop3A_168 : vector<16xi32>
      %parallel_loop3A_170 = arith.constant 0 : i32
      %parallel_loop3A_171 = vector.broadcast %parallel_loop3A_170 : i32 to vector<16xi32>
      %parallel_loop3A_172 = arith.select %parallel_loop3A_161, %parallel_loop3A_169, %parallel_loop3A_171 : vector<16xi1>, vector<16xi32>
      %parallel_loop3A_173 = arith.constant 127 : i32
      %parallel_loop3A_174 = vector.broadcast %parallel_loop3A_173 : i32 to vector<16xi32>
      %parallel_loop3A_175 = arith.andi %parallel_loop3A_156, %parallel_loop3A_174 : vector<16xi32>
      tpu.vector_store_idx %arg6[%parallel_loop3A_172, %parallel_loop3A_175], %broadcast_in_dim3A_2 masked %parallel_loop3A_161 {add = true} : memref<512x128xf32, #tpu.memory_space<vmem>>[vector<16xi32>, vector<16xi32>], vector<16xf32>, vector<16xi1>
      %parallel_loop3A_176 = arith.constant 0.000000e+00 : f32
      %parallel_loop3A_177 = vector.broadcast %parallel_loop3A_176 : f32 to vector<16xf32>
      %parallel_loop3A_178 = arith.select %parallel_loop3A_163, %parallel_loop3A_155, %parallel_loop3A_177 : vector<16xi1>, vector<16xf32>
      %parallel_loop3A_179 = arith.addf %parallel_loop3A_91, %parallel_loop3A_178 : vector<16xf32>
      %parallel_loop3A_180 = arith.mulf %parallel_loop3A_178, %parallel_loop3A_178 : vector<16xf32>
      %parallel_loop3A_181 = arith.addf %parallel_loop3A_92, %parallel_loop3A_180 : vector<16xf32>
      %parallel_loop3A_182 = arith.index_cast %parallel_loop3A_86 : i32 to index
      %parallel_loop3A_183 = arith.constant 48 : index
      %parallel_loop3A_184 = tpu.vector_load %arg7[%parallel_loop3A_182, %parallel_loop3A_183] {strides = array<i32>} : memref<128x128xf32, #tpu.memory_space<vmem>>, vector<16xf32>,
      %parallel_loop3A_185 = vector.bitcast %parallel_loop3A_184 : vector<16xf32> to vector<16xi32>
      %parallel_loop3A_186 = arith.constant 16 : i32
      %parallel_loop3A_187 = vector.broadcast %parallel_loop3A_186 : i32 to vector<16xi32>
      %parallel_loop3A_188 = arith.shrsi %parallel_loop3A_185, %parallel_loop3A_187 : vector<16xi32>
      %parallel_loop3A_189 = vector.broadcast %squeeze3A : i32 to vector<16xi32>
      %parallel_loop3A_190 = arith.cmpi eq, %parallel_loop3A_188, %parallel_loop3A_189 : vector<16xi32>
      %parallel_loop3A_191 = vector.broadcast %squeeze3A : i32 to vector<16xi32>
      %parallel_loop3A_192 = arith.cmpi sgt, %parallel_loop3A_188, %parallel_loop3A_191 : vector<16xi32>
      %parallel_loop3A_193 = arith.constant 7 : i32
      %parallel_loop3A_194 = vector.broadcast %parallel_loop3A_193 : i32 to vector<16xi32>
      %parallel_loop3A_195 = arith.shrsi %parallel_loop3A_185, %parallel_loop3A_194 : vector<16xi32>
      %parallel_loop3A_196 = arith.constant 511 : i32
      %parallel_loop3A_197 = vector.broadcast %parallel_loop3A_196 : i32 to vector<16xi32>
      %parallel_loop3A_198 = arith.andi %parallel_loop3A_195, %parallel_loop3A_197 : vector<16xi32>
      %parallel_loop3A_199 = arith.constant 0 : i32
      %parallel_loop3A_200 = vector.broadcast %parallel_loop3A_199 : i32 to vector<16xi32>
      %parallel_loop3A_201 = arith.select %parallel_loop3A_190, %parallel_loop3A_198, %parallel_loop3A_200 : vector<16xi1>, vector<16xi32>
      %parallel_loop3A_202 = arith.constant 127 : i32
      %parallel_loop3A_203 = vector.broadcast %parallel_loop3A_202 : i32 to vector<16xi32>
      %parallel_loop3A_204 = arith.andi %parallel_loop3A_185, %parallel_loop3A_203 : vector<16xi32>
      tpu.vector_store_idx %arg6[%parallel_loop3A_201, %parallel_loop3A_204], %broadcast_in_dim3A_2 masked %parallel_loop3A_190 {add = true} : memref<512x128xf32, #tpu.memory_space<vmem>>[vector<16xi32>, vector<16xi32>], vector<16xf32>, vector<16xi1>
      %parallel_loop3A_205 = arith.constant 0.000000e+00 : f32
      %parallel_loop3A_206 = vector.broadcast %parallel_loop3A_205 : f32 to vector<16xf32>
      %parallel_loop3A_207 = arith.select %parallel_loop3A_192, %parallel_loop3A_184, %parallel_loop3A_206 : vector<16xi1>, vector<16xf32>
      %parallel_loop3A_208 = arith.addf %parallel_loop3A_93, %parallel_loop3A_207 : vector<16xf32>
      %parallel_loop3A_209 = arith.mulf %parallel_loop3A_207, %parallel_loop3A_207 : vector<16xf32>
      %parallel_loop3A_210 = arith.addf %parallel_loop3A_94, %parallel_loop3A_209 : vector<16xf32>
      %parallel_loop3A_211 = arith.index_cast %parallel_loop3A_86 : i32 to index
      %parallel_loop3A_212 = arith.constant 64 : index
      %parallel_loop3A_213 = tpu.vector_load %arg7[%parallel_loop3A_211, %parallel_loop3A_212] {strides = array<i32>} : memref<128x128xf32, #tpu.memory_space<vmem>>, vector<16xf32>,
      %parallel_loop3A_214 = vector.bitcast %parallel_loop3A_213 : vector<16xf32> to vector<16xi32>
      %parallel_loop3A_215 = arith.constant 16 : i32
      %parallel_loop3A_216 = vector.broadcast %parallel_loop3A_215 : i32 to vector<16xi32>
      %parallel_loop3A_217 = arith.shrsi %parallel_loop3A_214, %parallel_loop3A_216 : vector<16xi32>
      %parallel_loop3A_218 = vector.broadcast %squeeze3A : i32 to vector<16xi32>
      %parallel_loop3A_219 = arith.cmpi eq, %parallel_loop3A_217, %parallel_loop3A_218 : vector<16xi32>
      %parallel_loop3A_220 = vector.broadcast %squeeze3A : i32 to vector<16xi32>
      %parallel_loop3A_221 = arith.cmpi sgt, %parallel_loop3A_217, %parallel_loop3A_220 : vector<16xi32>
      %parallel_loop3A_222 = arith.constant 7 : i32
      %parallel_loop3A_223 = vector.broadcast %parallel_loop3A_222 : i32 to vector<16xi32>
      %parallel_loop3A_224 = arith.shrsi %parallel_loop3A_214, %parallel_loop3A_223 : vector<16xi32>
      %parallel_loop3A_225 = arith.constant 511 : i32
      %parallel_loop3A_226 = vector.broadcast %parallel_loop3A_225 : i32 to vector<16xi32>
      %parallel_loop3A_227 = arith.andi %parallel_loop3A_224, %parallel_loop3A_226 : vector<16xi32>
      %parallel_loop3A_228 = arith.constant 0 : i32
      %parallel_loop3A_229 = vector.broadcast %parallel_loop3A_228 : i32 to vector<16xi32>
      %parallel_loop3A_230 = arith.select %parallel_loop3A_219, %parallel_loop3A_227, %parallel_loop3A_229 : vector<16xi1>, vector<16xi32>
      %parallel_loop3A_231 = arith.constant 127 : i32
      %parallel_loop3A_232 = vector.broadcast %parallel_loop3A_231 : i32 to vector<16xi32>
      %parallel_loop3A_233 = arith.andi %parallel_loop3A_214, %parallel_loop3A_232 : vector<16xi32>
      tpu.vector_store_idx %arg6[%parallel_loop3A_230, %parallel_loop3A_233], %broadcast_in_dim3A_2 masked %parallel_loop3A_219 {add = true} : memref<512x128xf32, #tpu.memory_space<vmem>>[vector<16xi32>, vector<16xi32>], vector<16xf32>, vector<16xi1>
      %parallel_loop3A_234 = arith.constant 0.000000e+00 : f32
      %parallel_loop3A_235 = vector.broadcast %parallel_loop3A_234 : f32 to vector<16xf32>
      %parallel_loop3A_236 = arith.select %parallel_loop3A_221, %parallel_loop3A_213, %parallel_loop3A_235 : vector<16xi1>, vector<16xf32>
      %parallel_loop3A_237 = arith.addf %parallel_loop3A_121, %parallel_loop3A_236 : vector<16xf32>
      %parallel_loop3A_238 = arith.mulf %parallel_loop3A_236, %parallel_loop3A_236 : vector<16xf32>
      %parallel_loop3A_239 = arith.addf %parallel_loop3A_123, %parallel_loop3A_238 : vector<16xf32>
      %parallel_loop3A_240 = arith.index_cast %parallel_loop3A_86 : i32 to index
      %parallel_loop3A_241 = arith.constant 80 : index
      %parallel_loop3A_242 = tpu.vector_load %arg7[%parallel_loop3A_240, %parallel_loop3A_241] {strides = array<i32>} : memref<128x128xf32, #tpu.memory_space<vmem>>, vector<16xf32>,
      %parallel_loop3A_243 = vector.bitcast %parallel_loop3A_242 : vector<16xf32> to vector<16xi32>
      %parallel_loop3A_244 = arith.constant 16 : i32
      %parallel_loop3A_245 = vector.broadcast %parallel_loop3A_244 : i32 to vector<16xi32>
      %parallel_loop3A_246 = arith.shrsi %parallel_loop3A_243, %parallel_loop3A_245 : vector<16xi32>
      %parallel_loop3A_247 = vector.broadcast %squeeze3A : i32 to vector<16xi32>
      %parallel_loop3A_248 = arith.cmpi eq, %parallel_loop3A_246, %parallel_loop3A_247 : vector<16xi32>
      %parallel_loop3A_249 = vector.broadcast %squeeze3A : i32 to vector<16xi32>
      %parallel_loop3A_250 = arith.cmpi sgt, %parallel_loop3A_246, %parallel_loop3A_249 : vector<16xi32>
      %parallel_loop3A_251 = arith.constant 7 : i32
      %parallel_loop3A_252 = vector.broadcast %parallel_loop3A_251 : i32 to vector<16xi32>
      %parallel_loop3A_253 = arith.shrsi %parallel_loop3A_243, %parallel_loop3A_252 : vector<16xi32>
      %parallel_loop3A_254 = arith.constant 511 : i32
      %parallel_loop3A_255 = vector.broadcast %parallel_loop3A_254 : i32 to vector<16xi32>
      %parallel_loop3A_256 = arith.andi %parallel_loop3A_253, %parallel_loop3A_255 : vector<16xi32>
      %parallel_loop3A_257 = arith.constant 0 : i32
      %parallel_loop3A_258 = vector.broadcast %parallel_loop3A_257 : i32 to vector<16xi32>
      %parallel_loop3A_259 = arith.select %parallel_loop3A_248, %parallel_loop3A_256, %parallel_loop3A_258 : vector<16xi1>, vector<16xi32>
      %parallel_loop3A_260 = arith.constant 127 : i32
      %parallel_loop3A_261 = vector.broadcast %parallel_loop3A_260 : i32 to vector<16xi32>
      %parallel_loop3A_262 = arith.andi %parallel_loop3A_243, %parallel_loop3A_261 : vector<16xi32>
      tpu.vector_store_idx %arg6[%parallel_loop3A_259, %parallel_loop3A_262], %broadcast_in_dim3A_2 masked %parallel_loop3A_248 {add = true} : memref<512x128xf32, #tpu.memory_space<vmem>>[vector<16xi32>, vector<16xi32>], vector<16xf32>, vector<16xi1>
      %parallel_loop3A_263 = arith.constant 0.000000e+00 : f32
      %parallel_loop3A_264 = vector.broadcast %parallel_loop3A_263 : f32 to vector<16xf32>
      %parallel_loop3A_265 = arith.select %parallel_loop3A_250, %parallel_loop3A_242, %parallel_loop3A_264 : vector<16xi1>, vector<16xf32>
      %parallel_loop3A_266 = arith.addf %parallel_loop3A_150, %parallel_loop3A_265 : vector<16xf32>
      %parallel_loop3A_267 = arith.mulf %parallel_loop3A_265, %parallel_loop3A_265 : vector<16xf32>
      %parallel_loop3A_268 = arith.addf %parallel_loop3A_152, %parallel_loop3A_267 : vector<16xf32>
      %parallel_loop3A_269 = arith.index_cast %parallel_loop3A_86 : i32 to index
      %parallel_loop3A_270 = arith.constant 96 : index
      %parallel_loop3A_271 = tpu.vector_load %arg7[%parallel_loop3A_269, %parallel_loop3A_270] {strides = array<i32>} : memref<128x128xf32, #tpu.memory_space<vmem>>, vector<16xf32>,
      %parallel_loop3A_272 = vector.bitcast %parallel_loop3A_271 : vector<16xf32> to vector<16xi32>
      %parallel_loop3A_273 = arith.constant 16 : i32
      %parallel_loop3A_274 = vector.broadcast %parallel_loop3A_273 : i32 to vector<16xi32>
      %parallel_loop3A_275 = arith.shrsi %parallel_loop3A_272, %parallel_loop3A_274 : vector<16xi32>
      %parallel_loop3A_276 = vector.broadcast %squeeze3A : i32 to vector<16xi32>
      %parallel_loop3A_277 = arith.cmpi eq, %parallel_loop3A_275, %parallel_loop3A_276 : vector<16xi32>
      %parallel_loop3A_278 = vector.broadcast %squeeze3A : i32 to vector<16xi32>
      %parallel_loop3A_279 = arith.cmpi sgt, %parallel_loop3A_275, %parallel_loop3A_278 : vector<16xi32>
      %parallel_loop3A_280 = arith.constant 7 : i32
      %parallel_loop3A_281 = vector.broadcast %parallel_loop3A_280 : i32 to vector<16xi32>
      %parallel_loop3A_282 = arith.shrsi %parallel_loop3A_272, %parallel_loop3A_281 : vector<16xi32>
      %parallel_loop3A_283 = arith.constant 511 : i32
      %parallel_loop3A_284 = vector.broadcast %parallel_loop3A_283 : i32 to vector<16xi32>
      %parallel_loop3A_285 = arith.andi %parallel_loop3A_282, %parallel_loop3A_284 : vector<16xi32>
      %parallel_loop3A_286 = arith.constant 0 : i32
      %parallel_loop3A_287 = vector.broadcast %parallel_loop3A_286 : i32 to vector<16xi32>
      %parallel_loop3A_288 = arith.select %parallel_loop3A_277, %parallel_loop3A_285, %parallel_loop3A_287 : vector<16xi1>, vector<16xi32>
      %parallel_loop3A_289 = arith.constant 127 : i32
      %parallel_loop3A_290 = vector.broadcast %parallel_loop3A_289 : i32 to vector<16xi32>
      %parallel_loop3A_291 = arith.andi %parallel_loop3A_272, %parallel_loop3A_290 : vector<16xi32>
      tpu.vector_store_idx %arg6[%parallel_loop3A_288, %parallel_loop3A_291], %broadcast_in_dim3A_2 masked %parallel_loop3A_277 {add = true} : memref<512x128xf32, #tpu.memory_space<vmem>>[vector<16xi32>, vector<16xi32>], vector<16xf32>, vector<16xi1>
      %parallel_loop3A_292 = arith.constant 0.000000e+00 : f32
      %parallel_loop3A_293 = vector.broadcast %parallel_loop3A_292 : f32 to vector<16xf32>
      %parallel_loop3A_294 = arith.select %parallel_loop3A_279, %parallel_loop3A_271, %parallel_loop3A_293 : vector<16xi1>, vector<16xf32>
      %parallel_loop3A_295 = arith.addf %parallel_loop3A_179, %parallel_loop3A_294 : vector<16xf32>
      %parallel_loop3A_296 = arith.mulf %parallel_loop3A_294, %parallel_loop3A_294 : vector<16xf32>
      %parallel_loop3A_297 = arith.addf %parallel_loop3A_181, %parallel_loop3A_296 : vector<16xf32>
      %parallel_loop3A_298 = arith.index_cast %parallel_loop3A_86 : i32 to index
      %parallel_loop3A_299 = arith.constant 112 : index
      %parallel_loop3A_300 = tpu.vector_load %arg7[%parallel_loop3A_298, %parallel_loop3A_299] {strides = array<i32>} : memref<128x128xf32, #tpu.memory_space<vmem>>, vector<16xf32>,
      %parallel_loop3A_301 = vector.bitcast %parallel_loop3A_300 : vector<16xf32> to vector<16xi32>
      %parallel_loop3A_302 = arith.constant 16 : i32
      %parallel_loop3A_303 = vector.broadcast %parallel_loop3A_302 : i32 to vector<16xi32>
      %parallel_loop3A_304 = arith.shrsi %parallel_loop3A_301, %parallel_loop3A_303 : vector<16xi32>
      %parallel_loop3A_305 = vector.broadcast %squeeze3A : i32 to vector<16xi32>
      %parallel_loop3A_306 = arith.cmpi eq, %parallel_loop3A_304, %parallel_loop3A_305 : vector<16xi32>
      %parallel_loop3A_307 = vector.broadcast %squeeze3A : i32 to vector<16xi32>
      %parallel_loop3A_308 = arith.cmpi sgt, %parallel_loop3A_304, %parallel_loop3A_307 : vector<16xi32>
      %parallel_loop3A_309 = arith.constant 7 : i32
      %parallel_loop3A_310 = vector.broadcast %parallel_loop3A_309 : i32 to vector<16xi32>
      %parallel_loop3A_311 = arith.shrsi %parallel_loop3A_301, %parallel_loop3A_310 : vector<16xi32>
      %parallel_loop3A_312 = arith.constant 511 : i32
      %parallel_loop3A_313 = vector.broadcast %parallel_loop3A_312 : i32 to vector<16xi32>
      %parallel_loop3A_314 = arith.andi %parallel_loop3A_311, %parallel_loop3A_313 : vector<16xi32>
      %parallel_loop3A_315 = arith.constant 0 : i32
      %parallel_loop3A_316 = vector.broadcast %parallel_loop3A_315 : i32 to vector<16xi32>
      %parallel_loop3A_317 = arith.select %parallel_loop3A_306, %parallel_loop3A_314, %parallel_loop3A_316 : vector<16xi1>, vector<16xi32>
      %parallel_loop3A_318 = arith.constant 127 : i32
      %parallel_loop3A_319 = vector.broadcast %parallel_loop3A_318 : i32 to vector<16xi32>
      %parallel_loop3A_320 = arith.andi %parallel_loop3A_301, %parallel_loop3A_319 : vector<16xi32>
      tpu.vector_store_idx %arg6[%parallel_loop3A_317, %parallel_loop3A_320], %broadcast_in_dim3A_2 masked %parallel_loop3A_306 {add = true} : memref<512x128xf32, #tpu.memory_space<vmem>>[vector<16xi32>, vector<16xi32>], vector<16xf32>, vector<16xi1>
      %parallel_loop3A_321 = arith.constant 0.000000e+00 : f32
      %parallel_loop3A_322 = vector.broadcast %parallel_loop3A_321 : f32 to vector<16xf32>
      %parallel_loop3A_323 = arith.select %parallel_loop3A_308, %parallel_loop3A_300, %parallel_loop3A_322 : vector<16xi1>, vector<16xf32>
      %parallel_loop3A_324 = arith.addf %parallel_loop3A_208, %parallel_loop3A_323 : vector<16xf32>
      %parallel_loop3A_325 = arith.mulf %parallel_loop3A_323, %parallel_loop3A_323 : vector<16xf32>
      %parallel_loop3A_326 = arith.addf %parallel_loop3A_210, %parallel_loop3A_325 : vector<16xf32>
      scf.yield %parallel_loop3A_237, %parallel_loop3A_239, %parallel_loop3A_266, %parallel_loop3A_268, %parallel_loop3A_295, %parallel_loop3A_297, %parallel_loop3A_324, %parallel_loop3A_326 : vector<16xf32>, vector<16xf32>, vector<16xf32>, vector<16xf32>, vector<16xf32>, vector<16xf32>, vector<16xf32>, vector<16xf32>
    } {sc.loop_unroll_factor = 2 : i64, sc.parallel_access}
    %dma_wait3A_55 = arith.constant 0 : i32
    %dma_wait3A_56 = tpu.memref_slice %arg2[%add3A_42, %dma_wait3A_55] : memref<16384x128xf32, #tpu.memory_space<hbm>> -> memref<128x128xf32, #tpu.memory_space<hbm>>
    %dma_wait3A_57 = arith.constant 0 : i32
    %dma_wait3A_58 = tpu.memref_slice %arg2[%add3A_42, %dma_wait3A_57] : memref<16384x128xf32, #tpu.memory_space<hbm>> -> memref<128x128xf32, #tpu.memory_space<hbm>>
    tpu.wait_dma2 semaphore(%arg12 : memref<!tpu.dma_semaphore, #tpu.memory_space<semaphore_mem>>) src(%dma_wait3A_58 : memref<128x128xf32, #tpu.memory_space<hbm>>) dst(%arg8 : memref<128x128xf32, #tpu.memory_space<vmem>>)
    %parallel_loop3A_59 = arith.constant 0 : i32
    %parallel_loop3A_60 = arith.constant 128 : i32
    %parallel_loop3A_61 = arith.constant 1 : i32
    %parallel_loop3A_62:8 = scf.for %parallel_loop3A_86 = %parallel_loop3A_59 to %parallel_loop3A_60 step %parallel_loop3A_61 iter_args(%parallel_loop3A_87 = %parallel_loop3A_54#0, %parallel_loop3A_88 = %parallel_loop3A_54#1, %parallel_loop3A_89 = %parallel_loop3A_54#2, %parallel_loop3A_90 = %parallel_loop3A_54#3, %parallel_loop3A_91 = %parallel_loop3A_54#4, %parallel_loop3A_92 = %parallel_loop3A_54#5, %parallel_loop3A_93 = %parallel_loop3A_54#6, %parallel_loop3A_94 = %parallel_loop3A_54#7) -> (vector<16xf32>, vector<16xf32>, vector<16xf32>, vector<16xf32>, vector<16xf32>, vector<16xf32>, vector<16xf32>, vector<16xf32>)  : i32 {
      %parallel_loop3A_95 = arith.index_cast %parallel_loop3A_86 : i32 to index
      %parallel_loop3A_96 = arith.constant 0 : index
      %parallel_loop3A_97 = tpu.vector_load %arg8[%parallel_loop3A_95, %parallel_loop3A_96] {strides = array<i32>} : memref<128x128xf32, #tpu.memory_space<vmem>>, vector<16xf32>,
      %parallel_loop3A_98 = vector.bitcast %parallel_loop3A_97 : vector<16xf32> to vector<16xi32>
      %parallel_loop3A_99 = arith.constant 16 : i32
      %parallel_loop3A_100 = vector.broadcast %parallel_loop3A_99 : i32 to vector<16xi32>
      %parallel_loop3A_101 = arith.shrsi %parallel_loop3A_98, %parallel_loop3A_100 : vector<16xi32>
      %parallel_loop3A_102 = vector.broadcast %squeeze3A : i32 to vector<16xi32>
      %parallel_loop3A_103 = arith.cmpi eq, %parallel_loop3A_101, %parallel_loop3A_102 : vector<16xi32>
      %parallel_loop3A_104 = vector.broadcast %squeeze3A : i32 to vector<16xi32>
      %parallel_loop3A_105 = arith.cmpi sgt, %parallel_loop3A_101, %parallel_loop3A_104 : vector<16xi32>
      %parallel_loop3A_106 = arith.constant 7 : i32
      %parallel_loop3A_107 = vector.broadcast %parallel_loop3A_106 : i32 to vector<16xi32>
      %parallel_loop3A_108 = arith.shrsi %parallel_loop3A_98, %parallel_loop3A_107 : vector<16xi32>
      %parallel_loop3A_109 = arith.constant 511 : i32
      %parallel_loop3A_110 = vector.broadcast %parallel_loop3A_109 : i32 to vector<16xi32>
      %parallel_loop3A_111 = arith.andi %parallel_loop3A_108, %parallel_loop3A_110 : vector<16xi32>
      %parallel_loop3A_112 = arith.constant 0 : i32
      %parallel_loop3A_113 = vector.broadcast %parallel_loop3A_112 : i32 to vector<16xi32>
      %parallel_loop3A_114 = arith.select %parallel_loop3A_103, %parallel_loop3A_111, %parallel_loop3A_113 : vector<16xi1>, vector<16xi32>
      %parallel_loop3A_115 = arith.constant 127 : i32
      %parallel_loop3A_116 = vector.broadcast %parallel_loop3A_115 : i32 to vector<16xi32>
      %parallel_loop3A_117 = arith.andi %parallel_loop3A_98, %parallel_loop3A_116 : vector<16xi32>
      tpu.vector_store_idx %arg6[%parallel_loop3A_114, %parallel_loop3A_117], %broadcast_in_dim3A_2 masked %parallel_loop3A_103 {add = true} : memref<512x128xf32, #tpu.memory_space<vmem>>[vector<16xi32>, vector<16xi32>], vector<16xf32>, vector<16xi1>
      %parallel_loop3A_118 = arith.constant 0.000000e+00 : f32
      %parallel_loop3A_119 = vector.broadcast %parallel_loop3A_118 : f32 to vector<16xf32>
      %parallel_loop3A_120 = arith.select %parallel_loop3A_105, %parallel_loop3A_97, %parallel_loop3A_119 : vector<16xi1>, vector<16xf32>
      %parallel_loop3A_121 = arith.addf %parallel_loop3A_87, %parallel_loop3A_120 : vector<16xf32>
      %parallel_loop3A_122 = arith.mulf %parallel_loop3A_120, %parallel_loop3A_120 : vector<16xf32>
      %parallel_loop3A_123 = arith.addf %parallel_loop3A_88, %parallel_loop3A_122 : vector<16xf32>
      %parallel_loop3A_124 = arith.index_cast %parallel_loop3A_86 : i32 to index
      %parallel_loop3A_125 = arith.constant 16 : index
      %parallel_loop3A_126 = tpu.vector_load %arg8[%parallel_loop3A_124, %parallel_loop3A_125] {strides = array<i32>} : memref<128x128xf32, #tpu.memory_space<vmem>>, vector<16xf32>,
      %parallel_loop3A_127 = vector.bitcast %parallel_loop3A_126 : vector<16xf32> to vector<16xi32>
      %parallel_loop3A_128 = arith.constant 16 : i32
      %parallel_loop3A_129 = vector.broadcast %parallel_loop3A_128 : i32 to vector<16xi32>
      %parallel_loop3A_130 = arith.shrsi %parallel_loop3A_127, %parallel_loop3A_129 : vector<16xi32>
      %parallel_loop3A_131 = vector.broadcast %squeeze3A : i32 to vector<16xi32>
      %parallel_loop3A_132 = arith.cmpi eq, %parallel_loop3A_130, %parallel_loop3A_131 : vector<16xi32>
      %parallel_loop3A_133 = vector.broadcast %squeeze3A : i32 to vector<16xi32>
      %parallel_loop3A_134 = arith.cmpi sgt, %parallel_loop3A_130, %parallel_loop3A_133 : vector<16xi32>
      %parallel_loop3A_135 = arith.constant 7 : i32
      %parallel_loop3A_136 = vector.broadcast %parallel_loop3A_135 : i32 to vector<16xi32>
      %parallel_loop3A_137 = arith.shrsi %parallel_loop3A_127, %parallel_loop3A_136 : vector<16xi32>
      %parallel_loop3A_138 = arith.constant 511 : i32
      %parallel_loop3A_139 = vector.broadcast %parallel_loop3A_138 : i32 to vector<16xi32>
      %parallel_loop3A_140 = arith.andi %parallel_loop3A_137, %parallel_loop3A_139 : vector<16xi32>
      %parallel_loop3A_141 = arith.constant 0 : i32
      %parallel_loop3A_142 = vector.broadcast %parallel_loop3A_141 : i32 to vector<16xi32>
      %parallel_loop3A_143 = arith.select %parallel_loop3A_132, %parallel_loop3A_140, %parallel_loop3A_142 : vector<16xi1>, vector<16xi32>
      %parallel_loop3A_144 = arith.constant 127 : i32
      %parallel_loop3A_145 = vector.broadcast %parallel_loop3A_144 : i32 to vector<16xi32>
      %parallel_loop3A_146 = arith.andi %parallel_loop3A_127, %parallel_loop3A_145 : vector<16xi32>
      tpu.vector_store_idx %arg6[%parallel_loop3A_143, %parallel_loop3A_146], %broadcast_in_dim3A_2 masked %parallel_loop3A_132 {add = true} : memref<512x128xf32, #tpu.memory_space<vmem>>[vector<16xi32>, vector<16xi32>], vector<16xf32>, vector<16xi1>
      %parallel_loop3A_147 = arith.constant 0.000000e+00 : f32
      %parallel_loop3A_148 = vector.broadcast %parallel_loop3A_147 : f32 to vector<16xf32>
      %parallel_loop3A_149 = arith.select %parallel_loop3A_134, %parallel_loop3A_126, %parallel_loop3A_148 : vector<16xi1>, vector<16xf32>
      %parallel_loop3A_150 = arith.addf %parallel_loop3A_89, %parallel_loop3A_149 : vector<16xf32>
      %parallel_loop3A_151 = arith.mulf %parallel_loop3A_149, %parallel_loop3A_149 : vector<16xf32>
      %parallel_loop3A_152 = arith.addf %parallel_loop3A_90, %parallel_loop3A_151 : vector<16xf32>
      %parallel_loop3A_153 = arith.index_cast %parallel_loop3A_86 : i32 to index
      %parallel_loop3A_154 = arith.constant 32 : index
      %parallel_loop3A_155 = tpu.vector_load %arg8[%parallel_loop3A_153, %parallel_loop3A_154] {strides = array<i32>} : memref<128x128xf32, #tpu.memory_space<vmem>>, vector<16xf32>,
      %parallel_loop3A_156 = vector.bitcast %parallel_loop3A_155 : vector<16xf32> to vector<16xi32>
      %parallel_loop3A_157 = arith.constant 16 : i32
      %parallel_loop3A_158 = vector.broadcast %parallel_loop3A_157 : i32 to vector<16xi32>
      %parallel_loop3A_159 = arith.shrsi %parallel_loop3A_156, %parallel_loop3A_158 : vector<16xi32>
      %parallel_loop3A_160 = vector.broadcast %squeeze3A : i32 to vector<16xi32>
      %parallel_loop3A_161 = arith.cmpi eq, %parallel_loop3A_159, %parallel_loop3A_160 : vector<16xi32>
      %parallel_loop3A_162 = vector.broadcast %squeeze3A : i32 to vector<16xi32>
      %parallel_loop3A_163 = arith.cmpi sgt, %parallel_loop3A_159, %parallel_loop3A_162 : vector<16xi32>
      %parallel_loop3A_164 = arith.constant 7 : i32
      %parallel_loop3A_165 = vector.broadcast %parallel_loop3A_164 : i32 to vector<16xi32>
      %parallel_loop3A_166 = arith.shrsi %parallel_loop3A_156, %parallel_loop3A_165 : vector<16xi32>
      %parallel_loop3A_167 = arith.constant 511 : i32
      %parallel_loop3A_168 = vector.broadcast %parallel_loop3A_167 : i32 to vector<16xi32>
      %parallel_loop3A_169 = arith.andi %parallel_loop3A_166, %parallel_loop3A_168 : vector<16xi32>
      %parallel_loop3A_170 = arith.constant 0 : i32
      %parallel_loop3A_171 = vector.broadcast %parallel_loop3A_170 : i32 to vector<16xi32>
      %parallel_loop3A_172 = arith.select %parallel_loop3A_161, %parallel_loop3A_169, %parallel_loop3A_171 : vector<16xi1>, vector<16xi32>
      %parallel_loop3A_173 = arith.constant 127 : i32
      %parallel_loop3A_174 = vector.broadcast %parallel_loop3A_173 : i32 to vector<16xi32>
      %parallel_loop3A_175 = arith.andi %parallel_loop3A_156, %parallel_loop3A_174 : vector<16xi32>
      tpu.vector_store_idx %arg6[%parallel_loop3A_172, %parallel_loop3A_175], %broadcast_in_dim3A_2 masked %parallel_loop3A_161 {add = true} : memref<512x128xf32, #tpu.memory_space<vmem>>[vector<16xi32>, vector<16xi32>], vector<16xf32>, vector<16xi1>
      %parallel_loop3A_176 = arith.constant 0.000000e+00 : f32
      %parallel_loop3A_177 = vector.broadcast %parallel_loop3A_176 : f32 to vector<16xf32>
      %parallel_loop3A_178 = arith.select %parallel_loop3A_163, %parallel_loop3A_155, %parallel_loop3A_177 : vector<16xi1>, vector<16xf32>
      %parallel_loop3A_179 = arith.addf %parallel_loop3A_91, %parallel_loop3A_178 : vector<16xf32>
      %parallel_loop3A_180 = arith.mulf %parallel_loop3A_178, %parallel_loop3A_178 : vector<16xf32>
      %parallel_loop3A_181 = arith.addf %parallel_loop3A_92, %parallel_loop3A_180 : vector<16xf32>
      %parallel_loop3A_182 = arith.index_cast %parallel_loop3A_86 : i32 to index
      %parallel_loop3A_183 = arith.constant 48 : index
      %parallel_loop3A_184 = tpu.vector_load %arg8[%parallel_loop3A_182, %parallel_loop3A_183] {strides = array<i32>} : memref<128x128xf32, #tpu.memory_space<vmem>>, vector<16xf32>,
      %parallel_loop3A_185 = vector.bitcast %parallel_loop3A_184 : vector<16xf32> to vector<16xi32>
      %parallel_loop3A_186 = arith.constant 16 : i32
      %parallel_loop3A_187 = vector.broadcast %parallel_loop3A_186 : i32 to vector<16xi32>
      %parallel_loop3A_188 = arith.shrsi %parallel_loop3A_185, %parallel_loop3A_187 : vector<16xi32>
      %parallel_loop3A_189 = vector.broadcast %squeeze3A : i32 to vector<16xi32>
      %parallel_loop3A_190 = arith.cmpi eq, %parallel_loop3A_188, %parallel_loop3A_189 : vector<16xi32>
      %parallel_loop3A_191 = vector.broadcast %squeeze3A : i32 to vector<16xi32>
      %parallel_loop3A_192 = arith.cmpi sgt, %parallel_loop3A_188, %parallel_loop3A_191 : vector<16xi32>
      %parallel_loop3A_193 = arith.constant 7 : i32
      %parallel_loop3A_194 = vector.broadcast %parallel_loop3A_193 : i32 to vector<16xi32>
      %parallel_loop3A_195 = arith.shrsi %parallel_loop3A_185, %parallel_loop3A_194 : vector<16xi32>
      %parallel_loop3A_196 = arith.constant 511 : i32
      %parallel_loop3A_197 = vector.broadcast %parallel_loop3A_196 : i32 to vector<16xi32>
      %parallel_loop3A_198 = arith.andi %parallel_loop3A_195, %parallel_loop3A_197 : vector<16xi32>
      %parallel_loop3A_199 = arith.constant 0 : i32
      %parallel_loop3A_200 = vector.broadcast %parallel_loop3A_199 : i32 to vector<16xi32>
      %parallel_loop3A_201 = arith.select %parallel_loop3A_190, %parallel_loop3A_198, %parallel_loop3A_200 : vector<16xi1>, vector<16xi32>
      %parallel_loop3A_202 = arith.constant 127 : i32
      %parallel_loop3A_203 = vector.broadcast %parallel_loop3A_202 : i32 to vector<16xi32>
      %parallel_loop3A_204 = arith.andi %parallel_loop3A_185, %parallel_loop3A_203 : vector<16xi32>
      tpu.vector_store_idx %arg6[%parallel_loop3A_201, %parallel_loop3A_204], %broadcast_in_dim3A_2 masked %parallel_loop3A_190 {add = true} : memref<512x128xf32, #tpu.memory_space<vmem>>[vector<16xi32>, vector<16xi32>], vector<16xf32>, vector<16xi1>
      %parallel_loop3A_205 = arith.constant 0.000000e+00 : f32
      %parallel_loop3A_206 = vector.broadcast %parallel_loop3A_205 : f32 to vector<16xf32>
      %parallel_loop3A_207 = arith.select %parallel_loop3A_192, %parallel_loop3A_184, %parallel_loop3A_206 : vector<16xi1>, vector<16xf32>
      %parallel_loop3A_208 = arith.addf %parallel_loop3A_93, %parallel_loop3A_207 : vector<16xf32>
      %parallel_loop3A_209 = arith.mulf %parallel_loop3A_207, %parallel_loop3A_207 : vector<16xf32>
      %parallel_loop3A_210 = arith.addf %parallel_loop3A_94, %parallel_loop3A_209 : vector<16xf32>
      %parallel_loop3A_211 = arith.index_cast %parallel_loop3A_86 : i32 to index
      %parallel_loop3A_212 = arith.constant 64 : index
      %parallel_loop3A_213 = tpu.vector_load %arg8[%parallel_loop3A_211, %parallel_loop3A_212] {strides = array<i32>} : memref<128x128xf32, #tpu.memory_space<vmem>>, vector<16xf32>,
      %parallel_loop3A_214 = vector.bitcast %parallel_loop3A_213 : vector<16xf32> to vector<16xi32>
      %parallel_loop3A_215 = arith.constant 16 : i32
      %parallel_loop3A_216 = vector.broadcast %parallel_loop3A_215 : i32 to vector<16xi32>
      %parallel_loop3A_217 = arith.shrsi %parallel_loop3A_214, %parallel_loop3A_216 : vector<16xi32>
      %parallel_loop3A_218 = vector.broadcast %squeeze3A : i32 to vector<16xi32>
      %parallel_loop3A_219 = arith.cmpi eq, %parallel_loop3A_217, %parallel_loop3A_218 : vector<16xi32>
      %parallel_loop3A_220 = vector.broadcast %squeeze3A : i32 to vector<16xi32>
      %parallel_loop3A_221 = arith.cmpi sgt, %parallel_loop3A_217, %parallel_loop3A_220 : vector<16xi32>
      %parallel_loop3A_222 = arith.constant 7 : i32
      %parallel_loop3A_223 = vector.broadcast %parallel_loop3A_222 : i32 to vector<16xi32>
      %parallel_loop3A_224 = arith.shrsi %parallel_loop3A_214, %parallel_loop3A_223 : vector<16xi32>
      %parallel_loop3A_225 = arith.constant 511 : i32
      %parallel_loop3A_226 = vector.broadcast %parallel_loop3A_225 : i32 to vector<16xi32>
      %parallel_loop3A_227 = arith.andi %parallel_loop3A_224, %parallel_loop3A_226 : vector<16xi32>
      %parallel_loop3A_228 = arith.constant 0 : i32
      %parallel_loop3A_229 = vector.broadcast %parallel_loop3A_228 : i32 to vector<16xi32>
      %parallel_loop3A_230 = arith.select %parallel_loop3A_219, %parallel_loop3A_227, %parallel_loop3A_229 : vector<16xi1>, vector<16xi32>
      %parallel_loop3A_231 = arith.constant 127 : i32
      %parallel_loop3A_232 = vector.broadcast %parallel_loop3A_231 : i32 to vector<16xi32>
      %parallel_loop3A_233 = arith.andi %parallel_loop3A_214, %parallel_loop3A_232 : vector<16xi32>
      tpu.vector_store_idx %arg6[%parallel_loop3A_230, %parallel_loop3A_233], %broadcast_in_dim3A_2 masked %parallel_loop3A_219 {add = true} : memref<512x128xf32, #tpu.memory_space<vmem>>[vector<16xi32>, vector<16xi32>], vector<16xf32>, vector<16xi1>
      %parallel_loop3A_234 = arith.constant 0.000000e+00 : f32
      %parallel_loop3A_235 = vector.broadcast %parallel_loop3A_234 : f32 to vector<16xf32>
      %parallel_loop3A_236 = arith.select %parallel_loop3A_221, %parallel_loop3A_213, %parallel_loop3A_235 : vector<16xi1>, vector<16xf32>
      %parallel_loop3A_237 = arith.addf %parallel_loop3A_121, %parallel_loop3A_236 : vector<16xf32>
      %parallel_loop3A_238 = arith.mulf %parallel_loop3A_236, %parallel_loop3A_236 : vector<16xf32>
      %parallel_loop3A_239 = arith.addf %parallel_loop3A_123, %parallel_loop3A_238 : vector<16xf32>
      %parallel_loop3A_240 = arith.index_cast %parallel_loop3A_86 : i32 to index
      %parallel_loop3A_241 = arith.constant 80 : index
      %parallel_loop3A_242 = tpu.vector_load %arg8[%parallel_loop3A_240, %parallel_loop3A_241] {strides = array<i32>} : memref<128x128xf32, #tpu.memory_space<vmem>>, vector<16xf32>,
      %parallel_loop3A_243 = vector.bitcast %parallel_loop3A_242 : vector<16xf32> to vector<16xi32>
      %parallel_loop3A_244 = arith.constant 16 : i32
      %parallel_loop3A_245 = vector.broadcast %parallel_loop3A_244 : i32 to vector<16xi32>
      %parallel_loop3A_246 = arith.shrsi %parallel_loop3A_243, %parallel_loop3A_245 : vector<16xi32>
      %parallel_loop3A_247 = vector.broadcast %squeeze3A : i32 to vector<16xi32>
      %parallel_loop3A_248 = arith.cmpi eq, %parallel_loop3A_246, %parallel_loop3A_247 : vector<16xi32>
      %parallel_loop3A_249 = vector.broadcast %squeeze3A : i32 to vector<16xi32>
      %parallel_loop3A_250 = arith.cmpi sgt, %parallel_loop3A_246, %parallel_loop3A_249 : vector<16xi32>
      %parallel_loop3A_251 = arith.constant 7 : i32
      %parallel_loop3A_252 = vector.broadcast %parallel_loop3A_251 : i32 to vector<16xi32>
      %parallel_loop3A_253 = arith.shrsi %parallel_loop3A_243, %parallel_loop3A_252 : vector<16xi32>
      %parallel_loop3A_254 = arith.constant 511 : i32
      %parallel_loop3A_255 = vector.broadcast %parallel_loop3A_254 : i32 to vector<16xi32>
      %parallel_loop3A_256 = arith.andi %parallel_loop3A_253, %parallel_loop3A_255 : vector<16xi32>
      %parallel_loop3A_257 = arith.constant 0 : i32
      %parallel_loop3A_258 = vector.broadcast %parallel_loop3A_257 : i32 to vector<16xi32>
      %parallel_loop3A_259 = arith.select %parallel_loop3A_248, %parallel_loop3A_256, %parallel_loop3A_258 : vector<16xi1>, vector<16xi32>
      %parallel_loop3A_260 = arith.constant 127 : i32
      %parallel_loop3A_261 = vector.broadcast %parallel_loop3A_260 : i32 to vector<16xi32>
      %parallel_loop3A_262 = arith.andi %parallel_loop3A_243, %parallel_loop3A_261 : vector<16xi32>
      tpu.vector_store_idx %arg6[%parallel_loop3A_259, %parallel_loop3A_262], %broadcast_in_dim3A_2 masked %parallel_loop3A_248 {add = true} : memref<512x128xf32, #tpu.memory_space<vmem>>[vector<16xi32>, vector<16xi32>], vector<16xf32>, vector<16xi1>
      %parallel_loop3A_263 = arith.constant 0.000000e+00 : f32
      %parallel_loop3A_264 = vector.broadcast %parallel_loop3A_263 : f32 to vector<16xf32>
      %parallel_loop3A_265 = arith.select %parallel_loop3A_250, %parallel_loop3A_242, %parallel_loop3A_264 : vector<16xi1>, vector<16xf32>
      %parallel_loop3A_266 = arith.addf %parallel_loop3A_150, %parallel_loop3A_265 : vector<16xf32>
      %parallel_loop3A_267 = arith.mulf %parallel_loop3A_265, %parallel_loop3A_265 : vector<16xf32>
      %parallel_loop3A_268 = arith.addf %parallel_loop3A_152, %parallel_loop3A_267 : vector<16xf32>
      %parallel_loop3A_269 = arith.index_cast %parallel_loop3A_86 : i32 to index
      %parallel_loop3A_270 = arith.constant 96 : index
      %parallel_loop3A_271 = tpu.vector_load %arg8[%parallel_loop3A_269, %parallel_loop3A_270] {strides = array<i32>} : memref<128x128xf32, #tpu.memory_space<vmem>>, vector<16xf32>,
      %parallel_loop3A_272 = vector.bitcast %parallel_loop3A_271 : vector<16xf32> to vector<16xi32>
      %parallel_loop3A_273 = arith.constant 16 : i32
      %parallel_loop3A_274 = vector.broadcast %parallel_loop3A_273 : i32 to vector<16xi32>
      %parallel_loop3A_275 = arith.shrsi %parallel_loop3A_272, %parallel_loop3A_274 : vector<16xi32>
      %parallel_loop3A_276 = vector.broadcast %squeeze3A : i32 to vector<16xi32>
      %parallel_loop3A_277 = arith.cmpi eq, %parallel_loop3A_275, %parallel_loop3A_276 : vector<16xi32>
      %parallel_loop3A_278 = vector.broadcast %squeeze3A : i32 to vector<16xi32>
      %parallel_loop3A_279 = arith.cmpi sgt, %parallel_loop3A_275, %parallel_loop3A_278 : vector<16xi32>
      %parallel_loop3A_280 = arith.constant 7 : i32
      %parallel_loop3A_281 = vector.broadcast %parallel_loop3A_280 : i32 to vector<16xi32>
      %parallel_loop3A_282 = arith.shrsi %parallel_loop3A_272, %parallel_loop3A_281 : vector<16xi32>
      %parallel_loop3A_283 = arith.constant 511 : i32
      %parallel_loop3A_284 = vector.broadcast %parallel_loop3A_283 : i32 to vector<16xi32>
      %parallel_loop3A_285 = arith.andi %parallel_loop3A_282, %parallel_loop3A_284 : vector<16xi32>
      %parallel_loop3A_286 = arith.constant 0 : i32
      %parallel_loop3A_287 = vector.broadcast %parallel_loop3A_286 : i32 to vector<16xi32>
      %parallel_loop3A_288 = arith.select %parallel_loop3A_277, %parallel_loop3A_285, %parallel_loop3A_287 : vector<16xi1>, vector<16xi32>
      %parallel_loop3A_289 = arith.constant 127 : i32
      %parallel_loop3A_290 = vector.broadcast %parallel_loop3A_289 : i32 to vector<16xi32>
      %parallel_loop3A_291 = arith.andi %parallel_loop3A_272, %parallel_loop3A_290 : vector<16xi32>
      tpu.vector_store_idx %arg6[%parallel_loop3A_288, %parallel_loop3A_291], %broadcast_in_dim3A_2 masked %parallel_loop3A_277 {add = true} : memref<512x128xf32, #tpu.memory_space<vmem>>[vector<16xi32>, vector<16xi32>], vector<16xf32>, vector<16xi1>
      %parallel_loop3A_292 = arith.constant 0.000000e+00 : f32
      %parallel_loop3A_293 = vector.broadcast %parallel_loop3A_292 : f32 to vector<16xf32>
      %parallel_loop3A_294 = arith.select %parallel_loop3A_279, %parallel_loop3A_271, %parallel_loop3A_293 : vector<16xi1>, vector<16xf32>
      %parallel_loop3A_295 = arith.addf %parallel_loop3A_179, %parallel_loop3A_294 : vector<16xf32>
      %parallel_loop3A_296 = arith.mulf %parallel_loop3A_294, %parallel_loop3A_294 : vector<16xf32>
      %parallel_loop3A_297 = arith.addf %parallel_loop3A_181, %parallel_loop3A_296 : vector<16xf32>
      %parallel_loop3A_298 = arith.index_cast %parallel_loop3A_86 : i32 to index
      %parallel_loop3A_299 = arith.constant 112 : index
      %parallel_loop3A_300 = tpu.vector_load %arg8[%parallel_loop3A_298, %parallel_loop3A_299] {strides = array<i32>} : memref<128x128xf32, #tpu.memory_space<vmem>>, vector<16xf32>,
      %parallel_loop3A_301 = vector.bitcast %parallel_loop3A_300 : vector<16xf32> to vector<16xi32>
      %parallel_loop3A_302 = arith.constant 16 : i32
      %parallel_loop3A_303 = vector.broadcast %parallel_loop3A_302 : i32 to vector<16xi32>
      %parallel_loop3A_304 = arith.shrsi %parallel_loop3A_301, %parallel_loop3A_303 : vector<16xi32>
      %parallel_loop3A_305 = vector.broadcast %squeeze3A : i32 to vector<16xi32>
      %parallel_loop3A_306 = arith.cmpi eq, %parallel_loop3A_304, %parallel_loop3A_305 : vector<16xi32>
      %parallel_loop3A_307 = vector.broadcast %squeeze3A : i32 to vector<16xi32>
      %parallel_loop3A_308 = arith.cmpi sgt, %parallel_loop3A_304, %parallel_loop3A_307 : vector<16xi32>
      %parallel_loop3A_309 = arith.constant 7 : i32
      %parallel_loop3A_310 = vector.broadcast %parallel_loop3A_309 : i32 to vector<16xi32>
      %parallel_loop3A_311 = arith.shrsi %parallel_loop3A_301, %parallel_loop3A_310 : vector<16xi32>
      %parallel_loop3A_312 = arith.constant 511 : i32
      %parallel_loop3A_313 = vector.broadcast %parallel_loop3A_312 : i32 to vector<16xi32>
      %parallel_loop3A_314 = arith.andi %parallel_loop3A_311, %parallel_loop3A_313 : vector<16xi32>
      %parallel_loop3A_315 = arith.constant 0 : i32
      %parallel_loop3A_316 = vector.broadcast %parallel_loop3A_315 : i32 to vector<16xi32>
      %parallel_loop3A_317 = arith.select %parallel_loop3A_306, %parallel_loop3A_314, %parallel_loop3A_316 : vector<16xi1>, vector<16xi32>
      %parallel_loop3A_318 = arith.constant 127 : i32
      %parallel_loop3A_319 = vector.broadcast %parallel_loop3A_318 : i32 to vector<16xi32>
      %parallel_loop3A_320 = arith.andi %parallel_loop3A_301, %parallel_loop3A_319 : vector<16xi32>
      tpu.vector_store_idx %arg6[%parallel_loop3A_317, %parallel_loop3A_320], %broadcast_in_dim3A_2 masked %parallel_loop3A_306 {add = true} : memref<512x128xf32, #tpu.memory_space<vmem>>[vector<16xi32>, vector<16xi32>], vector<16xf32>, vector<16xi1>
      %parallel_loop3A_321 = arith.constant 0.000000e+00 : f32
      %parallel_loop3A_322 = vector.broadcast %parallel_loop3A_321 : f32 to vector<16xf32>
      %parallel_loop3A_323 = arith.select %parallel_loop3A_308, %parallel_loop3A_300, %parallel_loop3A_322 : vector<16xi1>, vector<16xf32>
      %parallel_loop3A_324 = arith.addf %parallel_loop3A_208, %parallel_loop3A_323 : vector<16xf32>
      %parallel_loop3A_325 = arith.mulf %parallel_loop3A_323, %parallel_loop3A_323 : vector<16xf32>
      %parallel_loop3A_326 = arith.addf %parallel_loop3A_210, %parallel_loop3A_325 : vector<16xf32>
      scf.yield %parallel_loop3A_237, %parallel_loop3A_239, %parallel_loop3A_266, %parallel_loop3A_268, %parallel_loop3A_295, %parallel_loop3A_297, %parallel_loop3A_324, %parallel_loop3A_326 : vector<16xf32>, vector<16xf32>, vector<16xf32>, vector<16xf32>, vector<16xf32>, vector<16xf32>, vector<16xf32>, vector<16xf32>
    } {sc.loop_unroll_factor = 2 : i64, sc.parallel_access}
    %add3A_63 = arith.addf %parallel_loop3A_62#0, %parallel_loop3A_62#2 : vector<16xf32>
    %add3A_64 = arith.addf %add3A_63, %parallel_loop3A_62#4 : vector<16xf32>
    %add3A_65 = arith.addf %add3A_64, %parallel_loop3A_62#6 : vector<16xf32>
    %add3A_66 = arith.addf %parallel_loop3A_62#1, %parallel_loop3A_62#3 : vector<16xf32>
    %add3A_67 = arith.addf %add3A_66, %parallel_loop3A_62#5 : vector<16xf32>
    %add3A_68 = arith.addf %add3A_67, %parallel_loop3A_62#7 : vector<16xf32>
    %swap3A = arith.constant 0 : index
    %swap3A_69 = tpu.vector_load %arg9[%swap3A] {strides = array<i32>} : memref<128xf32, #tpu.memory_space<vmem>>, vector<16xf32>,
    tpu.vector_store %arg9[%swap3A], %add3A_65 {strides = array<i32>} : memref<128xf32, #tpu.memory_space<vmem>>, vector<16xf32>,
    %swap3A_70 = arith.constant 16 : index
    %swap3A_71 = tpu.vector_load %arg9[%swap3A_70] {strides = array<i32>} : memref<128xf32, #tpu.memory_space<vmem>>, vector<16xf32>,
    tpu.vector_store %arg9[%swap3A_70], %add3A_68 {strides = array<i32>} : memref<128xf32, #tpu.memory_space<vmem>>, vector<16xf32>,
    %swap3A_72 = arith.constant 32 : index
    %swap3A_73 = tpu.vector_load %arg9[%swap3A_72] {strides = array<i32>} : memref<128xf32, #tpu.memory_space<vmem>>, vector<16xf32>,
    tpu.vector_store %arg9[%swap3A_72], %broadcast_in_dim3A_4 {strides = array<i32>} : memref<128xf32, #tpu.memory_space<vmem>>, vector<16xf32>,
    %swap3A_74 = arith.constant 48 : index
    %swap3A_75 = tpu.vector_load %arg9[%swap3A_74] {strides = array<i32>} : memref<128xf32, #tpu.memory_space<vmem>>, vector<16xf32>,
    tpu.vector_store %arg9[%swap3A_74], %broadcast_in_dim3A_4 {strides = array<i32>} : memref<128xf32, #tpu.memory_space<vmem>>, vector<16xf32>,
    %swap3A_76 = arith.constant 64 : index
    %swap3A_77 = tpu.vector_load %arg9[%swap3A_76] {strides = array<i32>} : memref<128xf32, #tpu.memory_space<vmem>>, vector<16xf32>,
    tpu.vector_store %arg9[%swap3A_76], %broadcast_in_dim3A_4 {strides = array<i32>} : memref<128xf32, #tpu.memory_space<vmem>>, vector<16xf32>,
    %swap3A_78 = arith.constant 80 : index
    %swap3A_79 = tpu.vector_load %arg9[%swap3A_78] {strides = array<i32>} : memref<128xf32, #tpu.memory_space<vmem>>, vector<16xf32>,
    tpu.vector_store %arg9[%swap3A_78], %broadcast_in_dim3A_4 {strides = array<i32>} : memref<128xf32, #tpu.memory_space<vmem>>, vector<16xf32>,
    %swap3A_80 = arith.constant 96 : index
    %swap3A_81 = tpu.vector_load %arg9[%swap3A_80] {strides = array<i32>} : memref<128xf32, #tpu.memory_space<vmem>>, vector<16xf32>,
    tpu.vector_store %arg9[%swap3A_80], %broadcast_in_dim3A_4 {strides = array<i32>} : memref<128xf32, #tpu.memory_space<vmem>>, vector<16xf32>,
    %swap3A_82 = arith.constant 112 : index
    %swap3A_83 = tpu.vector_load %arg9[%swap3A_82] {strides = array<i32>} : memref<128xf32, #tpu.memory_space<vmem>>, vector<16xf32>,
    tpu.vector_store %arg9[%swap3A_82], %broadcast_in_dim3A_4 {strides = array<i32>} : memref<128xf32, #tpu.memory_space<vmem>>, vector<16xf32>,
    %mul3A_84 = arith.constant 512 : i32
    %mul3A_85 = arith.muli %add3A, %mul3A_84 : i32
    "tpu.region"() ({
      %run_scoped3A = tpu.sem_alloc : memref<!tpu.dma_semaphore, #tpu.memory_space<semaphore_mem>>
      %dma_start3A_86 = arith.constant 0 : i32
      %dma_start3A_87 = tpu.memref_slice %arg4[%mul3A_85, %dma_start3A_86] : memref<16384x128xf32, #tpu.memory_space<hbm>> -> memref<512x128xf32, #tpu.memory_space<hbm>>
      %dma_start3A_88 = arith.constant 0 : i32
      %dma_start3A_89 = tpu.memref_slice %arg4[%mul3A_85, %dma_start3A_88] : memref<16384x128xf32, #tpu.memory_space<hbm>> -> memref<512x128xf32, #tpu.memory_space<hbm>>
      tpu.enqueue_dma source(%arg6 : memref<512x128xf32, #tpu.memory_space<vmem>>) target(%dma_start3A_89 : memref<512x128xf32, #tpu.memory_space<hbm>>) target_semaphore(%run_scoped3A : memref<!tpu.dma_semaphore, #tpu.memory_space<semaphore_mem>>)
      %dma_wait3A_90 = arith.constant 0 : i32
      %dma_wait3A_91 = tpu.memref_slice %arg4[%mul3A_85, %dma_wait3A_90] : memref<16384x128xf32, #tpu.memory_space<hbm>> -> memref<512x128xf32, #tpu.memory_space<hbm>>
      %dma_wait3A_92 = arith.constant 0 : i32
      %dma_wait3A_93 = tpu.memref_slice %arg4[%mul3A_85, %dma_wait3A_92] : memref<16384x128xf32, #tpu.memory_space<hbm>> -> memref<512x128xf32, #tpu.memory_space<hbm>>
      tpu.wait_dma2 semaphore(%run_scoped3A : memref<!tpu.dma_semaphore, #tpu.memory_space<semaphore_mem>>) src(%arg6 : memref<512x128xf32, #tpu.memory_space<vmem>>) dst(%dma_wait3A_93 : memref<512x128xf32, #tpu.memory_space<hbm>>)
      tpu.yield
    }) : () -> ()
    "tpu.region"() ({
      %run_scoped3A = tpu.sem_alloc : memref<!tpu.dma_semaphore, #tpu.memory_space<semaphore_mem>>
      %dma_start3A_86 = arith.constant 0 : i32
      %dma_start3A_87 = tpu.memref_slice %arg5[%add3A, %dma_start3A_86] : memref<32x128xf32, #tpu.memory_space<hbm>> -> memref<1x128xf32, #tpu.memory_space<hbm>>
      %dma_start3A_88 = tpu.memref_squeeze %dma_start3A_87 : memref<1x128xf32, #tpu.memory_space<hbm>> -> memref<128xf32, #tpu.memory_space<hbm>>
      %dma_start3A_89 = arith.constant 0 : i32
      %dma_start3A_90 = tpu.memref_slice %arg5[%add3A, %dma_start3A_89] : memref<32x128xf32, #tpu.memory_space<hbm>> -> memref<1x128xf32, #tpu.memory_space<hbm>>
      %dma_start3A_91 = tpu.memref_squeeze %dma_start3A_90 : memref<1x128xf32, #tpu.memory_space<hbm>> -> memref<128xf32, #tpu.memory_space<hbm>>
      tpu.enqueue_dma source(%arg9 : memref<128xf32, #tpu.memory_space<vmem>>) target(%dma_start3A_91 : memref<128xf32, #tpu.memory_space<hbm>>) target_semaphore(%run_scoped3A : memref<!tpu.dma_semaphore, #tpu.memory_space<semaphore_mem>>)
      %dma_wait3A_92 = arith.constant 0 : i32
      %dma_wait3A_93 = tpu.memref_slice %arg5[%add3A, %dma_wait3A_92] : memref<32x128xf32, #tpu.memory_space<hbm>> -> memref<1x128xf32, #tpu.memory_space<hbm>>
      %dma_wait3A_94 = tpu.memref_squeeze %dma_wait3A_93 : memref<1x128xf32, #tpu.memory_space<hbm>> -> memref<128xf32, #tpu.memory_space<hbm>>
      %dma_wait3A_95 = arith.constant 0 : i32
      %dma_wait3A_96 = tpu.memref_slice %arg5[%add3A, %dma_wait3A_95] : memref<32x128xf32, #tpu.memory_space<hbm>> -> memref<1x128xf32, #tpu.memory_space<hbm>>
      %dma_wait3A_97 = tpu.memref_squeeze %dma_wait3A_96 : memref<1x128xf32, #tpu.memory_space<hbm>> -> memref<128xf32, #tpu.memory_space<hbm>>
      tpu.wait_dma2 semaphore(%run_scoped3A : memref<!tpu.dma_semaphore, #tpu.memory_space<semaphore_mem>>) src(%arg9 : memref<128xf32, #tpu.memory_space<vmem>>) dst(%dma_wait3A_97 : memref<128xf32, #tpu.memory_space<hbm>>)
      tpu.yield
    }) : () -> ()
    return
  }
}

module attributes {stable_mosaic.version = 14 : i64} {
  func.func @_tc_merge2_body(%arg0: memref<32x512x128xf32, #tpu.memory_space<vmem>>, %arg1: memref<32x128xf32, #tpu.memory_space<vmem>>, %arg2: memref<16xi32, #tpu.memory_space<smem>>, %arg3: memref<16xf32, #tpu.memory_space<smem>>, %arg4: memref<50x128xf32, #tpu.memory_space<vmem>>, %arg5: memref<1xf32, #tpu.memory_space<smem>>) attributes {dimension_semantics = [], scalar_prefetch = 0 : i64, scratch_operands = 0 : i64, tpu.core_type = #tpu.core_type<tc>} {
    %broadcast_in_dim3A = arith.constant 0.000000e+00 : f32
    %broadcast_in_dim3A_0 = vector.broadcast %broadcast_in_dim3A : f32 to vector<512x128xf32>
    %scan3A = arith.constant 0 : i32
    %scan3A_1 = arith.constant 32 : i32
    %scan3A_2 = arith.addi %scan3A, %scan3A_1 : i32
    %scan3A_3 = arith.constant 1 : i32
    %scan3A_4 = scf.for %scan3A_225 = %scan3A to %scan3A_2 step %scan3A_3 iter_args(%scan3A_226 = %broadcast_in_dim3A_0) -> (vector<512x128xf32>)  : i32 {
      %get3A_227 = arith.index_cast %scan3A_225 : i32 to index
      %get3A_228 = arith.constant 0 : index
      %get3A_229 = arith.constant 0 : index
      %get3A_230 = vector.load %arg0[%get3A_227, %get3A_228, %get3A_229] : memref<32x512x128xf32, #tpu.memory_space<vmem>>, vector<1x512x128xf32>
      %get3A_231 = vector.shape_cast %get3A_230 : vector<1x512x128xf32> to vector<512x128xf32>
      %add3A_232 = arith.addf %scan3A_226, %get3A_231 : vector<512x128xf32>
      scf.yield %add3A_232 : vector<512x128xf32>
    }
    %scan3A_5 = arith.constant 32 : i32
    %get3A = arith.constant 0 : index
    %get3A_6 = arith.constant 0 : index
    %get3A_7 = vector.load %arg1[%get3A, %get3A_6] : memref<32x128xf32, #tpu.memory_space<vmem>>, vector<32x128xf32>
    %iota3A = tpu.iota {dimensions = array<i32: 1>} : vector<32x128xi32>
    %get3A_8 = arith.constant 0 : index
    %get3A_9 = memref.load %arg3[%get3A_8] : memref<16xf32, #tpu.memory_space<smem>>
    %lt3A = arith.constant 16 : i32
    %lt3A_10 = vector.broadcast %lt3A : i32 to vector<32x128xi32>
    %lt3A_11 = arith.cmpi slt, %iota3A, %lt3A_10 : vector<32x128xi32>
    %jit3A = arith.constant 0.000000e+00 : f32
    %broadcast_in_dim3A_12 = vector.broadcast %jit3A : f32 to vector<32x128xf32>
    %select_n3A = arith.select %lt3A_11, %get3A_7, %broadcast_in_dim3A_12 : vector<32x128xi1>, vector<32x128xf32>
    %reduce_sum3A = vector.shape_cast %select_n3A : vector<32x128xf32> to vector<1x32x128xf32>
    %reduce_sum3A_13 = arith.constant dense<0.000000e+00> : vector<1xf32>
    %reduce_sum3A_14 = vector.multi_reduction <add>, %reduce_sum3A, %reduce_sum3A_13 [1, 2] : vector<1x32x128xf32> to vector<1xf32>
    %reduce_sum3A_15 = vector.shape_cast %reduce_sum3A_14 : vector<1xf32> to vector<1x1x1xf32>
    %reduce_sum3A_16 = vector.extract %reduce_sum3A_15[0, 0, 0] : f32 from vector<1x1x1xf32>
    %ge3A = arith.constant 16 : i32
    %ge3A_17 = vector.broadcast %ge3A : i32 to vector<32x128xi32>
    %ge3A_18 = arith.cmpi sge, %iota3A, %ge3A_17 : vector<32x128xi32>
    %lt3A_19 = arith.constant 32 : i32
    %lt3A_20 = vector.broadcast %lt3A_19 : i32 to vector<32x128xi32>
    %lt3A_21 = arith.cmpi slt, %iota3A, %lt3A_20 : vector<32x128xi32>
    %and3A = arith.andi %ge3A_18, %lt3A_21 : vector<32x128xi1>
    %jit3A_22 = arith.constant 0.000000e+00 : f32
    %broadcast_in_dim3A_23 = vector.broadcast %jit3A_22 : f32 to vector<32x128xf32>
    %select_n3A_24 = arith.select %and3A, %get3A_7, %broadcast_in_dim3A_23 : vector<32x128xi1>, vector<32x128xf32>
    %reduce_sum3A_25 = vector.shape_cast %select_n3A_24 : vector<32x128xf32> to vector<1x32x128xf32>
    %reduce_sum3A_26 = arith.constant dense<0.000000e+00> : vector<1xf32>
    %reduce_sum3A_27 = vector.multi_reduction <add>, %reduce_sum3A_25, %reduce_sum3A_26 [1, 2] : vector<1x32x128xf32> to vector<1xf32>
    %reduce_sum3A_28 = vector.shape_cast %reduce_sum3A_27 : vector<1xf32> to vector<1x1x1xf32>
    %reduce_sum3A_29 = vector.extract %reduce_sum3A_28[0, 0, 0] : f32 from vector<1x1x1xf32>
    %get3A_30 = arith.constant 0 : index
    %get3A_31 = memref.load %arg2[%get3A_30] : memref<16xi32, #tpu.memory_space<smem>>
    %get3A_32 = arith.constant 1 : index
    %get3A_33 = memref.load %arg2[%get3A_32] : memref<16xi32, #tpu.memory_space<smem>>
    %get3A_34 = arith.constant 2 : index
    %get3A_35 = memref.load %arg2[%get3A_34] : memref<16xi32, #tpu.memory_space<smem>>
    %convert_element_type3A = arith.sitofp %get3A_33 : i32 to f32
    %sub3A = arith.subf %convert_element_type3A, %get3A_9 : f32
    %iota3A_36 = tpu.iota {dimensions = array<i32: 0>} : vector<512x128xi32>
    %mul3A = arith.constant 128 : i32
    %mul3A_37 = vector.broadcast %mul3A : i32 to vector<512x128xi32>
    %mul3A_38 = arith.muli %iota3A_36, %mul3A_37 : vector<512x128xi32>
    %iota3A_39 = tpu.iota {dimensions = array<i32: 1>} : vector<512x128xi32>
    %add3A = arith.addi %mul3A_38, %iota3A_39 : vector<512x128xi32>
    %scan3A_40 = arith.constant 0 : i32
    %scan3A_41 = arith.constant 65536 : i32
    %scan3A_42 = arith.constant 0 : i32
    %scan3A_43 = arith.constant 17 : i32
    %scan3A_44 = arith.addi %scan3A_42, %scan3A_43 : i32
    %scan3A_45 = arith.constant 1 : i32
    %scan3A_46:2 = scf.for %scan3A_225 = %scan3A_42 to %scan3A_44 step %scan3A_45 iter_args(%scan3A_226 = %scan3A_40, %scan3A_227 = %scan3A_41) -> (i32, i32)  : i32 {
      %sub3A_228 = arith.subi %scan3A_227, %scan3A_226 : i32
      %jit3A_229 = arith.constant 2 : i32
      %div3A_230 = arith.divsi %sub3A_228, %jit3A_229 : i32
      %sign3A_231 = arith.constant 0 : i32
      %sign3A_232 = arith.cmpi sgt, %sub3A_228, %sign3A_231 : i32
      %sign3A_233 = arith.extui %sign3A_232 : i1 to i32
      %sign3A_234 = arith.constant 0 : i32
      %sign3A_235 = arith.cmpi slt, %sub3A_228, %sign3A_234 : i32
      %sign3A_236 = arith.extui %sign3A_235 : i1 to i32
      %sign3A_237 = arith.subi %sign3A_233, %sign3A_236 : i32
      %sign3A_238 = arith.constant 0 : i32
      %sign3A_239 = arith.cmpi sgt, %jit3A_229, %sign3A_238 : i32
      %sign3A_240 = arith.extui %sign3A_239 : i1 to i32
      %sign3A_241 = arith.constant 0 : i32
      %sign3A_242 = arith.cmpi slt, %jit3A_229, %sign3A_241 : i32
      %sign3A_243 = arith.extui %sign3A_242 : i1 to i32
      %sign3A_244 = arith.subi %sign3A_240, %sign3A_243 : i32
      %ne3A_245 = arith.cmpi ne, %sign3A_237, %sign3A_244 : i32
      %rem3A_246 = arith.remsi %sub3A_228, %jit3A_229 : i32
      %ne3A_247 = arith.constant 0 : i32
      %ne3A_248 = arith.cmpi ne, %rem3A_246, %ne3A_247 : i32
      %and3A_249 = arith.andi %ne3A_245, %ne3A_248 : i1
      %sub3A_250 = arith.constant 1 : i32
      %sub3A_251 = arith.subi %div3A_230, %sub3A_250 : i32
      %select_n3A_252 = arith.select %and3A_249, %sub3A_251, %div3A_230 : i32
      %add3A_253 = arith.addi %scan3A_226, %select_n3A_252 : i32
      %ge3A_254 = vector.broadcast %add3A_253 : i32 to vector<512x128xi32>
      %ge3A_255 = arith.cmpi sge, %add3A, %ge3A_254 : vector<512x128xi32>
      %jit3A_256 = arith.constant 0.000000e+00 : f32
      %broadcast_in_dim3A_257 = vector.broadcast %jit3A_256 : f32 to vector<512x128xf32>
      %select_n3A_258 = arith.select %ge3A_255, %scan3A_4, %broadcast_in_dim3A_257 : vector<512x128xi1>, vector<512x128xf32>
      %reduce_sum3A_259 = vector.shape_cast %select_n3A_258 : vector<512x128xf32> to vector<1x512x128xf32>
      %reduce_sum3A_260 = arith.constant dense<0.000000e+00> : vector<1xf32>
      %reduce_sum3A_261 = vector.multi_reduction <add>, %reduce_sum3A_259, %reduce_sum3A_260 [1, 2] : vector<1x512x128xf32> to vector<1xf32>
      %reduce_sum3A_262 = vector.shape_cast %reduce_sum3A_261 : vector<1xf32> to vector<1x1x1xf32>
      %reduce_sum3A_263 = vector.extract %reduce_sum3A_262[0, 0, 0] : f32 from vector<1x1x1xf32>
      %ge3A_264 = arith.cmpf oge, %reduce_sum3A_263, %sub3A : f32
      %select_n3A_265 = arith.select %ge3A_264, %add3A_253, %scan3A_226 : i32
      %select_n3A_266 = arith.select %ge3A_264, %scan3A_227, %add3A_253 : i32
      scf.yield %select_n3A_265, %select_n3A_266 : i32, i32
    }
    %mul3A_47 = arith.constant 65536 : i32
    %mul3A_48 = arith.muli %get3A_35, %mul3A_47 : i32
    %add3A_49 = vector.broadcast %mul3A_48 : i32 to vector<512x128xi32>
    %add3A_50 = arith.addi %add3A_49, %add3A : vector<512x128xi32>
    %bitcast_convert_type3A = tpu.bitcast %add3A_50 : vector<512x128xi32> -> vector<512x128xf32>
    %gt3A = vector.broadcast %scan3A_46#0 : i32 to vector<512x128xi32>
    %gt3A_51 = arith.cmpi sgt, %add3A, %gt3A : vector<512x128xi32>
    %jit3A_52 = arith.constant 0.000000e+00 : f32
    %broadcast_in_dim3A_53 = vector.broadcast %jit3A_52 : f32 to vector<512x128xf32>
    %select_n3A_54 = arith.select %gt3A_51, %scan3A_4, %broadcast_in_dim3A_53 : vector<512x128xi1>, vector<512x128xf32>
    %reduce_sum3A_55 = vector.shape_cast %select_n3A_54 : vector<512x128xf32> to vector<1x512x128xf32>
    %reduce_sum3A_56 = arith.constant dense<0.000000e+00> : vector<1xf32>
    %reduce_sum3A_57 = vector.multi_reduction <add>, %reduce_sum3A_55, %reduce_sum3A_56 [1, 2] : vector<1x512x128xf32> to vector<1xf32>
    %reduce_sum3A_58 = vector.shape_cast %reduce_sum3A_57 : vector<1xf32> to vector<1x1x1xf32>
    %reduce_sum3A_59 = vector.extract %reduce_sum3A_58[0, 0, 0] : f32 from vector<1x1x1xf32>
    %add3A_60 = arith.addf %get3A_9, %reduce_sum3A_59 : f32
    %mul3A_61 = arith.mulf %scan3A_4, %bitcast_convert_type3A : vector<512x128xf32>
    %jit3A_62 = arith.constant 0.000000e+00 : f32
    %broadcast_in_dim3A_63 = vector.broadcast %jit3A_62 : f32 to vector<512x128xf32>
    %select_n3A_64 = arith.select %gt3A_51, %mul3A_61, %broadcast_in_dim3A_63 : vector<512x128xi1>, vector<512x128xf32>
    %reduce_sum3A_65 = vector.shape_cast %select_n3A_64 : vector<512x128xf32> to vector<1x512x128xf32>
    %reduce_sum3A_66 = arith.constant dense<0.000000e+00> : vector<1xf32>
    %reduce_sum3A_67 = vector.multi_reduction <add>, %reduce_sum3A_65, %reduce_sum3A_66 [1, 2] : vector<1x512x128xf32> to vector<1xf32>
    %reduce_sum3A_68 = vector.shape_cast %reduce_sum3A_67 : vector<1xf32> to vector<1x1x1xf32>
    %reduce_sum3A_69 = vector.extract %reduce_sum3A_68[0, 0, 0] : f32 from vector<1x1x1xf32>
    %add3A_70 = arith.addf %reduce_sum3A_16, %reduce_sum3A_69 : f32
    %mul3A_71 = arith.mulf %scan3A_4, %bitcast_convert_type3A : vector<512x128xf32>
    %mul3A_72 = arith.mulf %mul3A_71, %bitcast_convert_type3A : vector<512x128xf32>
    %jit3A_73 = arith.constant 0.000000e+00 : f32
    %broadcast_in_dim3A_74 = vector.broadcast %jit3A_73 : f32 to vector<512x128xf32>
    %select_n3A_75 = arith.select %gt3A_51, %mul3A_72, %broadcast_in_dim3A_74 : vector<512x128xi1>, vector<512x128xf32>
    %reduce_sum3A_76 = vector.shape_cast %select_n3A_75 : vector<512x128xf32> to vector<1x512x128xf32>
    %reduce_sum3A_77 = arith.constant dense<0.000000e+00> : vector<1xf32>
    %reduce_sum3A_78 = vector.multi_reduction <add>, %reduce_sum3A_76, %reduce_sum3A_77 [1, 2] : vector<1x512x128xf32> to vector<1xf32>
    %reduce_sum3A_79 = vector.shape_cast %reduce_sum3A_78 : vector<1xf32> to vector<1x1x1xf32>
    %reduce_sum3A_80 = vector.extract %reduce_sum3A_79[0, 0, 0] : f32 from vector<1x1x1xf32>
    %add3A_81 = arith.addf %reduce_sum3A_29, %reduce_sum3A_80 : f32
    %eq3A = vector.broadcast %scan3A_46#0 : i32 to vector<512x128xi32>
    %eq3A_82 = arith.cmpi eq, %add3A, %eq3A : vector<512x128xi32>
    %jit3A_83 = arith.constant 0.000000e+00 : f32
    %broadcast_in_dim3A_84 = vector.broadcast %jit3A_83 : f32 to vector<512x128xf32>
    %select_n3A_85 = arith.select %eq3A_82, %bitcast_convert_type3A, %broadcast_in_dim3A_84 : vector<512x128xi1>, vector<512x128xf32>
    %reduce_sum3A_86 = vector.shape_cast %select_n3A_85 : vector<512x128xf32> to vector<1x512x128xf32>
    %reduce_sum3A_87 = arith.constant dense<0.000000e+00> : vector<1xf32>
    %reduce_sum3A_88 = vector.multi_reduction <add>, %reduce_sum3A_86, %reduce_sum3A_87 [1, 2] : vector<1x512x128xf32> to vector<1xf32>
    %reduce_sum3A_89 = vector.shape_cast %reduce_sum3A_88 : vector<1xf32> to vector<1x1x1xf32>
    %reduce_sum3A_90 = vector.extract %reduce_sum3A_89[0, 0, 0] : f32 from vector<1x1x1xf32>
    %sub3A_91 = arith.subf %convert_element_type3A, %add3A_60 : f32
    %mul3A_92 = arith.mulf %sub3A_91, %reduce_sum3A_90 : f32
    %add3A_93 = arith.addf %add3A_70, %mul3A_92 : f32
    %mul3A_94 = arith.mulf %sub3A_91, %reduce_sum3A_90 : f32
    %mul3A_95 = arith.mulf %mul3A_94, %reduce_sum3A_90 : f32
    %add3A_96 = arith.addf %add3A_81, %mul3A_95 : f32
    %div3A = arith.divf %add3A_93, %convert_element_type3A : f32
    %mul3A_97 = arith.mulf %convert_element_type3A, %div3A : f32
    %mul3A_98 = arith.mulf %mul3A_97, %div3A : f32
    %sub3A_99 = arith.subf %add3A_96, %mul3A_98 : f32
    %sub3A_100 = arith.constant 1.000000e+00 : f32
    %sub3A_101 = arith.subf %convert_element_type3A, %sub3A_100 : f32
    %div3A_102 = arith.divf %sub3A_99, %sub3A_101 : f32
    %max3A = arith.constant 0.000000e+00 : f32
    %max3A_103 = arith.maximumf %div3A_102, %max3A : f32
    %sqrt3A = math.sqrt %max3A_103 : f32
    %get3A_104 = arith.constant 0 : index
    %get3A_105 = arith.constant 0 : index
    %get3A_106 = vector.load %arg4[%get3A_104, %get3A_105] : memref<50x128xf32, #tpu.memory_space<vmem>>, vector<50x128xf32>
    %bitcast_convert_type3A_107 = tpu.bitcast %get3A_106 : vector<50x128xf32> -> vector<50x128xi32>
    %gt3A_108 = arith.constant 0.000000e+00 : f32
    %gt3A_109 = vector.broadcast %gt3A_108 : f32 to vector<50x128xf32>
    %gt3A_110 = arith.cmpf ogt, %get3A_106, %gt3A_109 : vector<50x128xf32>
    %jit3A_111 = arith.constant 1.000000e+00 : f32
    %jit3A_112 = arith.constant 0.000000e+00 : f32
    %broadcast_in_dim3A_113 = vector.broadcast %jit3A_111 : f32 to vector<50x128xf32>
    %broadcast_in_dim3A_114 = vector.broadcast %jit3A_112 : f32 to vector<50x128xf32>
    %select_n3A_115 = arith.select %gt3A_110, %broadcast_in_dim3A_113, %broadcast_in_dim3A_114 : vector<50x128xi1>, vector<50x128xf32>
    %reduce_sum3A_116 = vector.shape_cast %select_n3A_115 : vector<50x128xf32> to vector<1x50x128xf32>
    %reduce_sum3A_117 = arith.constant dense<0.000000e+00> : vector<1xf32>
    %reduce_sum3A_118 = vector.multi_reduction <add>, %reduce_sum3A_116, %reduce_sum3A_117 [1, 2] : vector<1x50x128xf32> to vector<1xf32>
    %reduce_sum3A_119 = vector.shape_cast %reduce_sum3A_118 : vector<1xf32> to vector<1x1x1xf32>
    %reduce_sum3A_120 = vector.extract %reduce_sum3A_119[0, 0, 0] : f32 from vector<1x1x1xf32>
    %convert_element_type3A_121 = arith.fptosi %reduce_sum3A_120 : f32 to i32
    %mul3A_122 = arith.constant 95 : i32
    %mul3A_123 = arith.muli %convert_element_type3A_121, %mul3A_122 : i32
    %jit3A_124 = arith.constant 100 : i32
    %div3A_125 = arith.divsi %mul3A_123, %jit3A_124 : i32
    %sign3A = arith.constant 0 : i32
    %sign3A_126 = arith.cmpi sgt, %mul3A_123, %sign3A : i32
    %sign3A_127 = arith.extui %sign3A_126 : i1 to i32
    %sign3A_128 = arith.constant 0 : i32
    %sign3A_129 = arith.cmpi slt, %mul3A_123, %sign3A_128 : i32
    %sign3A_130 = arith.extui %sign3A_129 : i1 to i32
    %sign3A_131 = arith.subi %sign3A_127, %sign3A_130 : i32
    %sign3A_132 = arith.constant 0 : i32
    %sign3A_133 = arith.cmpi sgt, %jit3A_124, %sign3A_132 : i32
    %sign3A_134 = arith.extui %sign3A_133 : i1 to i32
    %sign3A_135 = arith.constant 0 : i32
    %sign3A_136 = arith.cmpi slt, %jit3A_124, %sign3A_135 : i32
    %sign3A_137 = arith.extui %sign3A_136 : i1 to i32
    %sign3A_138 = arith.subi %sign3A_134, %sign3A_137 : i32
    %ne3A = arith.cmpi ne, %sign3A_131, %sign3A_138 : i32
    %rem3A = arith.remsi %mul3A_123, %jit3A_124 : i32
    %ne3A_139 = arith.constant 0 : i32
    %ne3A_140 = arith.cmpi ne, %rem3A, %ne3A_139 : i32
    %and3A_141 = arith.andi %ne3A, %ne3A_140 : i1
    %sub3A_142 = arith.constant 1 : i32
    %sub3A_143 = arith.subi %div3A_125, %sub3A_142 : i32
    %select_n3A_144 = arith.select %and3A_141, %sub3A_143, %div3A_125 : i32
    %max3A_145 = arith.constant 1 : i32
    %max3A_146 = arith.maxsi %max3A_145, %select_n3A_144 : i32
    %convert_element_type3A_147 = arith.sitofp %max3A_146 : i32 to f32
    %scan3A_148 = arith.constant 1 : i32
    %scan3A_149 = arith.constant 2139095041 : i32
    %scan3A_150 = arith.constant 0 : i32
    %scan3A_151 = arith.constant 31 : i32
    %scan3A_152 = arith.addi %scan3A_150, %scan3A_151 : i32
    %scan3A_153 = arith.constant 1 : i32
    %scan3A_154:2 = scf.for %scan3A_225 = %scan3A_150 to %scan3A_152 step %scan3A_153 iter_args(%scan3A_226 = %scan3A_148, %scan3A_227 = %scan3A_149) -> (i32, i32)  : i32 {
      %sub3A_228 = arith.subi %scan3A_227, %scan3A_226 : i32
      %jit3A_229 = arith.constant 2 : i32
      %div3A_230 = arith.divsi %sub3A_228, %jit3A_229 : i32
      %sign3A_231 = arith.constant 0 : i32
      %sign3A_232 = arith.cmpi sgt, %sub3A_228, %sign3A_231 : i32
      %sign3A_233 = arith.extui %sign3A_232 : i1 to i32
      %sign3A_234 = arith.constant 0 : i32
      %sign3A_235 = arith.cmpi slt, %sub3A_228, %sign3A_234 : i32
      %sign3A_236 = arith.extui %sign3A_235 : i1 to i32
      %sign3A_237 = arith.subi %sign3A_233, %sign3A_236 : i32
      %sign3A_238 = arith.constant 0 : i32
      %sign3A_239 = arith.cmpi sgt, %jit3A_229, %sign3A_238 : i32
      %sign3A_240 = arith.extui %sign3A_239 : i1 to i32
      %sign3A_241 = arith.constant 0 : i32
      %sign3A_242 = arith.cmpi slt, %jit3A_229, %sign3A_241 : i32
      %sign3A_243 = arith.extui %sign3A_242 : i1 to i32
      %sign3A_244 = arith.subi %sign3A_240, %sign3A_243 : i32
      %ne3A_245 = arith.cmpi ne, %sign3A_237, %sign3A_244 : i32
      %rem3A_246 = arith.remsi %sub3A_228, %jit3A_229 : i32
      %ne3A_247 = arith.constant 0 : i32
      %ne3A_248 = arith.cmpi ne, %rem3A_246, %ne3A_247 : i32
      %and3A_249 = arith.andi %ne3A_245, %ne3A_248 : i1
      %sub3A_250 = arith.constant 1 : i32
      %sub3A_251 = arith.subi %div3A_230, %sub3A_250 : i32
      %select_n3A_252 = arith.select %and3A_249, %sub3A_251, %div3A_230 : i32
      %add3A_253 = arith.addi %scan3A_226, %select_n3A_252 : i32
      %ge3A_254 = vector.broadcast %add3A_253 : i32 to vector<50x128xi32>
      %ge3A_255 = arith.cmpi sge, %bitcast_convert_type3A_107, %ge3A_254 : vector<50x128xi32>
      %and3A_256 = arith.andi %gt3A_110, %ge3A_255 : vector<50x128xi1>
      %jit3A_257 = arith.constant 1.000000e+00 : f32
      %jit3A_258 = arith.constant 0.000000e+00 : f32
      %broadcast_in_dim3A_259 = vector.broadcast %jit3A_257 : f32 to vector<50x128xf32>
      %broadcast_in_dim3A_260 = vector.broadcast %jit3A_258 : f32 to vector<50x128xf32>
      %select_n3A_261 = arith.select %and3A_256, %broadcast_in_dim3A_259, %broadcast_in_dim3A_260 : vector<50x128xi1>, vector<50x128xf32>
      %reduce_sum3A_262 = vector.shape_cast %select_n3A_261 : vector<50x128xf32> to vector<1x50x128xf32>
      %reduce_sum3A_263 = arith.constant dense<0.000000e+00> : vector<1xf32>
      %reduce_sum3A_264 = vector.multi_reduction <add>, %reduce_sum3A_262, %reduce_sum3A_263 [1, 2] : vector<1x50x128xf32> to vector<1xf32>
      %reduce_sum3A_265 = vector.shape_cast %reduce_sum3A_264 : vector<1xf32> to vector<1x1x1xf32>
      %reduce_sum3A_266 = vector.extract %reduce_sum3A_265[0, 0, 0] : f32 from vector<1x1x1xf32>
      %ge3A_267 = arith.cmpf oge, %reduce_sum3A_266, %convert_element_type3A_147 : f32
      %select_n3A_268 = arith.select %ge3A_267, %add3A_253, %scan3A_226 : i32
      %select_n3A_269 = arith.select %ge3A_267, %scan3A_227, %add3A_253 : i32
      scf.yield %select_n3A_268, %select_n3A_269 : i32, i32
    }
    %gt3A_155 = vector.broadcast %scan3A_154#0 : i32 to vector<50x128xi32>
    %gt3A_156 = arith.cmpi sgt, %bitcast_convert_type3A_107, %gt3A_155 : vector<50x128xi32>
    %and3A_157 = arith.andi %gt3A_110, %gt3A_156 : vector<50x128xi1>
    %eq3A_158 = vector.broadcast %scan3A_154#0 : i32 to vector<50x128xi32>
    %eq3A_159 = arith.cmpi eq, %bitcast_convert_type3A_107, %eq3A_158 : vector<50x128xi32>
    %and3A_160 = arith.andi %gt3A_110, %eq3A_159 : vector<50x128xi1>
    %jit3A_161 = arith.constant 1.000000e+00 : f32
    %jit3A_162 = arith.constant 0.000000e+00 : f32
    %broadcast_in_dim3A_163 = vector.broadcast %jit3A_161 : f32 to vector<50x128xf32>
    %broadcast_in_dim3A_164 = vector.broadcast %jit3A_162 : f32 to vector<50x128xf32>
    %select_n3A_165 = arith.select %and3A_157, %broadcast_in_dim3A_163, %broadcast_in_dim3A_164 : vector<50x128xi1>, vector<50x128xf32>
    %reduce_sum3A_166 = vector.shape_cast %select_n3A_165 : vector<50x128xf32> to vector<1x50x128xf32>
    %reduce_sum3A_167 = arith.constant dense<0.000000e+00> : vector<1xf32>
    %reduce_sum3A_168 = vector.multi_reduction <add>, %reduce_sum3A_166, %reduce_sum3A_167 [1, 2] : vector<1x50x128xf32> to vector<1xf32>
    %reduce_sum3A_169 = vector.shape_cast %reduce_sum3A_168 : vector<1xf32> to vector<1x1x1xf32>
    %reduce_sum3A_170 = vector.extract %reduce_sum3A_169[0, 0, 0] : f32 from vector<1x1x1xf32>
    %jit3A_171 = arith.constant 0.000000e+00 : f32
    %broadcast_in_dim3A_172 = vector.broadcast %jit3A_171 : f32 to vector<50x128xf32>
    %select_n3A_173 = arith.select %and3A_157, %get3A_106, %broadcast_in_dim3A_172 : vector<50x128xi1>, vector<50x128xf32>
    %reduce_sum3A_174 = vector.shape_cast %select_n3A_173 : vector<50x128xf32> to vector<1x50x128xf32>
    %reduce_sum3A_175 = arith.constant dense<0.000000e+00> : vector<1xf32>
    %reduce_sum3A_176 = vector.multi_reduction <add>, %reduce_sum3A_174, %reduce_sum3A_175 [1, 2] : vector<1x50x128xf32> to vector<1xf32>
    %reduce_sum3A_177 = vector.shape_cast %reduce_sum3A_176 : vector<1xf32> to vector<1x1x1xf32>
    %reduce_sum3A_178 = vector.extract %reduce_sum3A_177[0, 0, 0] : f32 from vector<1x1x1xf32>
    %mul3A_179 = arith.mulf %get3A_106, %get3A_106 : vector<50x128xf32>
    %jit3A_180 = arith.constant 0.000000e+00 : f32
    %broadcast_in_dim3A_181 = vector.broadcast %jit3A_180 : f32 to vector<50x128xf32>
    %select_n3A_182 = arith.select %and3A_157, %mul3A_179, %broadcast_in_dim3A_181 : vector<50x128xi1>, vector<50x128xf32>
    %reduce_sum3A_183 = vector.shape_cast %select_n3A_182 : vector<50x128xf32> to vector<1x50x128xf32>
    %reduce_sum3A_184 = arith.constant dense<0.000000e+00> : vector<1xf32>
    %reduce_sum3A_185 = vector.multi_reduction <add>, %reduce_sum3A_183, %reduce_sum3A_184 [1, 2] : vector<1x50x128xf32> to vector<1xf32>
    %reduce_sum3A_186 = vector.shape_cast %reduce_sum3A_185 : vector<1xf32> to vector<1x1x1xf32>
    %reduce_sum3A_187 = vector.extract %reduce_sum3A_186[0, 0, 0] : f32 from vector<1x1x1xf32>
    %jit3A_188 = arith.constant 0xFF800000 : f32
    %broadcast_in_dim3A_189 = vector.broadcast %jit3A_188 : f32 to vector<50x128xf32>
    %select_n3A_190 = arith.select %and3A_160, %get3A_106, %broadcast_in_dim3A_189 : vector<50x128xi1>, vector<50x128xf32>
    %reduce_max3A = vector.shape_cast %select_n3A_190 : vector<50x128xf32> to vector<1x50x128xf32>
    %reduce_max3A_191 = arith.constant dense<0xFF800000> : vector<1xf32>
    %reduce_max3A_192 = vector.multi_reduction <maximumf>, %reduce_max3A, %reduce_max3A_191 [1, 2] : vector<1x50x128xf32> to vector<1xf32>
    %reduce_max3A_193 = vector.shape_cast %reduce_max3A_192 : vector<1xf32> to vector<1x1x1xf32>
    %reduce_max3A_194 = vector.extract %reduce_max3A_193[0, 0, 0] : f32 from vector<1x1x1xf32>
    %sub3A_195 = arith.subf %convert_element_type3A_147, %reduce_sum3A_170 : f32
    %mul3A_196 = arith.mulf %sub3A_195, %reduce_max3A_194 : f32
    %add3A_197 = arith.addf %reduce_sum3A_178, %mul3A_196 : f32
    %mul3A_198 = arith.mulf %sub3A_195, %reduce_max3A_194 : f32
    %mul3A_199 = arith.mulf %mul3A_198, %reduce_max3A_194 : f32
    %add3A_200 = arith.addf %reduce_sum3A_187, %mul3A_199 : f32
    %div3A_201 = arith.divf %add3A_197, %convert_element_type3A_147 : f32
    %mul3A_202 = arith.mulf %convert_element_type3A_147, %div3A_201 : f32
    %mul3A_203 = arith.mulf %mul3A_202, %div3A_201 : f32
    %sub3A_204 = arith.subf %add3A_200, %mul3A_203 : f32
    %sub3A_205 = arith.constant 1.000000e+00 : f32
    %sub3A_206 = arith.subf %convert_element_type3A_147, %sub3A_205 : f32
    %div3A_207 = arith.divf %sub3A_204, %sub3A_206 : f32
    %max3A_208 = arith.constant 0.000000e+00 : f32
    %max3A_209 = arith.maximumf %div3A_207, %max3A_208 : f32
    %sqrt3A_210 = math.sqrt %max3A_209 : f32
    %sub3A_211 = arith.subf %div3A, %div3A_201 : f32
    %integer_pow3A = arith.mulf %sub3A_211, %sub3A_211 : f32
    %sub3A_212 = arith.subf %sqrt3A, %sqrt3A_210 : f32
    %integer_pow3A_213 = arith.mulf %sub3A_212, %sub3A_212 : f32
    %mul3A_214 = arith.constant 5.000000e-01 : f32
    %mul3A_215 = arith.mulf %mul3A_214, %integer_pow3A_213 : f32
    %add3A_216 = arith.addf %integer_pow3A, %mul3A_215 : f32
    %gt3A_217 = arith.constant 0 : i32
    %gt3A_218 = arith.cmpi sgt, %get3A_31, %gt3A_217 : i32
    %gt3A_219 = arith.constant 0 : i32
    %gt3A_220 = arith.cmpi sgt, %convert_element_type3A_121, %gt3A_219 : i32
    %and3A_221 = arith.andi %gt3A_218, %gt3A_220 : i1
    %jit3A_222 = arith.constant 0.000000e+00 : f32
    %select_n3A_223 = arith.select %and3A_221, %add3A_216, %jit3A_222 : f32
    %swap3A = arith.constant 0 : index
    %swap3A_224 = memref.load %arg5[%swap3A] : memref<1xf32, #tpu.memory_space<smem>>
    memref.store %select_n3A_223, %arg5[%swap3A] : memref<1xf32, #tpu.memory_space<smem>>
    return
  }
}

module attributes {stable_mosaic.version = 14 : i64} {
  func.func @_tc_merge1_body(%arg0: memref<32x256x128xf32, #tpu.memory_space<vmem>>, %arg1: memref<16xi32, #tpu.memory_space<smem>>, %arg2: memref<16xf32, #tpu.memory_space<smem>>) attributes {dimension_semantics = [], scalar_prefetch = 0 : i64, scratch_operands = 0 : i64, tpu.core_type = #tpu.core_type<tc>} {
    %broadcast_in_dim3A = arith.constant 0.000000e+00 : f32
    %broadcast_in_dim3A_0 = vector.broadcast %broadcast_in_dim3A : f32 to vector<256x128xf32>
    %scan3A = arith.constant 0 : i32
    %scan3A_1 = arith.constant 32 : i32
    %scan3A_2 = arith.addi %scan3A, %scan3A_1 : i32
    %scan3A_3 = arith.constant 1 : i32
    %scan3A_4 = scf.for %scan3A_140 = %scan3A to %scan3A_2 step %scan3A_3 iter_args(%scan3A_141 = %broadcast_in_dim3A_0) -> (vector<256x128xf32>)  : i32 {
      %get3A = arith.index_cast %scan3A_140 : i32 to index
      %get3A_142 = arith.constant 0 : index
      %get3A_143 = arith.constant 0 : index
      %get3A_144 = vector.load %arg0[%get3A, %get3A_142, %get3A_143] : memref<32x256x128xf32, #tpu.memory_space<vmem>>, vector<1x256x128xf32>
      %get3A_145 = vector.shape_cast %get3A_144 : vector<1x256x128xf32> to vector<256x128xf32>
      %add3A_146 = arith.addf %scan3A_141, %get3A_145 : vector<256x128xf32>
      scf.yield %add3A_146 : vector<256x128xf32>
    }
    %scan3A_5 = arith.constant 32 : i32
    %reduce_sum3A = vector.shape_cast %scan3A_4 : vector<256x128xf32> to vector<1x256x128xf32>
    %reduce_sum3A_6 = arith.constant dense<0.000000e+00> : vector<1xf32>
    %reduce_sum3A_7 = vector.multi_reduction <add>, %reduce_sum3A, %reduce_sum3A_6 [1, 2] : vector<1x256x128xf32> to vector<1xf32>
    %reduce_sum3A_8 = vector.shape_cast %reduce_sum3A_7 : vector<1xf32> to vector<1x1x1xf32>
    %reduce_sum3A_9 = vector.extract %reduce_sum3A_8[0, 0, 0] : f32 from vector<1x1x1xf32>
    %convert_element_type3A = arith.fptosi %reduce_sum3A_9 : f32 to i32
    %mul3A = arith.constant 95 : i32
    %mul3A_10 = arith.muli %convert_element_type3A, %mul3A : i32
    %jit3A = arith.constant 100 : i32
    %div3A = arith.divsi %mul3A_10, %jit3A : i32
    %sign3A = arith.constant 0 : i32
    %sign3A_11 = arith.cmpi sgt, %mul3A_10, %sign3A : i32
    %sign3A_12 = arith.extui %sign3A_11 : i1 to i32
    %sign3A_13 = arith.constant 0 : i32
    %sign3A_14 = arith.cmpi slt, %mul3A_10, %sign3A_13 : i32
    %sign3A_15 = arith.extui %sign3A_14 : i1 to i32
    %sign3A_16 = arith.subi %sign3A_12, %sign3A_15 : i32
    %sign3A_17 = arith.constant 0 : i32
    %sign3A_18 = arith.cmpi sgt, %jit3A, %sign3A_17 : i32
    %sign3A_19 = arith.extui %sign3A_18 : i1 to i32
    %sign3A_20 = arith.constant 0 : i32
    %sign3A_21 = arith.cmpi slt, %jit3A, %sign3A_20 : i32
    %sign3A_22 = arith.extui %sign3A_21 : i1 to i32
    %sign3A_23 = arith.subi %sign3A_19, %sign3A_22 : i32
    %ne3A = arith.cmpi ne, %sign3A_16, %sign3A_23 : i32
    %rem3A = arith.remsi %mul3A_10, %jit3A : i32
    %ne3A_24 = arith.constant 0 : i32
    %ne3A_25 = arith.cmpi ne, %rem3A, %ne3A_24 : i32
    %and3A = arith.andi %ne3A, %ne3A_25 : i1
    %sub3A = arith.constant 1 : i32
    %sub3A_26 = arith.subi %div3A, %sub3A : i32
    %select_n3A = arith.select %and3A, %sub3A_26, %div3A : i32
    %max3A = arith.constant 1 : i32
    %max3A_27 = arith.maxsi %max3A, %select_n3A : i32
    %convert_element_type3A_28 = arith.sitofp %max3A_27 : i32 to f32
    %iota3A = tpu.iota {dimensions = array<i32: 0>} : vector<256x128xi32>
    %mul3A_29 = arith.constant 128 : i32
    %mul3A_30 = vector.broadcast %mul3A_29 : i32 to vector<256x128xi32>
    %mul3A_31 = arith.muli %iota3A, %mul3A_30 : vector<256x128xi32>
    %iota3A_32 = tpu.iota {dimensions = array<i32: 1>} : vector<256x128xi32>
    %add3A = arith.addi %mul3A_31, %iota3A_32 : vector<256x128xi32>
    %scan3A_33 = arith.constant 0 : i32
    %scan3A_34 = arith.constant 32768 : i32
    %scan3A_35 = arith.constant 0 : i32
    %scan3A_36 = arith.constant 16 : i32
    %scan3A_37 = arith.addi %scan3A_35, %scan3A_36 : i32
    %scan3A_38 = arith.constant 1 : i32
    %scan3A_39:2 = scf.for %scan3A_140 = %scan3A_35 to %scan3A_37 step %scan3A_38 iter_args(%scan3A_141 = %scan3A_33, %scan3A_142 = %scan3A_34) -> (i32, i32)  : i32 {
      %sub3A_143 = arith.subi %scan3A_142, %scan3A_141 : i32
      %jit3A_144 = arith.constant 2 : i32
      %div3A_145 = arith.divsi %sub3A_143, %jit3A_144 : i32
      %sign3A_146 = arith.constant 0 : i32
      %sign3A_147 = arith.cmpi sgt, %sub3A_143, %sign3A_146 : i32
      %sign3A_148 = arith.extui %sign3A_147 : i1 to i32
      %sign3A_149 = arith.constant 0 : i32
      %sign3A_150 = arith.cmpi slt, %sub3A_143, %sign3A_149 : i32
      %sign3A_151 = arith.extui %sign3A_150 : i1 to i32
      %sign3A_152 = arith.subi %sign3A_148, %sign3A_151 : i32
      %sign3A_153 = arith.constant 0 : i32
      %sign3A_154 = arith.cmpi sgt, %jit3A_144, %sign3A_153 : i32
      %sign3A_155 = arith.extui %sign3A_154 : i1 to i32
      %sign3A_156 = arith.constant 0 : i32
      %sign3A_157 = arith.cmpi slt, %jit3A_144, %sign3A_156 : i32
      %sign3A_158 = arith.extui %sign3A_157 : i1 to i32
      %sign3A_159 = arith.subi %sign3A_155, %sign3A_158 : i32
      %ne3A_160 = arith.cmpi ne, %sign3A_152, %sign3A_159 : i32
      %rem3A_161 = arith.remsi %sub3A_143, %jit3A_144 : i32
      %ne3A_162 = arith.constant 0 : i32
      %ne3A_163 = arith.cmpi ne, %rem3A_161, %ne3A_162 : i32
      %and3A_164 = arith.andi %ne3A_160, %ne3A_163 : i1
      %sub3A_165 = arith.constant 1 : i32
      %sub3A_166 = arith.subi %div3A_145, %sub3A_165 : i32
      %select_n3A_167 = arith.select %and3A_164, %sub3A_166, %div3A_145 : i32
      %add3A_168 = arith.addi %scan3A_141, %select_n3A_167 : i32
      %ge3A = vector.broadcast %add3A_168 : i32 to vector<256x128xi32>
      %ge3A_169 = arith.cmpi sge, %add3A, %ge3A : vector<256x128xi32>
      %jit3A_170 = arith.constant 0.000000e+00 : f32
      %broadcast_in_dim3A_171 = vector.broadcast %jit3A_170 : f32 to vector<256x128xf32>
      %select_n3A_172 = arith.select %ge3A_169, %scan3A_4, %broadcast_in_dim3A_171 : vector<256x128xi1>, vector<256x128xf32>
      %reduce_sum3A_173 = vector.shape_cast %select_n3A_172 : vector<256x128xf32> to vector<1x256x128xf32>
      %reduce_sum3A_174 = arith.constant dense<0.000000e+00> : vector<1xf32>
      %reduce_sum3A_175 = vector.multi_reduction <add>, %reduce_sum3A_173, %reduce_sum3A_174 [1, 2] : vector<1x256x128xf32> to vector<1xf32>
      %reduce_sum3A_176 = vector.shape_cast %reduce_sum3A_175 : vector<1xf32> to vector<1x1x1xf32>
      %reduce_sum3A_177 = vector.extract %reduce_sum3A_176[0, 0, 0] : f32 from vector<1x1x1xf32>
      %ge3A_178 = arith.cmpf oge, %reduce_sum3A_177, %convert_element_type3A_28 : f32
      %select_n3A_179 = arith.select %ge3A_178, %add3A_168, %scan3A_141 : i32
      %select_n3A_180 = arith.select %ge3A_178, %scan3A_142, %add3A_168 : i32
      scf.yield %select_n3A_179, %select_n3A_180 : i32, i32
    }
    %swap3A = arith.constant 0 : index
    %swap3A_40 = memref.load %arg1[%swap3A] : memref<16xi32, #tpu.memory_space<smem>>
    memref.store %convert_element_type3A, %arg1[%swap3A] : memref<16xi32, #tpu.memory_space<smem>>
    %swap3A_41 = arith.constant 1 : index
    %swap3A_42 = memref.load %arg1[%swap3A_41] : memref<16xi32, #tpu.memory_space<smem>>
    memref.store %max3A_27, %arg1[%swap3A_41] : memref<16xi32, #tpu.memory_space<smem>>
    %swap3A_43 = arith.constant 2 : index
    %swap3A_44 = memref.load %arg1[%swap3A_43] : memref<16xi32, #tpu.memory_space<smem>>
    memref.store %scan3A_39#0, %arg1[%swap3A_43] : memref<16xi32, #tpu.memory_space<smem>>
    %swap3A_45 = arith.constant 0 : i32
    %swap3A_46 = arith.constant 3 : index
    %swap3A_47 = memref.load %arg1[%swap3A_46] : memref<16xi32, #tpu.memory_space<smem>>
    memref.store %swap3A_45, %arg1[%swap3A_46] : memref<16xi32, #tpu.memory_space<smem>>
    %swap3A_48 = arith.constant 0 : i32
    %swap3A_49 = arith.constant 4 : index
    %swap3A_50 = memref.load %arg1[%swap3A_49] : memref<16xi32, #tpu.memory_space<smem>>
    memref.store %swap3A_48, %arg1[%swap3A_49] : memref<16xi32, #tpu.memory_space<smem>>
    %swap3A_51 = arith.constant 0 : i32
    %swap3A_52 = arith.constant 5 : index
    %swap3A_53 = memref.load %arg1[%swap3A_52] : memref<16xi32, #tpu.memory_space<smem>>
    memref.store %swap3A_51, %arg1[%swap3A_52] : memref<16xi32, #tpu.memory_space<smem>>
    %swap3A_54 = arith.constant 0 : i32
    %swap3A_55 = arith.constant 6 : index
    %swap3A_56 = memref.load %arg1[%swap3A_55] : memref<16xi32, #tpu.memory_space<smem>>
    memref.store %swap3A_54, %arg1[%swap3A_55] : memref<16xi32, #tpu.memory_space<smem>>
    %swap3A_57 = arith.constant 0 : i32
    %swap3A_58 = arith.constant 7 : index
    %swap3A_59 = memref.load %arg1[%swap3A_58] : memref<16xi32, #tpu.memory_space<smem>>
    memref.store %swap3A_57, %arg1[%swap3A_58] : memref<16xi32, #tpu.memory_space<smem>>
    %swap3A_60 = arith.constant 0 : i32
    %swap3A_61 = arith.constant 8 : index
    %swap3A_62 = memref.load %arg1[%swap3A_61] : memref<16xi32, #tpu.memory_space<smem>>
    memref.store %swap3A_60, %arg1[%swap3A_61] : memref<16xi32, #tpu.memory_space<smem>>
    %swap3A_63 = arith.constant 0 : i32
    %swap3A_64 = arith.constant 9 : index
    %swap3A_65 = memref.load %arg1[%swap3A_64] : memref<16xi32, #tpu.memory_space<smem>>
    memref.store %swap3A_63, %arg1[%swap3A_64] : memref<16xi32, #tpu.memory_space<smem>>
    %swap3A_66 = arith.constant 0 : i32
    %swap3A_67 = arith.constant 10 : index
    %swap3A_68 = memref.load %arg1[%swap3A_67] : memref<16xi32, #tpu.memory_space<smem>>
    memref.store %swap3A_66, %arg1[%swap3A_67] : memref<16xi32, #tpu.memory_space<smem>>
    %swap3A_69 = arith.constant 0 : i32
    %swap3A_70 = arith.constant 11 : index
    %swap3A_71 = memref.load %arg1[%swap3A_70] : memref<16xi32, #tpu.memory_space<smem>>
    memref.store %swap3A_69, %arg1[%swap3A_70] : memref<16xi32, #tpu.memory_space<smem>>
    %swap3A_72 = arith.constant 0 : i32
    %swap3A_73 = arith.constant 12 : index
    %swap3A_74 = memref.load %arg1[%swap3A_73] : memref<16xi32, #tpu.memory_space<smem>>
    memref.store %swap3A_72, %arg1[%swap3A_73] : memref<16xi32, #tpu.memory_space<smem>>
    %swap3A_75 = arith.constant 0 : i32
    %swap3A_76 = arith.constant 13 : index
    %swap3A_77 = memref.load %arg1[%swap3A_76] : memref<16xi32, #tpu.memory_space<smem>>
    memref.store %swap3A_75, %arg1[%swap3A_76] : memref<16xi32, #tpu.memory_space<smem>>
    %swap3A_78 = arith.constant 0 : i32
    %swap3A_79 = arith.constant 14 : index
    %swap3A_80 = memref.load %arg1[%swap3A_79] : memref<16xi32, #tpu.memory_space<smem>>
    memref.store %swap3A_78, %arg1[%swap3A_79] : memref<16xi32, #tpu.memory_space<smem>>
    %swap3A_81 = arith.constant 0 : i32
    %swap3A_82 = arith.constant 15 : index
    %swap3A_83 = memref.load %arg1[%swap3A_82] : memref<16xi32, #tpu.memory_space<smem>>
    memref.store %swap3A_81, %arg1[%swap3A_82] : memref<16xi32, #tpu.memory_space<smem>>
    %gt3A = vector.broadcast %scan3A_39#0 : i32 to vector<256x128xi32>
    %gt3A_84 = arith.cmpi sgt, %add3A, %gt3A : vector<256x128xi32>
    %jit3A_85 = arith.constant 0.000000e+00 : f32
    %broadcast_in_dim3A_86 = vector.broadcast %jit3A_85 : f32 to vector<256x128xf32>
    %select_n3A_87 = arith.select %gt3A_84, %scan3A_4, %broadcast_in_dim3A_86 : vector<256x128xi1>, vector<256x128xf32>
    %reduce_sum3A_88 = vector.shape_cast %select_n3A_87 : vector<256x128xf32> to vector<1x256x128xf32>
    %reduce_sum3A_89 = arith.constant dense<0.000000e+00> : vector<1xf32>
    %reduce_sum3A_90 = vector.multi_reduction <add>, %reduce_sum3A_88, %reduce_sum3A_89 [1, 2] : vector<1x256x128xf32> to vector<1xf32>
    %reduce_sum3A_91 = vector.shape_cast %reduce_sum3A_90 : vector<1xf32> to vector<1x1x1xf32>
    %reduce_sum3A_92 = vector.extract %reduce_sum3A_91[0, 0, 0] : f32 from vector<1x1x1xf32>
    %swap3A_93 = arith.constant 0 : index
    %swap3A_94 = memref.load %arg2[%swap3A_93] : memref<16xf32, #tpu.memory_space<smem>>
    memref.store %reduce_sum3A_92, %arg2[%swap3A_93] : memref<16xf32, #tpu.memory_space<smem>>
    %swap3A_95 = arith.constant 0.000000e+00 : f32
    %swap3A_96 = arith.constant 1 : index
    %swap3A_97 = memref.load %arg2[%swap3A_96] : memref<16xf32, #tpu.memory_space<smem>>
    memref.store %swap3A_95, %arg2[%swap3A_96] : memref<16xf32, #tpu.memory_space<smem>>
    %swap3A_98 = arith.constant 0.000000e+00 : f32
    %swap3A_99 = arith.constant 2 : index
    %swap3A_100 = memref.load %arg2[%swap3A_99] : memref<16xf32, #tpu.memory_space<smem>>
    memref.store %swap3A_98, %arg2[%swap3A_99] : memref<16xf32, #tpu.memory_space<smem>>
    %swap3A_101 = arith.constant 0.000000e+00 : f32
    %swap3A_102 = arith.constant 3 : index
    %swap3A_103 = memref.load %arg2[%swap3A_102] : memref<16xf32, #tpu.memory_space<smem>>
    memref.store %swap3A_101, %arg2[%swap3A_102] : memref<16xf32, #tpu.memory_space<smem>>
    %swap3A_104 = arith.constant 0.000000e+00 : f32
    %swap3A_105 = arith.constant 4 : index
    %swap3A_106 = memref.load %arg2[%swap3A_105] : memref<16xf32, #tpu.memory_space<smem>>
    memref.store %swap3A_104, %arg2[%swap3A_105] : memref<16xf32, #tpu.memory_space<smem>>
    %swap3A_107 = arith.constant 0.000000e+00 : f32
    %swap3A_108 = arith.constant 5 : index
    %swap3A_109 = memref.load %arg2[%swap3A_108] : memref<16xf32, #tpu.memory_space<smem>>
    memref.store %swap3A_107, %arg2[%swap3A_108] : memref<16xf32, #tpu.memory_space<smem>>
    %swap3A_110 = arith.constant 0.000000e+00 : f32
    %swap3A_111 = arith.constant 6 : index
    %swap3A_112 = memref.load %arg2[%swap3A_111] : memref<16xf32, #tpu.memory_space<smem>>
    memref.store %swap3A_110, %arg2[%swap3A_111] : memref<16xf32, #tpu.memory_space<smem>>
    %swap3A_113 = arith.constant 0.000000e+00 : f32
    %swap3A_114 = arith.constant 7 : index
    %swap3A_115 = memref.load %arg2[%swap3A_114] : memref<16xf32, #tpu.memory_space<smem>>
    memref.store %swap3A_113, %arg2[%swap3A_114] : memref<16xf32, #tpu.memory_space<smem>>
    %swap3A_116 = arith.constant 0.000000e+00 : f32
    %swap3A_117 = arith.constant 8 : index
    %swap3A_118 = memref.load %arg2[%swap3A_117] : memref<16xf32, #tpu.memory_space<smem>>
    memref.store %swap3A_116, %arg2[%swap3A_117] : memref<16xf32, #tpu.memory_space<smem>>
    %swap3A_119 = arith.constant 0.000000e+00 : f32
    %swap3A_120 = arith.constant 9 : index
    %swap3A_121 = memref.load %arg2[%swap3A_120] : memref<16xf32, #tpu.memory_space<smem>>
    memref.store %swap3A_119, %arg2[%swap3A_120] : memref<16xf32, #tpu.memory_space<smem>>
    %swap3A_122 = arith.constant 0.000000e+00 : f32
    %swap3A_123 = arith.constant 10 : index
    %swap3A_124 = memref.load %arg2[%swap3A_123] : memref<16xf32, #tpu.memory_space<smem>>
    memref.store %swap3A_122, %arg2[%swap3A_123] : memref<16xf32, #tpu.memory_space<smem>>
    %swap3A_125 = arith.constant 0.000000e+00 : f32
    %swap3A_126 = arith.constant 11 : index
    %swap3A_127 = memref.load %arg2[%swap3A_126] : memref<16xf32, #tpu.memory_space<smem>>
    memref.store %swap3A_125, %arg2[%swap3A_126] : memref<16xf32, #tpu.memory_space<smem>>
    %swap3A_128 = arith.constant 0.000000e+00 : f32
    %swap3A_129 = arith.constant 12 : index
    %swap3A_130 = memref.load %arg2[%swap3A_129] : memref<16xf32, #tpu.memory_space<smem>>
    memref.store %swap3A_128, %arg2[%swap3A_129] : memref<16xf32, #tpu.memory_space<smem>>
    %swap3A_131 = arith.constant 0.000000e+00 : f32
    %swap3A_132 = arith.constant 13 : index
    %swap3A_133 = memref.load %arg2[%swap3A_132] : memref<16xf32, #tpu.memory_space<smem>>
    memref.store %swap3A_131, %arg2[%swap3A_132] : memref<16xf32, #tpu.memory_space<smem>>
    %swap3A_134 = arith.constant 0.000000e+00 : f32
    %swap3A_135 = arith.constant 14 : index
    %swap3A_136 = memref.load %arg2[%swap3A_135] : memref<16xf32, #tpu.memory_space<smem>>
    memref.store %swap3A_134, %arg2[%swap3A_135] : memref<16xf32, #tpu.memory_space<smem>>
    %swap3A_137 = arith.constant 0.000000e+00 : f32
    %swap3A_138 = arith.constant 15 : index
    %swap3A_139 = memref.load %arg2[%swap3A_138] : memref<16xf32, #tpu.memory_space<smem>>
    memref.store %swap3A_137, %arg2[%swap3A_138] : memref<16xf32, #tpu.memory_space<smem>>
    return
  }
}

</mosaic_0001>

<sc_bundles>
// kernel: kernel.6.cloned.1.call-start
scs
__scs_entry_jumppad:
0x0: {  	(pc) =	sbr.rel $0x88, $3  }
0x1: {  	(tag) =	ssettag $0x0;
	lr =	simm.s32 $0x1  }
0x2: {  	[smem:$0x3F9F] =	sst lr;
	_ =	strace $0xD0000000  }
0x3: {  	_ = 	snop  }
0x4: {  	_ = 	snop  }
0x5: {  	_ = 	snop  }
0x6: {  	_ = 	snop  }
0x7: {  	_ = 	snop  }
__scs_overlays_trampoline_lowered:
0x8: {  	[smem:$0x3FAE] =	sst s0  }
0x9: {  	[smem:$0x3FAF] =	sst s1  }
0xa: {  	[smem:$0x3FB0] =	sst s2  }
0xb: {  	[smem:$0x3FB1] =	sst s3  }
0xc: {  	[smem:$0x3FB2] =	sst s4  }
0xd: {  	[smem:$0x3FB3] =	sst s5  }
0xe: {  	[smem:$0x3FB4] =	sst s6  }
0xf: {  	[smem:$0x3FB5] =	sst s7  }
0x10: {  	[smem:$0x3FB6] =	sst s8  }
0x11: {  	[smem:$0x3FB7] =	sst s9;
	s0 =	simm.s32 @!p0 $0x0  }
0x12: {  	s1 =	sld [smem:$0x3F9D];
	s0 =	simm.s32 @p0 $0x1  }
0x13: {  	[smem:$0x3FB8] =	sst s0;
	s0 =	simm.s32 @!p1 $0x0  }
0x14: {  	s2 =	sld [smem:$0x3F9C];
	s0 =	simm.s32 @p1 $0x1  }
0x15: {  	[smem:$0x3FB9] =	sst s0;
	s0 =	simm.s32 @!p2 $0x0  }
0x16: {  	s3 =	sld [smem:$0x3FDB];
	s0 =	simm.s32 @p2 $0x1  }
0x17: {  	s4 =	simm.s32 $0x1BF5;
	[smem:$0x3FBB] =	sst s0  }
0x18: {  	s0 =	sld [smem:$0x3F9E];
	_ =	swait.ge [sflag:s4], $0x0  }
0x19: {  	s7 =	sld [smem:$0x3F9F]  }
0x1a: {  	s8 =	sadd.s32 $0xFFFFE003, lr  }
0x1b: {  	s9 =	sadd.s32 $0xFFFFFEF7, lr;
	s5 =	simm.s32 $0xFFFFFFFF;
	p2 =	slt.u32 s8, $0xFFFFF086  }
0x1c: {  	p1 =	slt.u32 s9, $0xF7A;
	s5 =	simm.s32 @!p2 $0x0  }
0x1d: {  	s5 =	simm.s32 @p1 $0x1;
	p0 =	seq.s32 s7, s2  }
0x1e: {  	s7 =	smul.u32 @!p0 $0xF7A, s2;
	p2 =	seq.s32 @!p0 s5, $0x0  }
0x1f: {  	s9 =	smul.u32 $0xF7A, s1;
	s8 =	simm.s32 @!p0 $0x1BF5;
	p2 =	por !p2, p0  }
0x20: {  	[sflag:s8] =	ssyncset.s32 @!p0 $0xFFFFF086;
	s6 =	sadd.s32 @!p0 s3, s7;
	s7 =	simm.s32 @!p0 $0x108  }
0x21: {  	s3 =	sadd.s32 s3, s9;
	s6 =	sadd.s32 @!p0 $0x88, s6;
	s7 =	simm.s32 @p2 $0x1082  }
0x22: {  	[simem:s7], [sflag:s8] =	dma.local @!p0 [hbm:s6], $0xF7A  }
0x23: {  	s9 =	sor.u32 $0xD0000000, s2;
	s6 =	simm.s32 $0x108;
	_ =	swait.ge @!p0 [sflag:s8], $0x0  }
0x24: {  	s3 =	sadd.s32 $0x88, s3;
	s6 =	simm.s32 @!p1 $0x1082;
	[sflag:s4] =	ssyncset.s32 $0xFFFFF086  }
0x25: {  	[simem:s6], [sflag:s4] =	dma.local [hbm:s3], $0xF7A  }
0x26: {  	[smem:$0x3F9F] =	sst s1;
	(tag) =	ssettag s2;
	_ =	strace s9  }
0x27: {  	s1 =	sld [smem:$0x3FAF]  }
0x28: {  	s2 =	sld [smem:$0x3FB0]  }
0x29: {  	s4 =	sld [smem:$0x3FB2]  }
0x2a: {  	p0 =	seq.s32 s5, $0x0;
	s5 =	sld [smem:$0x3FB3]  }
0x2b: {  	s6 =	sld [smem:$0x3FB4]  }
0x2c: {  	s7 =	sld [smem:$0x3FB5]  }
0x2d: {  	s3 =	simm.s32 $0x108;
	s8 =	sld [smem:$0x3FB6]  }
0x2e: {  	s3 =	simm.s32 @!p0 $0x1082;
	s9 =	sld [smem:$0x3FB7]  }
0x2f: {  	lr =	sadd.s32 s0, s3;
	s0 =	sld [smem:$0x3FAE]  }
0x30: {  	s3 =	sld [smem:$0x3FB1]  }
0x31: {  	[smem:$0x3FBA] =	sst s10  }
0x32: {  	s10 =	sld [smem:$0x3FB8];
	_ =	sdelay $0x3  }
0x33: {  	p0 =	seq.s32 s10, $0x1;
	s10 =	sld [smem:$0x3FBA];
	_ =	sdelay $0x3  }
0x34: {  	[smem:$0x3FBA] =	sst s10  }
0x35: {  	s10 =	sld [smem:$0x3FB9];
	_ =	sdelay $0x3  }
0x36: {  	p1 =	seq.s32 s10, $0x1;
	s10 =	sld [smem:$0x3FBA];
	_ =	sdelay $0x3  }
0x37: {  	[smem:$0x3FBA] =	sst s10  }
0x38: {  	s10 =	sld [smem:$0x3FBB]  }
0x39: {  	_ = 	snop;
	(pc) =	sbr.ind lr, $3  }
0x3a: {  	_ = 	snop  }
0x3b: {  	_ = 	snop  }
0x3c: {  	p2 =	seq.s32 s10, $0x1;
	s10 =	sld [smem:$0x3FBA]  }
0x3d: {  	_ =	shalt  }
0x3e: {  	_ =	shalt  }
0x3f: {  	_ =	shalt  }
0x40: {  	_ =	shalt  }
0x41: {  	_ =	shalt  }
0x42: {  	_ =	shalt  }
0x43: {  	_ =	shalt  }
0x44: {  	_ =	shalt  }
0x45: {  	_ =	shalt  }
0x46: {  	_ =	shalt  }
0x47: {  	_ =	shalt  }
0x48: {  	_ =	shalt  }
0x49: {  	_ =	shalt  }
0x4a: {  	_ =	shalt  }
0x4b: {  	_ =	shalt  }
0x4c: {  	_ =	shalt  }
0x4d: {  	_ =	shalt  }
0x4e: {  	_ =	shalt  }
0x4f: {  	_ =	shalt  }
0x50: {  	_ =	shalt  }
0x51: {  	_ =	shalt  }
0x52: {  	_ =	shalt  }
0x53: {  	_ =	shalt  }
0x54: {  	_ =	shalt  }
0x55: {  	_ =	shalt  }
0x56: {  	_ =	shalt  }
0x57: {  	_ =	shalt  }
0x58: {  	_ =	shalt  }
0x59: {  	_ =	shalt  }
0x5a: {  	_ =	shalt  }
0x5b: {  	_ =	shalt  }
0x5c: {  	_ =	shalt  }
0x5d: {  	_ =	shalt  }
0x5e: {  	_ =	shalt  }
0x5f: {  	_ =	shalt  }
0x60: {  	_ =	shalt  }
0x61: {  	_ =	shalt  }
0x62: {  	_ =	shalt  }
0x63: {  	_ =	shalt  }
0x64: {  	_ =	shalt  }
0x65: {  	_ =	shalt  }
0x66: {  	_ =	shalt  }
0x67: {  	_ =	shalt  }
0x68: {  	_ =	shalt  }
0x69: {  	_ =	shalt  }
0x6a: {  	_ =	shalt  }
0x6b: {  	_ =	shalt  }
0x6c: {  	_ =	shalt  }
0x6d: {  	_ =	shalt  }
0x6e: {  	_ =	shalt  }
0x6f: {  	_ =	shalt  }
0x70: {  	_ =	shalt  }
0x71: {  	_ =	shalt  }
0x72: {  	_ =	shalt  }
0x73: {  	_ =	shalt  }
0x74: {  	_ =	shalt  }
0x75: {  	_ =	shalt  }
0x76: {  	_ =	shalt  }
0x77: {  	_ =	shalt  }
0x78: {  	_ =	shalt  }
0x79: {  	_ =	shalt  }
0x7a: {  	_ =	shalt  }
0x7b: {  	_ =	shalt  }
0x7c: {  	_ =	shalt  }
0x7d: {  	_ =	shalt  }
0x7e: {  	_ =	shalt  }
0x7f: {  	_ =	shalt  }
0x80: {  	_ =	shalt  }
0x81: {  	_ =	shalt  }
0x82: {  	_ =	shalt  }
0x83: {  	_ =	shalt  }
0x84: {  	_ =	shalt  }
0x85: {  	_ =	shalt  }
0x86: {  	_ =	shalt  }
0x87: {  	_ =	shalt  }
.Lfunc_end0:
.L_simem_size_0:
called_computation_lowered:
.L_overlay_start_0:
0x88: {  	s2 =	sld [smem:$0x3FD9]  }
0x89: {  	s3 =	sld [smem:$0x3FFE];
	_ =	sdelay $0x1  }
0x8a: {  	s1 =	srdreg.scid  }
0x8b: {  	s0 =	sand.u32 $0x1, s1  }
0x8c: {  	s16 =	sshll.u32 s0, $0xA;
	s2 =	sadd.s32 s3, s2  }
0x8d: {  	s2 =	sadd.s32 s2, s16  }
0x8e: {  	[smem:$0x3FC6] =	sst s2  }
0x8f: {  	_ = 	snop  }
0x90: {  	(tm) =	ssettm $0x1  }
0x91: {  	s17 =	sld [smem:$0x3FFB];
	_ =	sdelay $0x3  }
0x92: {  	_ =	strace s17  }
0x93: {  	s2 =	sld [smem:$0x3FFC];
	_ =	sdelay $0x3  }
0x94: {  	_ =	strace s2  }
0x95: {  	s2 =	sld [smem:$0x3FFD];
	_ =	sdelay $0x3  }
0x96: {  	_ =	strace s2  }
0x97: {  	_ =	strace $0x8FFFFFFF  }
0x98: {  	s18 =	sld [smem:$0x3FDB];
	_ =	sdelay $0x1  }
0x99: {  	s19 =	simm.s32 $_scs_section_size  }
0x9a: {  	s4 =	simm.s32 $_size__tile_overlayer_lowered;
	s5 =	simm.s32 $_tile_overlayer_lowered  }
0x9b: {  	s22 =	simm.s32 $0x1BFF;
	s21 =	sshll.u32 s5, $0x1;
	s2 =	sadd.s32 s19, s18  }
0x9c: {  	s6 =	simm.s32 $0x0;
	s20 =	sshll.u32 s4, $0x1;
	s4 =	sadd.s32 s21, s2  }
0x9d: {  	[timem:s6], [sflag:s22] =	dma.local [hbm:s4], s20  }
0x9e: {  	_ =	swait.ge [sflag:s22], s20  }
0x9f: {  	s3 =	ssub.s32 $0x0, s20;
	[sflag:s22] =	ssyncset.done $0x0  }
0xa0: {  	[sflag:s22] =	ssyncadd.s32 s3;
	_ =	sdelay $0x1  }
0xa1: {  	s23 =	simm.s32 $0x1B8B  }
0xa2: {  	_ =	swait.ge [sflag:s23], $0x1  }
0xa3: {  	[sflag:s23] =	ssyncset.done $0x0  }
0xa4: {  	s25 =	simm.s32 $0x1B8E;
	s24 =	sld [smem:$0x3FFE];
	[sflag:s23] =	ssyncadd.s32 $0xFFFFFFFF  }
0xa5: {  	s26 =	simm.s32 $execute0_lowered;
	[smem:$0x3FD2] =	sst s25  }
0xa6: {  	s4 =	sshll.u32 s26, $0x1;
	_ =	strace $0x80000046;
	[dreg:$0x1] =	wrdreg $0xFFFFFFFF  }
0xa7: {  	s28 =	simm.s32 $_size_execute0_lowered;
	s2 =	sadd.s32 s2, s4;
	[dreg:$0x0] =	wrdreg $0x0  }
0xa8: {  	s4 =	sshll.u32 s28, $0x1;
	[dreg:$0x2] =	wrdreg s2  }
0xa9: {  	[dreg:$0x3] =	wrdreg s4  }
0xaa: {  	[dreg:$0x4] =	wrdreg $0xC0  }
0xab: {  	_ =	task [dreg:s6], $0x5FFFF  }
0xac: {  	[dreg:$0x1] =	wrdreg $0xFFFFFFFF  }
0xad: {  	[dreg:$0x0] =	wrdreg $0x60  }
0xae: {  	[dreg:$0x2] =	wrdreg s24  }
0xaf: {  	[dreg:$0x3] =	wrdreg $0x9  }
0xb0: {  	_ =	task.clear_ibuf [dreg:s6], $0x4FFFF;
	_ =	strace $0x90000046  }
0xb1: {  	s29 =	simm.s32 $0x9;
	_ =	strace $0x80000048  }
0xb2: {  	_ =	swait.ge [sflag:s29], $0x1  }
0xb3: {  	[sflag:s29] =	ssyncadd.s32 $0xFFFFFFFF  }
0xb4: {  	_ =	strace $0x90000048  }
0xb5: {  	_ =	sfence  }
0xb6: {  	s30 =	sld [smem:$0x0];
	_ =	sdelay $0x2  }
0xb7: {  	s31 =	sshll.u32 s1, $0xD;
	s1 =	sshrl.u32 s1, $0x2  }
0xb8: {  	s3 =	sand.u32 $0x4000, s31;
	s1 =	sadd.s32 s1, s30  }
0xb9: {  	s0 =	sor.u32 s3, s0;
	s1 =	sshll.u32 s1, $0x11  }
0xba: {  	s0 =	sor.u32 s1, s0  }
0xbb: {  	s0 =	sadd.s32 $0x8F2B, s0  }
0xbc: {  	[sflag:s0] =	ssyncadd.remote.s32 $0x1  }
0xbd: {  	_ =	sfence.sel $0xFFFF  }
0xbe: {  	[dreg:$0x0] =	wrdreg $0xFFFFFFFF;
	(pc) =	sbr.abs _section_cstart, $3  }
0xbf: {  	[dreg:$0x1] =	wrdreg $0xFFFFFFFF  }
0xc0: {  	_ =	task.clear_ibuf [dreg:s6], $0x2FFFF;
	_ =	strace $0x9FFFFFFF  }
0xc1: {  	(tm) =	ssettm $0x7FFFFFFF  }
tec
execute0_lowered:
.L_overlay_start_1:
0x0: {  	(tag) =	ssettag $0x1  }
0x1: {  	s3 =	rddreg [dreg:$0x0]  }
0x2: {  	s0 =	rddreg [dreg:$0x1]  }
0x3: {  	s2 =	simm.s32 $0x0;
	s4 =	srdreg.scid;
	s1 =	stileid.u32  }
0x4: {  	s10 =	simm.s32 $0xC000;
	s11 =	simm.s32 $0x1;
	s12 =	simm.s32 $0x2  }
0x5: {  	s13 =	simm.s32 $0x3;
	s4 =	sand.u32 $0x1, s4;
	s5 =	sshll.u32 s1, $0x1  }
0x6: {  	s14 =	simm.s32 $0x0;
	[smem:$0x7FF] =	sst s2;
	s5 =	sor.u32 s4, s5  }
0x7: {  	_ =	strace $0x80000047;
	s4 =	ssub.s32 $0x2, s4;
	s6 =	sshll.u32 s5, $0xD  }
0x8: {  	s5 =	sshll.u32 s5, $0xC;
	s7 =	sshrl.u32 s4, $0x1;
	s6 =	sadd.s32 s6, s3  }
0x9: {  	s8 =	sadd.s32 s5, s3;
	s9 =	ssub.s32 s4, s7;
	s3 =	sadd.s32 $0x1A00, s6  }
0xa: {  	s4 =	sadd.s32 $0x2200, s6;
	s5 =	sadd.s32 $0x2A00, s6;
	s6 =	sadd.s32 $0x3200, s6  }
0xb: {  	v0 =	vimm.f32 $0.0e+00;
	v1 =	vimm.f32 $1.000000000e+00;
	s7 =	sadd.s32 $0x41A00, s8;
	s8 =	smax.u32 s9, $0x1;
	s9 =	simm.s32 $0x8000  }
.LBB2_1:
0xc: {  	s15 =	simm.s32 $0x100  }
0xd: {  	[tilespmem:s15+$0xFFFFFF00] =	vst v0  }
0xe: {  	[tilespmem:s15+$0xF0] =	vst v0  }
0xf: {  	[tilespmem:s15+$0xE0] =	vst v0  }
0x10: {  	[tilespmem:s15+$0xD0] =	vst v0  }
0x11: {  	[tilespmem:s15+$0xC0] =	vst v0  }
0x12: {  	[tilespmem:s15+$0xB0] =	vst v0  }
0x13: {  	[tilespmem:s15+$0xA0] =	vst v0  }
0x14: {  	[tilespmem:s15+$0x90] =	vst v0  }
0x15: {  	[tilespmem:s15+$0x80] =	vst v0  }
0x16: {  	[tilespmem:s15+$0x70] =	vst v0  }
0x17: {  	[tilespmem:s15+$0x60] =	vst v0  }
0x18: {  	[tilespmem:s15+$0x50] =	vst v0  }
0x19: {  	[tilespmem:s15+$0x40] =	vst v0  }
0x1a: {  	[tilespmem:s15+$0x30] =	vst v0  }
0x1b: {  	[tilespmem:s15+$0x20] =	vst v0  }
0x1c: {  	[tilespmem:s15+$0x10] =	vst v0  }
0x1d: {  	[tilespmem:s15+$0x0] =	vst v0  }
0x1e: {  	[tilespmem:s15+$0xFFFFFFF0] =	vst v0  }
0x1f: {  	[tilespmem:s15+$0xFFFFFFE0] =	vst v0  }
0x20: {  	[tilespmem:s15+$0xFFFFFFD0] =	vst v0  }
0x21: {  	[tilespmem:s15+$0xFFFFFFC0] =	vst v0  }
0x22: {  	[tilespmem:s15+$0xFFFFFFB0] =	vst v0  }
0x23: {  	[tilespmem:s15+$0xFFFFFFA0] =	vst v0  }
0x24: {  	[tilespmem:s15+$0xFFFFFF90] =	vst v0  }
0x25: {  	[tilespmem:s15+$0xFFFFFF80] =	vst v0  }
0x26: {  	[tilespmem:s15+$0xFFFFFF70] =	vst v0  }
0x27: {  	[tilespmem:s15+$0xFFFFFF60] =	vst v0  }
0x28: {  	[tilespmem:s15+$0xFFFFFF50] =	vst v0  }
0x29: {  	[tilespmem:s15+$0xFFFFFF40] =	vst v0  }
0x2a: {  	[tilespmem:s15+$0xFFFFFF30] =	vst v0  }
0x2b: {  	s16 =	simm.s32 $0x0;
	[tilespmem:s15+$0xFFFFFF20] =	vst v0  }
.LBB2_2:
0x2c: {  	s16 =	sadd.s32 $0x4, s16;
	[tilespmem:s15+$0xFFFFFF10] =	vst v0;
	s15 =	sadd.s32 $0x200, s15  }
0x2d: {  	[tilespmem:s15+$0xFFFFFF00] =	vst v0;
	p0 =	slt.u32 s16, $0xFC  }
0x2e: {  	[tilespmem:s15+$0xF0] =	vst v0  }
0x2f: {  	[tilespmem:s15+$0xE0] =	vst v0  }
0x30: {  	[tilespmem:s15+$0xD0] =	vst v0  }
0x31: {  	[tilespmem:s15+$0xC0] =	vst v0  }
0x32: {  	[tilespmem:s15+$0xB0] =	vst v0  }
0x33: {  	[tilespmem:s15+$0xA0] =	vst v0  }
0x34: {  	[tilespmem:s15+$0x90] =	vst v0  }
0x35: {  	[tilespmem:s15+$0x80] =	vst v0  }
0x36: {  	[tilespmem:s15+$0x70] =	vst v0  }
0x37: {  	[tilespmem:s15+$0x60] =	vst v0  }
0x38: {  	[tilespmem:s15+$0x50] =	vst v0  }
0x39: {  	[tilespmem:s15+$0x40] =	vst v0  }
0x3a: {  	[tilespmem:s15+$0x30] =	vst v0  }
0x3b: {  	[tilespmem:s15+$0x20] =	vst v0  }
0x3c: {  	[tilespmem:s15+$0x10] =	vst v0  }
0x3d: {  	[tilespmem:s15+$0x0] =	vst v0  }
0x3e: {  	[tilespmem:s15+$0xFFFFFFF0] =	vst v0  }
0x3f: {  	[tilespmem:s15+$0xFFFFFFE0] =	vst v0  }
0x40: {  	[tilespmem:s15+$0xFFFFFFD0] =	vst v0  }
0x41: {  	[tilespmem:s15+$0xFFFFFFC0] =	vst v0  }
0x42: {  	[tilespmem:s15+$0xFFFFFFB0] =	vst v0  }
0x43: {  	[tilespmem:s15+$0xFFFFFFA0] =	vst v0  }
0x44: {  	[tilespmem:s15+$0xFFFFFF90] =	vst v0  }
0x45: {  	[tilespmem:s15+$0xFFFFFF80] =	vst v0  }
0x46: {  	[tilespmem:s15+$0xFFFFFF70] =	vst v0  }
.Ltmp0:
0x47: {  	[tilespmem:s15+$0xFFFFFF60] =	vst v0;
	(pc) =	sbr.rel @p0 .LBB2_2-.Ltmp0, $4  }
0x48: {  	[tilespmem:s15+$0xFFFFFF50] =	vst v0  }
0x49: {  	[tilespmem:s15+$0xFFFFFF40] =	vst v0  }
0x4a: {  	[tilespmem:s15+$0xFFFFFF30] =	vst v0  }
0x4b: {  	[tilespmem:s15+$0xFFFFFF20] =	vst v0  }
0x4c: {  	[tilespmem:s15+$0xFFFFFF10] =	vst v0  }
0x4d: {  	[tilespmem:s9], [sflag:$0x1] =	stream.linear.gather [hbm4b:s3+s2], $0x4000, $0x38;
	[tilespmem:$0x10000] =	vst v63  }
0x4e: {  	_ = 	snop  }
0x4f: {  	[tilespmem:s10], [sflag:$0x2] =	stream.linear.gather [hbm4b:s4+s2], $0x4000, $0x38;
	[tilespmem:$0x10000] =	vst v63  }
0x50: {  	_ =	swait.ge [sflag:s11], $0x4000  }
0x51: {  	[sflag:s11] =	ssyncset.done $0x0  }
0x52: {  	s18 =	simm.s32 $0x8080;
	[sflag:s11] =	ssyncadd.s32 $0xFFFFC000  }
0x53: {  	v2 =	vld [tilespmem:s18+$0x0];
	_ =	sdelay $0x4  }
0x54: {  	vm0 =	vgt.s32 v2, $0x0  }
0x55: {  	v3 =	vnsel vm0, $0x0, v2  }
0x56: {  	v2 =	vshrl.u32 v2, $0x10;
	v3 =	vshrl.u32 v3, $0x10  }
0x57: {  	v2 =	vand.u32 $0x7F, v2;
	v3 =	vand.u32 $0x7F80, v3  }
0x58: {  	v2 =	vor.u32 v2, v3;
	_ =	sdelay $0x4  }
0x59: {  	[tilespmem:v2+s2+$0x0] =	vst.idx.add.f32.msk vm0, v1  }
0x5a: {  	v2 =	vld [tilespmem:s18+$0x10];
	_ =	sdelay $0x4  }
0x5b: {  	vm0 =	vgt.s32 v2, $0x0  }
0x5c: {  	v3 =	vnsel vm0, $0x0, v2  }
0x5d: {  	v2 =	vshrl.u32 v2, $0x10;
	v3 =	vshrl.u32 v3, $0x10  }
0x5e: {  	v2 =	vand.u32 $0x7F, v2;
	v3 =	vand.u32 $0x7F80, v3  }
0x5f: {  	v2 =	vor.u32 v2, v3  }
0x60: {  	v3 =	vld [tilespmem:s18+$0xFFFFFF80];
	_ =	sdelay $0x3  }
0x61: {  	[tilespmem:v2+s2+$0x0] =	vst.idx.add.f32.msk vm0, v1  }
0x62: {  	vm0 =	vgt.s32 v3, $0x0;
	v2 =	vld [tilespmem:s18+$0x20]  }
0x63: {  	v4 =	vnsel vm0, $0x0, v3  }
0x64: {  	v3 =	vshrl.u32 v3, $0x10;
	v4 =	vshrl.u32 v4, $0x10  }
0x65: {  	v3 =	vand.u32 $0x7F, v3;
	v4 =	vand.u32 $0x7F80, v4  }
0x66: {  	v3 =	vor.u32 v3, v4  }
0x67: {  	vm1 =	vgt.s32 v2, $0x0  }
0x68: {  	s15 =	simm.s32 $0x8180;
	v4 =	vnsel vm1, $0x0, v2  }
0x69: {  	v5 =	vld [tilespmem:s15+$0x0];
	v2 =	vshrl.u32 v2, $0x10;
	v4 =	vshrl.u32 v4, $0x10  }
0x6a: {  	v2 =	vand.u32 $0x7F, v2;
	v4 =	vand.u32 $0x7F80, v4  }
0x6b: {  	[tilespmem:v3+s2+$0x0] =	vst.idx.add.f32.msk vm0, v1;
	v2 =	vor.u32 v2, v4  }
0x6c: {  	v3 =	vld [tilespmem:s18+$0xFFFFFF90];
	_ =	sdelay $0x1  }
0x6d: {  	vm0 =	vgt.s32 v5, $0x0  }
0x6e: {  	v4 =	vnsel vm0, $0x0, v5  }
0x6f: {  	v5 =	vshrl.u32 v5, $0x10;
	v4 =	vshrl.u32 v4, $0x10;
	[tilespmem:v2+s2+$0x0] =	vst.idx.add.f32.msk vm1, v1  }
0x70: {  	v4 =	vand.u32 $0x7F80, v4;
	vm1 =	vgt.s32 v3, $0x0;
	v2 =	vand.u32 $0x7F, v5;
	v5 =	vld [tilespmem:s18+$0x30]  }
0x71: {  	v6 =	vnsel vm1, $0x0, v3;
	v2 =	vor.u32 v2, v4  }
0x72: {  	v3 =	vshrl.u32 v3, $0x10;
	v4 =	vshrl.u32 v6, $0x10  }
0x73: {  	v3 =	vand.u32 $0x7F, v3;
	v4 =	vand.u32 $0x7F80, v4  }
0x74: {  	v3 =	vor.u32 v3, v4;
	v4 =	vld [tilespmem:s15+$0xFFFFFF80]  }
0x75: {  	vm2 =	vgt.s32 v5, $0x0  }
0x76: {  	[tilespmem:v2+s2+$0x0] =	vst.idx.add.f32.msk vm0, v1;
	v2 =	vnsel vm2, $0x0, v5  }
0x77: {  	v6 =	vld [tilespmem:s15+$0x10];
	v5 =	vshrl.u32 v5, $0x10;
	v2 =	vshrl.u32 v2, $0x10  }
0x78: {  	v5 =	vand.u32 $0x7F, v5;
	v2 =	vand.u32 $0x7F80, v2  }
0x79: {  	[tilespmem:v3+s2+$0x0] =	vst.idx.add.f32.msk vm1, v1;
	vm0 =	vgt.s32 v4, $0x0;
	v2 =	vor.u32 v5, v2  }
0x7a: {  	v3 =	vld [tilespmem:s18+$0xFFFFFFA0];
	v5 =	vnsel vm0, $0x0, v4  }
0x7b: {  	v4 =	vshrl.u32 v4, $0x10;
	v5 =	vshrl.u32 v5, $0x10  }
0x7c: {  	v4 =	vand.u32 $0x7F, v4;
	v5 =	vand.u32 $0x7F80, v5;
	vm1 =	vgt.s32 v6, $0x0  }
0x7d: {  	v4 =	vor.u32 v4, v5;
	v5 =	vnsel vm1, $0x0, v6  }
0x7e: {  	v6 =	vshrl.u32 v6, $0x10;
	v5 =	vshrl.u32 v5, $0x10;
	[tilespmem:v2+s2+$0x0] =	vst.idx.add.f32.msk vm2, v1  }
0x7f: {  	vm2 =	vgt.s32 v3, $0x0;
	v2 =	vand.u32 $0x7F, v6;
	v5 =	vand.u32 $0x7F80, v5;
	v6 =	vld [tilespmem:s18+$0x40]  }
0x80: {  	v7 =	vnsel vm2, $0x0, v3;
	v2 =	vor.u32 v2, v5  }
0x81: {  	v3 =	vshrl.u32 v3, $0x10;
	v5 =	vshrl.u32 v7, $0x10  }
0x82: {  	v3 =	vand.u32 $0x7F, v3;
	v5 =	vand.u32 $0x7F80, v5;
	[tilespmem:v4+s2+$0x0] =	vst.idx.add.f32.msk vm0, v1  }
0x83: {  	v3 =	vor.u32 v3, v5;
	v4 =	vld [tilespmem:s15+$0xFFFFFF90]  }
0x84: {  	vm0 =	vgt.s32 v6, $0x0  }
0x85: {  	[tilespmem:v2+s2+$0x0] =	vst.idx.add.f32.msk vm1, v1;
	v2 =	vnsel vm0, $0x0, v6  }
0x86: {  	v5 =	vshrl.u32 v6, $0x10;
	v6 =	vld [tilespmem:s15+$0x20];
	v2 =	vshrl.u32 v2, $0x10  }
0x87: {  	v5 =	vand.u32 $0x7F, v5;
	v2 =	vand.u32 $0x7F80, v2  }
0x88: {  	[tilespmem:v3+s2+$0x0] =	vst.idx.add.f32.msk vm2, v1;
	vm1 =	vgt.s32 v4, $0x0;
	v2 =	vor.u32 v5, v2  }
0x89: {  	v3 =	vld [tilespmem:s18+$0xFFFFFFB0];
	v5 =	vnsel vm1, $0x0, v4  }
0x8a: {  	v4 =	vshrl.u32 v4, $0x10;
	v5 =	vshrl.u32 v5, $0x10  }
0x8b: {  	s16 =	simm.s32 $0x8280;
	v4 =	vand.u32 $0x7F, v4;
	v5 =	vand.u32 $0x7F80, v5;
	vm2 =	vgt.s32 v6, $0x0  }
0x8c: {  	v4 =	vor.u32 v4, v5;
	v5 =	vld [tilespmem:s16+$0x0];
	v7 =	vnsel vm2, $0x0, v6  }
0x8d: {  	v6 =	vshrl.u32 v6, $0x10;
	[tilespmem:v2+s2+$0x0] =	vst.idx.add.f32.msk vm0, v1;
	v2 =	vshrl.u32 v7, $0x10  }
0x8e: {  	v6 =	vand.u32 $0x7F, v6;
	vm0 =	vgt.s32 v3, $0x0;
	v7 =	vld [tilespmem:s18+$0x50];
	v2 =	vand.u32 $0x7F80, v2  }
0x8f: {  	v8 =	vnsel vm0, $0x0, v3;
	v2 =	vor.u32 v6, v2  }
0x90: {  	v3 =	vshrl.u32 v3, $0x10;
	v6 =	vshrl.u32 v8, $0x10  }
0x91: {  	v3 =	vand.u32 $0x7F, v3;
	v6 =	vand.u32 $0x7F80, v6;
	[tilespmem:v4+s2+$0x0] =	vst.idx.add.f32.msk vm1, v1;
	vm1 =	vgt.s32 v5, $0x0  }
0x92: {  	v4 =	vld [tilespmem:s16+$0xFFFFFF80];
	v3 =	vor.u32 v3, v6;
	v6 =	vnsel vm1, $0x0, v5  }
0x93: {  	v8 =	vld [tilespmem:s15+$0xFFFFFFA0];
	v5 =	vshrl.u32 v5, $0x10;
	v6 =	vshrl.u32 v6, $0x10;
	vm3 =	vgt.s32 v7, $0x0  }
0x94: {  	v5 =	vand.u32 $0x7F, v5;
	v6 =	vand.u32 $0x7F80, v6;
	v9 =	vnsel vm3, $0x0, v7;
	[tilespmem:v2+s2+$0x0] =	vst.idx.add.f32.msk vm2, v1  }
0x95: {  	v2 =	vor.u32 v5, v6;
	v5 =	vshrl.u32 v7, $0x10;
	v6 =	vshrl.u32 v9, $0x10;
	v7 =	vld [tilespmem:s15+$0x30]  }
0x96: {  	v5 =	vand.u32 $0x7F, v5;
	v6 =	vand.u32 $0x7F80, v6  }
0x97: {  	vm2 =	vgt.s32 v4, $0x0;
	[tilespmem:v3+s2+$0x0] =	vst.idx.add.f32.msk vm0, v1;
	v3 =	vor.u32 v5, v6  }
0x98: {  	vm0 =	vgt.s32 v8, $0x0;
	v5 =	vld [tilespmem:s18+$0xFFFFFFC0];
	v6 =	vnsel vm2, $0x0, v4  }
0x99: {  	v9 =	vshrl.u32 v8, $0x10;
	v4 =	vshrl.u32 v4, $0x10;
	v6 =	vshrl.u32 v6, $0x10  }
0x9a: {  	v4 =	vand.u32 $0x7F, v4;
	v6 =	vand.u32 $0x7F80, v6;
	[tilespmem:v2+s2+$0x0] =	vst.idx.add.f32.msk vm1, v1;
	vm4 =	vgt.s32 v7, $0x0  }
0x9b: {  	v2 =	vnsel vm0, $0x0, v8;
	v4 =	vor.u32 v4, v6;
	v6 =	vld [tilespmem:s16+$0x10];
	v8 =	vnsel vm4, $0x0, v7  }
0x9c: {  	v9 =	vand.u32 $0x7F, v9;
	[tilespmem:v3+s2+$0x0] =	vst.idx.add.f32.msk vm3, v1;
	v3 =	vshrl.u32 v7, $0x10;
	v7 =	vshrl.u32 v8, $0x10  }
0x9d: {  	vm1 =	vgt.s32 v5, $0x0;
	v8 =	vld [tilespmem:s18+$0x60];
	v3 =	vand.u32 $0x7F, v3;
	v7 =	vand.u32 $0x7F80, v7  }
0x9e: {  	v2 =	vshrl.u32 v2, $0x10;
	v10 =	vnsel vm1, $0x0, v5;
	v3 =	vor.u32 v3, v7  }
0x9f: {  	v2 =	vand.u32 $0x7F80, v2;
	v5 =	vshrl.u32 v5, $0x10;
	v7 =	vshrl.u32 v10, $0x10  }
0xa0: {  	v2 =	vor.u32 v9, v2;
	v5 =	vand.u32 $0x7F, v5;
	v7 =	vand.u32 $0x7F80, v7;
	[tilespmem:v4+s2+$0x0] =	vst.idx.add.f32.msk vm2, v1  }
0xa1: {  	vm3 =	vgt.s32 v6, $0x0;
	v4 =	vor.u32 v5, v7;
	v5 =	vld [tilespmem:s16+$0xFFFFFF90]  }
0xa2: {  	v7 =	vnsel vm3, $0x0, v6;
	v6 =	vshrl.u32 v6, $0x10;
	vm5 =	vgt.s32 v8, $0x0  }
0xa3: {  	v6 =	vand.u32 $0x7F, v6;
	v7 =	vshrl.u32 v7, $0x10;
	v9 =	vnsel vm5, $0x0, v8;
	[tilespmem:v3+s2+$0x0] =	vst.idx.add.f32.msk vm4, v1  }
0xa4: {  	v3 =	vand.u32 $0x7F80, v7;
	v7 =	vshrl.u32 v8, $0x10;
	v8 =	vshrl.u32 v9, $0x10;
	v9 =	vld [tilespmem:s15+$0x40]  }
0xa5: {  	[tilespmem:v2+s2+$0x0] =	vst.idx.add.f32.msk vm0, v1;
	v2 =	vor.u32 v6, v3;
	v3 =	vand.u32 $0x7F, v7;
	v6 =	vand.u32 $0x7F80, v8  }
0xa6: {  	v7 =	vld [tilespmem:s15+$0xFFFFFFB0];
	vm0 =	vgt.s32 v5, $0x0;
	v3 =	vor.u32 v3, v6  }
0xa7: {  	[tilespmem:v4+s2+$0x0] =	vst.idx.add.f32.msk vm1, v1;
	v4 =	vnsel vm0, $0x0, v5  }
0xa8: {  	v6 =	vld [tilespmem:s18+$0xFFFFFFD0];
	v5 =	vshrl.u32 v5, $0x10;
	v4 =	vshrl.u32 v4, $0x10  }
0xa9: {  	v5 =	vand.u32 $0x7F, v5;
	v4 =	vand.u32 $0x7F80, v4;
	vm2 =	vgt.s32 v9, $0x0  }
0xaa: {  	v4 =	vor.u32 v5, v4;
	[tilespmem:v2+s2+$0x0] =	vst.idx.add.f32.msk vm3, v1;
	v2 =	vnsel vm2, $0x0, v9  }
0xab: {  	[tilespmem:v3+s2+$0x0] =	vst.idx.add.f32.msk vm5, v1;
	v3 =	vshrl.u32 v9, $0x10;
	v2 =	vshrl.u32 v2, $0x10  }
0xac: {  	vm3 =	vgt.s32 v7, $0x0;
	v5 =	vld [tilespmem:s16+$0x20];
	v3 =	vand.u32 $0x7F, v3;
	v2 =	vand.u32 $0x7F80, v2  }
0xad: {  	v8 =	vshrl.u32 v7, $0x10;
	vm1 =	vgt.s32 v6, $0x0;
	v9 =	vld [tilespmem:s18+$0x70];
	v2 =	vor.u32 v3, v2  }
0xae: {  	v3 =	vnsel vm3, $0x0, v7;
	v7 =	vand.u32 $0x7F, v8;
	v8 =	vnsel vm1, $0x0, v6  }
0xaf: {  	v6 =	vshrl.u32 v6, $0x10;
	v3 =	vshrl.u32 v3, $0x10;
	v8 =	vshrl.u32 v8, $0x10;
	[tilespmem:v4+s2+$0x0] =	vst.idx.add.f32.msk vm0, v1  }
0xb0: {  	s17 =	simm.s32 $0x8380;
	v6 =	vand.u32 $0x7F, v6;
	v3 =	vand.u32 $0x7F80, v3;
	v4 =	vand.u32 $0x7F80, v8;
	v8 =	vld [tilespmem:s16+$0xFFFFFFA0]  }
0xb1: {  	vm4 =	vgt.s32 v5, $0x0;
	v3 =	vor.u32 v7, v3;
	v4 =	vor.u32 v6, v4;
	v6 =	vld [tilespmem:s17+$0x0]  }
0xb2: {  	v7 =	vshrl.u32 v5, $0x10;
	v5 =	vnsel vm4, $0x0, v5;
	vm0 =	vgt.s32 v9, $0x0;
	[tilespmem:v2+s2+$0x0] =	vst.idx.add.f32.msk vm2, v1  }
0xb3: {  	v5 =	vshrl.u32 v5, $0x10;
	v7 =	vand.u32 $0x7F, v7;
	v2 =	vnsel vm0, $0x0, v9;
	v10 =	vld [tilespmem:s15+$0x50]  }
0xb4: {  	v9 =	vshrl.u32 v9, $0x10;
	v5 =	vand.u32 $0x7F80, v5;
	v2 =	vshrl.u32 v2, $0x10  }
0xb5: {  	v9 =	vand.u32 $0x7F, v9;
	v5 =	vor.u32 v7, v5;
	v2 =	vand.u32 $0x7F80, v2  }
0xb6: {  	v7 =	vld [tilespmem:s17+$0xFFFFFF80];
	vm2 =	vgt.s32 v8, $0x0;
	v2 =	vor.u32 v9, v2;
	vm6 =	vgt.s32 v6, $0x0  }
0xb7: {  	v9 =	vshrl.u32 v8, $0x10;
	v8 =	vnsel vm2, $0x0, v8;
	v11 =	vnsel vm6, $0x0, v6  }
0xb8: {  	[tilespmem:v3+s2+$0x0] =	vst.idx.add.f32.msk vm3, v1;
	v3 =	vshrl.u32 v6, $0x10;
	v6 =	vshrl.u32 v11, $0x10;
	vm5 =	vgt.s32 v10, $0x0  }
0xb9: {  	v3 =	vand.u32 $0x7F, v3;
	v11 =	vld [tilespmem:s15+$0xFFFFFFC0];
	v6 =	vand.u32 $0x7F80, v6;
	v12 =	vnsel vm5, $0x0, v10  }
0xba: {  	[tilespmem:v5+s2+$0x0] =	vst.idx.add.f32.msk vm4, v1;
	v5 =	vshrl.u32 v10, $0x10;
	v3 =	vor.u32 v3, v6;
	v6 =	vshrl.u32 v12, $0x10  }
0xbb: {  	vm4 =	vgt.s32 v7, $0x0;
	v10 =	vld [tilespmem:s16+$0x30];
	v5 =	vand.u32 $0x7F, v5;
	v6 =	vand.u32 $0x7F80, v6  }
0xbc: {  	[tilespmem:v4+s2+$0x0] =	vst.idx.add.f32.msk vm1, v1;
	v9 =	vand.u32 $0x7F, v9;
	v4 =	vnsel vm4, $0x0, v7;
	v5 =	vor.u32 v5, v6  }
0xbd: {  	v7 =	vshrl.u32 v7, $0x10;
	v4 =	vshrl.u32 v4, $0x10;
	v6 =	vshrl.u32 v8, $0x10;
	v8 =	vld [tilespmem:s18+$0xFFFFFFE0]  }
0xbe: {  	v7 =	vand.u32 $0x7F, v7;
	v4 =	vand.u32 $0x7F80, v4;
	v6 =	vand.u32 $0x7F80, v6  }
0xbf: {  	vm3 =	vgt.s32 v11, $0x0;
	v4 =	vor.u32 v7, v4;
	v6 =	vor.u32 v9, v6;
	[tilespmem:v3+s2+$0x0] =	vst.idx.add.f32.msk vm6, v1  }
0xc0: {  	v7 =	vshrl.u32 v11, $0x10;
	v3 =	vnsel vm3, $0x0, v11;
	vm14 =	vgt.s32 v10, $0x0;
	v9 =	vld [tilespmem:s17+$0x10]  }
0xc1: {  	v7 =	vand.u32 $0x7F, v7;
	v3 =	vshrl.u32 v3, $0x10;
	v11 =	vnsel vm14, $0x0, v10;
	[tilespmem:v5+s2+$0x0] =	vst.idx.add.f32.msk vm5, v1  }
0xc2: {  	vm1 =	vgt.s32 v8, $0x0;
	v5 =	vshrl.u32 v10, $0x10;
	v10 =	vshrl.u32 v11, $0x10;
	v11 =	vld [tilespmem:s15+$0x60]  }
0xc3: {  	v5 =	vand.u32 $0x7F, v5;
	v10 =	vand.u32 $0x7F80, v10;
	v63 =	vnsel vm1, $0x0, v8  }
0xc4: {  	[tilespmem:v6+s2+$0x0] =	vst.idx.add.f32.msk vm2, v1;
	v5 =	vor.u32 v5, v10;
	v6 =	vshrl.u32 v8, $0x10;
	v8 =	vshrl.u32 v63, $0x10  }
0xc5: {  	v3 =	vand.u32 $0x7F80, v3;
	[tilespmem:v4+s2+$0x0] =	vst.idx.add.f32.msk vm4, v1;
	v4 =	vand.u32 $0x7F, v6;
	v6 =	vand.u32 $0x7F80, v8  }
0xc6: {  	v3 =	vor.u32 v7, v3;
	v7 =	vld [tilespmem:s17+$0xFFFFFF90];
	vm4 =	vgt.s32 v9, $0x0;
	v4 =	vor.u32 v4, v6  }
0xc7: {  	v6 =	vld [tilespmem:s16+$0xFFFFFFB0];
	v8 =	vnsel vm4, $0x0, v9;
	v9 =	vshrl.u32 v9, $0x10;
	vm2 =	vgt.s32 v11, $0x0  }
0xc8: {  	[tilespmem:v2+s2+$0x0] =	vst.idx.add.f32.msk vm0, v1;
	v9 =	vand.u32 $0x7F, v9;
	v8 =	vshrl.u32 v8, $0x10;
	v10 =	vnsel vm2, $0x0, v11  }
0xc9: {  	v8 =	vand.u32 $0x7F80, v8;
	[tilespmem:v5+s2+$0x0] =	vst.idx.add.f32.msk vm14, v1;
	v5 =	vshrl.u32 v11, $0x10;
	v10 =	vshrl.u32 v10, $0x10  }
0xca: {  	v8 =	vor.u32 v9, v8;
	v9 =	vld [tilespmem:s16+$0x40];
	v5 =	vand.u32 $0x7F, v5;
	v10 =	vand.u32 $0x7F80, v10  }
0xcb: {  	[tilespmem:v3+s2+$0x0] =	vst.idx.add.f32.msk vm3, v1;
	vm15 =	vgt.s32 v7, $0x0;
	v3 =	vshrl.u32 v7, $0x10;
	v5 =	vor.u32 v5, v10  }
0xcc: {  	v7 =	vnsel vm15, $0x0, v7;
	v3 =	vand.u32 $0x7F, v3;
	vm5 =	vgt.s32 v6, $0x0;
	v10 =	vld [tilespmem:s15+$0xFFFFFFD0]  }
0xcd: {  	v2 =	vshrl.u32 v7, $0x10;
	[tilespmem:v4+s2+$0x0] =	vst.idx.add.f32.msk vm1, v1;
	v7 =	vnsel vm5, $0x0, v6;
	v6 =	vshrl.u32 v6, $0x10  }
0xce: {  	v2 =	vand.u32 $0x7F80, v2;
	v11 =	vld [tilespmem:s18+$0xFFFFFFF0];
	v4 =	vand.u32 $0x7F, v6;
	v6 =	vshrl.u32 v7, $0x10  }
0xcf: {  	v2 =	vor.u32 v3, v2;
	v3 =	vand.u32 $0x7F80, v6;
	[tilespmem:v8+s2+$0x0] =	vst.idx.add.f32.msk vm4, v1;
	vm3 =	vgt.s32 v9, $0x0  }
0xd0: {  	v4 =	vor.u32 v4, v3;
	v3 =	vnsel vm3, $0x0, v9;
	[tilespmem:v5+s2+$0x0] =	vst.idx.add.f32.msk vm2, v1  }
0xd1: {  	vm2 =	vgt.s32 v10, $0x0;
	v5 =	vshrl.u32 v9, $0x10;
	v6 =	vshrl.u32 v3, $0x10;
	v3 =	vld [tilespmem:s15+$0x70]  }
0xd2: {  	v8 =	vld [tilespmem:s17+$0x20];
	v7 =	vnsel vm2, $0x0, v10;
	v5 =	vand.u32 $0x7F, v5;
	v6 =	vand.u32 $0x7F80, v6  }
0xd3: {  	v7 =	vshrl.u32 v7, $0x10;
	v6 =	vor.u32 v5, v6;
	v5 =	vshrl.u32 v10, $0x10  }
0xd4: {  	[tilespmem:v2+s2+$0x0] =	vst.idx.add.f32.msk vm15, v1;
	vm0 =	vgt.s32 v11, $0x0;
	v9 =	vand.u32 $0x7F80, v7;
	v2 =	vand.u32 $0x7F, v5  }
0xd5: {  	v10 =	vshrl.u32 v11, $0x10;
	v7 =	vld [tilespmem:s17+$0xFFFFFFA0];
	v5 =	vor.u32 v2, v9;
	v9 =	vnsel vm0, $0x0, v11  }
0xd6: {  	s19 =	simm.s32 $0x8480;
	s18 =	simm.s32 $0x6;
	[tilespmem:v4+s2+$0x0] =	vst.idx.add.f32.msk vm5, v1;
	v2 =	vand.u32 $0x7F, v10;
	v4 =	vshrl.u32 v9, $0x10;
	vm1 =	vgt.s32 v3, $0x0  }
.LBB2_4:
0xd7: {  	v9 =	vld [tilespmem:s19+$0x0];
	vm4 =	vgt.s32 v8, $0x0;
	v10 =	vshrl.u32 v8, $0x10;
	v11 =	vnsel vm1, $0x0, v3  }
0xd8: {  	v3 =	vshrl.u32 v3, $0x10;
	v8 =	vnsel vm4, $0x0, v8;
	[tilespmem:v6+s2+$0x0] =	vst.idx.add.f32.msk vm3, v1;
	v6 =	vshrl.u32 v11, $0x10  }
0xd9: {  	v3 =	vand.u32 $0x7F, v3;
	v8 =	vshrl.u32 v8, $0x10;
	v11 =	vld [tilespmem:s16+$0x50];
	v6 =	vand.u32 $0x7F80, v6  }
0xda: {  	s18 =	sadd.s32 $0x2, s18;
	v10 =	vand.u32 $0x7F, v10;
	v12 =	vld [tilespmem:s19+$0xFFFFFF80];
	v8 =	vand.u32 $0x7F80, v8;
	v3 =	vor.u32 v3, v6  }
0xdb: {  	p0 =	slt.u32 s18, $0x7E;
	vm3 =	vgt.s32 v7, $0x0;
	v6 =	vshrl.u32 v7, $0x10;
	v8 =	vor.u32 v10, v8;
	v10 =	vld [tilespmem:s16+$0xFFFFFFC0]  }
0xdc: {  	v7 =	vnsel vm3, $0x0, v7;
	v6 =	vand.u32 $0x7F, v6;
	vm5 =	vgt.s32 v9, $0x0;
	[tilespmem:v5+s2+$0x0] =	vst.idx.add.f32.msk vm2, v1  }
0xdd: {  	v4 =	vand.u32 $0x7F80, v4;
	v7 =	vshrl.u32 v7, $0x10;
	v5 =	vnsel vm5, $0x0, v9;
	v13 =	vld [tilespmem:s15+$0xFFFFFFE0]  }
0xde: {  	v9 =	vshrl.u32 v9, $0x10;
	v5 =	vshrl.u32 v5, $0x10;
	vm6 =	vgt.s32 v11, $0x0  }
0xdf: {  	v9 =	vand.u32 $0x7F, v9;
	v5 =	vand.u32 $0x7F80, v5;
	v14 =	vnsel vm6, $0x0, v11;
	[tilespmem:v3+s2+$0x0] =	vst.idx.add.f32.msk vm1, v1  }
0xe0: {  	v3 =	vor.u32 v9, v5;
	[tilespmem:v8+s2+$0x0] =	vst.idx.add.f32.msk vm4, v1;
	v5 =	vshrl.u32 v11, $0x10;
	v8 =	vshrl.u32 v14, $0x10  }
0xe1: {  	vm2 =	vgt.s32 v12, $0x0;
	v9 =	vld [tilespmem:s17+$0x30];
	v5 =	vand.u32 $0x7F, v5;
	v8 =	vand.u32 $0x7F80, v8  }
0xe2: {  	v11 =	vnsel vm2, $0x0, v12;
	v12 =	vshrl.u32 v12, $0x10;
	v5 =	vor.u32 v5, v8  }
0xe3: {  	v7 =	vand.u32 $0x7F80, v7;
	v11 =	vshrl.u32 v11, $0x10;
	v8 =	vand.u32 $0x7F, v12  }
0xe4: {  	v6 =	vor.u32 v6, v7;
	vm4 =	vgt.s32 v10, $0x0;
	v11 =	vand.u32 $0x7F80, v11  }
0xe5: {  	v7 =	vor.u32 v8, v11;
	v8 =	vshrl.u32 v10, $0x10;
	[tilespmem:v3+s2+$0x0] =	vst.idx.add.f32.msk vm5, v1;
	v3 =	vnsel vm4, $0x0, v10  }
0xe6: {  	v8 =	vand.u32 $0x7F, v8;
	v10 =	vld [tilespmem:s19+$0x10];
	vm5 =	vgt.s32 v9, $0x0;
	v3 =	vshrl.u32 v3, $0x10  }
0xe7: {  	vm1 =	vgt.s32 v13, $0x0;
	v11 =	vnsel vm5, $0x0, v9;
	v3 =	vand.u32 $0x7F80, v3;
	[tilespmem:v5+s2+$0x0] =	vst.idx.add.f32.msk vm6, v1  }
0xe8: {  	v5 =	vshrl.u32 v9, $0x10;
	v9 =	vshrl.u32 v11, $0x10;
	v3 =	vor.u32 v8, v3;
	v8 =	vld [tilespmem:s16+$0x60]  }
0xe9: {  	v5 =	vand.u32 $0x7F, v5;
	[tilespmem:v6+s2+$0x0] =	vst.idx.add.f32.msk vm3, v1;
	v6 =	vand.u32 $0x7F80, v9;
	v9 =	vnsel vm1, $0x0, v13  }
0xea: {  	[tilespmem:v7+s2+$0x0] =	vst.idx.add.f32.msk vm2, v1;
	v5 =	vor.u32 v5, v6;
	v6 =	vshrl.u32 v13, $0x10;
	v7 =	vshrl.u32 v9, $0x10  }
0xeb: {  	v2 =	vor.u32 v2, v4;
	v9 =	vld [tilespmem:s19+$0xFFFFFF90];
	v6 =	vand.u32 $0x7F, v6;
	v7 =	vand.u32 $0x7F80, v7  }
0xec: {  	vm2 =	vgt.s32 v10, $0x0;
	v4 =	vld [tilespmem:s17+$0xFFFFFFB0];
	v6 =	vor.u32 v6, v7  }
0xed: {  	v7 =	vnsel vm2, $0x0, v10;
	v10 =	vshrl.u32 v10, $0x10;
	[tilespmem:v3+s2+$0x0] =	vst.idx.add.f32.msk vm4, v1;
	vm4 =	vgt.s32 v8, $0x0  }
0xee: {  	v3 =	vand.u32 $0x7F, v10;
	v7 =	vshrl.u32 v7, $0x10;
	v10 =	vld [tilespmem:s16+$0xFFFFFFD0];
	v11 =	vnsel vm4, $0x0, v8  }
0xef: {  	v7 =	vand.u32 $0x7F80, v7;
	[tilespmem:v5+s2+$0x0] =	vst.idx.add.f32.msk vm5, v1;
	v5 =	vshrl.u32 v8, $0x10;
	v8 =	vshrl.u32 v11, $0x10  }
0xf0: {  	v3 =	vor.u32 v3, v7;
	v7 =	vld [tilespmem:s17+$0x40];
	v5 =	vand.u32 $0x7F, v5;
	v8 =	vand.u32 $0x7F80, v8  }
0xf1: {  	vm5 =	vgt.s32 v9, $0x0;
	v11 =	vshrl.u32 v9, $0x10;
	v5 =	vor.u32 v5, v8;
	[tilespmem:v6+s2+$0x0] =	vst.idx.add.f32.msk vm1, v1  }
0xf2: {  	v6 =	vnsel vm5, $0x0, v9;
	v8 =	vand.u32 $0x7F, v11;
	vm1 =	vgt.s32 v4, $0x0;
	v9 =	vld [tilespmem:s15+$0xFFFFFFF0];
	s15 =	smov.u32 s16;
	s16 =	smov.u32 s17;
	s17 =	smov.u32 s19  }
0xf3: {  	v6 =	vshrl.u32 v6, $0x10;
	v11 =	vnsel vm1, $0x0, v4;
	v4 =	vshrl.u32 v4, $0x10;
	[tilespmem:v2+s2+$0x0] =	vst.idx.add.f32.msk vm0, v1  }
0xf4: {  	v2 =	vand.u32 $0x7F80, v6;
	v4 =	vand.u32 $0x7F, v4;
	v6 =	vshrl.u32 v11, $0x10  }
0xf5: {  	v2 =	vor.u32 v8, v2;
	[tilespmem:v3+s2+$0x0] =	vst.idx.add.f32.msk vm2, v1;
	v3 =	vand.u32 $0x7F80, v6;
	vm3 =	vgt.s32 v7, $0x0  }
0xf6: {  	vm2 =	vgt.s32 v10, $0x0;
	v4 =	vor.u32 v4, v3;
	v3 =	vnsel vm3, $0x0, v7;
	[tilespmem:v5+s2+$0x0] =	vst.idx.add.f32.msk vm4, v1  }
0xf7: {  	v5 =	vshrl.u32 v7, $0x10;
	v7 =	vnsel vm2, $0x0, v10;
	v6 =	vshrl.u32 v3, $0x10;
	v3 =	vld [tilespmem:s15+$0x70]  }
.Ltmp1:
0xf8: {  	v5 =	vand.u32 $0x7F, v5;
	v7 =	vshrl.u32 v7, $0x10;
	v8 =	vld [tilespmem:s19+$0x20];
	v6 =	vand.u32 $0x7F80, v6;
	(pc) =	sbr.rel @p0 .LBB2_4-.Ltmp1, $4  }
0xf9: {  	v6 =	vor.u32 v5, v6;
	v5 =	vshrl.u32 v10, $0x10;
	v10 =	vand.u32 $0x7F80, v7  }
0xfa: {  	vm0 =	vgt.s32 v9, $0x0;
	v11 =	vshrl.u32 v9, $0x10;
	[tilespmem:v2+s2+$0x0] =	vst.idx.add.f32.msk vm5, v1;
	v2 =	vand.u32 $0x7F, v5  }
0xfb: {  	v9 =	vnsel vm0, $0x0, v9;
	v7 =	vld [tilespmem:s19+$0xFFFFFFA0];
	v5 =	vor.u32 v2, v10;
	v2 =	vand.u32 $0x7F, v11  }
0xfc: {  	s19 =	sadd.s32 $0x100, s19;
	[tilespmem:v4+s2+$0x0] =	vst.idx.add.f32.msk vm1, v1;
	vm1 =	vgt.s32 v3, $0x0;
	v4 =	vshrl.u32 v9, $0x10  }
0xfd: {  	vm4 =	vgt.s32 v8, $0x0  }
0xfe: {  	v9 =	vnsel vm4, $0x0, v8  }
0xff: {  	v8 =	vshrl.u32 v8, $0x10;
	v9 =	vshrl.u32 v9, $0x10  }
0x100: {  	v8 =	vand.u32 $0x7F, v8;
	v9 =	vand.u32 $0x7F80, v9;
	vm5 =	vgt.s32 v7, $0x0  }
0x101: {  	v8 =	vor.u32 v8, v9;
	v9 =	vnsel vm5, $0x0, v7  }
0x102: {  	v7 =	vshrl.u32 v7, $0x10;
	v9 =	vshrl.u32 v9, $0x10  }
0x103: {  	v7 =	vand.u32 $0x7F, v7;
	v9 =	vand.u32 $0x7F80, v9  }
0x104: {  	v7 =	vor.u32 v7, v9;
	_ =	sdelay $0x1  }
0x105: {  	[tilespmem:v8+s2+$0x0] =	vst.idx.add.f32.msk vm4, v1  }
0x106: {  	v8 =	vld [tilespmem:s17+$0x30];
	_ =	sdelay $0x1  }
0x107: {  	[tilespmem:v7+s2+$0x0] =	vst.idx.add.f32.msk vm5, v1  }
0x108: {  	v7 =	vld [tilespmem:s17+$0xFFFFFFB0];
	_ =	sdelay $0x1  }
0x109: {  	vm4 =	vgt.s32 v8, $0x0  }
0x10a: {  	v9 =	vnsel vm4, $0x0, v8  }
0x10b: {  	v8 =	vshrl.u32 v8, $0x10;
	v9 =	vshrl.u32 v9, $0x10  }
0x10c: {  	v8 =	vand.u32 $0x7F, v8;
	v9 =	vand.u32 $0x7F80, v9;
	vm5 =	vgt.s32 v7, $0x0  }
0x10d: {  	v8 =	vor.u32 v8, v9;
	v9 =	vnsel vm5, $0x0, v7  }
0x10e: {  	v7 =	vshrl.u32 v7, $0x10;
	v9 =	vshrl.u32 v9, $0x10  }
0x10f: {  	v7 =	vand.u32 $0x7F, v7;
	v9 =	vand.u32 $0x7F80, v9  }
0x110: {  	v7 =	vor.u32 v7, v9  }
0x111: {  	v9 =	vld [tilespmem:s16+$0xFFFFFFC0]  }
0x112: {  	[tilespmem:v8+s2+$0x0] =	vst.idx.add.f32.msk vm4, v1  }
0x113: {  	v8 =	vld [tilespmem:s17+$0x40];
	_ =	sdelay $0x1  }
0x114: {  	[tilespmem:v7+s2+$0x0] =	vst.idx.add.f32.msk vm5, v1  }
0x115: {  	vm4 =	vgt.s32 v9, $0x0;
	v7 =	vld [tilespmem:s17+$0xFFFFFFC0]  }
0x116: {  	v10 =	vnsel vm4, $0x0, v9  }
0x117: {  	v9 =	vshrl.u32 v9, $0x10;
	v10 =	vshrl.u32 v10, $0x10;
	vm5 =	vgt.s32 v8, $0x0  }
0x118: {  	v9 =	vand.u32 $0x7F, v9;
	v10 =	vand.u32 $0x7F80, v10;
	v11 =	vnsel vm5, $0x0, v8  }
0x119: {  	v9 =	vor.u32 v9, v10;
	v8 =	vshrl.u32 v8, $0x10;
	v10 =	vshrl.u32 v11, $0x10  }
0x11a: {  	[tilespmem:v6+s2+$0x0] =	vst.idx.add.f32.msk vm3, v1;
	v8 =	vand.u32 $0x7F, v8;
	v10 =	vand.u32 $0x7F80, v10;
	vm6 =	vgt.s32 v7, $0x0  }
0x11b: {  	v6 =	vor.u32 v8, v10;
	v8 =	vnsel vm6, $0x0, v7;
	v10 =	vld [tilespmem:s16+$0x50]  }
0x11c: {  	v7 =	vshrl.u32 v7, $0x10;
	v8 =	vshrl.u32 v8, $0x10  }
0x11d: {  	v7 =	vand.u32 $0x7F, v7;
	v8 =	vand.u32 $0x7F80, v8  }
0x11e: {  	[tilespmem:v9+s2+$0x0] =	vst.idx.add.f32.msk vm4, v1;
	v7 =	vor.u32 v7, v8  }
0x11f: {  	v8 =	vld [tilespmem:s16+$0xFFFFFFD0]  }
0x120: {  	[tilespmem:v6+s2+$0x0] =	vst.idx.add.f32.msk vm5, v1;
	vm3 =	vgt.s32 v10, $0x0  }
0x121: {  	v6 =	vld [tilespmem:s17+$0x50];
	v9 =	vnsel vm3, $0x0, v10  }
0x122: {  	v10 =	vshrl.u32 v10, $0x10;
	v9 =	vshrl.u32 v9, $0x10  }
0x123: {  	[tilespmem:v7+s2+$0x0] =	vst.idx.add.f32.msk vm6, v1;
	v7 =	vand.u32 $0x7F, v10;
	v9 =	vand.u32 $0x7F80, v9  }
0x124: {  	vm4 =	vgt.s32 v8, $0x0;
	v10 =	vld [tilespmem:s17+$0xFFFFFFD0];
	v7 =	vor.u32 v7, v9  }
0x125: {  	v9 =	vnsel vm4, $0x0, v8  }
0x126: {  	v8 =	vshrl.u32 v8, $0x10;
	v9 =	vshrl.u32 v9, $0x10;
	vm5 =	vgt.s32 v6, $0x0  }
0x127: {  	[tilespmem:v5+s2+$0x0] =	vst.idx.add.f32.msk vm2, v1;
	v8 =	vand.u32 $0x7F, v8;
	v9 =	vand.u32 $0x7F80, v9;
	v11 =	vnsel vm5, $0x0, v6  }
0x128: {  	v5 =	vor.u32 v8, v9;
	v6 =	vshrl.u32 v6, $0x10;
	v9 =	vld [tilespmem:s15+$0xFFFFFFE0];
	v8 =	vshrl.u32 v11, $0x10  }
0x129: {  	v6 =	vand.u32 $0x7F, v6;
	v8 =	vand.u32 $0x7F80, v8;
	vm2 =	vgt.s32 v10, $0x0;
	[tilespmem:v7+s2+$0x0] =	vst.idx.add.f32.msk vm3, v1  }
0x12a: {  	v6 =	vor.u32 v6, v8;
	v7 =	vnsel vm2, $0x0, v10;
	v8 =	vld [tilespmem:s16+$0x60]  }
0x12b: {  	v10 =	vshrl.u32 v10, $0x10;
	v7 =	vshrl.u32 v7, $0x10  }
0x12c: {  	v10 =	vand.u32 $0x7F, v10;
	v7 =	vand.u32 $0x7F80, v7  }
0x12d: {  	[tilespmem:v5+s2+$0x0] =	vst.idx.add.f32.msk vm4, v1;
	vm3 =	vgt.s32 v9, $0x0;
	v5 =	vor.u32 v10, v7  }
0x12e: {  	v7 =	vld [tilespmem:s16+$0xFFFFFFE0];
	v10 =	vnsel vm3, $0x0, v9  }
0x12f: {  	[tilespmem:v6+s2+$0x0] =	vst.idx.add.f32.msk vm5, v1;
	v6 =	vshrl.u32 v9, $0x10;
	v9 =	vshrl.u32 v10, $0x10;
	vm4 =	vgt.s32 v8, $0x0  }
0x130: {  	v10 =	vld [tilespmem:s17+$0x60];
	v6 =	vand.u32 $0x7F, v6;
	v9 =	vand.u32 $0x7F80, v9;
	v11 =	vnsel vm4, $0x0, v8  }
0x131: {  	v8 =	vshrl.u32 v8, $0x10;
	v6 =	vor.u32 v6, v9;
	v9 =	vshrl.u32 v11, $0x10  }
0x132: {  	[tilespmem:v5+s2+$0x0] =	vst.idx.add.f32.msk vm2, v1;
	v5 =	vand.u32 $0x7F, v8;
	v8 =	vand.u32 $0x7F80, v9  }
0x133: {  	vm2 =	vgt.s32 v7, $0x0;
	v9 =	vld [tilespmem:s17+$0xFFFFFFE0];
	v5 =	vor.u32 v5, v8  }
0x134: {  	v8 =	vnsel vm2, $0x0, v7  }
0x135: {  	v7 =	vshrl.u32 v7, $0x10;
	v8 =	vshrl.u32 v8, $0x10;
	vm5 =	vgt.s32 v10, $0x0  }
0x136: {  	v7 =	vand.u32 $0x7F, v7;
	v8 =	vand.u32 $0x7F80, v8;
	v11 =	vnsel vm5, $0x0, v10  }
0x137: {  	v7 =	vor.u32 v7, v8;
	v8 =	vshrl.u32 v10, $0x10;
	[tilespmem:v6+s2+$0x0] =	vst.idx.add.f32.msk vm3, v1;
	v10 =	vshrl.u32 v11, $0x10  }
0x138: {  	v6 =	vand.u32 $0x7F, v8;
	v8 =	vand.u32 $0x7F80, v10;
	vm11 =	vgt.s32 v9, $0x0;
	[tilespmem:v5+s2+$0x0] =	vst.idx.add.f32.msk vm4, v1  }
0x139: {  	v10 =	vld [tilespmem:s15+$0xFFFFFFF0];
	v5 =	vor.u32 v6, v8;
	v6 =	vnsel vm11, $0x0, v9  }
0x13a: {  	v8 =	vld [tilespmem:s16+$0x70];
	v9 =	vshrl.u32 v9, $0x10;
	v6 =	vshrl.u32 v6, $0x10  }
0x13b: {  	v9 =	vand.u32 $0x7F, v9;
	v6 =	vand.u32 $0x7F80, v6  }
0x13c: {  	v11 =	vnsel vm1, $0x0, v3;
	[tilespmem:v7+s2+$0x0] =	vst.idx.add.f32.msk vm2, v1;
	v6 =	vor.u32 v9, v6  }
0x13d: {  	v4 =	vand.u32 $0x7F80, v4;
	v3 =	vshrl.u32 v3, $0x10;
	v7 =	vshrl.u32 v11, $0x10;
	v9 =	vld [tilespmem:s16+$0xFFFFFFF0]  }
0x13e: {  	v2 =	vor.u32 v2, v4;
	v3 =	vand.u32 $0x7F, v3;
	v7 =	vand.u32 $0x7F80, v7;
	[tilespmem:v5+s2+$0x0] =	vst.idx.add.f32.msk vm5, v1  }
0x13f: {  	v3 =	vor.u32 v3, v7;
	vm3 =	vgt.s32 v10, $0x0;
	vm2 =	vgt.s32 v8, $0x0;
	v4 =	vld [tilespmem:s17+$0x70]  }
0x140: {  	v5 =	vshrl.u32 v10, $0x10;
	v10 =	vnsel vm3, $0x0, v10;
	v7 =	vnsel vm2, $0x0, v8  }
0x141: {  	v8 =	vshrl.u32 v8, $0x10;
	v5 =	vand.u32 $0x7F, v5;
	v7 =	vshrl.u32 v7, $0x10;
	[tilespmem:v6+s2+$0x0] =	vst.idx.add.f32.msk vm11, v1  }
0x142: {  	v8 =	vand.u32 $0x7F, v8;
	v6 =	vshrl.u32 v10, $0x10;
	v7 =	vand.u32 $0x7F80, v7;
	v10 =	vld [tilespmem:s17+$0xFFFFFFF0]  }
0x143: {  	vm4 =	vgt.s32 v9, $0x0;
	v7 =	vor.u32 v8, v7;
	v6 =	vand.u32 $0x7F80, v6  }
0x144: {  	v8 =	vnsel vm4, $0x0, v9;
	v5 =	vor.u32 v5, v6;
	vm5 =	vgt.s32 v4, $0x0  }
0x145: {  	v6 =	vshrl.u32 v9, $0x10;
	v8 =	vshrl.u32 v8, $0x10;
	v9 =	vnsel vm5, $0x0, v4  }
0x146: {  	v6 =	vand.u32 $0x7F, v6;
	v4 =	vshrl.u32 v4, $0x10;
	v9 =	vshrl.u32 v9, $0x10  }
0x147: {  	v4 =	vand.u32 $0x7F, v4;
	v9 =	vand.u32 $0x7F80, v9;
	vm12 =	vgt.s32 v10, $0x0  }
0x148: {  	v8 =	vand.u32 $0x7F80, v8;
	v4 =	vor.u32 v4, v9;
	v9 =	vnsel vm12, $0x0, v10  }
0x149: {  	[tilespmem:v3+s2+$0x0] =	vst.idx.add.f32.msk vm1, v1;
	v3 =	vor.u32 v6, v8;
	v10 =	vshrl.u32 v10, $0x10;
	v9 =	vshrl.u32 v9, $0x10  }
0x14a: {  	v6 =	vand.u32 $0x7F, v10;
	v8 =	vand.u32 $0x7F80, v9  }
0x14b: {  	[tilespmem:v2+s2+$0x0] =	vst.idx.add.f32.msk vm0, v1;
	v2 =	vor.u32 v6, v8  }
0x14c: {  	[tilespmem:v7+s2+$0x0] =	vst.idx.add.f32.msk vm2, v1  }
0x14d: {  	[tilespmem:v5+s2+$0x0] =	vst.idx.add.f32.msk vm3, v1  }
0x14e: {  	[tilespmem:v3+s2+$0x0] =	vst.idx.add.f32.msk vm4, v1  }
0x14f: {  	[tilespmem:v4+s2+$0x0] =	vst.idx.add.f32.msk vm5, v1  }
0x150: {  	[tilespmem:v2+s2+$0x0] =	vst.idx.add.f32.msk vm12, v1  }
0x151: {  	[tilespmem:s9], [sflag:$0x1] =	stream.linear.gather [hbm4b:s5+s2], $0x4000, $0x38;
	[tilespmem:$0x10000] =	vst v63  }
0x152: {  	_ =	swait.ge [sflag:s12], $0x4000  }
0x153: {  	[sflag:s12] =	ssyncset.done $0x0  }
0x154: {  	s18 =	simm.s32 $0xC080;
	[sflag:s12] =	ssyncadd.s32 $0xFFFFC000  }
0x155: {  	v2 =	vld [tilespmem:s18+$0x0];
	_ =	sdelay $0x4  }
0x156: {  	vm0 =	vgt.s32 v2, $0x0  }
0x157: {  	v3 =	vnsel vm0, $0x0, v2  }
0x158: {  	v2 =	vshrl.u32 v2, $0x10;
	v3 =	vshrl.u32 v3, $0x10  }
0x159: {  	v2 =	vand.u32 $0x7F, v2;
	v3 =	vand.u32 $0x7F80, v3  }
0x15a: {  	v2 =	vor.u32 v2, v3;
	_ =	sdelay $0x4  }
0x15b: {  	[tilespmem:v2+s2+$0x0] =	vst.idx.add.f32.msk vm0, v1  }
0x15c: {  	v2 =	vld [tilespmem:s18+$0x10];
	_ =	sdelay $0x4  }
0x15d: {  	vm0 =	vgt.s32 v2, $0x0  }
0x15e: {  	v3 =	vnsel vm0, $0x0, v2  }
0x15f: {  	v2 =	vshrl.u32 v2, $0x10;
	v3 =	vshrl.u32 v3, $0x10  }
0x160: {  	v2 =	vand.u32 $0x7F, v2;
	v3 =	vand.u32 $0x7F80, v3  }
0x161: {  	v2 =	vor.u32 v2, v3  }
0x162: {  	v3 =	vld [tilespmem:s18+$0xFFFFFF80];
	_ =	sdelay $0x3  }
0x163: {  	[tilespmem:v2+s2+$0x0] =	vst.idx.add.f32.msk vm0, v1  }
0x164: {  	vm0 =	vgt.s32 v3, $0x0;
	v2 =	vld [tilespmem:s18+$0x20]  }
0x165: {  	v4 =	vnsel vm0, $0x0, v3  }
0x166: {  	v3 =	vshrl.u32 v3, $0x10;
	v4 =	vshrl.u32 v4, $0x10  }
0x167: {  	v3 =	vand.u32 $0x7F, v3;
	v4 =	vand.u32 $0x7F80, v4  }
0x168: {  	v3 =	vor.u32 v3, v4  }
0x169: {  	vm1 =	vgt.s32 v2, $0x0  }
0x16a: {  	s15 =	simm.s32 $0xC180;
	v4 =	vnsel vm1, $0x0, v2  }
0x16b: {  	v5 =	vld [tilespmem:s15+$0x0];
	v2 =	vshrl.u32 v2, $0x10;
	v4 =	vshrl.u32 v4, $0x10  }
0x16c: {  	v2 =	vand.u32 $0x7F, v2;
	v4 =	vand.u32 $0x7F80, v4  }
0x16d: {  	[tilespmem:v3+s2+$0x0] =	vst.idx.add.f32.msk vm0, v1;
	v2 =	vor.u32 v2, v4  }
0x16e: {  	v3 =	vld [tilespmem:s18+$0xFFFFFF90];
	_ =	sdelay $0x1  }
0x16f: {  	vm0 =	vgt.s32 v5, $0x0  }
0x170: {  	v4 =	vnsel vm0, $0x0, v5  }
0x171: {  	v5 =	vshrl.u32 v5, $0x10;
	v4 =	vshrl.u32 v4, $0x10;
	[tilespmem:v2+s2+$0x0] =	vst.idx.add.f32.msk vm1, v1  }
0x172: {  	v4 =	vand.u32 $0x7F80, v4;
	vm1 =	vgt.s32 v3, $0x0;
	v2 =	vand.u32 $0x7F, v5;
	v5 =	vld [tilespmem:s18+$0x30]  }
0x173: {  	v6 =	vnsel vm1, $0x0, v3;
	v2 =	vor.u32 v2, v4  }
0x174: {  	v3 =	vshrl.u32 v3, $0x10;
	v4 =	vshrl.u32 v6, $0x10  }
0x175: {  	v3 =	vand.u32 $0x7F, v3;
	v4 =	vand.u32 $0x7F80, v4  }
0x176: {  	v3 =	vor.u32 v3, v4;
	v4 =	vld [tilespmem:s15+$0xFFFFFF80]  }
0x177: {  	vm2 =	vgt.s32 v5, $0x0  }
0x178: {  	[tilespmem:v2+s2+$0x0] =	vst.idx.add.f32.msk vm0, v1;
	v2 =	vnsel vm2, $0x0, v5  }
0x179: {  	v6 =	vld [tilespmem:s15+$0x10];
	v5 =	vshrl.u32 v5, $0x10;
	v2 =	vshrl.u32 v2, $0x10  }
0x17a: {  	v5 =	vand.u32 $0x7F, v5;
	v2 =	vand.u32 $0x7F80, v2  }
0x17b: {  	[tilespmem:v3+s2+$0x0] =	vst.idx.add.f32.msk vm1, v1;
	vm0 =	vgt.s32 v4, $0x0;
	v2 =	vor.u32 v5, v2  }
0x17c: {  	v3 =	vld [tilespmem:s18+$0xFFFFFFA0];
	v5 =	vnsel vm0, $0x0, v4  }
0x17d: {  	v4 =	vshrl.u32 v4, $0x10;
	v5 =	vshrl.u32 v5, $0x10  }
0x17e: {  	v4 =	vand.u32 $0x7F, v4;
	v5 =	vand.u32 $0x7F80, v5;
	vm1 =	vgt.s32 v6, $0x0  }
0x17f: {  	v4 =	vor.u32 v4, v5;
	v5 =	vnsel vm1, $0x0, v6  }
0x180: {  	v6 =	vshrl.u32 v6, $0x10;
	v5 =	vshrl.u32 v5, $0x10;
	[tilespmem:v2+s2+$0x0] =	vst.idx.add.f32.msk vm2, v1  }
0x181: {  	vm2 =	vgt.s32 v3, $0x0;
	v2 =	vand.u32 $0x7F, v6;
	v5 =	vand.u32 $0x7F80, v5;
	v6 =	vld [tilespmem:s18+$0x40]  }
0x182: {  	v7 =	vnsel vm2, $0x0, v3;
	v2 =	vor.u32 v2, v5  }
0x183: {  	v3 =	vshrl.u32 v3, $0x10;
	v5 =	vshrl.u32 v7, $0x10  }
0x184: {  	v3 =	vand.u32 $0x7F, v3;
	v5 =	vand.u32 $0x7F80, v5;
	[tilespmem:v4+s2+$0x0] =	vst.idx.add.f32.msk vm0, v1  }
0x185: {  	v3 =	vor.u32 v3, v5;
	v4 =	vld [tilespmem:s15+$0xFFFFFF90]  }
0x186: {  	vm0 =	vgt.s32 v6, $0x0  }
0x187: {  	[tilespmem:v2+s2+$0x0] =	vst.idx.add.f32.msk vm1, v1;
	v2 =	vnsel vm0, $0x0, v6  }
0x188: {  	v5 =	vshrl.u32 v6, $0x10;
	v6 =	vld [tilespmem:s15+$0x20];
	v2 =	vshrl.u32 v2, $0x10  }
0x189: {  	v5 =	vand.u32 $0x7F, v5;
	v2 =	vand.u32 $0x7F80, v2  }
0x18a: {  	[tilespmem:v3+s2+$0x0] =	vst.idx.add.f32.msk vm2, v1;
	vm1 =	vgt.s32 v4, $0x0;
	v2 =	vor.u32 v5, v2  }
0x18b: {  	v3 =	vld [tilespmem:s18+$0xFFFFFFB0];
	v5 =	vnsel vm1, $0x0, v4  }
0x18c: {  	v4 =	vshrl.u32 v4, $0x10;
	v5 =	vshrl.u32 v5, $0x10  }
0x18d: {  	s16 =	simm.s32 $0xC280;
	v4 =	vand.u32 $0x7F, v4;
	v5 =	vand.u32 $0x7F80, v5;
	vm2 =	vgt.s32 v6, $0x0  }
0x18e: {  	v4 =	vor.u32 v4, v5;
	v5 =	vld [tilespmem:s16+$0x0];
	v7 =	vnsel vm2, $0x0, v6  }
0x18f: {  	v6 =	vshrl.u32 v6, $0x10;
	[tilespmem:v2+s2+$0x0] =	vst.idx.add.f32.msk vm0, v1;
	v2 =	vshrl.u32 v7, $0x10  }
0x190: {  	v6 =	vand.u32 $0x7F, v6;
	vm0 =	vgt.s32 v3, $0x0;
	v7 =	vld [tilespmem:s18+$0x50];
	v2 =	vand.u32 $0x7F80, v2  }
0x191: {  	v8 =	vnsel vm0, $0x0, v3;
	v2 =	vor.u32 v6, v2  }
0x192: {  	v3 =	vshrl.u32 v3, $0x10;
	v6 =	vshrl.u32 v8, $0x10  }
0x193: {  	v3 =	vand.u32 $0x7F, v3;
	v6 =	vand.u32 $0x7F80, v6;
	[tilespmem:v4+s2+$0x0] =	vst.idx.add.f32.msk vm1, v1;
	vm1 =	vgt.s32 v5, $0x0  }
0x194: {  	v4 =	vld [tilespmem:s16+$0xFFFFFF80];
	v3 =	vor.u32 v3, v6;
	v6 =	vnsel vm1, $0x0, v5  }
0x195: {  	v8 =	vld [tilespmem:s15+$0xFFFFFFA0];
	v5 =	vshrl.u32 v5, $0x10;
	v6 =	vshrl.u32 v6, $0x10;
	vm3 =	vgt.s32 v7, $0x0  }
0x196: {  	v5 =	vand.u32 $0x7F, v5;
	v6 =	vand.u32 $0x7F80, v6;
	v9 =	vnsel vm3, $0x0, v7;
	[tilespmem:v2+s2+$0x0] =	vst.idx.add.f32.msk vm2, v1  }
0x197: {  	v2 =	vor.u32 v5, v6;
	v5 =	vshrl.u32 v7, $0x10;
	v6 =	vshrl.u32 v9, $0x10;
	v7 =	vld [tilespmem:s15+$0x30]  }
0x198: {  	v5 =	vand.u32 $0x7F, v5;
	v6 =	vand.u32 $0x7F80, v6  }
0x199: {  	vm2 =	vgt.s32 v4, $0x0;
	[tilespmem:v3+s2+$0x0] =	vst.idx.add.f32.msk vm0, v1;
	v3 =	vor.u32 v5, v6  }
0x19a: {  	vm0 =	vgt.s32 v8, $0x0;
	v5 =	vld [tilespmem:s18+$0xFFFFFFC0];
	v6 =	vnsel vm2, $0x0, v4  }
0x19b: {  	v9 =	vshrl.u32 v8, $0x10;
	v4 =	vshrl.u32 v4, $0x10;
	v6 =	vshrl.u32 v6, $0x10  }
0x19c: {  	v4 =	vand.u32 $0x7F, v4;
	v6 =	vand.u32 $0x7F80, v6;
	[tilespmem:v2+s2+$0x0] =	vst.idx.add.f32.msk vm1, v1;
	vm4 =	vgt.s32 v7, $0x0  }
0x19d: {  	v2 =	vnsel vm0, $0x0, v8;
	v4 =	vor.u32 v4, v6;
	v6 =	vld [tilespmem:s16+$0x10];
	v8 =	vnsel vm4, $0x0, v7  }
0x19e: {  	v9 =	vand.u32 $0x7F, v9;
	[tilespmem:v3+s2+$0x0] =	vst.idx.add.f32.msk vm3, v1;
	v3 =	vshrl.u32 v7, $0x10;
	v7 =	vshrl.u32 v8, $0x10  }
0x19f: {  	vm1 =	vgt.s32 v5, $0x0;
	v8 =	vld [tilespmem:s18+$0x60];
	v3 =	vand.u32 $0x7F, v3;
	v7 =	vand.u32 $0x7F80, v7  }
0x1a0: {  	v2 =	vshrl.u32 v2, $0x10;
	v10 =	vnsel vm1, $0x0, v5;
	v3 =	vor.u32 v3, v7  }
0x1a1: {  	v2 =	vand.u32 $0x7F80, v2;
	v5 =	vshrl.u32 v5, $0x10;
	v7 =	vshrl.u32 v10, $0x10  }
0x1a2: {  	v2 =	vor.u32 v9, v2;
	v5 =	vand.u32 $0x7F, v5;
	v7 =	vand.u32 $0x7F80, v7;
	[tilespmem:v4+s2+$0x0] =	vst.idx.add.f32.msk vm2, v1  }
0x1a3: {  	vm3 =	vgt.s32 v6, $0x0;
	v4 =	vor.u32 v5, v7;
	v5 =	vld [tilespmem:s16+$0xFFFFFF90]  }
0x1a4: {  	v7 =	vnsel vm3, $0x0, v6;
	v6 =	vshrl.u32 v6, $0x10;
	vm5 =	vgt.s32 v8, $0x0  }
0x1a5: {  	v6 =	vand.u32 $0x7F, v6;
	v7 =	vshrl.u32 v7, $0x10;
	v9 =	vnsel vm5, $0x0, v8;
	[tilespmem:v3+s2+$0x0] =	vst.idx.add.f32.msk vm4, v1  }
0x1a6: {  	v3 =	vand.u32 $0x7F80, v7;
	v7 =	vshrl.u32 v8, $0x10;
	v8 =	vshrl.u32 v9, $0x10;
	v9 =	vld [tilespmem:s15+$0x40]  }
0x1a7: {  	[tilespmem:v2+s2+$0x0] =	vst.idx.add.f32.msk vm0, v1;
	v2 =	vor.u32 v6, v3;
	v3 =	vand.u32 $0x7F, v7;
	v6 =	vand.u32 $0x7F80, v8  }
0x1a8: {  	v7 =	vld [tilespmem:s15+$0xFFFFFFB0];
	vm0 =	vgt.s32 v5, $0x0;
	v3 =	vor.u32 v3, v6  }
0x1a9: {  	[tilespmem:v4+s2+$0x0] =	vst.idx.add.f32.msk vm1, v1;
	v4 =	vnsel vm0, $0x0, v5  }
0x1aa: {  	v6 =	vld [tilespmem:s18+$0xFFFFFFD0];
	v5 =	vshrl.u32 v5, $0x10;
	v4 =	vshrl.u32 v4, $0x10  }
0x1ab: {  	v5 =	vand.u32 $0x7F, v5;
	v4 =	vand.u32 $0x7F80, v4;
	vm2 =	vgt.s32 v9, $0x0  }
0x1ac: {  	v4 =	vor.u32 v5, v4;
	[tilespmem:v2+s2+$0x0] =	vst.idx.add.f32.msk vm3, v1;
	v2 =	vnsel vm2, $0x0, v9  }
0x1ad: {  	[tilespmem:v3+s2+$0x0] =	vst.idx.add.f32.msk vm5, v1;
	v3 =	vshrl.u32 v9, $0x10;
	v2 =	vshrl.u32 v2, $0x10  }
0x1ae: {  	vm3 =	vgt.s32 v7, $0x0;
	v5 =	vld [tilespmem:s16+$0x20];
	v3 =	vand.u32 $0x7F, v3;
	v2 =	vand.u32 $0x7F80, v2  }
0x1af: {  	v8 =	vshrl.u32 v7, $0x10;
	vm1 =	vgt.s32 v6, $0x0;
	v9 =	vld [tilespmem:s18+$0x70];
	v2 =	vor.u32 v3, v2  }
0x1b0: {  	v3 =	vnsel vm3, $0x0, v7;
	v7 =	vand.u32 $0x7F, v8;
	v8 =	vnsel vm1, $0x0, v6  }
0x1b1: {  	v6 =	vshrl.u32 v6, $0x10;
	v3 =	vshrl.u32 v3, $0x10;
	v8 =	vshrl.u32 v8, $0x10;
	[tilespmem:v4+s2+$0x0] =	vst.idx.add.f32.msk vm0, v1  }
0x1b2: {  	s17 =	simm.s32 $0xC380;
	v6 =	vand.u32 $0x7F, v6;
	v3 =	vand.u32 $0x7F80, v3;
	v4 =	vand.u32 $0x7F80, v8;
	v8 =	vld [tilespmem:s16+$0xFFFFFFA0]  }
0x1b3: {  	vm4 =	vgt.s32 v5, $0x0;
	v3 =	vor.u32 v7, v3;
	v4 =	vor.u32 v6, v4;
	v6 =	vld [tilespmem:s17+$0x0]  }
0x1b4: {  	v7 =	vshrl.u32 v5, $0x10;
	v5 =	vnsel vm4, $0x0, v5;
	vm0 =	vgt.s32 v9, $0x0;
	[tilespmem:v2+s2+$0x0] =	vst.idx.add.f32.msk vm2, v1  }
0x1b5: {  	v5 =	vshrl.u32 v5, $0x10;
	v7 =	vand.u32 $0x7F, v7;
	v2 =	vnsel vm0, $0x0, v9;
	v10 =	vld [tilespmem:s15+$0x50]  }
0x1b6: {  	v9 =	vshrl.u32 v9, $0x10;
	v5 =	vand.u32 $0x7F80, v5;
	v2 =	vshrl.u32 v2, $0x10  }
0x1b7: {  	v9 =	vand.u32 $0x7F, v9;
	v5 =	vor.u32 v7, v5;
	v2 =	vand.u32 $0x7F80, v2  }
0x1b8: {  	v7 =	vld [tilespmem:s17+$0xFFFFFF80];
	vm2 =	vgt.s32 v8, $0x0;
	v2 =	vor.u32 v9, v2;
	vm13 =	vgt.s32 v6, $0x0  }
0x1b9: {  	v9 =	vshrl.u32 v8, $0x10;
	v8 =	vnsel vm2, $0x0, v8;
	v11 =	vnsel vm13, $0x0, v6  }
0x1ba: {  	[tilespmem:v3+s2+$0x0] =	vst.idx.add.f32.msk vm3, v1;
	v3 =	vshrl.u32 v6, $0x10;
	v6 =	vshrl.u32 v11, $0x10;
	vm5 =	vgt.s32 v10, $0x0  }
0x1bb: {  	v3 =	vand.u32 $0x7F, v3;
	v11 =	vld [tilespmem:s15+$0xFFFFFFC0];
	v6 =	vand.u32 $0x7F80, v6;
	v12 =	vnsel vm5, $0x0, v10  }
0x1bc: {  	[tilespmem:v5+s2+$0x0] =	vst.idx.add.f32.msk vm4, v1;
	v5 =	vshrl.u32 v10, $0x10;
	v3 =	vor.u32 v3, v6;
	v6 =	vshrl.u32 v12, $0x10  }
0x1bd: {  	vm4 =	vgt.s32 v7, $0x0;
	v10 =	vld [tilespmem:s16+$0x30];
	v5 =	vand.u32 $0x7F, v5;
	v6 =	vand.u32 $0x7F80, v6  }
0x1be: {  	[tilespmem:v4+s2+$0x0] =	vst.idx.add.f32.msk vm1, v1;
	v9 =	vand.u32 $0x7F, v9;
	v4 =	vnsel vm4, $0x0, v7;
	v5 =	vor.u32 v5, v6  }
0x1bf: {  	v7 =	vshrl.u32 v7, $0x10;
	v4 =	vshrl.u32 v4, $0x10;
	v6 =	vshrl.u32 v8, $0x10;
	v8 =	vld [tilespmem:s18+$0xFFFFFFE0]  }
0x1c0: {  	v7 =	vand.u32 $0x7F, v7;
	v4 =	vand.u32 $0x7F80, v4;
	v6 =	vand.u32 $0x7F80, v6  }
0x1c1: {  	vm3 =	vgt.s32 v11, $0x0;
	v4 =	vor.u32 v7, v4;
	v6 =	vor.u32 v9, v6;
	[tilespmem:v3+s2+$0x0] =	vst.idx.add.f32.msk vm13, v1  }
0x1c2: {  	v7 =	vshrl.u32 v11, $0x10;
	v3 =	vnsel vm3, $0x0, v11;
	vm14 =	vgt.s32 v10, $0x0;
	v9 =	vld [tilespmem:s17+$0x10]  }
0x1c3: {  	v7 =	vand.u32 $0x7F, v7;
	v3 =	vshrl.u32 v3, $0x10;
	v11 =	vnsel vm14, $0x0, v10;
	[tilespmem:v5+s2+$0x0] =	vst.idx.add.f32.msk vm5, v1  }
0x1c4: {  	vm1 =	vgt.s32 v8, $0x0;
	v5 =	vshrl.u32 v10, $0x10;
	v10 =	vshrl.u32 v11, $0x10;
	v11 =	vld [tilespmem:s15+$0x60]  }
0x1c5: {  	v5 =	vand.u32 $0x7F, v5;
	v10 =	vand.u32 $0x7F80, v10;
	v63 =	vnsel vm1, $0x0, v8  }
0x1c6: {  	[tilespmem:v6+s2+$0x0] =	vst.idx.add.f32.msk vm2, v1;
	v5 =	vor.u32 v5, v10;
	v6 =	vshrl.u32 v8, $0x10;
	v8 =	vshrl.u32 v63, $0x10  }
0x1c7: {  	v3 =	vand.u32 $0x7F80, v3;
	[tilespmem:v4+s2+$0x0] =	vst.idx.add.f32.msk vm4, v1;
	v4 =	vand.u32 $0x7F, v6;
	v6 =	vand.u32 $0x7F80, v8  }
0x1c8: {  	v3 =	vor.u32 v7, v3;
	v7 =	vld [tilespmem:s17+$0xFFFFFF90];
	vm4 =	vgt.s32 v9, $0x0;
	v4 =	vor.u32 v4, v6  }
0x1c9: {  	v6 =	vld [tilespmem:s16+$0xFFFFFFB0];
	v8 =	vnsel vm4, $0x0, v9;
	v9 =	vshrl.u32 v9, $0x10;
	vm2 =	vgt.s32 v11, $0x0  }
0x1ca: {  	[tilespmem:v2+s2+$0x0] =	vst.idx.add.f32.msk vm0, v1;
	v9 =	vand.u32 $0x7F, v9;
	v8 =	vshrl.u32 v8, $0x10;
	v10 =	vnsel vm2, $0x0, v11  }
0x1cb: {  	v8 =	vand.u32 $0x7F80, v8;
	[tilespmem:v5+s2+$0x0] =	vst.idx.add.f32.msk vm14, v1;
	v5 =	vshrl.u32 v11, $0x10;
	v10 =	vshrl.u32 v10, $0x10  }
0x1cc: {  	v8 =	vor.u32 v9, v8;
	v9 =	vld [tilespmem:s16+$0x40];
	v5 =	vand.u32 $0x7F, v5;
	v10 =	vand.u32 $0x7F80, v10  }
0x1cd: {  	[tilespmem:v3+s2+$0x0] =	vst.idx.add.f32.msk vm3, v1;
	vm15 =	vgt.s32 v7, $0x0;
	v3 =	vshrl.u32 v7, $0x10;
	v5 =	vor.u32 v5, v10  }
0x1ce: {  	v7 =	vnsel vm15, $0x0, v7;
	v3 =	vand.u32 $0x7F, v3;
	vm5 =	vgt.s32 v6, $0x0;
	v10 =	vld [tilespmem:s15+$0xFFFFFFD0]  }
0x1cf: {  	v2 =	vshrl.u32 v7, $0x10;
	[tilespmem:v4+s2+$0x0] =	vst.idx.add.f32.msk vm1, v1;
	v7 =	vnsel vm5, $0x0, v6;
	v6 =	vshrl.u32 v6, $0x10  }
0x1d0: {  	v2 =	vand.u32 $0x7F80, v2;
	v11 =	vld [tilespmem:s18+$0xFFFFFFF0];
	v4 =	vand.u32 $0x7F, v6;
	v6 =	vshrl.u32 v7, $0x10  }
0x1d1: {  	v2 =	vor.u32 v3, v2;
	v3 =	vand.u32 $0x7F80, v6;
	[tilespmem:v8+s2+$0x0] =	vst.idx.add.f32.msk vm4, v1;
	vm3 =	vgt.s32 v9, $0x0  }
0x1d2: {  	v4 =	vor.u32 v4, v3;
	v3 =	vnsel vm3, $0x0, v9;
	[tilespmem:v5+s2+$0x0] =	vst.idx.add.f32.msk vm2, v1  }
0x1d3: {  	vm2 =	vgt.s32 v10, $0x0;
	v5 =	vshrl.u32 v9, $0x10;
	v6 =	vshrl.u32 v3, $0x10;
	v3 =	vld [tilespmem:s15+$0x70]  }
0x1d4: {  	v8 =	vld [tilespmem:s17+$0x20];
	v7 =	vnsel vm2, $0x0, v10;
	v5 =	vand.u32 $0x7F, v5;
	v6 =	vand.u32 $0x7F80, v6  }
0x1d5: {  	v7 =	vshrl.u32 v7, $0x10;
	v6 =	vor.u32 v5, v6;
	v5 =	vshrl.u32 v10, $0x10  }
0x1d6: {  	[tilespmem:v2+s2+$0x0] =	vst.idx.add.f32.msk vm15, v1;
	vm0 =	vgt.s32 v11, $0x0;
	v9 =	vand.u32 $0x7F80, v7;
	v2 =	vand.u32 $0x7F, v5  }
0x1d7: {  	v10 =	vshrl.u32 v11, $0x10;
	v7 =	vld [tilespmem:s17+$0xFFFFFFA0];
	v5 =	vor.u32 v2, v9;
	v9 =	vnsel vm0, $0x0, v11  }
0x1d8: {  	s19 =	simm.s32 $0xC480;
	s18 =	simm.s32 $0x6;
	[tilespmem:v4+s2+$0x0] =	vst.idx.add.f32.msk vm5, v1;
	v2 =	vand.u32 $0x7F, v10;
	v4 =	vshrl.u32 v9, $0x10;
	vm1 =	vgt.s32 v3, $0x0  }
.LBB2_6:
0x1d9: {  	v9 =	vld [tilespmem:s19+$0x0];
	vm4 =	vgt.s32 v8, $0x0;
	v10 =	vshrl.u32 v8, $0x10;
	v11 =	vnsel vm1, $0x0, v3  }
0x1da: {  	v3 =	vshrl.u32 v3, $0x10;
	v8 =	vnsel vm4, $0x0, v8;
	[tilespmem:v6+s2+$0x0] =	vst.idx.add.f32.msk vm3, v1;
	v6 =	vshrl.u32 v11, $0x10  }
0x1db: {  	v3 =	vand.u32 $0x7F, v3;
	v8 =	vshrl.u32 v8, $0x10;
	v11 =	vld [tilespmem:s16+$0x50];
	v6 =	vand.u32 $0x7F80, v6  }
0x1dc: {  	s18 =	sadd.s32 $0x2, s18;
	v10 =	vand.u32 $0x7F, v10;
	v12 =	vld [tilespmem:s19+$0xFFFFFF80];
	v8 =	vand.u32 $0x7F80, v8;
	v3 =	vor.u32 v3, v6  }
0x1dd: {  	p0 =	slt.u32 s18, $0x7E;
	vm3 =	vgt.s32 v7, $0x0;
	v6 =	vshrl.u32 v7, $0x10;
	v8 =	vor.u32 v10, v8;
	v10 =	vld [tilespmem:s16+$0xFFFFFFC0]  }
0x1de: {  	v7 =	vnsel vm3, $0x0, v7;
	v6 =	vand.u32 $0x7F, v6;
	vm5 =	vgt.s32 v9, $0x0;
	[tilespmem:v5+s2+$0x0] =	vst.idx.add.f32.msk vm2, v1  }
0x1df: {  	v4 =	vand.u32 $0x7F80, v4;
	v7 =	vshrl.u32 v7, $0x10;
	v5 =	vnsel vm5, $0x0, v9;
	v13 =	vld [tilespmem:s15+$0xFFFFFFE0]  }
0x1e0: {  	v9 =	vshrl.u32 v9, $0x10;
	v5 =	vshrl.u32 v5, $0x10;
	vm6 =	vgt.s32 v11, $0x0  }
0x1e1: {  	v9 =	vand.u32 $0x7F, v9;
	v5 =	vand.u32 $0x7F80, v5;
	v14 =	vnsel vm6, $0x0, v11;
	[tilespmem:v3+s2+$0x0] =	vst.idx.add.f32.msk vm1, v1  }
0x1e2: {  	v3 =	vor.u32 v9, v5;
	[tilespmem:v8+s2+$0x0] =	vst.idx.add.f32.msk vm4, v1;
	v5 =	vshrl.u32 v11, $0x10;
	v8 =	vshrl.u32 v14, $0x10  }
0x1e3: {  	vm2 =	vgt.s32 v12, $0x0;
	v9 =	vld [tilespmem:s17+$0x30];
	v5 =	vand.u32 $0x7F, v5;
	v8 =	vand.u32 $0x7F80, v8  }
0x1e4: {  	v11 =	vnsel vm2, $0x0, v12;
	v12 =	vshrl.u32 v12, $0x10;
	v5 =	vor.u32 v5, v8  }
0x1e5: {  	v7 =	vand.u32 $0x7F80, v7;
	v11 =	vshrl.u32 v11, $0x10;
	v8 =	vand.u32 $0x7F, v12  }
0x1e6: {  	v6 =	vor.u32 v6, v7;
	vm4 =	vgt.s32 v10, $0x0;
	v11 =	vand.u32 $0x7F80, v11  }
0x1e7: {  	v7 =	vor.u32 v8, v11;
	v8 =	vshrl.u32 v10, $0x10;
	[tilespmem:v3+s2+$0x0] =	vst.idx.add.f32.msk vm5, v1;
	v3 =	vnsel vm4, $0x0, v10  }
0x1e8: {  	v8 =	vand.u32 $0x7F, v8;
	v10 =	vld [tilespmem:s19+$0x10];
	vm5 =	vgt.s32 v9, $0x0;
	v3 =	vshrl.u32 v3, $0x10  }
0x1e9: {  	vm1 =	vgt.s32 v13, $0x0;
	v11 =	vnsel vm5, $0x0, v9;
	v3 =	vand.u32 $0x7F80, v3;
	[tilespmem:v5+s2+$0x0] =	vst.idx.add.f32.msk vm6, v1  }
0x1ea: {  	v5 =	vshrl.u32 v9, $0x10;
	v9 =	vshrl.u32 v11, $0x10;
	v3 =	vor.u32 v8, v3;
	v8 =	vld [tilespmem:s16+$0x60]  }
0x1eb: {  	v5 =	vand.u32 $0x7F, v5;
	[tilespmem:v6+s2+$0x0] =	vst.idx.add.f32.msk vm3, v1;
	v6 =	vand.u32 $0x7F80, v9;
	v9 =	vnsel vm1, $0x0, v13  }
0x1ec: {  	[tilespmem:v7+s2+$0x0] =	vst.idx.add.f32.msk vm2, v1;
	v5 =	vor.u32 v5, v6;
	v6 =	vshrl.u32 v13, $0x10;
	v7 =	vshrl.u32 v9, $0x10  }
0x1ed: {  	v2 =	vor.u32 v2, v4;
	v9 =	vld [tilespmem:s19+$0xFFFFFF90];
	v6 =	vand.u32 $0x7F, v6;
	v7 =	vand.u32 $0x7F80, v7  }
0x1ee: {  	vm2 =	vgt.s32 v10, $0x0;
	v4 =	vld [tilespmem:s17+$0xFFFFFFB0];
	v6 =	vor.u32 v6, v7  }
0x1ef: {  	v7 =	vnsel vm2, $0x0, v10;
	v10 =	vshrl.u32 v10, $0x10;
	[tilespmem:v3+s2+$0x0] =	vst.idx.add.f32.msk vm4, v1;
	vm4 =	vgt.s32 v8, $0x0  }
0x1f0: {  	v3 =	vand.u32 $0x7F, v10;
	v7 =	vshrl.u32 v7, $0x10;
	v10 =	vld [tilespmem:s16+$0xFFFFFFD0];
	v11 =	vnsel vm4, $0x0, v8  }
0x1f1: {  	v7 =	vand.u32 $0x7F80, v7;
	[tilespmem:v5+s2+$0x0] =	vst.idx.add.f32.msk vm5, v1;
	v5 =	vshrl.u32 v8, $0x10;
	v8 =	vshrl.u32 v11, $0x10  }
0x1f2: {  	v3 =	vor.u32 v3, v7;
	v7 =	vld [tilespmem:s17+$0x40];
	v5 =	vand.u32 $0x7F, v5;
	v8 =	vand.u32 $0x7F80, v8  }
0x1f3: {  	vm5 =	vgt.s32 v9, $0x0;
	v11 =	vshrl.u32 v9, $0x10;
	v5 =	vor.u32 v5, v8;
	[tilespmem:v6+s2+$0x0] =	vst.idx.add.f32.msk vm1, v1  }
0x1f4: {  	v6 =	vnsel vm5, $0x0, v9;
	v8 =	vand.u32 $0x7F, v11;
	vm1 =	vgt.s32 v4, $0x0;
	v9 =	vld [tilespmem:s15+$0xFFFFFFF0];
	s15 =	smov.u32 s16;
	s16 =	smov.u32 s17;
	s17 =	smov.u32 s19  }
0x1f5: {  	v6 =	vshrl.u32 v6, $0x10;
	v11 =	vnsel vm1, $0x0, v4;
	v4 =	vshrl.u32 v4, $0x10;
	[tilespmem:v2+s2+$0x0] =	vst.idx.add.f32.msk vm0, v1  }
0x1f6: {  	v2 =	vand.u32 $0x7F80, v6;
	v4 =	vand.u32 $0x7F, v4;
	v6 =	vshrl.u32 v11, $0x10  }
0x1f7: {  	v2 =	vor.u32 v8, v2;
	[tilespmem:v3+s2+$0x0] =	vst.idx.add.f32.msk vm2, v1;
	v3 =	vand.u32 $0x7F80, v6;
	vm3 =	vgt.s32 v7, $0x0  }
0x1f8: {  	vm2 =	vgt.s32 v10, $0x0;
	v4 =	vor.u32 v4, v3;
	v3 =	vnsel vm3, $0x0, v7;
	[tilespmem:v5+s2+$0x0] =	vst.idx.add.f32.msk vm4, v1  }
0x1f9: {  	v5 =	vshrl.u32 v7, $0x10;
	v7 =	vnsel vm2, $0x0, v10;
	v6 =	vshrl.u32 v3, $0x10;
	v3 =	vld [tilespmem:s15+$0x70]  }
.Ltmp2:
0x1fa: {  	v5 =	vand.u32 $0x7F, v5;
	v7 =	vshrl.u32 v7, $0x10;
	v8 =	vld [tilespmem:s19+$0x20];
	v6 =	vand.u32 $0x7F80, v6;
	(pc) =	sbr.rel @p0 .LBB2_6-.Ltmp2, $4  }
0x1fb: {  	v6 =	vor.u32 v5, v6;
	v5 =	vshrl.u32 v10, $0x10;
	v10 =	vand.u32 $0x7F80, v7  }
0x1fc: {  	vm0 =	vgt.s32 v9, $0x0;
	v11 =	vshrl.u32 v9, $0x10;
	[tilespmem:v2+s2+$0x0] =	vst.idx.add.f32.msk vm5, v1;
	v2 =	vand.u32 $0x7F, v5  }
0x1fd: {  	v9 =	vnsel vm0, $0x0, v9;
	v7 =	vld [tilespmem:s19+$0xFFFFFFA0];
	v5 =	vor.u32 v2, v10;
	v2 =	vand.u32 $0x7F, v11  }
0x1fe: {  	s19 =	sadd.s32 $0x100, s19;
	[tilespmem:v4+s2+$0x0] =	vst.idx.add.f32.msk vm1, v1;
	vm1 =	vgt.s32 v3, $0x0;
	v4 =	vshrl.u32 v9, $0x10  }
0x1ff: {  	vm4 =	vgt.s32 v8, $0x0  }
0x200: {  	v9 =	vnsel vm4, $0x0, v8  }
0x201: {  	v8 =	vshrl.u32 v8, $0x10;
	v9 =	vshrl.u32 v9, $0x10  }
0x202: {  	v8 =	vand.u32 $0x7F, v8;
	v9 =	vand.u32 $0x7F80, v9;
	vm5 =	vgt.s32 v7, $0x0  }
0x203: {  	v8 =	vor.u32 v8, v9;
	v9 =	vnsel vm5, $0x0, v7  }
0x204: {  	v7 =	vshrl.u32 v7, $0x10;
	v9 =	vshrl.u32 v9, $0x10  }
0x205: {  	v7 =	vand.u32 $0x7F, v7;
	v9 =	vand.u32 $0x7F80, v9  }
0x206: {  	v7 =	vor.u32 v7, v9;
	_ =	sdelay $0x1  }
0x207: {  	[tilespmem:v8+s2+$0x0] =	vst.idx.add.f32.msk vm4, v1  }
0x208: {  	v8 =	vld [tilespmem:s17+$0x30];
	_ =	sdelay $0x1  }
0x209: {  	[tilespmem:v7+s2+$0x0] =	vst.idx.add.f32.msk vm5, v1  }
0x20a: {  	v7 =	vld [tilespmem:s17+$0xFFFFFFB0];
	_ =	sdelay $0x1  }
0x20b: {  	vm4 =	vgt.s32 v8, $0x0  }
0x20c: {  	v9 =	vnsel vm4, $0x0, v8  }
0x20d: {  	v8 =	vshrl.u32 v8, $0x10;
	v9 =	vshrl.u32 v9, $0x10  }
0x20e: {  	v8 =	vand.u32 $0x7F, v8;
	v9 =	vand.u32 $0x7F80, v9;
	vm5 =	vgt.s32 v7, $0x0  }
0x20f: {  	v8 =	vor.u32 v8, v9;
	v9 =	vnsel vm5, $0x0, v7  }
0x210: {  	v7 =	vshrl.u32 v7, $0x10;
	v9 =	vshrl.u32 v9, $0x10  }
0x211: {  	v7 =	vand.u32 $0x7F, v7;
	v9 =	vand.u32 $0x7F80, v9  }
0x212: {  	v7 =	vor.u32 v7, v9  }
0x213: {  	v9 =	vld [tilespmem:s16+$0xFFFFFFC0]  }
0x214: {  	[tilespmem:v8+s2+$0x0] =	vst.idx.add.f32.msk vm4, v1  }
0x215: {  	v8 =	vld [tilespmem:s17+$0x40];
	_ =	sdelay $0x1  }
0x216: {  	[tilespmem:v7+s2+$0x0] =	vst.idx.add.f32.msk vm5, v1  }
0x217: {  	vm4 =	vgt.s32 v9, $0x0;
	v7 =	vld [tilespmem:s17+$0xFFFFFFC0]  }
0x218: {  	v10 =	vnsel vm4, $0x0, v9  }
0x219: {  	v9 =	vshrl.u32 v9, $0x10;
	v10 =	vshrl.u32 v10, $0x10;
	vm5 =	vgt.s32 v8, $0x0  }
0x21a: {  	v9 =	vand.u32 $0x7F, v9;
	v10 =	vand.u32 $0x7F80, v10;
	v11 =	vnsel vm5, $0x0, v8  }
0x21b: {  	v9 =	vor.u32 v9, v10;
	v8 =	vshrl.u32 v8, $0x10;
	v10 =	vshrl.u32 v11, $0x10  }
0x21c: {  	[tilespmem:v6+s2+$0x0] =	vst.idx.add.f32.msk vm3, v1;
	v8 =	vand.u32 $0x7F, v8;
	v10 =	vand.u32 $0x7F80, v10;
	vm6 =	vgt.s32 v7, $0x0  }
0x21d: {  	v6 =	vor.u32 v8, v10;
	v8 =	vnsel vm6, $0x0, v7;
	v10 =	vld [tilespmem:s16+$0x50]  }
0x21e: {  	v7 =	vshrl.u32 v7, $0x10;
	v8 =	vshrl.u32 v8, $0x10  }
0x21f: {  	v7 =	vand.u32 $0x7F, v7;
	v8 =	vand.u32 $0x7F80, v8  }
0x220: {  	[tilespmem:v9+s2+$0x0] =	vst.idx.add.f32.msk vm4, v1;
	v7 =	vor.u32 v7, v8  }
0x221: {  	v8 =	vld [tilespmem:s16+$0xFFFFFFD0]  }
0x222: {  	[tilespmem:v6+s2+$0x0] =	vst.idx.add.f32.msk vm5, v1;
	vm3 =	vgt.s32 v10, $0x0  }
0x223: {  	v6 =	vld [tilespmem:s17+$0x50];
	v9 =	vnsel vm3, $0x0, v10  }
0x224: {  	v10 =	vshrl.u32 v10, $0x10;
	v9 =	vshrl.u32 v9, $0x10  }
0x225: {  	[tilespmem:v7+s2+$0x0] =	vst.idx.add.f32.msk vm6, v1;
	v7 =	vand.u32 $0x7F, v10;
	v9 =	vand.u32 $0x7F80, v9  }
0x226: {  	vm4 =	vgt.s32 v8, $0x0;
	v10 =	vld [tilespmem:s17+$0xFFFFFFD0];
	v7 =	vor.u32 v7, v9  }
0x227: {  	v9 =	vnsel vm4, $0x0, v8  }
0x228: {  	v8 =	vshrl.u32 v8, $0x10;
	v9 =	vshrl.u32 v9, $0x10;
	vm5 =	vgt.s32 v6, $0x0  }
0x229: {  	[tilespmem:v5+s2+$0x0] =	vst.idx.add.f32.msk vm2, v1;
	v8 =	vand.u32 $0x7F, v8;
	v9 =	vand.u32 $0x7F80, v9;
	v11 =	vnsel vm5, $0x0, v6  }
0x22a: {  	v5 =	vor.u32 v8, v9;
	v6 =	vshrl.u32 v6, $0x10;
	v9 =	vld [tilespmem:s15+$0xFFFFFFE0];
	v8 =	vshrl.u32 v11, $0x10  }
0x22b: {  	v6 =	vand.u32 $0x7F, v6;
	v8 =	vand.u32 $0x7F80, v8;
	vm2 =	vgt.s32 v10, $0x0;
	[tilespmem:v7+s2+$0x0] =	vst.idx.add.f32.msk vm3, v1  }
0x22c: {  	v6 =	vor.u32 v6, v8;
	v7 =	vnsel vm2, $0x0, v10;
	v8 =	vld [tilespmem:s16+$0x60]  }
0x22d: {  	v10 =	vshrl.u32 v10, $0x10;
	v7 =	vshrl.u32 v7, $0x10  }
0x22e: {  	v10 =	vand.u32 $0x7F, v10;
	v7 =	vand.u32 $0x7F80, v7  }
0x22f: {  	[tilespmem:v5+s2+$0x0] =	vst.idx.add.f32.msk vm4, v1;
	vm3 =	vgt.s32 v9, $0x0;
	v5 =	vor.u32 v10, v7  }
0x230: {  	v7 =	vld [tilespmem:s16+$0xFFFFFFE0];
	v10 =	vnsel vm3, $0x0, v9  }
0x231: {  	[tilespmem:v6+s2+$0x0] =	vst.idx.add.f32.msk vm5, v1;
	v6 =	vshrl.u32 v9, $0x10;
	v9 =	vshrl.u32 v10, $0x10;
	vm4 =	vgt.s32 v8, $0x0  }
0x232: {  	v10 =	vld [tilespmem:s17+$0x60];
	v6 =	vand.u32 $0x7F, v6;
	v9 =	vand.u32 $0x7F80, v9;
	v11 =	vnsel vm4, $0x0, v8  }
0x233: {  	v8 =	vshrl.u32 v8, $0x10;
	v6 =	vor.u32 v6, v9;
	v9 =	vshrl.u32 v11, $0x10  }
0x234: {  	[tilespmem:v5+s2+$0x0] =	vst.idx.add.f32.msk vm2, v1;
	v5 =	vand.u32 $0x7F, v8;
	v8 =	vand.u32 $0x7F80, v9  }
0x235: {  	vm2 =	vgt.s32 v7, $0x0;
	v9 =	vld [tilespmem:s17+$0xFFFFFFE0];
	v5 =	vor.u32 v5, v8  }
0x236: {  	v8 =	vnsel vm2, $0x0, v7  }
0x237: {  	v7 =	vshrl.u32 v7, $0x10;
	v8 =	vshrl.u32 v8, $0x10;
	vm5 =	vgt.s32 v10, $0x0  }
0x238: {  	v7 =	vand.u32 $0x7F, v7;
	v8 =	vand.u32 $0x7F80, v8;
	v11 =	vnsel vm5, $0x0, v10  }
0x239: {  	v7 =	vor.u32 v7, v8;
	v8 =	vshrl.u32 v10, $0x10;
	[tilespmem:v6+s2+$0x0] =	vst.idx.add.f32.msk vm3, v1;
	v10 =	vshrl.u32 v11, $0x10  }
0x23a: {  	v6 =	vand.u32 $0x7F, v8;
	v8 =	vand.u32 $0x7F80, v10;
	vm11 =	vgt.s32 v9, $0x0;
	[tilespmem:v5+s2+$0x0] =	vst.idx.add.f32.msk vm4, v1  }
0x23b: {  	v10 =	vld [tilespmem:s15+$0xFFFFFFF0];
	v5 =	vor.u32 v6, v8;
	v6 =	vnsel vm11, $0x0, v9  }
0x23c: {  	v8 =	vld [tilespmem:s16+$0x70];
	v9 =	vshrl.u32 v9, $0x10;
	v6 =	vshrl.u32 v6, $0x10  }
0x23d: {  	v9 =	vand.u32 $0x7F, v9;
	v6 =	vand.u32 $0x7F80, v6  }
0x23e: {  	v11 =	vnsel vm1, $0x0, v3;
	[tilespmem:v7+s2+$0x0] =	vst.idx.add.f32.msk vm2, v1;
	v6 =	vor.u32 v9, v6  }
0x23f: {  	v4 =	vand.u32 $0x7F80, v4;
	v3 =	vshrl.u32 v3, $0x10;
	v7 =	vshrl.u32 v11, $0x10;
	v9 =	vld [tilespmem:s16+$0xFFFFFFF0]  }
0x240: {  	v2 =	vor.u32 v2, v4;
	v3 =	vand.u32 $0x7F, v3;
	v7 =	vand.u32 $0x7F80, v7;
	[tilespmem:v5+s2+$0x0] =	vst.idx.add.f32.msk vm5, v1  }
0x241: {  	v3 =	vor.u32 v3, v7;
	vm3 =	vgt.s32 v10, $0x0;
	vm2 =	vgt.s32 v8, $0x0;
	v4 =	vld [tilespmem:s17+$0x70]  }
0x242: {  	v5 =	vshrl.u32 v10, $0x10;
	v10 =	vnsel vm3, $0x0, v10;
	v7 =	vnsel vm2, $0x0, v8  }
0x243: {  	v8 =	vshrl.u32 v8, $0x10;
	v5 =	vand.u32 $0x7F, v5;
	v7 =	vshrl.u32 v7, $0x10;
	[tilespmem:v6+s2+$0x0] =	vst.idx.add.f32.msk vm11, v1  }
0x244: {  	v8 =	vand.u32 $0x7F, v8;
	v6 =	vshrl.u32 v10, $0x10;
	v7 =	vand.u32 $0x7F80, v7;
	v10 =	vld [tilespmem:s17+$0xFFFFFFF0]  }
0x245: {  	vm4 =	vgt.s32 v9, $0x0;
	v7 =	vor.u32 v8, v7;
	v6 =	vand.u32 $0x7F80, v6  }
0x246: {  	v8 =	vnsel vm4, $0x0, v9;
	v5 =	vor.u32 v5, v6;
	vm5 =	vgt.s32 v4, $0x0  }
0x247: {  	v6 =	vshrl.u32 v9, $0x10;
	v8 =	vshrl.u32 v8, $0x10;
	v9 =	vnsel vm5, $0x0, v4  }
0x248: {  	v6 =	vand.u32 $0x7F, v6;
	v4 =	vshrl.u32 v4, $0x10;
	v9 =	vshrl.u32 v9, $0x10  }
0x249: {  	v4 =	vand.u32 $0x7F, v4;
	v9 =	vand.u32 $0x7F80, v9;
	vm12 =	vgt.s32 v10, $0x0  }
0x24a: {  	v8 =	vand.u32 $0x7F80, v8;
	v4 =	vor.u32 v4, v9;
	v9 =	vnsel vm12, $0x0, v10  }
0x24b: {  	[tilespmem:v3+s2+$0x0] =	vst.idx.add.f32.msk vm1, v1;
	v3 =	vor.u32 v6, v8;
	v10 =	vshrl.u32 v10, $0x10;
	v9 =	vshrl.u32 v9, $0x10  }
0x24c: {  	v6 =	vand.u32 $0x7F, v10;
	v8 =	vand.u32 $0x7F80, v9  }
0x24d: {  	[tilespmem:v2+s2+$0x0] =	vst.idx.add.f32.msk vm0, v1;
	v2 =	vor.u32 v6, v8  }
0x24e: {  	[tilespmem:v7+s2+$0x0] =	vst.idx.add.f32.msk vm2, v1  }
0x24f: {  	[tilespmem:v5+s2+$0x0] =	vst.idx.add.f32.msk vm3, v1  }
0x250: {  	[tilespmem:v3+s2+$0x0] =	vst.idx.add.f32.msk vm4, v1  }
0x251: {  	[tilespmem:v4+s2+$0x0] =	vst.idx.add.f32.msk vm5, v1  }
0x252: {  	[tilespmem:v2+s2+$0x0] =	vst.idx.add.f32.msk vm12, v1  }
0x253: {  	[tilespmem:s10], [sflag:$0x2] =	stream.linear.gather [hbm4b:s6+s2], $0x4000, $0x38;
	[tilespmem:$0x10000] =	vst v63  }
0x254: {  	_ =	swait.ge [sflag:s11], $0x4000  }
0x255: {  	[sflag:s11] =	ssyncset.done $0x0  }
0x256: {  	s18 =	simm.s32 $0x8080;
	[sflag:s11] =	ssyncadd.s32 $0xFFFFC000  }
0x257: {  	v2 =	vld [tilespmem:s18+$0x0];
	_ =	sdelay $0x4  }
0x258: {  	vm0 =	vgt.s32 v2, $0x0  }
0x259: {  	v3 =	vnsel vm0, $0x0, v2  }
0x25a: {  	v2 =	vshrl.u32 v2, $0x10;
	v3 =	vshrl.u32 v3, $0x10  }
0x25b: {  	v2 =	vand.u32 $0x7F, v2;
	v3 =	vand.u32 $0x7F80, v3  }
0x25c: {  	v2 =	vor.u32 v2, v3;
	_ =	sdelay $0x4  }
0x25d: {  	[tilespmem:v2+s2+$0x0] =	vst.idx.add.f32.msk vm0, v1  }
0x25e: {  	v2 =	vld [tilespmem:s18+$0x10];
	_ =	sdelay $0x4  }
0x25f: {  	vm0 =	vgt.s32 v2, $0x0  }
0x260: {  	v3 =	vnsel vm0, $0x0, v2  }
0x261: {  	v2 =	vshrl.u32 v2, $0x10;
	v3 =	vshrl.u32 v3, $0x10  }
0x262: {  	v2 =	vand.u32 $0x7F, v2;
	v3 =	vand.u32 $0x7F80, v3  }
0x263: {  	v2 =	vor.u32 v2, v3  }
0x264: {  	v3 =	vld [tilespmem:s18+$0xFFFFFF80];
	_ =	sdelay $0x3  }
0x265: {  	[tilespmem:v2+s2+$0x0] =	vst.idx.add.f32.msk vm0, v1  }
0x266: {  	vm0 =	vgt.s32 v3, $0x0;
	v2 =	vld [tilespmem:s18+$0x20]  }
0x267: {  	v4 =	vnsel vm0, $0x0, v3  }
0x268: {  	v3 =	vshrl.u32 v3, $0x10;
	v4 =	vshrl.u32 v4, $0x10  }
0x269: {  	v3 =	vand.u32 $0x7F, v3;
	v4 =	vand.u32 $0x7F80, v4  }
0x26a: {  	v3 =	vor.u32 v3, v4  }
0x26b: {  	vm1 =	vgt.s32 v2, $0x0  }
0x26c: {  	s15 =	simm.s32 $0x8180;
	v4 =	vnsel vm1, $0x0, v2  }
0x26d: {  	v5 =	vld [tilespmem:s15+$0x0];
	v2 =	vshrl.u32 v2, $0x10;
	v4 =	vshrl.u32 v4, $0x10  }
0x26e: {  	v2 =	vand.u32 $0x7F, v2;
	v4 =	vand.u32 $0x7F80, v4  }
0x26f: {  	[tilespmem:v3+s2+$0x0] =	vst.idx.add.f32.msk vm0, v1;
	v2 =	vor.u32 v2, v4  }
0x270: {  	v3 =	vld [tilespmem:s18+$0xFFFFFF90];
	_ =	sdelay $0x1  }
0x271: {  	vm0 =	vgt.s32 v5, $0x0  }
0x272: {  	v4 =	vnsel vm0, $0x0, v5  }
0x273: {  	v5 =	vshrl.u32 v5, $0x10;
	v4 =	vshrl.u32 v4, $0x10;
	[tilespmem:v2+s2+$0x0] =	vst.idx.add.f32.msk vm1, v1  }
0x274: {  	v4 =	vand.u32 $0x7F80, v4;
	vm1 =	vgt.s32 v3, $0x0;
	v2 =	vand.u32 $0x7F, v5;
	v5 =	vld [tilespmem:s18+$0x30]  }
0x275: {  	v6 =	vnsel vm1, $0x0, v3;
	v2 =	vor.u32 v2, v4  }
0x276: {  	v3 =	vshrl.u32 v3, $0x10;
	v4 =	vshrl.u32 v6, $0x10  }
0x277: {  	v3 =	vand.u32 $0x7F, v3;
	v4 =	vand.u32 $0x7F80, v4  }
0x278: {  	v3 =	vor.u32 v3, v4;
	v4 =	vld [tilespmem:s15+$0xFFFFFF80]  }
0x279: {  	vm2 =	vgt.s32 v5, $0x0  }
0x27a: {  	[tilespmem:v2+s2+$0x0] =	vst.idx.add.f32.msk vm0, v1;
	v2 =	vnsel vm2, $0x0, v5  }
0x27b: {  	v6 =	vld [tilespmem:s15+$0x10];
	v5 =	vshrl.u32 v5, $0x10;
	v2 =	vshrl.u32 v2, $0x10  }
0x27c: {  	v5 =	vand.u32 $0x7F, v5;
	v2 =	vand.u32 $0x7F80, v2  }
0x27d: {  	[tilespmem:v3+s2+$0x0] =	vst.idx.add.f32.msk vm1, v1;
	vm0 =	vgt.s32 v4, $0x0;
	v2 =	vor.u32 v5, v2  }
0x27e: {  	v3 =	vld [tilespmem:s18+$0xFFFFFFA0];
	v5 =	vnsel vm0, $0x0, v4  }
0x27f: {  	v4 =	vshrl.u32 v4, $0x10;
	v5 =	vshrl.u32 v5, $0x10  }
0x280: {  	v4 =	vand.u32 $0x7F, v4;
	v5 =	vand.u32 $0x7F80, v5;
	vm1 =	vgt.s32 v6, $0x0  }
0x281: {  	v4 =	vor.u32 v4, v5;
	v5 =	vnsel vm1, $0x0, v6  }
0x282: {  	v6 =	vshrl.u32 v6, $0x10;
	v5 =	vshrl.u32 v5, $0x10;
	[tilespmem:v2+s2+$0x0] =	vst.idx.add.f32.msk vm2, v1  }
0x283: {  	vm2 =	vgt.s32 v3, $0x0;
	v2 =	vand.u32 $0x7F, v6;
	v5 =	vand.u32 $0x7F80, v5;
	v6 =	vld [tilespmem:s18+$0x40]  }
0x284: {  	v7 =	vnsel vm2, $0x0, v3;
	v2 =	vor.u32 v2, v5  }
0x285: {  	v3 =	vshrl.u32 v3, $0x10;
	v5 =	vshrl.u32 v7, $0x10  }
0x286: {  	v3 =	vand.u32 $0x7F, v3;
	v5 =	vand.u32 $0x7F80, v5;
	[tilespmem:v4+s2+$0x0] =	vst.idx.add.f32.msk vm0, v1  }
0x287: {  	v3 =	vor.u32 v3, v5;
	v4 =	vld [tilespmem:s15+$0xFFFFFF90]  }
0x288: {  	vm0 =	vgt.s32 v6, $0x0  }
0x289: {  	[tilespmem:v2+s2+$0x0] =	vst.idx.add.f32.msk vm1, v1;
	v2 =	vnsel vm0, $0x0, v6  }
0x28a: {  	v5 =	vshrl.u32 v6, $0x10;
	v6 =	vld [tilespmem:s15+$0x20];
	v2 =	vshrl.u32 v2, $0x10  }
0x28b: {  	v5 =	vand.u32 $0x7F, v5;
	v2 =	vand.u32 $0x7F80, v2  }
0x28c: {  	[tilespmem:v3+s2+$0x0] =	vst.idx.add.f32.msk vm2, v1;
	vm1 =	vgt.s32 v4, $0x0;
	v2 =	vor.u32 v5, v2  }
0x28d: {  	v3 =	vld [tilespmem:s18+$0xFFFFFFB0];
	v5 =	vnsel vm1, $0x0, v4  }
0x28e: {  	v4 =	vshrl.u32 v4, $0x10;
	v5 =	vshrl.u32 v5, $0x10  }
0x28f: {  	s16 =	simm.s32 $0x8280;
	v4 =	vand.u32 $0x7F, v4;
	v5 =	vand.u32 $0x7F80, v5;
	vm2 =	vgt.s32 v6, $0x0  }
0x290: {  	v4 =	vor.u32 v4, v5;
	v5 =	vld [tilespmem:s16+$0x0];
	v7 =	vnsel vm2, $0x0, v6  }
0x291: {  	v6 =	vshrl.u32 v6, $0x10;
	[tilespmem:v2+s2+$0x0] =	vst.idx.add.f32.msk vm0, v1;
	v2 =	vshrl.u32 v7, $0x10  }
0x292: {  	v6 =	vand.u32 $0x7F, v6;
	vm0 =	vgt.s32 v3, $0x0;
	v7 =	vld [tilespmem:s18+$0x50];
	v2 =	vand.u32 $0x7F80, v2  }
0x293: {  	v8 =	vnsel vm0, $0x0, v3;
	v2 =	vor.u32 v6, v2  }
0x294: {  	v3 =	vshrl.u32 v3, $0x10;
	v6 =	vshrl.u32 v8, $0x10  }
0x295: {  	v3 =	vand.u32 $0x7F, v3;
	v6 =	vand.u32 $0x7F80, v6;
	[tilespmem:v4+s2+$0x0] =	vst.idx.add.f32.msk vm1, v1;
	vm1 =	vgt.s32 v5, $0x0  }
0x296: {  	v4 =	vld [tilespmem:s16+$0xFFFFFF80];
	v3 =	vor.u32 v3, v6;
	v6 =	vnsel vm1, $0x0, v5  }
0x297: {  	v8 =	vld [tilespmem:s15+$0xFFFFFFA0];
	v5 =	vshrl.u32 v5, $0x10;
	v6 =	vshrl.u32 v6, $0x10;
	vm3 =	vgt.s32 v7, $0x0  }
0x298: {  	v5 =	vand.u32 $0x7F, v5;
	v6 =	vand.u32 $0x7F80, v6;
	v9 =	vnsel vm3, $0x0, v7;
	[tilespmem:v2+s2+$0x0] =	vst.idx.add.f32.msk vm2, v1  }
0x299: {  	v2 =	vor.u32 v5, v6;
	v5 =	vshrl.u32 v7, $0x10;
	v6 =	vshrl.u32 v9, $0x10;
	v7 =	vld [tilespmem:s15+$0x30]  }
0x29a: {  	v5 =	vand.u32 $0x7F, v5;
	v6 =	vand.u32 $0x7F80, v6  }
0x29b: {  	vm2 =	vgt.s32 v4, $0x0;
	[tilespmem:v3+s2+$0x0] =	vst.idx.add.f32.msk vm0, v1;
	v3 =	vor.u32 v5, v6  }
0x29c: {  	vm0 =	vgt.s32 v8, $0x0;
	v5 =	vld [tilespmem:s18+$0xFFFFFFC0];
	v6 =	vnsel vm2, $0x0, v4  }
0x29d: {  	v9 =	vshrl.u32 v8, $0x10;
	v4 =	vshrl.u32 v4, $0x10;
	v6 =	vshrl.u32 v6, $0x10  }
0x29e: {  	v4 =	vand.u32 $0x7F, v4;
	v6 =	vand.u32 $0x7F80, v6;
	[tilespmem:v2+s2+$0x0] =	vst.idx.add.f32.msk vm1, v1;
	vm4 =	vgt.s32 v7, $0x0  }
0x29f: {  	v2 =	vnsel vm0, $0x0, v8;
	v4 =	vor.u32 v4, v6;
	v6 =	vld [tilespmem:s16+$0x10];
	v8 =	vnsel vm4, $0x0, v7  }
0x2a0: {  	v9 =	vand.u32 $0x7F, v9;
	[tilespmem:v3+s2+$0x0] =	vst.idx.add.f32.msk vm3, v1;
	v3 =	vshrl.u32 v7, $0x10;
	v7 =	vshrl.u32 v8, $0x10  }
0x2a1: {  	vm1 =	vgt.s32 v5, $0x0;
	v8 =	vld [tilespmem:s18+$0x60];
	v3 =	vand.u32 $0x7F, v3;
	v7 =	vand.u32 $0x7F80, v7  }
0x2a2: {  	v2 =	vshrl.u32 v2, $0x10;
	v10 =	vnsel vm1, $0x0, v5;
	v3 =	vor.u32 v3, v7  }
0x2a3: {  	v2 =	vand.u32 $0x7F80, v2;
	v5 =	vshrl.u32 v5, $0x10;
	v7 =	vshrl.u32 v10, $0x10  }
0x2a4: {  	v2 =	vor.u32 v9, v2;
	v5 =	vand.u32 $0x7F, v5;
	v7 =	vand.u32 $0x7F80, v7;
	[tilespmem:v4+s2+$0x0] =	vst.idx.add.f32.msk vm2, v1  }
0x2a5: {  	vm3 =	vgt.s32 v6, $0x0;
	v4 =	vor.u32 v5, v7;
	v5 =	vld [tilespmem:s16+$0xFFFFFF90]  }
0x2a6: {  	v7 =	vnsel vm3, $0x0, v6;
	v6 =	vshrl.u32 v6, $0x10;
	vm5 =	vgt.s32 v8, $0x0  }
0x2a7: {  	v6 =	vand.u32 $0x7F, v6;
	v7 =	vshrl.u32 v7, $0x10;
	v9 =	vnsel vm5, $0x0, v8;
	[tilespmem:v3+s2+$0x0] =	vst.idx.add.f32.msk vm4, v1  }
0x2a8: {  	v3 =	vand.u32 $0x7F80, v7;
	v7 =	vshrl.u32 v8, $0x10;
	v8 =	vshrl.u32 v9, $0x10;
	v9 =	vld [tilespmem:s15+$0x40]  }
0x2a9: {  	[tilespmem:v2+s2+$0x0] =	vst.idx.add.f32.msk vm0, v1;
	v2 =	vor.u32 v6, v3;
	v3 =	vand.u32 $0x7F, v7;
	v6 =	vand.u32 $0x7F80, v8  }
0x2aa: {  	v7 =	vld [tilespmem:s15+$0xFFFFFFB0];
	vm0 =	vgt.s32 v5, $0x0;
	v3 =	vor.u32 v3, v6  }
0x2ab: {  	[tilespmem:v4+s2+$0x0] =	vst.idx.add.f32.msk vm1, v1;
	v4 =	vnsel vm0, $0x0, v5  }
0x2ac: {  	v6 =	vld [tilespmem:s18+$0xFFFFFFD0];
	v5 =	vshrl.u32 v5, $0x10;
	v4 =	vshrl.u32 v4, $0x10  }
0x2ad: {  	v5 =	vand.u32 $0x7F, v5;
	v4 =	vand.u32 $0x7F80, v4;
	vm2 =	vgt.s32 v9, $0x0  }
0x2ae: {  	v4 =	vor.u32 v5, v4;
	[tilespmem:v2+s2+$0x0] =	vst.idx.add.f32.msk vm3, v1;
	v2 =	vnsel vm2, $0x0, v9  }
0x2af: {  	[tilespmem:v3+s2+$0x0] =	vst.idx.add.f32.msk vm5, v1;
	v3 =	vshrl.u32 v9, $0x10;
	v2 =	vshrl.u32 v2, $0x10  }
0x2b0: {  	vm3 =	vgt.s32 v7, $0x0;
	v5 =	vld [tilespmem:s16+$0x20];
	v3 =	vand.u32 $0x7F, v3;
	v2 =	vand.u32 $0x7F80, v2  }
0x2b1: {  	v8 =	vshrl.u32 v7, $0x10;
	vm1 =	vgt.s32 v6, $0x0;
	v9 =	vld [tilespmem:s18+$0x70];
	v2 =	vor.u32 v3, v2  }
0x2b2: {  	v3 =	vnsel vm3, $0x0, v7;
	v7 =	vand.u32 $0x7F, v8;
	v8 =	vnsel vm1, $0x0, v6  }
0x2b3: {  	v6 =	vshrl.u32 v6, $0x10;
	v3 =	vshrl.u32 v3, $0x10;
	v8 =	vshrl.u32 v8, $0x10;
	[tilespmem:v4+s2+$0x0] =	vst.idx.add.f32.msk vm0, v1  }
0x2b4: {  	s17 =	simm.s32 $0x8380;
	v6 =	vand.u32 $0x7F, v6;
	v3 =	vand.u32 $0x7F80, v3;
	v4 =	vand.u32 $0x7F80, v8;
	v8 =	vld [tilespmem:s16+$0xFFFFFFA0]  }
0x2b5: {  	vm4 =	vgt.s32 v5, $0x0;
	v3 =	vor.u32 v7, v3;
	v4 =	vor.u32 v6, v4;
	v6 =	vld [tilespmem:s17+$0x0]  }
0x2b6: {  	v7 =	vshrl.u32 v5, $0x10;
	v5 =	vnsel vm4, $0x0, v5;
	vm0 =	vgt.s32 v9, $0x0;
	[tilespmem:v2+s2+$0x0] =	vst.idx.add.f32.msk vm2, v1  }
0x2b7: {  	v5 =	vshrl.u32 v5, $0x10;
	v7 =	vand.u32 $0x7F, v7;
	v2 =	vnsel vm0, $0x0, v9;
	v10 =	vld [tilespmem:s15+$0x50]  }
0x2b8: {  	v9 =	vshrl.u32 v9, $0x10;
	v5 =	vand.u32 $0x7F80, v5;
	v2 =	vshrl.u32 v2, $0x10  }
0x2b9: {  	v9 =	vand.u32 $0x7F, v9;
	v5 =	vor.u32 v7, v5;
	v2 =	vand.u32 $0x7F80, v2  }
0x2ba: {  	v7 =	vld [tilespmem:s17+$0xFFFFFF80];
	vm2 =	vgt.s32 v8, $0x0;
	v2 =	vor.u32 v9, v2;
	vm13 =	vgt.s32 v6, $0x0  }
0x2bb: {  	v9 =	vshrl.u32 v8, $0x10;
	v8 =	vnsel vm2, $0x0, v8;
	v11 =	vnsel vm13, $0x0, v6  }
0x2bc: {  	[tilespmem:v3+s2+$0x0] =	vst.idx.add.f32.msk vm3, v1;
	v3 =	vshrl.u32 v6, $0x10;
	v6 =	vshrl.u32 v11, $0x10;
	vm5 =	vgt.s32 v10, $0x0  }
0x2bd: {  	v3 =	vand.u32 $0x7F, v3;
	v11 =	vld [tilespmem:s15+$0xFFFFFFC0];
	v6 =	vand.u32 $0x7F80, v6;
	v12 =	vnsel vm5, $0x0, v10  }
0x2be: {  	[tilespmem:v5+s2+$0x0] =	vst.idx.add.f32.msk vm4, v1;
	v5 =	vshrl.u32 v10, $0x10;
	v3 =	vor.u32 v3, v6;
	v6 =	vshrl.u32 v12, $0x10  }
0x2bf: {  	vm4 =	vgt.s32 v7, $0x0;
	v10 =	vld [tilespmem:s16+$0x30];
	v5 =	vand.u32 $0x7F, v5;
	v6 =	vand.u32 $0x7F80, v6  }
0x2c0: {  	[tilespmem:v4+s2+$0x0] =	vst.idx.add.f32.msk vm1, v1;
	v9 =	vand.u32 $0x7F, v9;
	v4 =	vnsel vm4, $0x0, v7;
	v5 =	vor.u32 v5, v6  }
0x2c1: {  	v7 =	vshrl.u32 v7, $0x10;
	v4 =	vshrl.u32 v4, $0x10;
	v6 =	vshrl.u32 v8, $0x10;
	v8 =	vld [tilespmem:s18+$0xFFFFFFE0]  }
0x2c2: {  	v7 =	vand.u32 $0x7F, v7;
	v4 =	vand.u32 $0x7F80, v4;
	v6 =	vand.u32 $0x7F80, v6  }
0x2c3: {  	vm3 =	vgt.s32 v11, $0x0;
	v4 =	vor.u32 v7, v4;
	v6 =	vor.u32 v9, v6;
	[tilespmem:v3+s2+$0x0] =	vst.idx.add.f32.msk vm13, v1  }
0x2c4: {  	v7 =	vshrl.u32 v11, $0x10;
	v3 =	vnsel vm3, $0x0, v11;
	vm14 =	vgt.s32 v10, $0x0;
	v9 =	vld [tilespmem:s17+$0x10]  }
0x2c5: {  	v7 =	vand.u32 $0x7F, v7;
	v3 =	vshrl.u32 v3, $0x10;
	v11 =	vnsel vm14, $0x0, v10;
	[tilespmem:v5+s2+$0x0] =	vst.idx.add.f32.msk vm5, v1  }
0x2c6: {  	vm1 =	vgt.s32 v8, $0x0;
	v5 =	vshrl.u32 v10, $0x10;
	v10 =	vshrl.u32 v11, $0x10;
	v11 =	vld [tilespmem:s15+$0x60]  }
0x2c7: {  	v5 =	vand.u32 $0x7F, v5;
	v10 =	vand.u32 $0x7F80, v10;
	v63 =	vnsel vm1, $0x0, v8  }
0x2c8: {  	[tilespmem:v6+s2+$0x0] =	vst.idx.add.f32.msk vm2, v1;
	v5 =	vor.u32 v5, v10;
	v6 =	vshrl.u32 v8, $0x10;
	v8 =	vshrl.u32 v63, $0x10  }
0x2c9: {  	v3 =	vand.u32 $0x7F80, v3;
	[tilespmem:v4+s2+$0x0] =	vst.idx.add.f32.msk vm4, v1;
	v4 =	vand.u32 $0x7F, v6;
	v6 =	vand.u32 $0x7F80, v8  }
0x2ca: {  	v3 =	vor.u32 v7, v3;
	v7 =	vld [tilespmem:s17+$0xFFFFFF90];
	vm4 =	vgt.s32 v9, $0x0;
	v4 =	vor.u32 v4, v6  }
0x2cb: {  	v6 =	vld [tilespmem:s16+$0xFFFFFFB0];
	v8 =	vnsel vm4, $0x0, v9;
	v9 =	vshrl.u32 v9, $0x10;
	vm2 =	vgt.s32 v11, $0x0  }
0x2cc: {  	[tilespmem:v2+s2+$0x0] =	vst.idx.add.f32.msk vm0, v1;
	v9 =	vand.u32 $0x7F, v9;
	v8 =	vshrl.u32 v8, $0x10;
	v10 =	vnsel vm2, $0x0, v11  }
0x2cd: {  	v8 =	vand.u32 $0x7F80, v8;
	[tilespmem:v5+s2+$0x0] =	vst.idx.add.f32.msk vm14, v1;
	v5 =	vshrl.u32 v11, $0x10;
	v10 =	vshrl.u32 v10, $0x10  }
0x2ce: {  	v8 =	vor.u32 v9, v8;
	v9 =	vld [tilespmem:s16+$0x40];
	v5 =	vand.u32 $0x7F, v5;
	v10 =	vand.u32 $0x7F80, v10  }
0x2cf: {  	[tilespmem:v3+s2+$0x0] =	vst.idx.add.f32.msk vm3, v1;
	vm15 =	vgt.s32 v7, $0x0;
	v3 =	vshrl.u32 v7, $0x10;
	v5 =	vor.u32 v5, v10  }
0x2d0: {  	v7 =	vnsel vm15, $0x0, v7;
	v3 =	vand.u32 $0x7F, v3;
	vm5 =	vgt.s32 v6, $0x0;
	v10 =	vld [tilespmem:s15+$0xFFFFFFD0]  }
0x2d1: {  	v2 =	vshrl.u32 v7, $0x10;
	[tilespmem:v4+s2+$0x0] =	vst.idx.add.f32.msk vm1, v1;
	v7 =	vnsel vm5, $0x0, v6;
	v6 =	vshrl.u32 v6, $0x10  }
0x2d2: {  	v2 =	vand.u32 $0x7F80, v2;
	v11 =	vld [tilespmem:s18+$0xFFFFFFF0];
	v4 =	vand.u32 $0x7F, v6;
	v6 =	vshrl.u32 v7, $0x10  }
0x2d3: {  	v2 =	vor.u32 v3, v2;
	v3 =	vand.u32 $0x7F80, v6;
	[tilespmem:v8+s2+$0x0] =	vst.idx.add.f32.msk vm4, v1;
	vm3 =	vgt.s32 v9, $0x0  }
0x2d4: {  	v4 =	vor.u32 v4, v3;
	v3 =	vnsel vm3, $0x0, v9;
	[tilespmem:v5+s2+$0x0] =	vst.idx.add.f32.msk vm2, v1  }
0x2d5: {  	vm2 =	vgt.s32 v10, $0x0;
	v5 =	vshrl.u32 v9, $0x10;
	v6 =	vshrl.u32 v3, $0x10;
	v3 =	vld [tilespmem:s15+$0x70]  }
0x2d6: {  	v8 =	vld [tilespmem:s17+$0x20];
	v7 =	vnsel vm2, $0x0, v10;
	v5 =	vand.u32 $0x7F, v5;
	v6 =	vand.u32 $0x7F80, v6  }
0x2d7: {  	v7 =	vshrl.u32 v7, $0x10;
	v6 =	vor.u32 v5, v6;
	v5 =	vshrl.u32 v10, $0x10  }
0x2d8: {  	[tilespmem:v2+s2+$0x0] =	vst.idx.add.f32.msk vm15, v1;
	vm0 =	vgt.s32 v11, $0x0;
	v9 =	vand.u32 $0x7F80, v7;
	v2 =	vand.u32 $0x7F, v5  }
0x2d9: {  	v10 =	vshrl.u32 v11, $0x10;
	v7 =	vld [tilespmem:s17+$0xFFFFFFA0];
	v5 =	vor.u32 v2, v9;
	v9 =	vnsel vm0, $0x0, v11  }
0x2da: {  	s19 =	simm.s32 $0x8480;
	s18 =	simm.s32 $0x6;
	[tilespmem:v4+s2+$0x0] =	vst.idx.add.f32.msk vm5, v1;
	v2 =	vand.u32 $0x7F, v10;
	v4 =	vshrl.u32 v9, $0x10;
	vm1 =	vgt.s32 v3, $0x0  }
.LBB2_8:
0x2db: {  	v9 =	vld [tilespmem:s19+$0x0];
	vm4 =	vgt.s32 v8, $0x0;
	v10 =	vshrl.u32 v8, $0x10;
	v11 =	vnsel vm1, $0x0, v3  }
0x2dc: {  	v3 =	vshrl.u32 v3, $0x10;
	v8 =	vnsel vm4, $0x0, v8;
	[tilespmem:v6+s2+$0x0] =	vst.idx.add.f32.msk vm3, v1;
	v6 =	vshrl.u32 v11, $0x10  }
0x2dd: {  	v3 =	vand.u32 $0x7F, v3;
	v8 =	vshrl.u32 v8, $0x10;
	v11 =	vld [tilespmem:s16+$0x50];
	v6 =	vand.u32 $0x7F80, v6  }
0x2de: {  	s18 =	sadd.s32 $0x2, s18;
	v10 =	vand.u32 $0x7F, v10;
	v12 =	vld [tilespmem:s19+$0xFFFFFF80];
	v8 =	vand.u32 $0x7F80, v8;
	v3 =	vor.u32 v3, v6  }
0x2df: {  	p0 =	slt.u32 s18, $0x7E;
	vm3 =	vgt.s32 v7, $0x0;
	v6 =	vshrl.u32 v7, $0x10;
	v8 =	vor.u32 v10, v8;
	v10 =	vld [tilespmem:s16+$0xFFFFFFC0]  }
0x2e0: {  	v7 =	vnsel vm3, $0x0, v7;
	v6 =	vand.u32 $0x7F, v6;
	vm5 =	vgt.s32 v9, $0x0;
	[tilespmem:v5+s2+$0x0] =	vst.idx.add.f32.msk vm2, v1  }
0x2e1: {  	v4 =	vand.u32 $0x7F80, v4;
	v7 =	vshrl.u32 v7, $0x10;
	v5 =	vnsel vm5, $0x0, v9;
	v13 =	vld [tilespmem:s15+$0xFFFFFFE0]  }
0x2e2: {  	v9 =	vshrl.u32 v9, $0x10;
	v5 =	vshrl.u32 v5, $0x10;
	vm6 =	vgt.s32 v11, $0x0  }
0x2e3: {  	v9 =	vand.u32 $0x7F, v9;
	v5 =	vand.u32 $0x7F80, v5;
	v14 =	vnsel vm6, $0x0, v11;
	[tilespmem:v3+s2+$0x0] =	vst.idx.add.f32.msk vm1, v1  }
0x2e4: {  	v3 =	vor.u32 v9, v5;
	[tilespmem:v8+s2+$0x0] =	vst.idx.add.f32.msk vm4, v1;
	v5 =	vshrl.u32 v11, $0x10;
	v8 =	vshrl.u32 v14, $0x10  }
0x2e5: {  	vm2 =	vgt.s32 v12, $0x0;
	v9 =	vld [tilespmem:s17+$0x30];
	v5 =	vand.u32 $0x7F, v5;
	v8 =	vand.u32 $0x7F80, v8  }
0x2e6: {  	v11 =	vnsel vm2, $0x0, v12;
	v12 =	vshrl.u32 v12, $0x10;
	v5 =	vor.u32 v5, v8  }
0x2e7: {  	v7 =	vand.u32 $0x7F80, v7;
	v11 =	vshrl.u32 v11, $0x10;
	v8 =	vand.u32 $0x7F, v12  }
0x2e8: {  	v6 =	vor.u32 v6, v7;
	vm4 =	vgt.s32 v10, $0x0;
	v11 =	vand.u32 $0x7F80, v11  }
0x2e9: {  	v7 =	vor.u32 v8, v11;
	v8 =	vshrl.u32 v10, $0x10;
	[tilespmem:v3+s2+$0x0] =	vst.idx.add.f32.msk vm5, v1;
	v3 =	vnsel vm4, $0x0, v10  }
0x2ea: {  	v8 =	vand.u32 $0x7F, v8;
	v10 =	vld [tilespmem:s19+$0x10];
	vm5 =	vgt.s32 v9, $0x0;
	v3 =	vshrl.u32 v3, $0x10  }
0x2eb: {  	vm1 =	vgt.s32 v13, $0x0;
	v11 =	vnsel vm5, $0x0, v9;
	v3 =	vand.u32 $0x7F80, v3;
	[tilespmem:v5+s2+$0x0] =	vst.idx.add.f32.msk vm6, v1  }
0x2ec: {  	v5 =	vshrl.u32 v9, $0x10;
	v9 =	vshrl.u32 v11, $0x10;
	v3 =	vor.u32 v8, v3;
	v8 =	vld [tilespmem:s16+$0x60]  }
0x2ed: {  	v5 =	vand.u32 $0x7F, v5;
	[tilespmem:v6+s2+$0x0] =	vst.idx.add.f32.msk vm3, v1;
	v6 =	vand.u32 $0x7F80, v9;
	v9 =	vnsel vm1, $0x0, v13  }
0x2ee: {  	[tilespmem:v7+s2+$0x0] =	vst.idx.add.f32.msk vm2, v1;
	v5 =	vor.u32 v5, v6;
	v6 =	vshrl.u32 v13, $0x10;
	v7 =	vshrl.u32 v9, $0x10  }
0x2ef: {  	v2 =	vor.u32 v2, v4;
	v9 =	vld [tilespmem:s19+$0xFFFFFF90];
	v6 =	vand.u32 $0x7F, v6;
	v7 =	vand.u32 $0x7F80, v7  }
0x2f0: {  	vm2 =	vgt.s32 v10, $0x0;
	v4 =	vld [tilespmem:s17+$0xFFFFFFB0];
	v6 =	vor.u32 v6, v7  }
0x2f1: {  	v7 =	vnsel vm2, $0x0, v10;
	v10 =	vshrl.u32 v10, $0x10;
	[tilespmem:v3+s2+$0x0] =	vst.idx.add.f32.msk vm4, v1;
	vm4 =	vgt.s32 v8, $0x0  }
0x2f2: {  	v3 =	vand.u32 $0x7F, v10;
	v7 =	vshrl.u32 v7, $0x10;
	v10 =	vld [tilespmem:s16+$0xFFFFFFD0];
	v11 =	vnsel vm4, $0x0, v8  }
0x2f3: {  	v7 =	vand.u32 $0x7F80, v7;
	[tilespmem:v5+s2+$0x0] =	vst.idx.add.f32.msk vm5, v1;
	v5 =	vshrl.u32 v8, $0x10;
	v8 =	vshrl.u32 v11, $0x10  }
0x2f4: {  	v3 =	vor.u32 v3, v7;
	v7 =	vld [tilespmem:s17+$0x40];
	v5 =	vand.u32 $0x7F, v5;
	v8 =	vand.u32 $0x7F80, v8  }
0x2f5: {  	vm5 =	vgt.s32 v9, $0x0;
	v11 =	vshrl.u32 v9, $0x10;
	v5 =	vor.u32 v5, v8;
	[tilespmem:v6+s2+$0x0] =	vst.idx.add.f32.msk vm1, v1  }
0x2f6: {  	v6 =	vnsel vm5, $0x0, v9;
	v8 =	vand.u32 $0x7F, v11;
	vm1 =	vgt.s32 v4, $0x0;
	v9 =	vld [tilespmem:s15+$0xFFFFFFF0];
	s15 =	smov.u32 s16;
	s16 =	smov.u32 s17;
	s17 =	smov.u32 s19  }
0x2f7: {  	v6 =	vshrl.u32 v6, $0x10;
	v11 =	vnsel vm1, $0x0, v4;
	v4 =	vshrl.u32 v4, $0x10;
	[tilespmem:v2+s2+$0x0] =	vst.idx.add.f32.msk vm0, v1  }
0x2f8: {  	v2 =	vand.u32 $0x7F80, v6;
	v4 =	vand.u32 $0x7F, v4;
	v6 =	vshrl.u32 v11, $0x10  }
0x2f9: {  	v2 =	vor.u32 v8, v2;
	[tilespmem:v3+s2+$0x0] =	vst.idx.add.f32.msk vm2, v1;
	v3 =	vand.u32 $0x7F80, v6;
	vm3 =	vgt.s32 v7, $0x0  }
0x2fa: {  	vm2 =	vgt.s32 v10, $0x0;
	v4 =	vor.u32 v4, v3;
	v3 =	vnsel vm3, $0x0, v7;
	[tilespmem:v5+s2+$0x0] =	vst.idx.add.f32.msk vm4, v1  }
0x2fb: {  	v5 =	vshrl.u32 v7, $0x10;
	v7 =	vnsel vm2, $0x0, v10;
	v6 =	vshrl.u32 v3, $0x10;
	v3 =	vld [tilespmem:s15+$0x70]  }
.Ltmp3:
0x2fc: {  	v5 =	vand.u32 $0x7F, v5;
	v7 =	vshrl.u32 v7, $0x10;
	v8 =	vld [tilespmem:s19+$0x20];
	v6 =	vand.u32 $0x7F80, v6;
	(pc) =	sbr.rel @p0 .LBB2_8-.Ltmp3, $4  }
0x2fd: {  	v6 =	vor.u32 v5, v6;
	v5 =	vshrl.u32 v10, $0x10;
	v10 =	vand.u32 $0x7F80, v7  }
0x2fe: {  	vm0 =	vgt.s32 v9, $0x0;
	v11 =	vshrl.u32 v9, $0x10;
	[tilespmem:v2+s2+$0x0] =	vst.idx.add.f32.msk vm5, v1;
	v2 =	vand.u32 $0x7F, v5  }
0x2ff: {  	v9 =	vnsel vm0, $0x0, v9;
	v7 =	vld [tilespmem:s19+$0xFFFFFFA0];
	v5 =	vor.u32 v2, v10;
	v2 =	vand.u32 $0x7F, v11  }
0x300: {  	s19 =	sadd.s32 $0x100, s19;
	[tilespmem:v4+s2+$0x0] =	vst.idx.add.f32.msk vm1, v1;
	vm1 =	vgt.s32 v3, $0x0;
	v4 =	vshrl.u32 v9, $0x10  }
0x301: {  	vm4 =	vgt.s32 v8, $0x0  }
0x302: {  	v9 =	vnsel vm4, $0x0, v8  }
0x303: {  	v8 =	vshrl.u32 v8, $0x10;
	v9 =	vshrl.u32 v9, $0x10  }
0x304: {  	v8 =	vand.u32 $0x7F, v8;
	v9 =	vand.u32 $0x7F80, v9;
	vm5 =	vgt.s32 v7, $0x0  }
0x305: {  	v8 =	vor.u32 v8, v9;
	v9 =	vnsel vm5, $0x0, v7  }
0x306: {  	v7 =	vshrl.u32 v7, $0x10;
	v9 =	vshrl.u32 v9, $0x10  }
0x307: {  	v7 =	vand.u32 $0x7F, v7;
	v9 =	vand.u32 $0x7F80, v9  }
0x308: {  	v7 =	vor.u32 v7, v9;
	_ =	sdelay $0x1  }
0x309: {  	[tilespmem:v8+s2+$0x0] =	vst.idx.add.f32.msk vm4, v1  }
0x30a: {  	v8 =	vld [tilespmem:s17+$0x30];
	_ =	sdelay $0x1  }
0x30b: {  	[tilespmem:v7+s2+$0x0] =	vst.idx.add.f32.msk vm5, v1  }
0x30c: {  	v7 =	vld [tilespmem:s17+$0xFFFFFFB0];
	_ =	sdelay $0x1  }
0x30d: {  	vm4 =	vgt.s32 v8, $0x0  }
0x30e: {  	v9 =	vnsel vm4, $0x0, v8  }
0x30f: {  	v8 =	vshrl.u32 v8, $0x10;
	v9 =	vshrl.u32 v9, $0x10  }
0x310: {  	v8 =	vand.u32 $0x7F, v8;
	v9 =	vand.u32 $0x7F80, v9;
	vm5 =	vgt.s32 v7, $0x0  }
0x311: {  	v8 =	vor.u32 v8, v9;
	v9 =	vnsel vm5, $0x0, v7  }
0x312: {  	v7 =	vshrl.u32 v7, $0x10;
	v9 =	vshrl.u32 v9, $0x10  }
0x313: {  	v7 =	vand.u32 $0x7F, v7;
	v9 =	vand.u32 $0x7F80, v9  }
0x314: {  	v7 =	vor.u32 v7, v9  }
0x315: {  	v9 =	vld [tilespmem:s16+$0xFFFFFFC0]  }
0x316: {  	[tilespmem:v8+s2+$0x0] =	vst.idx.add.f32.msk vm4, v1  }
0x317: {  	v8 =	vld [tilespmem:s17+$0x40];
	_ =	sdelay $0x1  }
0x318: {  	[tilespmem:v7+s2+$0x0] =	vst.idx.add.f32.msk vm5, v1  }
0x319: {  	vm4 =	vgt.s32 v9, $0x0;
	v7 =	vld [tilespmem:s17+$0xFFFFFFC0]  }
0x31a: {  	v10 =	vnsel vm4, $0x0, v9  }
0x31b: {  	v9 =	vshrl.u32 v9, $0x10;
	v10 =	vshrl.u32 v10, $0x10;
	vm5 =	vgt.s32 v8, $0x0  }
0x31c: {  	v9 =	vand.u32 $0x7F, v9;
	v10 =	vand.u32 $0x7F80, v10;
	v11 =	vnsel vm5, $0x0, v8  }
0x31d: {  	v9 =	vor.u32 v9, v10;
	v8 =	vshrl.u32 v8, $0x10;
	v10 =	vshrl.u32 v11, $0x10  }
0x31e: {  	[tilespmem:v6+s2+$0x0] =	vst.idx.add.f32.msk vm3, v1;
	v8 =	vand.u32 $0x7F, v8;
	v10 =	vand.u32 $0x7F80, v10;
	vm6 =	vgt.s32 v7, $0x0  }
0x31f: {  	v6 =	vor.u32 v8, v10;
	v8 =	vnsel vm6, $0x0, v7;
	v10 =	vld [tilespmem:s16+$0x50]  }
0x320: {  	v7 =	vshrl.u32 v7, $0x10;
	v8 =	vshrl.u32 v8, $0x10  }
0x321: {  	v7 =	vand.u32 $0x7F, v7;
	v8 =	vand.u32 $0x7F80, v8  }
0x322: {  	[tilespmem:v9+s2+$0x0] =	vst.idx.add.f32.msk vm4, v1;
	v7 =	vor.u32 v7, v8  }
0x323: {  	v8 =	vld [tilespmem:s16+$0xFFFFFFD0]  }
0x324: {  	[tilespmem:v6+s2+$0x0] =	vst.idx.add.f32.msk vm5, v1;
	vm3 =	vgt.s32 v10, $0x0  }
0x325: {  	v6 =	vld [tilespmem:s17+$0x50];
	v9 =	vnsel vm3, $0x0, v10  }
0x326: {  	v10 =	vshrl.u32 v10, $0x10;
	v9 =	vshrl.u32 v9, $0x10  }
0x327: {  	[tilespmem:v7+s2+$0x0] =	vst.idx.add.f32.msk vm6, v1;
	v7 =	vand.u32 $0x7F, v10;
	v9 =	vand.u32 $0x7F80, v9  }
0x328: {  	vm4 =	vgt.s32 v8, $0x0;
	v10 =	vld [tilespmem:s17+$0xFFFFFFD0];
	v7 =	vor.u32 v7, v9  }
0x329: {  	v9 =	vnsel vm4, $0x0, v8  }
0x32a: {  	v8 =	vshrl.u32 v8, $0x10;
	v9 =	vshrl.u32 v9, $0x10;
	vm5 =	vgt.s32 v6, $0x0  }
0x32b: {  	[tilespmem:v5+s2+$0x0] =	vst.idx.add.f32.msk vm2, v1;
	v8 =	vand.u32 $0x7F, v8;
	v9 =	vand.u32 $0x7F80, v9;
	v11 =	vnsel vm5, $0x0, v6  }
0x32c: {  	v5 =	vor.u32 v8, v9;
	v6 =	vshrl.u32 v6, $0x10;
	v9 =	vld [tilespmem:s15+$0xFFFFFFE0];
	v8 =	vshrl.u32 v11, $0x10  }
0x32d: {  	v6 =	vand.u32 $0x7F, v6;
	v8 =	vand.u32 $0x7F80, v8;
	vm2 =	vgt.s32 v10, $0x0;
	[tilespmem:v7+s2+$0x0] =	vst.idx.add.f32.msk vm3, v1  }
0x32e: {  	v6 =	vor.u32 v6, v8;
	v7 =	vnsel vm2, $0x0, v10;
	v8 =	vld [tilespmem:s16+$0x60]  }
0x32f: {  	v10 =	vshrl.u32 v10, $0x10;
	v7 =	vshrl.u32 v7, $0x10  }
0x330: {  	v10 =	vand.u32 $0x7F, v10;
	v7 =	vand.u32 $0x7F80, v7  }
0x331: {  	[tilespmem:v5+s2+$0x0] =	vst.idx.add.f32.msk vm4, v1;
	vm3 =	vgt.s32 v9, $0x0;
	v5 =	vor.u32 v10, v7  }
0x332: {  	v7 =	vld [tilespmem:s16+$0xFFFFFFE0];
	v10 =	vnsel vm3, $0x0, v9  }
0x333: {  	[tilespmem:v6+s2+$0x0] =	vst.idx.add.f32.msk vm5, v1;
	v6 =	vshrl.u32 v9, $0x10;
	v9 =	vshrl.u32 v10, $0x10;
	vm4 =	vgt.s32 v8, $0x0  }
0x334: {  	v10 =	vld [tilespmem:s17+$0x60];
	v6 =	vand.u32 $0x7F, v6;
	v9 =	vand.u32 $0x7F80, v9;
	v11 =	vnsel vm4, $0x0, v8  }
0x335: {  	v8 =	vshrl.u32 v8, $0x10;
	v6 =	vor.u32 v6, v9;
	v9 =	vshrl.u32 v11, $0x10  }
0x336: {  	[tilespmem:v5+s2+$0x0] =	vst.idx.add.f32.msk vm2, v1;
	v5 =	vand.u32 $0x7F, v8;
	v8 =	vand.u32 $0x7F80, v9  }
0x337: {  	vm2 =	vgt.s32 v7, $0x0;
	v9 =	vld [tilespmem:s17+$0xFFFFFFE0];
	v5 =	vor.u32 v5, v8  }
0x338: {  	v8 =	vnsel vm2, $0x0, v7  }
0x339: {  	v7 =	vshrl.u32 v7, $0x10;
	v8 =	vshrl.u32 v8, $0x10;
	vm5 =	vgt.s32 v10, $0x0  }
0x33a: {  	v7 =	vand.u32 $0x7F, v7;
	v8 =	vand.u32 $0x7F80, v8;
	v11 =	vnsel vm5, $0x0, v10  }
0x33b: {  	v7 =	vor.u32 v7, v8;
	v8 =	vshrl.u32 v10, $0x10;
	[tilespmem:v6+s2+$0x0] =	vst.idx.add.f32.msk vm3, v1;
	v10 =	vshrl.u32 v11, $0x10  }
0x33c: {  	v6 =	vand.u32 $0x7F, v8;
	v8 =	vand.u32 $0x7F80, v10;
	vm11 =	vgt.s32 v9, $0x0;
	[tilespmem:v5+s2+$0x0] =	vst.idx.add.f32.msk vm4, v1  }
0x33d: {  	v10 =	vld [tilespmem:s15+$0xFFFFFFF0];
	v5 =	vor.u32 v6, v8;
	v6 =	vnsel vm11, $0x0, v9  }
0x33e: {  	v8 =	vld [tilespmem:s16+$0x70];
	v9 =	vshrl.u32 v9, $0x10;
	v6 =	vshrl.u32 v6, $0x10  }
0x33f: {  	v9 =	vand.u32 $0x7F, v9;
	v6 =	vand.u32 $0x7F80, v6  }
0x340: {  	v11 =	vnsel vm1, $0x0, v3;
	[tilespmem:v7+s2+$0x0] =	vst.idx.add.f32.msk vm2, v1;
	v6 =	vor.u32 v9, v6  }
0x341: {  	v4 =	vand.u32 $0x7F80, v4;
	v3 =	vshrl.u32 v3, $0x10;
	v7 =	vshrl.u32 v11, $0x10;
	v9 =	vld [tilespmem:s16+$0xFFFFFFF0]  }
0x342: {  	v2 =	vor.u32 v2, v4;
	v3 =	vand.u32 $0x7F, v3;
	v7 =	vand.u32 $0x7F80, v7;
	[tilespmem:v5+s2+$0x0] =	vst.idx.add.f32.msk vm5, v1  }
0x343: {  	v3 =	vor.u32 v3, v7;
	vm3 =	vgt.s32 v10, $0x0;
	vm2 =	vgt.s32 v8, $0x0;
	v4 =	vld [tilespmem:s17+$0x70]  }
0x344: {  	v5 =	vshrl.u32 v10, $0x10;
	v10 =	vnsel vm3, $0x0, v10;
	v7 =	vnsel vm2, $0x0, v8  }
0x345: {  	v8 =	vshrl.u32 v8, $0x10;
	v5 =	vand.u32 $0x7F, v5;
	v7 =	vshrl.u32 v7, $0x10;
	[tilespmem:v6+s2+$0x0] =	vst.idx.add.f32.msk vm11, v1  }
0x346: {  	v8 =	vand.u32 $0x7F, v8;
	v6 =	vshrl.u32 v10, $0x10;
	v7 =	vand.u32 $0x7F80, v7;
	v10 =	vld [tilespmem:s17+$0xFFFFFFF0]  }
0x347: {  	vm4 =	vgt.s32 v9, $0x0;
	v7 =	vor.u32 v8, v7;
	v6 =	vand.u32 $0x7F80, v6  }
0x348: {  	v8 =	vnsel vm4, $0x0, v9;
	v5 =	vor.u32 v5, v6;
	vm5 =	vgt.s32 v4, $0x0  }
0x349: {  	v6 =	vshrl.u32 v9, $0x10;
	v8 =	vshrl.u32 v8, $0x10;
	v9 =	vnsel vm5, $0x0, v4  }
0x34a: {  	v6 =	vand.u32 $0x7F, v6;
	v4 =	vshrl.u32 v4, $0x10;
	v9 =	vshrl.u32 v9, $0x10  }
0x34b: {  	v4 =	vand.u32 $0x7F, v4;
	v9 =	vand.u32 $0x7F80, v9;
	vm12 =	vgt.s32 v10, $0x0  }
0x34c: {  	v8 =	vand.u32 $0x7F80, v8;
	v4 =	vor.u32 v4, v9;
	v9 =	vnsel vm12, $0x0, v10  }
0x34d: {  	[tilespmem:v3+s2+$0x0] =	vst.idx.add.f32.msk vm1, v1;
	v3 =	vor.u32 v6, v8;
	v10 =	vshrl.u32 v10, $0x10;
	v9 =	vshrl.u32 v9, $0x10  }
0x34e: {  	v6 =	vand.u32 $0x7F, v10;
	v8 =	vand.u32 $0x7F80, v9  }
0x34f: {  	[tilespmem:v2+s2+$0x0] =	vst.idx.add.f32.msk vm0, v1;
	v2 =	vor.u32 v6, v8  }
0x350: {  	[tilespmem:v7+s2+$0x0] =	vst.idx.add.f32.msk vm2, v1  }
0x351: {  	[tilespmem:v5+s2+$0x0] =	vst.idx.add.f32.msk vm3, v1  }
0x352: {  	[tilespmem:v3+s2+$0x0] =	vst.idx.add.f32.msk vm4, v1  }
0x353: {  	[tilespmem:v4+s2+$0x0] =	vst.idx.add.f32.msk vm5, v1  }
0x354: {  	[tilespmem:v2+s2+$0x0] =	vst.idx.add.f32.msk vm12, v1  }
0x355: {  	_ =	swait.ge [sflag:s12], $0x4000  }
0x356: {  	[sflag:s12] =	ssyncset.done $0x0  }
0x357: {  	s18 =	simm.s32 $0xC080;
	[sflag:s12] =	ssyncadd.s32 $0xFFFFC000  }
0x358: {  	v2 =	vld [tilespmem:s18+$0x0];
	_ =	sdelay $0x4  }
0x359: {  	vm0 =	vgt.s32 v2, $0x0  }
0x35a: {  	v3 =	vnsel vm0, $0x0, v2  }
0x35b: {  	v2 =	vshrl.u32 v2, $0x10;
	v3 =	vshrl.u32 v3, $0x10  }
0x35c: {  	v2 =	vand.u32 $0x7F, v2;
	v3 =	vand.u32 $0x7F80, v3  }
0x35d: {  	v2 =	vor.u32 v2, v3;
	_ =	sdelay $0x4  }
0x35e: {  	[tilespmem:v2+s2+$0x0] =	vst.idx.add.f32.msk vm0, v1  }
0x35f: {  	v2 =	vld [tilespmem:s18+$0x10];
	_ =	sdelay $0x4  }
0x360: {  	vm0 =	vgt.s32 v2, $0x0  }
0x361: {  	v3 =	vnsel vm0, $0x0, v2  }
0x362: {  	v2 =	vshrl.u32 v2, $0x10;
	v3 =	vshrl.u32 v3, $0x10  }
0x363: {  	v2 =	vand.u32 $0x7F, v2;
	v3 =	vand.u32 $0x7F80, v3  }
0x364: {  	v2 =	vor.u32 v2, v3  }
0x365: {  	v3 =	vld [tilespmem:s18+$0xFFFFFF80];
	_ =	sdelay $0x3  }
0x366: {  	[tilespmem:v2+s2+$0x0] =	vst.idx.add.f32.msk vm0, v1  }
0x367: {  	vm0 =	vgt.s32 v3, $0x0;
	v2 =	vld [tilespmem:s18+$0x20]  }
0x368: {  	v4 =	vnsel vm0, $0x0, v3  }
0x369: {  	v3 =	vshrl.u32 v3, $0x10;
	v4 =	vshrl.u32 v4, $0x10  }
0x36a: {  	v3 =	vand.u32 $0x7F, v3;
	v4 =	vand.u32 $0x7F80, v4  }
0x36b: {  	v3 =	vor.u32 v3, v4  }
0x36c: {  	vm1 =	vgt.s32 v2, $0x0  }
0x36d: {  	s15 =	simm.s32 $0xC180;
	v4 =	vnsel vm1, $0x0, v2  }
0x36e: {  	v5 =	vld [tilespmem:s15+$0x0];
	v2 =	vshrl.u32 v2, $0x10;
	v4 =	vshrl.u32 v4, $0x10  }
0x36f: {  	v2 =	vand.u32 $0x7F, v2;
	v4 =	vand.u32 $0x7F80, v4  }
0x370: {  	[tilespmem:v3+s2+$0x0] =	vst.idx.add.f32.msk vm0, v1;
	v2 =	vor.u32 v2, v4  }
0x371: {  	v3 =	vld [tilespmem:s18+$0xFFFFFF90];
	_ =	sdelay $0x1  }
0x372: {  	vm0 =	vgt.s32 v5, $0x0  }
0x373: {  	v4 =	vnsel vm0, $0x0, v5  }
0x374: {  	v5 =	vshrl.u32 v5, $0x10;
	v4 =	vshrl.u32 v4, $0x10;
	[tilespmem:v2+s2+$0x0] =	vst.idx.add.f32.msk vm1, v1  }
0x375: {  	v4 =	vand.u32 $0x7F80, v4;
	vm1 =	vgt.s32 v3, $0x0;
	v2 =	vand.u32 $0x7F, v5;
	v5 =	vld [tilespmem:s18+$0x30]  }
0x376: {  	v6 =	vnsel vm1, $0x0, v3;
	v2 =	vor.u32 v2, v4  }
0x377: {  	v3 =	vshrl.u32 v3, $0x10;
	v4 =	vshrl.u32 v6, $0x10  }
0x378: {  	v3 =	vand.u32 $0x7F, v3;
	v4 =	vand.u32 $0x7F80, v4  }
0x379: {  	v3 =	vor.u32 v3, v4;
	v4 =	vld [tilespmem:s15+$0xFFFFFF80]  }
0x37a: {  	vm2 =	vgt.s32 v5, $0x0  }
0x37b: {  	[tilespmem:v2+s2+$0x0] =	vst.idx.add.f32.msk vm0, v1;
	v2 =	vnsel vm2, $0x0, v5  }
0x37c: {  	v6 =	vld [tilespmem:s15+$0x10];
	v5 =	vshrl.u32 v5, $0x10;
	v2 =	vshrl.u32 v2, $0x10  }
0x37d: {  	v5 =	vand.u32 $0x7F, v5;
	v2 =	vand.u32 $0x7F80, v2  }
0x37e: {  	[tilespmem:v3+s2+$0x0] =	vst.idx.add.f32.msk vm1, v1;
	vm0 =	vgt.s32 v4, $0x0;
	v2 =	vor.u32 v5, v2  }
0x37f: {  	v3 =	vld [tilespmem:s18+$0xFFFFFFA0];
	v5 =	vnsel vm0, $0x0, v4  }
0x380: {  	v4 =	vshrl.u32 v4, $0x10;
	v5 =	vshrl.u32 v5, $0x10  }
0x381: {  	v4 =	vand.u32 $0x7F, v4;
	v5 =	vand.u32 $0x7F80, v5;
	vm1 =	vgt.s32 v6, $0x0  }
0x382: {  	v4 =	vor.u32 v4, v5;
	v5 =	vnsel vm1, $0x0, v6  }
0x383: {  	v6 =	vshrl.u32 v6, $0x10;
	v5 =	vshrl.u32 v5, $0x10;
	[tilespmem:v2+s2+$0x0] =	vst.idx.add.f32.msk vm2, v1  }
0x384: {  	vm2 =	vgt.s32 v3, $0x0;
	v2 =	vand.u32 $0x7F, v6;
	v5 =	vand.u32 $0x7F80, v5;
	v6 =	vld [tilespmem:s18+$0x40]  }
0x385: {  	v7 =	vnsel vm2, $0x0, v3;
	v2 =	vor.u32 v2, v5  }
0x386: {  	v3 =	vshrl.u32 v3, $0x10;
	v5 =	vshrl.u32 v7, $0x10  }
0x387: {  	v3 =	vand.u32 $0x7F, v3;
	v5 =	vand.u32 $0x7F80, v5;
	[tilespmem:v4+s2+$0x0] =	vst.idx.add.f32.msk vm0, v1  }
0x388: {  	v3 =	vor.u32 v3, v5;
	v4 =	vld [tilespmem:s15+$0xFFFFFF90]  }
0x389: {  	vm0 =	vgt.s32 v6, $0x0  }
0x38a: {  	[tilespmem:v2+s2+$0x0] =	vst.idx.add.f32.msk vm1, v1;
	v2 =	vnsel vm0, $0x0, v6  }
0x38b: {  	v5 =	vshrl.u32 v6, $0x10;
	v6 =	vld [tilespmem:s15+$0x20];
	v2 =	vshrl.u32 v2, $0x10  }
0x38c: {  	v5 =	vand.u32 $0x7F, v5;
	v2 =	vand.u32 $0x7F80, v2  }
0x38d: {  	[tilespmem:v3+s2+$0x0] =	vst.idx.add.f32.msk vm2, v1;
	vm1 =	vgt.s32 v4, $0x0;
	v2 =	vor.u32 v5, v2  }
0x38e: {  	v3 =	vld [tilespmem:s18+$0xFFFFFFB0];
	v5 =	vnsel vm1, $0x0, v4  }
0x38f: {  	v4 =	vshrl.u32 v4, $0x10;
	v5 =	vshrl.u32 v5, $0x10  }
0x390: {  	s16 =	simm.s32 $0xC280;
	v4 =	vand.u32 $0x7F, v4;
	v5 =	vand.u32 $0x7F80, v5;
	vm2 =	vgt.s32 v6, $0x0  }
0x391: {  	v4 =	vor.u32 v4, v5;
	v5 =	vld [tilespmem:s16+$0x0];
	v7 =	vnsel vm2, $0x0, v6  }
0x392: {  	v6 =	vshrl.u32 v6, $0x10;
	[tilespmem:v2+s2+$0x0] =	vst.idx.add.f32.msk vm0, v1;
	v2 =	vshrl.u32 v7, $0x10  }
0x393: {  	v6 =	vand.u32 $0x7F, v6;
	vm0 =	vgt.s32 v3, $0x0;
	v7 =	vld [tilespmem:s18+$0x50];
	v2 =	vand.u32 $0x7F80, v2  }
0x394: {  	v8 =	vnsel vm0, $0x0, v3;
	v2 =	vor.u32 v6, v2  }
0x395: {  	v3 =	vshrl.u32 v3, $0x10;
	v6 =	vshrl.u32 v8, $0x10  }
0x396: {  	v3 =	vand.u32 $0x7F, v3;
	v6 =	vand.u32 $0x7F80, v6;
	[tilespmem:v4+s2+$0x0] =	vst.idx.add.f32.msk vm1, v1;
	vm1 =	vgt.s32 v5, $0x0  }
0x397: {  	v4 =	vld [tilespmem:s16+$0xFFFFFF80];
	v3 =	vor.u32 v3, v6;
	v6 =	vnsel vm1, $0x0, v5  }
0x398: {  	v8 =	vld [tilespmem:s15+$0xFFFFFFA0];
	v5 =	vshrl.u32 v5, $0x10;
	v6 =	vshrl.u32 v6, $0x10;
	vm3 =	vgt.s32 v7, $0x0  }
0x399: {  	v5 =	vand.u32 $0x7F, v5;
	v6 =	vand.u32 $0x7F80, v6;
	v9 =	vnsel vm3, $0x0, v7;
	[tilespmem:v2+s2+$0x0] =	vst.idx.add.f32.msk vm2, v1  }
0x39a: {  	v2 =	vor.u32 v5, v6;
	v5 =	vshrl.u32 v7, $0x10;
	v6 =	vshrl.u32 v9, $0x10;
	v7 =	vld [tilespmem:s15+$0x30]  }
0x39b: {  	v5 =	vand.u32 $0x7F, v5;
	v6 =	vand.u32 $0x7F80, v6  }
0x39c: {  	vm2 =	vgt.s32 v4, $0x0;
	[tilespmem:v3+s2+$0x0] =	vst.idx.add.f32.msk vm0, v1;
	v3 =	vor.u32 v5, v6  }
0x39d: {  	vm0 =	vgt.s32 v8, $0x0;
	v5 =	vld [tilespmem:s18+$0xFFFFFFC0];
	v6 =	vnsel vm2, $0x0, v4  }
0x39e: {  	v9 =	vshrl.u32 v8, $0x10;
	v4 =	vshrl.u32 v4, $0x10;
	v6 =	vshrl.u32 v6, $0x10  }
0x39f: {  	v4 =	vand.u32 $0x7F, v4;
	v6 =	vand.u32 $0x7F80, v6;
	[tilespmem:v2+s2+$0x0] =	vst.idx.add.f32.msk vm1, v1;
	vm4 =	vgt.s32 v7, $0x0  }
0x3a0: {  	v2 =	vnsel vm0, $0x0, v8;
	v4 =	vor.u32 v4, v6;
	v6 =	vld [tilespmem:s16+$0x10];
	v8 =	vnsel vm4, $0x0, v7  }
0x3a1: {  	v9 =	vand.u32 $0x7F, v9;
	[tilespmem:v3+s2+$0x0] =	vst.idx.add.f32.msk vm3, v1;
	v3 =	vshrl.u32 v7, $0x10;
	v7 =	vshrl.u32 v8, $0x10  }
0x3a2: {  	vm1 =	vgt.s32 v5, $0x0;
	v8 =	vld [tilespmem:s18+$0x60];
	v3 =	vand.u32 $0x7F, v3;
	v7 =	vand.u32 $0x7F80, v7  }
0x3a3: {  	v2 =	vshrl.u32 v2, $0x10;
	v10 =	vnsel vm1, $0x0, v5;
	v3 =	vor.u32 v3, v7  }
0x3a4: {  	v2 =	vand.u32 $0x7F80, v2;
	v5 =	vshrl.u32 v5, $0x10;
	v7 =	vshrl.u32 v10, $0x10  }
0x3a5: {  	v2 =	vor.u32 v9, v2;
	v5 =	vand.u32 $0x7F, v5;
	v7 =	vand.u32 $0x7F80, v7;
	[tilespmem:v4+s2+$0x0] =	vst.idx.add.f32.msk vm2, v1  }
0x3a6: {  	vm3 =	vgt.s32 v6, $0x0;
	v4 =	vor.u32 v5, v7;
	v5 =	vld [tilespmem:s16+$0xFFFFFF90]  }
0x3a7: {  	v7 =	vnsel vm3, $0x0, v6;
	v6 =	vshrl.u32 v6, $0x10;
	vm5 =	vgt.s32 v8, $0x0  }
0x3a8: {  	v6 =	vand.u32 $0x7F, v6;
	v7 =	vshrl.u32 v7, $0x10;
	v9 =	vnsel vm5, $0x0, v8;
	[tilespmem:v3+s2+$0x0] =	vst.idx.add.f32.msk vm4, v1  }
0x3a9: {  	v3 =	vand.u32 $0x7F80, v7;
	v7 =	vshrl.u32 v8, $0x10;
	v8 =	vshrl.u32 v9, $0x10;
	v9 =	vld [tilespmem:s15+$0x40]  }
0x3aa: {  	[tilespmem:v2+s2+$0x0] =	vst.idx.add.f32.msk vm0, v1;
	v2 =	vor.u32 v6, v3;
	v3 =	vand.u32 $0x7F, v7;
	v6 =	vand.u32 $0x7F80, v8  }
0x3ab: {  	v7 =	vld [tilespmem:s15+$0xFFFFFFB0];
	vm0 =	vgt.s32 v5, $0x0;
	v3 =	vor.u32 v3, v6  }
0x3ac: {  	[tilespmem:v4+s2+$0x0] =	vst.idx.add.f32.msk vm1, v1;
	v4 =	vnsel vm0, $0x0, v5  }
0x3ad: {  	v6 =	vld [tilespmem:s18+$0xFFFFFFD0];
	v5 =	vshrl.u32 v5, $0x10;
	v4 =	vshrl.u32 v4, $0x10  }
0x3ae: {  	v5 =	vand.u32 $0x7F, v5;
	v4 =	vand.u32 $0x7F80, v4;
	vm2 =	vgt.s32 v9, $0x0  }
0x3af: {  	v4 =	vor.u32 v5, v4;
	[tilespmem:v2+s2+$0x0] =	vst.idx.add.f32.msk vm3, v1;
	v2 =	vnsel vm2, $0x0, v9  }
0x3b0: {  	[tilespmem:v3+s2+$0x0] =	vst.idx.add.f32.msk vm5, v1;
	v3 =	vshrl.u32 v9, $0x10;
	v2 =	vshrl.u32 v2, $0x10  }
0x3b1: {  	vm3 =	vgt.s32 v7, $0x0;
	v5 =	vld [tilespmem:s16+$0x20];
	v3 =	vand.u32 $0x7F, v3;
	v2 =	vand.u32 $0x7F80, v2  }
0x3b2: {  	v8 =	vshrl.u32 v7, $0x10;
	vm1 =	vgt.s32 v6, $0x0;
	v9 =	vld [tilespmem:s18+$0x70];
	v2 =	vor.u32 v3, v2  }
0x3b3: {  	v3 =	vnsel vm3, $0x0, v7;
	v7 =	vand.u32 $0x7F, v8;
	v8 =	vnsel vm1, $0x0, v6  }
0x3b4: {  	v6 =	vshrl.u32 v6, $0x10;
	v3 =	vshrl.u32 v3, $0x10;
	v8 =	vshrl.u32 v8, $0x10;
	[tilespmem:v4+s2+$0x0] =	vst.idx.add.f32.msk vm0, v1  }
0x3b5: {  	s17 =	simm.s32 $0xC380;
	v6 =	vand.u32 $0x7F, v6;
	v3 =	vand.u32 $0x7F80, v3;
	v4 =	vand.u32 $0x7F80, v8;
	v8 =	vld [tilespmem:s16+$0xFFFFFFA0]  }
0x3b6: {  	vm4 =	vgt.s32 v5, $0x0;
	v3 =	vor.u32 v7, v3;
	v4 =	vor.u32 v6, v4;
	v6 =	vld [tilespmem:s17+$0x0]  }
0x3b7: {  	v7 =	vshrl.u32 v5, $0x10;
	v5 =	vnsel vm4, $0x0, v5;
	vm0 =	vgt.s32 v9, $0x0;
	[tilespmem:v2+s2+$0x0] =	vst.idx.add.f32.msk vm2, v1  }
0x3b8: {  	v5 =	vshrl.u32 v5, $0x10;
	v7 =	vand.u32 $0x7F, v7;
	v2 =	vnsel vm0, $0x0, v9;
	v10 =	vld [tilespmem:s15+$0x50]  }
0x3b9: {  	v9 =	vshrl.u32 v9, $0x10;
	v5 =	vand.u32 $0x7F80, v5;
	v2 =	vshrl.u32 v2, $0x10  }
0x3ba: {  	v9 =	vand.u32 $0x7F, v9;
	v5 =	vor.u32 v7, v5;
	v2 =	vand.u32 $0x7F80, v2  }
0x3bb: {  	v7 =	vld [tilespmem:s17+$0xFFFFFF80];
	vm2 =	vgt.s32 v8, $0x0;
	v2 =	vor.u32 v9, v2;
	vm13 =	vgt.s32 v6, $0x0  }
0x3bc: {  	v9 =	vshrl.u32 v8, $0x10;
	v8 =	vnsel vm2, $0x0, v8;
	v11 =	vnsel vm13, $0x0, v6  }
0x3bd: {  	[tilespmem:v3+s2+$0x0] =	vst.idx.add.f32.msk vm3, v1;
	v3 =	vshrl.u32 v6, $0x10;
	v6 =	vshrl.u32 v11, $0x10;
	vm5 =	vgt.s32 v10, $0x0  }
0x3be: {  	v3 =	vand.u32 $0x7F, v3;
	v11 =	vld [tilespmem:s15+$0xFFFFFFC0];
	v6 =	vand.u32 $0x7F80, v6;
	v12 =	vnsel vm5, $0x0, v10  }
0x3bf: {  	[tilespmem:v5+s2+$0x0] =	vst.idx.add.f32.msk vm4, v1;
	v5 =	vshrl.u32 v10, $0x10;
	v3 =	vor.u32 v3, v6;
	v6 =	vshrl.u32 v12, $0x10  }
0x3c0: {  	vm4 =	vgt.s32 v7, $0x0;
	v10 =	vld [tilespmem:s16+$0x30];
	v5 =	vand.u32 $0x7F, v5;
	v6 =	vand.u32 $0x7F80, v6  }
0x3c1: {  	[tilespmem:v4+s2+$0x0] =	vst.idx.add.f32.msk vm1, v1;
	v9 =	vand.u32 $0x7F, v9;
	v4 =	vnsel vm4, $0x0, v7;
	v5 =	vor.u32 v5, v6  }
0x3c2: {  	v7 =	vshrl.u32 v7, $0x10;
	v4 =	vshrl.u32 v4, $0x10;
	v6 =	vshrl.u32 v8, $0x10;
	v8 =	vld [tilespmem:s18+$0xFFFFFFE0]  }
0x3c3: {  	v7 =	vand.u32 $0x7F, v7;
	v4 =	vand.u32 $0x7F80, v4;
	v6 =	vand.u32 $0x7F80, v6  }
0x3c4: {  	vm3 =	vgt.s32 v11, $0x0;
	v4 =	vor.u32 v7, v4;
	v6 =	vor.u32 v9, v6;
	[tilespmem:v3+s2+$0x0] =	vst.idx.add.f32.msk vm13, v1  }
0x3c5: {  	v7 =	vshrl.u32 v11, $0x10;
	v3 =	vnsel vm3, $0x0, v11;
	vm14 =	vgt.s32 v10, $0x0;
	v9 =	vld [tilespmem:s17+$0x10]  }
0x3c6: {  	v7 =	vand.u32 $0x7F, v7;
	v3 =	vshrl.u32 v3, $0x10;
	v11 =	vnsel vm14, $0x0, v10;
	[tilespmem:v5+s2+$0x0] =	vst.idx.add.f32.msk vm5, v1  }
0x3c7: {  	vm1 =	vgt.s32 v8, $0x0;
	v5 =	vshrl.u32 v10, $0x10;
	v10 =	vshrl.u32 v11, $0x10;
	v11 =	vld [tilespmem:s15+$0x60]  }
0x3c8: {  	v5 =	vand.u32 $0x7F, v5;
	v10 =	vand.u32 $0x7F80, v10;
	v63 =	vnsel vm1, $0x0, v8  }
0x3c9: {  	[tilespmem:v6+s2+$0x0] =	vst.idx.add.f32.msk vm2, v1;
	v5 =	vor.u32 v5, v10;
	v6 =	vshrl.u32 v8, $0x10;
	v8 =	vshrl.u32 v63, $0x10  }
0x3ca: {  	v3 =	vand.u32 $0x7F80, v3;
	[tilespmem:v4+s2+$0x0] =	vst.idx.add.f32.msk vm4, v1;
	v4 =	vand.u32 $0x7F, v6;
	v6 =	vand.u32 $0x7F80, v8  }
0x3cb: {  	v3 =	vor.u32 v7, v3;
	v7 =	vld [tilespmem:s17+$0xFFFFFF90];
	vm4 =	vgt.s32 v9, $0x0;
	v4 =	vor.u32 v4, v6  }
0x3cc: {  	v6 =	vld [tilespmem:s16+$0xFFFFFFB0];
	v8 =	vnsel vm4, $0x0, v9;
	v9 =	vshrl.u32 v9, $0x10;
	vm2 =	vgt.s32 v11, $0x0  }
0x3cd: {  	[tilespmem:v2+s2+$0x0] =	vst.idx.add.f32.msk vm0, v1;
	v9 =	vand.u32 $0x7F, v9;
	v8 =	vshrl.u32 v8, $0x10;
	v10 =	vnsel vm2, $0x0, v11  }
0x3ce: {  	v8 =	vand.u32 $0x7F80, v8;
	[tilespmem:v5+s2+$0x0] =	vst.idx.add.f32.msk vm14, v1;
	v5 =	vshrl.u32 v11, $0x10;
	v10 =	vshrl.u32 v10, $0x10  }
0x3cf: {  	v8 =	vor.u32 v9, v8;
	v9 =	vld [tilespmem:s16+$0x40];
	v5 =	vand.u32 $0x7F, v5;
	v10 =	vand.u32 $0x7F80, v10  }
0x3d0: {  	[tilespmem:v3+s2+$0x0] =	vst.idx.add.f32.msk vm3, v1;
	vm15 =	vgt.s32 v7, $0x0;
	v3 =	vshrl.u32 v7, $0x10;
	v5 =	vor.u32 v5, v10  }
0x3d1: {  	v7 =	vnsel vm15, $0x0, v7;
	v3 =	vand.u32 $0x7F, v3;
	vm5 =	vgt.s32 v6, $0x0;
	v10 =	vld [tilespmem:s15+$0xFFFFFFD0]  }
0x3d2: {  	v2 =	vshrl.u32 v7, $0x10;
	[tilespmem:v4+s2+$0x0] =	vst.idx.add.f32.msk vm1, v1;
	v7 =	vnsel vm5, $0x0, v6;
	v6 =	vshrl.u32 v6, $0x10  }
0x3d3: {  	v2 =	vand.u32 $0x7F80, v2;
	v11 =	vld [tilespmem:s18+$0xFFFFFFF0];
	v4 =	vand.u32 $0x7F, v6;
	v6 =	vshrl.u32 v7, $0x10  }
0x3d4: {  	v2 =	vor.u32 v3, v2;
	v3 =	vand.u32 $0x7F80, v6;
	[tilespmem:v8+s2+$0x0] =	vst.idx.add.f32.msk vm4, v1;
	vm3 =	vgt.s32 v9, $0x0  }
0x3d5: {  	v4 =	vor.u32 v4, v3;
	v3 =	vnsel vm3, $0x0, v9;
	[tilespmem:v5+s2+$0x0] =	vst.idx.add.f32.msk vm2, v1  }
0x3d6: {  	vm2 =	vgt.s32 v10, $0x0;
	v5 =	vshrl.u32 v9, $0x10;
	v6 =	vshrl.u32 v3, $0x10;
	v3 =	vld [tilespmem:s15+$0x70]  }
0x3d7: {  	v8 =	vld [tilespmem:s17+$0x20];
	v7 =	vnsel vm2, $0x0, v10;
	v5 =	vand.u32 $0x7F, v5;
	v6 =	vand.u32 $0x7F80, v6  }
0x3d8: {  	v7 =	vshrl.u32 v7, $0x10;
	v6 =	vor.u32 v5, v6;
	v5 =	vshrl.u32 v10, $0x10  }
0x3d9: {  	[tilespmem:v2+s2+$0x0] =	vst.idx.add.f32.msk vm15, v1;
	vm0 =	vgt.s32 v11, $0x0;
	v9 =	vand.u32 $0x7F80, v7;
	v2 =	vand.u32 $0x7F, v5  }
0x3da: {  	v10 =	vshrl.u32 v11, $0x10;
	v7 =	vld [tilespmem:s17+$0xFFFFFFA0];
	v5 =	vor.u32 v2, v9;
	v9 =	vnsel vm0, $0x0, v11  }
0x3db: {  	s19 =	simm.s32 $0xC480;
	s18 =	simm.s32 $0x6;
	[tilespmem:v4+s2+$0x0] =	vst.idx.add.f32.msk vm5, v1;
	v2 =	vand.u32 $0x7F, v10;
	v4 =	vshrl.u32 v9, $0x10;
	vm1 =	vgt.s32 v3, $0x0  }
.LBB2_10:
0x3dc: {  	v9 =	vld [tilespmem:s19+$0x0];
	vm4 =	vgt.s32 v8, $0x0;
	v10 =	vshrl.u32 v8, $0x10;
	v11 =	vnsel vm1, $0x0, v3  }
0x3dd: {  	v3 =	vshrl.u32 v3, $0x10;
	v8 =	vnsel vm4, $0x0, v8;
	[tilespmem:v6+s2+$0x0] =	vst.idx.add.f32.msk vm3, v1;
	v6 =	vshrl.u32 v11, $0x10  }
0x3de: {  	v3 =	vand.u32 $0x7F, v3;
	v8 =	vshrl.u32 v8, $0x10;
	v11 =	vld [tilespmem:s16+$0x50];
	v6 =	vand.u32 $0x7F80, v6  }
0x3df: {  	s18 =	sadd.s32 $0x2, s18;
	v10 =	vand.u32 $0x7F, v10;
	v12 =	vld [tilespmem:s19+$0xFFFFFF80];
	v8 =	vand.u32 $0x7F80, v8;
	v3 =	vor.u32 v3, v6  }
0x3e0: {  	p0 =	slt.u32 s18, $0x7E;
	vm3 =	vgt.s32 v7, $0x0;
	v6 =	vshrl.u32 v7, $0x10;
	v8 =	vor.u32 v10, v8;
	v10 =	vld [tilespmem:s16+$0xFFFFFFC0]  }
0x3e1: {  	v7 =	vnsel vm3, $0x0, v7;
	v6 =	vand.u32 $0x7F, v6;
	vm5 =	vgt.s32 v9, $0x0;
	[tilespmem:v5+s2+$0x0] =	vst.idx.add.f32.msk vm2, v1  }
0x3e2: {  	v4 =	vand.u32 $0x7F80, v4;
	v7 =	vshrl.u32 v7, $0x10;
	v5 =	vnsel vm5, $0x0, v9;
	v13 =	vld [tilespmem:s15+$0xFFFFFFE0]  }
0x3e3: {  	v9 =	vshrl.u32 v9, $0x10;
	v5 =	vshrl.u32 v5, $0x10;
	vm6 =	vgt.s32 v11, $0x0  }
0x3e4: {  	v9 =	vand.u32 $0x7F, v9;
	v5 =	vand.u32 $0x7F80, v5;
	v14 =	vnsel vm6, $0x0, v11;
	[tilespmem:v3+s2+$0x0] =	vst.idx.add.f32.msk vm1, v1  }
0x3e5: {  	v3 =	vor.u32 v9, v5;
	[tilespmem:v8+s2+$0x0] =	vst.idx.add.f32.msk vm4, v1;
	v5 =	vshrl.u32 v11, $0x10;
	v8 =	vshrl.u32 v14, $0x10  }
0x3e6: {  	vm2 =	vgt.s32 v12, $0x0;
	v9 =	vld [tilespmem:s17+$0x30];
	v5 =	vand.u32 $0x7F, v5;
	v8 =	vand.u32 $0x7F80, v8  }
0x3e7: {  	v11 =	vnsel vm2, $0x0, v12;
	v12 =	vshrl.u32 v12, $0x10;
	v5 =	vor.u32 v5, v8  }
0x3e8: {  	v7 =	vand.u32 $0x7F80, v7;
	v11 =	vshrl.u32 v11, $0x10;
	v8 =	vand.u32 $0x7F, v12  }
0x3e9: {  	v6 =	vor.u32 v6, v7;
	vm4 =	vgt.s32 v10, $0x0;
	v11 =	vand.u32 $0x7F80, v11  }
0x3ea: {  	v7 =	vor.u32 v8, v11;
	v8 =	vshrl.u32 v10, $0x10;
	[tilespmem:v3+s2+$0x0] =	vst.idx.add.f32.msk vm5, v1;
	v3 =	vnsel vm4, $0x0, v10  }
0x3eb: {  	v8 =	vand.u32 $0x7F, v8;
	v10 =	vld [tilespmem:s19+$0x10];
	vm5 =	vgt.s32 v9, $0x0;
	v3 =	vshrl.u32 v3, $0x10  }
0x3ec: {  	vm1 =	vgt.s32 v13, $0x0;
	v11 =	vnsel vm5, $0x0, v9;
	v3 =	vand.u32 $0x7F80, v3;
	[tilespmem:v5+s2+$0x0] =	vst.idx.add.f32.msk vm6, v1  }
0x3ed: {  	v5 =	vshrl.u32 v9, $0x10;
	v9 =	vshrl.u32 v11, $0x10;
	v3 =	vor.u32 v8, v3;
	v8 =	vld [tilespmem:s16+$0x60]  }
0x3ee: {  	v5 =	vand.u32 $0x7F, v5;
	[tilespmem:v6+s2+$0x0] =	vst.idx.add.f32.msk vm3, v1;
	v6 =	vand.u32 $0x7F80, v9;
	v9 =	vnsel vm1, $0x0, v13  }
0x3ef: {  	[tilespmem:v7+s2+$0x0] =	vst.idx.add.f32.msk vm2, v1;
	v5 =	vor.u32 v5, v6;
	v6 =	vshrl.u32 v13, $0x10;
	v7 =	vshrl.u32 v9, $0x10  }
0x3f0: {  	v2 =	vor.u32 v2, v4;
	v9 =	vld [tilespmem:s19+$0xFFFFFF90];
	v6 =	vand.u32 $0x7F, v6;
	v7 =	vand.u32 $0x7F80, v7  }
0x3f1: {  	vm2 =	vgt.s32 v10, $0x0;
	v4 =	vld [tilespmem:s17+$0xFFFFFFB0];
	v6 =	vor.u32 v6, v7  }
0x3f2: {  	v7 =	vnsel vm2, $0x0, v10;
	v10 =	vshrl.u32 v10, $0x10;
	[tilespmem:v3+s2+$0x0] =	vst.idx.add.f32.msk vm4, v1;
	vm4 =	vgt.s32 v8, $0x0  }
0x3f3: {  	v3 =	vand.u32 $0x7F, v10;
	v7 =	vshrl.u32 v7, $0x10;
	v10 =	vld [tilespmem:s16+$0xFFFFFFD0];
	v11 =	vnsel vm4, $0x0, v8  }
0x3f4: {  	v7 =	vand.u32 $0x7F80, v7;
	[tilespmem:v5+s2+$0x0] =	vst.idx.add.f32.msk vm5, v1;
	v5 =	vshrl.u32 v8, $0x10;
	v8 =	vshrl.u32 v11, $0x10  }
0x3f5: {  	v3 =	vor.u32 v3, v7;
	v7 =	vld [tilespmem:s17+$0x40];
	v5 =	vand.u32 $0x7F, v5;
	v8 =	vand.u32 $0x7F80, v8  }
0x3f6: {  	vm5 =	vgt.s32 v9, $0x0;
	v11 =	vshrl.u32 v9, $0x10;
	v5 =	vor.u32 v5, v8;
	[tilespmem:v6+s2+$0x0] =	vst.idx.add.f32.msk vm1, v1  }
0x3f7: {  	v6 =	vnsel vm5, $0x0, v9;
	v8 =	vand.u32 $0x7F, v11;
	vm1 =	vgt.s32 v4, $0x0;
	v9 =	vld [tilespmem:s15+$0xFFFFFFF0];
	s15 =	smov.u32 s16;
	s16 =	smov.u32 s17;
	s17 =	smov.u32 s19  }
0x3f8: {  	v6 =	vshrl.u32 v6, $0x10;
	v11 =	vnsel vm1, $0x0, v4;
	v4 =	vshrl.u32 v4, $0x10;
	[tilespmem:v2+s2+$0x0] =	vst.idx.add.f32.msk vm0, v1  }
0x3f9: {  	v2 =	vand.u32 $0x7F80, v6;
	v4 =	vand.u32 $0x7F, v4;
	v6 =	vshrl.u32 v11, $0x10  }
0x3fa: {  	v2 =	vor.u32 v8, v2;
	[tilespmem:v3+s2+$0x0] =	vst.idx.add.f32.msk vm2, v1;
	v3 =	vand.u32 $0x7F80, v6;
	vm3 =	vgt.s32 v7, $0x0  }
0x3fb: {  	vm2 =	vgt.s32 v10, $0x0;
	v4 =	vor.u32 v4, v3;
	v3 =	vnsel vm3, $0x0, v7;
	[tilespmem:v5+s2+$0x0] =	vst.idx.add.f32.msk vm4, v1  }
0x3fc: {  	v5 =	vshrl.u32 v7, $0x10;
	v7 =	vnsel vm2, $0x0, v10;
	v6 =	vshrl.u32 v3, $0x10;
	v3 =	vld [tilespmem:s15+$0x70]  }
.Ltmp4:
0x3fd: {  	v5 =	vand.u32 $0x7F, v5;
	v7 =	vshrl.u32 v7, $0x10;
	v8 =	vld [tilespmem:s19+$0x20];
	v6 =	vand.u32 $0x7F80, v6;
	(pc) =	sbr.rel @p0 .LBB2_10-.Ltmp4, $4  }
0x3fe: {  	v6 =	vor.u32 v5, v6;
	v5 =	vshrl.u32 v10, $0x10;
	v10 =	vand.u32 $0x7F80, v7  }
0x3ff: {  	vm0 =	vgt.s32 v9, $0x0;
	v11 =	vshrl.u32 v9, $0x10;
	[tilespmem:v2+s2+$0x0] =	vst.idx.add.f32.msk vm5, v1;
	v2 =	vand.u32 $0x7F, v5  }
0x400: {  	v9 =	vnsel vm0, $0x0, v9;
	v7 =	vld [tilespmem:s19+$0xFFFFFFA0];
	v5 =	vor.u32 v2, v10;
	v2 =	vand.u32 $0x7F, v11  }
0x401: {  	s19 =	sadd.s32 $0x100, s19;
	[tilespmem:v4+s2+$0x0] =	vst.idx.add.f32.msk vm1, v1;
	vm1 =	vgt.s32 v3, $0x0;
	v4 =	vshrl.u32 v9, $0x10  }
0x402: {  	_ = 	snop  }
0x403: {  	vm4 =	vgt.s32 v8, $0x0  }
0x404: {  	v9 =	vnsel vm4, $0x0, v8  }
0x405: {  	v60 =	vshrl.u32 v8, $0x10;
	v9 =	vshrl.u32 v9, $0x10;
	vm5 =	vgt.s32 v7, $0x0  }
0x406: {  	v8 =	vand.u32 $0x7F, v60;
	v9 =	vand.u32 $0x7F80, v9;
	v61 =	vnsel vm5, $0x0, v7  }
0x407: {  	v62 =	vshrl.u32 v7, $0x10;
	v8 =	vor.u32 v8, v9;
	v9 =	vshrl.u32 v61, $0x10  }
0x408: {  	v7 =	vand.u32 $0x7F, v62;
	v9 =	vand.u32 $0x7F80, v9  }
0x409: {  	v7 =	vor.u32 v7, v9;
	_ =	sdelay $0x2  }
0x40a: {  	[tilespmem:v8+s2+$0x0] =	vst.idx.add.f32.msk vm4, v1  }
0x40b: {  	v8 =	vld [tilespmem:s17+$0x30]  }
0x40c: {  	[tilespmem:v7+s2+$0x0] =	vst.idx.add.f32.msk vm5, v1  }
0x40d: {  	v7 =	vld [tilespmem:s17+$0xFFFFFFB0];
	_ =	sdelay $0x2  }
0x40e: {  	vm12 =	vgt.s32 v8, $0x0  }
0x40f: {  	v63 =	vnsel vm12, $0x0, v8  }
0x410: {  	v8 =	vshrl.u32 v8, $0x10;
	v9 =	vshrl.u32 v63, $0x10;
	vm13 =	vgt.s32 v7, $0x0  }
0x411: {  	v8 =	vand.u32 $0x7F, v8;
	v9 =	vand.u32 $0x7F80, v9;
	v12 =	vnsel vm13, $0x0, v7  }
0x412: {  	v8 =	vor.u32 v8, v9;
	v7 =	vshrl.u32 v7, $0x10;
	v9 =	vshrl.u32 v12, $0x10  }
0x413: {  	v7 =	vand.u32 $0x7F, v7;
	v9 =	vand.u32 $0x7F80, v9  }
0x414: {  	v7 =	vor.u32 v7, v9  }
0x415: {  	v13 =	vld [tilespmem:s16+$0xFFFFFFC0];
	_ =	sdelay $0x1  }
0x416: {  	[tilespmem:v8+s2+$0x0] =	vst.idx.add.f32.msk vm12, v1  }
0x417: {  	v8 =	vld [tilespmem:s17+$0x40]  }
0x418: {  	[tilespmem:v7+s2+$0x0] =	vst.idx.add.f32.msk vm13, v1  }
0x419: {  	vm14 =	vgt.s32 v13, $0x0;
	v7 =	vld [tilespmem:s17+$0xFFFFFFC0]  }
0x41a: {  	v10 =	vnsel vm14, $0x0, v13  }
0x41b: {  	v10 =	vshrl.u32 v10, $0x10;
	v9 =	vshrl.u32 v13, $0x10  }
0x41c: {  	v10 =	vand.u32 $0x7F80, v10;
	v9 =	vand.u32 $0x7F, v9;
	vm15 =	vgt.s32 v8, $0x0  }
0x41d: {  	v9 =	vor.u32 v9, v10;
	v11 =	vnsel vm15, $0x0, v8  }
0x41e: {  	v8 =	vshrl.u32 v8, $0x10;
	v14 =	vshrl.u32 v11, $0x10;
	vm6 =	vgt.s32 v7, $0x0  }
0x41f: {  	v8 =	vand.u32 $0x7F, v8;
	v10 =	vand.u32 $0x7F80, v14;
	v16 =	vnsel vm6, $0x0, v7  }
0x420: {  	[tilespmem:v6+s2+$0x0] =	vst.idx.add.f32.msk vm3, v1;
	v15 =	vor.u32 v8, v10;
	v7 =	vshrl.u32 v7, $0x10;
	v8 =	vshrl.u32 v16, $0x10  }
0x421: {  	v17 =	vld [tilespmem:s16+$0x50];
	v7 =	vand.u32 $0x7F, v7;
	v8 =	vand.u32 $0x7F80, v8  }
0x422: {  	[tilespmem:v9+s2+$0x0] =	vst.idx.add.f32.msk vm14, v1;
	v7 =	vor.u32 v7, v8  }
0x423: {  	v18 =	vld [tilespmem:s16+$0xFFFFFFD0];
	_ =	sdelay $0x1  }
0x424: {  	[tilespmem:v15+s2+$0x0] =	vst.idx.add.f32.msk vm15, v1  }
0x425: {  	vm9 =	vgt.s32 v17, $0x0;
	v6 =	vld [tilespmem:s17+$0x50]  }
0x426: {  	v19 =	vnsel vm9, $0x0, v17;
	[tilespmem:v7+s2+$0x0] =	vst.idx.add.f32.msk vm6, v1  }
0x427: {  	v9 =	vshrl.u32 v19, $0x10;
	v10 =	vshrl.u32 v17, $0x10;
	vm10 =	vgt.s32 v18, $0x0;
	v21 =	vld [tilespmem:s17+$0xFFFFFFD0]  }
0x428: {  	v9 =	vand.u32 $0x7F80, v9;
	v20 =	vand.u32 $0x7F, v10;
	v22 =	vnsel vm10, $0x0, v18  }
0x429: {  	v8 =	vshrl.u32 v18, $0x10;
	v7 =	vor.u32 v20, v9;
	v9 =	vshrl.u32 v22, $0x10  }
0x42a: {  	v8 =	vand.u32 $0x7F, v8;
	v9 =	vand.u32 $0x7F80, v9;
	vm11 =	vgt.s32 v6, $0x0  }
0x42b: {  	[tilespmem:v5+s2+$0x0] =	vst.idx.add.f32.msk vm2, v1;
	v24 =	vor.u32 v8, v9;
	v23 =	vnsel vm11, $0x0, v6  }
0x42c: {  	v26 =	vld [tilespmem:s15+$0xFFFFFFE0];
	v6 =	vshrl.u32 v6, $0x10;
	v25 =	vshrl.u32 v23, $0x10;
	vm12 =	vgt.s32 v21, $0x0  }
0x42d: {  	v6 =	vand.u32 $0x7F, v6;
	v8 =	vand.u32 $0x7F80, v25;
	v27 =	vnsel vm12, $0x0, v21  }
0x42e: {  	[tilespmem:v7+s2+$0x0] =	vst.idx.add.f32.msk vm9, v1;
	v10 =	vshrl.u32 v21, $0x10;
	v6 =	vor.u32 v6, v8;
	v7 =	vshrl.u32 v27, $0x10  }
0x42f: {  	v28 =	vld [tilespmem:s16+$0x60];
	v10 =	vand.u32 $0x7F, v10;
	v7 =	vand.u32 $0x7F80, v7  }
0x430: {  	[tilespmem:v24+s2+$0x0] =	vst.idx.add.f32.msk vm10, v1;
	v29 =	vor.u32 v10, v7  }
0x431: {  	vm13 =	vgt.s32 v26, $0x0;
	v30 =	vld [tilespmem:s16+$0xFFFFFFE0]  }
0x432: {  	v31 =	vnsel vm13, $0x0, v26  }
0x433: {  	v33 =	vshrl.u32 v31, $0x10;
	[tilespmem:v6+s2+$0x0] =	vst.idx.add.f32.msk vm11, v1  }
0x434: {  	v32 =	vshrl.u32 v26, $0x10;
	v9 =	vand.u32 $0x7F80, v33;
	vm14 =	vgt.s32 v28, $0x0;
	v34 =	vld [tilespmem:s17+$0x60]  }
0x435: {  	v8 =	vshrl.u32 v28, $0x10;
	v6 =	vand.u32 $0x7F, v32;
	v35 =	vnsel vm14, $0x0, v28;
	[tilespmem:v29+s2+$0x0] =	vst.idx.add.f32.msk vm12, v1  }
0x436: {  	v6 =	vor.u32 v6, v9;
	v36 =	vshrl.u32 v35, $0x10;
	vm15 =	vgt.s32 v30, $0x0;
	v39 =	vld [tilespmem:s17+$0xFFFFFFE0]  }
0x437: {  	v37 =	vand.u32 $0x7F, v8;
	v38 =	vand.u32 $0x7F80, v36;
	v40 =	vnsel vm15, $0x0, v30  }
0x438: {  	v7 =	vshrl.u32 v30, $0x10;
	v5 =	vor.u32 v37, v38;
	v8 =	vshrl.u32 v40, $0x10  }
0x439: {  	v7 =	vand.u32 $0x7F, v7;
	v8 =	vand.u32 $0x7F80, v8;
	vm9 =	vgt.s32 v34, $0x0  }
0x43a: {  	v7 =	vor.u32 v7, v8;
	v41 =	vnsel vm9, $0x0, v34  }
0x43b: {  	v42 =	vshrl.u32 v34, $0x10;
	[tilespmem:v6+s2+$0x0] =	vst.idx.add.f32.msk vm13, v1;
	v43 =	vshrl.u32 v41, $0x10;
	vm10 =	vgt.s32 v39, $0x0  }
0x43c: {  	v44 =	vand.u32 $0x7F, v42;
	v49 =	vld [tilespmem:s15+$0xFFFFFFF0];
	v45 =	vand.u32 $0x7F80, v43;
	v47 =	vnsel vm10, $0x0, v39  }
0x43d: {  	[tilespmem:v5+s2+$0x0] =	vst.idx.add.f32.msk vm14, v1;
	v9 =	vshrl.u32 v39, $0x10;
	v46 =	vor.u32 v44, v45;
	v6 =	vshrl.u32 v47, $0x10  }
0x43e: {  	v48 =	vld [tilespmem:s16+$0x70];
	v9 =	vand.u32 $0x7F, v9;
	v6 =	vand.u32 $0x7F80, v6  }
0x43f: {  	v50 =	vnsel vm1, $0x0, v3;
	[tilespmem:v7+s2+$0x0] =	vst.idx.add.f32.msk vm15, v1;
	v6 =	vor.u32 v9, v6  }
0x440: {  	v3 =	vshrl.u32 v3, $0x10;
	v4 =	vand.u32 $0x7F80, v4;
	v51 =	vshrl.u32 v50, $0x10;
	v52 =	vld [tilespmem:s16+$0xFFFFFFF0]  }
0x441: {  	v3 =	vand.u32 $0x7F, v3;
	v7 =	vand.u32 $0x7F80, v51;
	vm12 =	vgt.s32 v49, $0x0  }
0x442: {  	v3 =	vor.u32 v3, v7;
	v54 =	vshrl.u32 v49, $0x10;
	v10 =	vnsel vm12, $0x0, v49;
	[tilespmem:v46+s2+$0x0] =	vst.idx.add.f32.msk vm9, v1  }
0x443: {  	v5 =	vand.u32 $0x7F, v54;
	vm11 =	vgt.s32 v48, $0x0;
	v8 =	vshrl.u32 v48, $0x10;
	v53 =	vld [tilespmem:s17+$0x70]  }
0x444: {  	v56 =	vshrl.u32 v10, $0x10;
	v55 =	vnsel vm11, $0x0, v48;
	v8 =	vand.u32 $0x7F, v8;
	[tilespmem:v6+s2+$0x0] =	vst.idx.add.f32.msk vm10, v1  }
0x445: {  	v7 =	vshrl.u32 v55, $0x10;
	vm13 =	vgt.s32 v52, $0x0;
	v58 =	vshrl.u32 v52, $0x10;
	v57 =	vld [tilespmem:s17+$0xFFFFFFF0]  }
0x446: {  	v7 =	vand.u32 $0x7F80, v7;
	v59 =	vnsel vm13, $0x0, v52;
	v6 =	vand.u32 $0x7F80, v56  }
0x447: {  	v7 =	vor.u32 v8, v7;
	v8 =	vshrl.u32 v59, $0x10;
	v5 =	vor.u32 v5, v6  }
0x448: {  	v6 =	vand.u32 $0x7F, v58;
	v8 =	vand.u32 $0x7F80, v8;
	vm14 =	vgt.s32 v53, $0x0  }
0x449: {  	v2 =	vor.u32 v2, v4;
	[tilespmem:v3+s2+$0x0] =	vst.idx.add.f32.msk vm1, v1;
	v3 =	vor.u32 v6, v8;
	v60 =	vnsel vm14, $0x0, v53  }
0x44a: {  	v4 =	vshrl.u32 v53, $0x10;
	v9 =	vshrl.u32 v60, $0x10;
	vm15 =	vgt.s32 v57, $0x0  }
0x44b: {  	v4 =	vand.u32 $0x7F, v4;
	v9 =	vand.u32 $0x7F80, v9;
	v61 =	vnsel vm15, $0x0, v57  }
0x44c: {  	v10 =	vshrl.u32 v57, $0x10;
	v4 =	vor.u32 v4, v9;
	v9 =	vshrl.u32 v61, $0x10  }
0x44d: {  	v62 =	vand.u32 $0x7F, v10;
	v63 =	vand.u32 $0x7F80, v9  }
0x44e: {  	[tilespmem:v2+s2+$0x0] =	vst.idx.add.f32.msk vm0, v1;
	v2 =	vor.u32 v62, v63  }
0x44f: {  	[tilespmem:v7+s2+$0x0] =	vst.idx.add.f32.msk vm11, v1  }
0x450: {  	[tilespmem:v5+s2+$0x0] =	vst.idx.add.f32.msk vm12, v1  }
0x451: {  	s14 =	sadd.s32 $0x1, s14;
	[tilespmem:v3+s2+$0x0] =	vst.idx.add.f32.msk vm13, v1  }
0x452: {  	p0 =	sne.s32 s14, s8;
	[tilespmem:v4+s2+$0x0] =	vst.idx.add.f32.msk vm14, v1  }
.Ltmp5:
0x453: {  	[tilespmem:v2+s2+$0x0] =	vst.idx.add.f32.msk vm15, v1;
	(pc) =	sbr.rel @p0 .LBB2_1-.Ltmp5, $4  }
0x454: {  	[hbm4b:s7+s2] =	stream.linear.scatter [tilespmem:s2], [sflag:$0x3], $0x8000, $0x38;
	[tilespmem:$0x10000] =	vst v63  }
0x455: {  	_ =	swait.ge [sflag:s13], $0x8000  }
0x456: {  	[sflag:s13] =	ssyncset.done $0x0  }
0x457: {  	[sflag:s13] =	ssyncadd.s32 $0xFFFF8000  }
0x458: {  	_ =	sfence.sel $0x180000  }
0x459: {  	[bflag:$0x0] =	sbarrier.arrive $0xFFFF  }
0x45a: {  	p0 =	sne.s32 s1, $0x0;
	_ =	strace $0x90000047  }
0x45b: {  	s0 =	sadd.s32 @!p0 $0x100000, s0;
	[bflag:$0x2] =	sbarrier.arrive $0xFFFF  }
0x45c: {  	[sflag:s0] =	ssyncadd.tile.s32 @!p0 $0x1;
	_ =	shalt  }
.Lfunc_end2:
_tile_overlayer_lowered:
.L_overlay_start_2:
0x45d: {  	(tag) =	ssettag $0x2  }
0x45e: {  	s0 =	rddreg [dreg:$0x0];
	s2 =	stileid.u32  }
0x45f: {  	s1 =	rddreg [dreg:$0x1];
	p0 =	sne.s32 s2, $0x0  }
0x460: {  	s3 =	rddreg [dreg:$0x2];
	[bflag:$0x3] =	sbarrier.arrive $0xFFFF;
	s2 =	simm.s32 @!p0 $0x1C03  }
0x461: {  	[timem:s3], [sflag:s2] =	dma.local @!p0 [hbm:s0], s1  }
0x462: {  	s0 =	simm.s32 @!p0 $0x3  }
0x463: {  	_ =	swait.ge @!p0 [sflag:s0], s1  }
0x464: {  	s1 =	ssub.s32 @!p0 $0x0, s1;
	[sflag:s0] =	ssyncset.done @!p0 $0x0  }
0x465: {  	[sflag:s0] =	ssyncadd.s32 @!p0 s1  }
0x466: {  	[bflag:$0x3] =	sbarrier.arrive $0xFFFF  }
0x467: {  	_ =	shalt  }

// kernel: kernel.9.cloned.1.call-start
scs
__scs_entry_jumppad:
0x0: {  	(pc) =	sbr.rel $0x88, $3  }
0x1: {  	(tag) =	ssettag $0x0;
	lr =	simm.s32 $0x1  }
0x2: {  	[smem:$0x3F9F] =	sst lr;
	_ =	strace $0xD0000000  }
0x3: {  	_ = 	snop  }
0x4: {  	_ = 	snop  }
0x5: {  	_ = 	snop  }
0x6: {  	_ = 	snop  }
0x7: {  	_ = 	snop  }
__scs_overlays_trampoline_lowered:
0x8: {  	[smem:$0x3FAE] =	sst s0  }
0x9: {  	[smem:$0x3FAF] =	sst s1  }
0xa: {  	[smem:$0x3FB0] =	sst s2  }
0xb: {  	[smem:$0x3FB1] =	sst s3  }
0xc: {  	[smem:$0x3FB2] =	sst s4  }
0xd: {  	[smem:$0x3FB3] =	sst s5  }
0xe: {  	[smem:$0x3FB4] =	sst s6  }
0xf: {  	[smem:$0x3FB5] =	sst s7  }
0x10: {  	[smem:$0x3FB6] =	sst s8  }
0x11: {  	[smem:$0x3FB7] =	sst s9;
	s0 =	simm.s32 @!p0 $0x0  }
0x12: {  	s1 =	sld [smem:$0x3F9D];
	s0 =	simm.s32 @p0 $0x1  }
0x13: {  	[smem:$0x3FB8] =	sst s0;
	s0 =	simm.s32 @!p1 $0x0  }
0x14: {  	s2 =	sld [smem:$0x3F9C];
	s0 =	simm.s32 @p1 $0x1  }
0x15: {  	[smem:$0x3FB9] =	sst s0;
	s0 =	simm.s32 @!p2 $0x0  }
0x16: {  	s3 =	sld [smem:$0x3FDB];
	s0 =	simm.s32 @p2 $0x1  }
0x17: {  	s4 =	simm.s32 $0x1BF5;
	[smem:$0x3FBB] =	sst s0  }
0x18: {  	s0 =	sld [smem:$0x3F9E];
	_ =	swait.ge [sflag:s4], $0x0  }
0x19: {  	s7 =	sld [smem:$0x3F9F]  }
0x1a: {  	s8 =	sadd.s32 $0xFFFFE003, lr  }
0x1b: {  	s9 =	sadd.s32 $0xFFFFFEF7, lr;
	s5 =	simm.s32 $0xFFFFFFFF;
	p2 =	slt.u32 s8, $0xFFFFF086  }
0x1c: {  	p1 =	slt.u32 s9, $0xF7A;
	s5 =	simm.s32 @!p2 $0x0  }
0x1d: {  	s5 =	simm.s32 @p1 $0x1;
	p0 =	seq.s32 s7, s2  }
0x1e: {  	s7 =	smul.u32 @!p0 $0xF7A, s2;
	p2 =	seq.s32 @!p0 s5, $0x0  }
0x1f: {  	s9 =	smul.u32 $0xF7A, s1;
	s8 =	simm.s32 @!p0 $0x1BF5;
	p2 =	por !p2, p0  }
0x20: {  	[sflag:s8] =	ssyncset.s32 @!p0 $0xFFFFF086;
	s6 =	sadd.s32 @!p0 s3, s7;
	s7 =	simm.s32 @!p0 $0x108  }
0x21: {  	s3 =	sadd.s32 s3, s9;
	s6 =	sadd.s32 @!p0 $0x88, s6;
	s7 =	simm.s32 @p2 $0x1082  }
0x22: {  	[simem:s7], [sflag:s8] =	dma.local @!p0 [hbm:s6], $0xF7A  }
0x23: {  	s9 =	sor.u32 $0xD0000000, s2;
	s6 =	simm.s32 $0x108;
	_ =	swait.ge @!p0 [sflag:s8], $0x0  }
0x24: {  	s3 =	sadd.s32 $0x88, s3;
	s6 =	simm.s32 @!p1 $0x1082;
	[sflag:s4] =	ssyncset.s32 $0xFFFFF086  }
0x25: {  	[simem:s6], [sflag:s4] =	dma.local [hbm:s3], $0xF7A  }
0x26: {  	[smem:$0x3F9F] =	sst s1;
	(tag) =	ssettag s2;
	_ =	strace s9  }
0x27: {  	s1 =	sld [smem:$0x3FAF]  }
0x28: {  	s2 =	sld [smem:$0x3FB0]  }
0x29: {  	s4 =	sld [smem:$0x3FB2]  }
0x2a: {  	p0 =	seq.s32 s5, $0x0;
	s5 =	sld [smem:$0x3FB3]  }
0x2b: {  	s6 =	sld [smem:$0x3FB4]  }
0x2c: {  	s7 =	sld [smem:$0x3FB5]  }
0x2d: {  	s3 =	simm.s32 $0x108;
	s8 =	sld [smem:$0x3FB6]  }
0x2e: {  	s3 =	simm.s32 @!p0 $0x1082;
	s9 =	sld [smem:$0x3FB7]  }
0x2f: {  	lr =	sadd.s32 s0, s3;
	s0 =	sld [smem:$0x3FAE]  }
0x30: {  	s3 =	sld [smem:$0x3FB1]  }
0x31: {  	[smem:$0x3FBA] =	sst s10  }
0x32: {  	s10 =	sld [smem:$0x3FB8];
	_ =	sdelay $0x3  }
0x33: {  	p0 =	seq.s32 s10, $0x1;
	s10 =	sld [smem:$0x3FBA];
	_ =	sdelay $0x3  }
0x34: {  	[smem:$0x3FBA] =	sst s10  }
0x35: {  	s10 =	sld [smem:$0x3FB9];
	_ =	sdelay $0x3  }
0x36: {  	p1 =	seq.s32 s10, $0x1;
	s10 =	sld [smem:$0x3FBA];
	_ =	sdelay $0x3  }
0x37: {  	[smem:$0x3FBA] =	sst s10  }
0x38: {  	s10 =	sld [smem:$0x3FBB]  }
0x39: {  	_ = 	snop;
	(pc) =	sbr.ind lr, $3  }
0x3a: {  	_ = 	snop  }
0x3b: {  	_ = 	snop  }
0x3c: {  	p2 =	seq.s32 s10, $0x1;
	s10 =	sld [smem:$0x3FBA]  }
0x3d: {  	_ =	shalt  }
0x3e: {  	_ =	shalt  }
0x3f: {  	_ =	shalt  }
0x40: {  	_ =	shalt  }
0x41: {  	_ =	shalt  }
0x42: {  	_ =	shalt  }
0x43: {  	_ =	shalt  }
0x44: {  	_ =	shalt  }
0x45: {  	_ =	shalt  }
0x46: {  	_ =	shalt  }
0x47: {  	_ =	shalt  }
0x48: {  	_ =	shalt  }
0x49: {  	_ =	shalt  }
0x4a: {  	_ =	shalt  }
0x4b: {  	_ =	shalt  }
0x4c: {  	_ =	shalt  }
0x4d: {  	_ =	shalt  }
0x4e: {  	_ =	shalt  }
0x4f: {  	_ =	shalt  }
0x50: {  	_ =	shalt  }
0x51: {  	_ =	shalt  }
0x52: {  	_ =	shalt  }
0x53: {  	_ =	shalt  }
0x54: {  	_ =	shalt  }
0x55: {  	_ =	shalt  }
0x56: {  	_ =	shalt  }
0x57: {  	_ =	shalt  }
0x58: {  	_ =	shalt  }
0x59: {  	_ =	shalt  }
0x5a: {  	_ =	shalt  }
0x5b: {  	_ =	shalt  }
0x5c: {  	_ =	shalt  }
0x5d: {  	_ =	shalt  }
0x5e: {  	_ =	shalt  }
0x5f: {  	_ =	shalt  }
0x60: {  	_ =	shalt  }
0x61: {  	_ =	shalt  }
0x62: {  	_ =	shalt  }
0x63: {  	_ =	shalt  }
0x64: {  	_ =	shalt  }
0x65: {  	_ =	shalt  }
0x66: {  	_ =	shalt  }
0x67: {  	_ =	shalt  }
0x68: {  	_ =	shalt  }
0x69: {  	_ =	shalt  }
0x6a: {  	_ =	shalt  }
0x6b: {  	_ =	shalt  }
0x6c: {  	_ =	shalt  }
0x6d: {  	_ =	shalt  }
0x6e: {  	_ =	shalt  }
0x6f: {  	_ =	shalt  }
0x70: {  	_ =	shalt  }
0x71: {  	_ =	shalt  }
0x72: {  	_ =	shalt  }
0x73: {  	_ =	shalt  }
0x74: {  	_ =	shalt  }
0x75: {  	_ =	shalt  }
0x76: {  	_ =	shalt  }
0x77: {  	_ =	shalt  }
0x78: {  	_ =	shalt  }
0x79: {  	_ =	shalt  }
0x7a: {  	_ =	shalt  }
0x7b: {  	_ =	shalt  }
0x7c: {  	_ =	shalt  }
0x7d: {  	_ =	shalt  }
0x7e: {  	_ =	shalt  }
0x7f: {  	_ =	shalt  }
0x80: {  	_ =	shalt  }
0x81: {  	_ =	shalt  }
0x82: {  	_ =	shalt  }
0x83: {  	_ =	shalt  }
0x84: {  	_ =	shalt  }
0x85: {  	_ =	shalt  }
0x86: {  	_ =	shalt  }
0x87: {  	_ =	shalt  }
.Lfunc_end0:
.L_simem_size_0:
called_computation.1_lowered:
.L_overlay_start_0:
0x88: {  	s2 =	sld [smem:$0x3FD9]  }
0x89: {  	s3 =	sld [smem:$0x3FFE];
	_ =	sdelay $0x1  }
0x8a: {  	s1 =	srdreg.scid  }
0x8b: {  	s0 =	sand.u32 $0x1, s1  }
0x8c: {  	s17 =	sshll.u32 s0, $0xA;
	s2 =	sadd.s32 s3, s2  }
0x8d: {  	s2 =	sadd.s32 s2, s17  }
0x8e: {  	[smem:$0x3FC6] =	sst s2  }
0x8f: {  	_ = 	snop  }
0x90: {  	s2 =	sld [smem:$0x3FD0];
	(tm) =	ssettm $0x1  }
0x91: {  	s18 =	sld [smem:$0x3FFB];
	_ =	sdelay $0x3  }
0x92: {  	_ =	strace s18  }
0x93: {  	s3 =	sld [smem:$0x3FFC];
	_ =	sdelay $0x3  }
0x94: {  	_ =	strace s3  }
0x95: {  	s3 =	sld [smem:$0x3FFD];
	_ =	sdelay $0x3  }
0x96: {  	_ =	strace s3  }
0x97: {  	_ =	strace $0x8FFFFFFF  }
0x98: {  	s19 =	sld [smem:$0x3FDB];
	_ =	sdelay $0x1  }
0x99: {  	s4 =	simm.s32 $_scs_section_size  }
0x9a: {  	s5 =	simm.s32 $_size__tile_overlayer_lowered;
	s6 =	simm.s32 $_tile_overlayer_lowered  }
0x9b: {  	s22 =	simm.s32 $0x1BFF;
	s21 =	sshll.u32 s6, $0x1;
	s3 =	sadd.s32 s4, s19  }
0x9c: {  	s7 =	simm.s32 $0x0;
	s20 =	sshll.u32 s5, $0x1;
	s5 =	sadd.s32 s21, s3  }
0x9d: {  	[timem:s7], [sflag:s22] =	dma.local [hbm:s5], s20  }
0x9e: {  	_ =	swait.ge [sflag:s22], s20  }
0x9f: {  	s4 =	ssub.s32 $0x0, s20;
	[sflag:s22] =	ssyncset.done $0x0  }
0xa0: {  	[sflag:s22] =	ssyncadd.s32 s4;
	_ =	sdelay $0x1  }
0xa1: {  	s23 =	simm.s32 $0x1B8B  }
0xa2: {  	_ =	swait.ge [sflag:s23], $0x1  }
0xa3: {  	[sflag:s23] =	ssyncset.done $0x0  }
0xa4: {  	s25 =	simm.s32 $0x1B8E;
	s24 =	sld [smem:$0x3FFE];
	[sflag:s23] =	ssyncadd.s32 $0xFFFFFFFF  }
0xa5: {  	s26 =	simm.s32 $execute0_lowered;
	[smem:$0x3FD2] =	sst s25  }
0xa6: {  	s5 =	sshll.u32 s26, $0x1;
	_ =	strace $0x80000049;
	[dreg:$0x1] =	wrdreg $0xFFFFFFFF  }
0xa7: {  	s28 =	simm.s32 $_size_execute0_lowered;
	s3 =	sadd.s32 s3, s5;
	[dreg:$0x0] =	wrdreg $0x0  }
0xa8: {  	s5 =	sshll.u32 s28, $0x1;
	[dreg:$0x2] =	wrdreg s3  }
0xa9: {  	[dreg:$0x3] =	wrdreg s5  }
0xaa: {  	[dreg:$0x4] =	wrdreg $0xC0  }
0xab: {  	_ =	task [dreg:s7], $0x5FFFF  }
0xac: {  	[dreg:$0x1] =	wrdreg $0xFFFFFFFF  }
0xad: {  	[dreg:$0x0] =	wrdreg $0x60  }
0xae: {  	[dreg:$0x2] =	wrdreg s24  }
0xaf: {  	[dreg:$0x3] =	wrdreg s2  }
0xb0: {  	[dreg:$0x4] =	wrdreg $0x9  }
0xb1: {  	_ =	task.clear_ibuf [dreg:s7], $0x5FFFF;
	_ =	strace $0x90000049  }
0xb2: {  	s29 =	simm.s32 $0x9;
	_ =	strace $0x8000004B  }
0xb3: {  	_ =	swait.ge [sflag:s29], $0x1  }
0xb4: {  	[sflag:s29] =	ssyncadd.s32 $0xFFFFFFFF  }
0xb5: {  	_ =	strace $0x9000004B  }
0xb6: {  	_ =	sfence  }
0xb7: {  	s30 =	sld [smem:$0x0];
	_ =	sdelay $0x2  }
0xb8: {  	s31 =	sshll.u32 s1, $0xD;
	s1 =	sshrl.u32 s1, $0x2  }
0xb9: {  	s3 =	sand.u32 $0x4000, s31;
	s1 =	sadd.s32 s1, s30  }
0xba: {  	s0 =	sor.u32 s3, s0;
	s1 =	sshll.u32 s1, $0x11  }
0xbb: {  	s0 =	sor.u32 s1, s0  }
0xbc: {  	s0 =	sadd.s32 $0x8F2B, s0  }
0xbd: {  	[sflag:s0] =	ssyncadd.remote.s32 $0x1  }
0xbe: {  	_ =	sfence.sel $0xFFFF  }
0xbf: {  	[dreg:$0x0] =	wrdreg $0xFFFFFFFF;
	(pc) =	sbr.abs _section_cstart, $3  }
0xc0: {  	[dreg:$0x1] =	wrdreg $0xFFFFFFFF  }
0xc1: {  	_ =	task.clear_ibuf [dreg:s7], $0x2FFFF;
	_ =	strace $0x9FFFFFFF  }
0xc2: {  	(tm) =	ssettm $0x7FFFFFFF  }
0xc3: {  	_ =	shalt  }
tec
execute0_lowered:
.L_overlay_start_1:
0x0: {  	(tag) =	ssettag $0x1  }
0x1: {  	s4 =	rddreg [dreg:$0x0]  }
0x2: {  	s2 =	rddreg [dreg:$0x1]  }
0x3: {  	s0 =	rddreg [dreg:$0x2]  }
0x4: {  	s3 =	simm.s32 $0x0;
	s5 =	srdreg.scid;
	s1 =	stileid.u32  }
0x5: {  	s12 =	simm.s32 $0x3;
	s13 =	simm.s32 $0x10000;
	s14 =	simm.s32 $0x14000  }
0x6: {  	s15 =	simm.s32 $0x1;
	s16 =	simm.s32 $0x2;
	s17 =	simm.s32 $0x18000  }
0x7: {  	[smem:$0x7FF] =	sst s3;
	s5 =	sand.u32 $0x1, s5;
	s6 =	sshll.u32 s1, $0x1  }
0x8: {  	s18 =	simm.s32 $0x0;
	_ =	strace $0x8000004A;
	s6 =	sor.u32 s5, s6  }
0x9: {  	s5 =	ssub.s32 $0x2, s5;
	s7 =	sshll.u32 s6, $0xD;
	s6 =	sshll.u32 s6, $0x4  }
0xa: {  	s8 =	sshrl.u32 s5, $0x1;
	s9 =	sadd.s32 s7, s4;
	s10 =	sadd.s32 s6, s4  }
0xb: {  	s11 =	ssub.s32 s5, s8;
	s4 =	sadd.s32 $0x1A00, s9;
	s5 =	sadd.s32 $0x2200, s9  }
0xc: {  	s6 =	sadd.s32 $0x2A00, s9;
	s7 =	sadd.s32 $0x3200, s9;
	s8 =	sadd.s32 $0x41A00, s9  }
0xd: {  	v0 =	vimm.f32 $0.0e+00;
	v1 =	vimm.f32 $1.000000000e+00;
	s9 =	sadd.s32 $0x81A00, s10;
	s10 =	smax.u32 s11, $0x1;
	s11 =	simm.s32 $0x18080  }
.LBB2_1:
0xe: {  	[tilespmem:s11], [sflag:$0x3] =	stream.linear.gather [hbm4b:s2+s3], $0x80, $0x38;
	[tilespmem:$0x18100] =	vst v63  }
0xf: {  	_ =	swait.ge [sflag:s12], $0x80  }
0x10: {  	[sflag:s12] =	ssyncset.done $0x0  }
0x11: {  	s19 =	simm.s32 $0x100;
	[sflag:s12] =	ssyncadd.s32 $0xFFFFFF80  }
0x12: {  	v2 =	vld [tilespmem:$0x18080];
	[tilespmem:s19+$0xFFFFFF00] =	vst v0  }
0x13: {  	[tilespmem:s19+$0xF0] =	vst v0  }
0x14: {  	[tilespmem:s19+$0xE0] =	vst v0  }
0x15: {  	[tilespmem:s19+$0xD0] =	vst v0  }
0x16: {  	[tilespmem:s19+$0xC0] =	vst v0  }
0x17: {  	[tilespmem:s19+$0xB0] =	vst v0  }
0x18: {  	[tilespmem:s19+$0xA0] =	vst v0  }
0x19: {  	[tilespmem:s19+$0x90] =	vst v0  }
0x1a: {  	[tilespmem:s19+$0x80] =	vst v0  }
0x1b: {  	[tilespmem:s19+$0x70] =	vst v0  }
0x1c: {  	[tilespmem:s19+$0x60] =	vst v0  }
0x1d: {  	[tilespmem:s19+$0x50] =	vst v0  }
0x1e: {  	[tilespmem:s19+$0x40] =	vst v0  }
0x1f: {  	[tilespmem:s19+$0x30] =	vst v0  }
0x20: {  	[tilespmem:s19+$0x20] =	vst v0  }
0x21: {  	[tilespmem:s19+$0x10] =	vst v0  }
0x22: {  	[tilespmem:s19+$0x0] =	vst v0  }
0x23: {  	[tilespmem:s19+$0xFFFFFFF0] =	vst v0  }
0x24: {  	[tilespmem:s19+$0xFFFFFFE0] =	vst v0  }
0x25: {  	[tilespmem:s19+$0xFFFFFFD0] =	vst v0  }
0x26: {  	[tilespmem:s19+$0xFFFFFFC0] =	vst v0  }
0x27: {  	[tilespmem:s19+$0xFFFFFFB0] =	vst v0  }
0x28: {  	[tilespmem:s19+$0xFFFFFFA0] =	vst v0  }
0x29: {  	[tilespmem:s19+$0xFFFFFF90] =	vst v0  }
0x2a: {  	[tilespmem:s19+$0xFFFFFF80] =	vst v0  }
0x2b: {  	[tilespmem:s19+$0xFFFFFF70] =	vst v0  }
0x2c: {  	[tilespmem:s19+$0xFFFFFF60] =	vst v0  }
0x2d: {  	[tilespmem:s19+$0xFFFFFF50] =	vst v0  }
0x2e: {  	[tilespmem:s19+$0xFFFFFF40] =	vst v0  }
0x2f: {  	[tilespmem:s19+$0xFFFFFF30] =	vst v0  }
0x30: {  	s20 =	simm.s32 $0x0;
	[tilespmem:s19+$0xFFFFFF20] =	vst v0  }
.LBB2_2:
0x31: {  	s20 =	sadd.s32 $0x4, s20;
	[tilespmem:s19+$0xFFFFFF10] =	vst v0;
	s19 =	sadd.s32 $0x200, s19  }
0x32: {  	[tilespmem:s19+$0xFFFFFF00] =	vst v0;
	p0 =	slt.u32 s20, $0x1FC  }
0x33: {  	[tilespmem:s19+$0xF0] =	vst v0  }
0x34: {  	[tilespmem:s19+$0xE0] =	vst v0  }
0x35: {  	[tilespmem:s19+$0xD0] =	vst v0  }
0x36: {  	[tilespmem:s19+$0xC0] =	vst v0  }
0x37: {  	[tilespmem:s19+$0xB0] =	vst v0  }
0x38: {  	[tilespmem:s19+$0xA0] =	vst v0  }
0x39: {  	[tilespmem:s19+$0x90] =	vst v0  }
0x3a: {  	[tilespmem:s19+$0x80] =	vst v0  }
0x3b: {  	[tilespmem:s19+$0x70] =	vst v0  }
0x3c: {  	[tilespmem:s19+$0x60] =	vst v0  }
0x3d: {  	[tilespmem:s19+$0x50] =	vst v0  }
0x3e: {  	[tilespmem:s19+$0x40] =	vst v0  }
0x3f: {  	[tilespmem:s19+$0x30] =	vst v0  }
0x40: {  	[tilespmem:s19+$0x20] =	vst v0  }
0x41: {  	[tilespmem:s19+$0x10] =	vst v0  }
0x42: {  	[tilespmem:s19+$0x0] =	vst v0  }
0x43: {  	[tilespmem:s19+$0xFFFFFFF0] =	vst v0  }
0x44: {  	[tilespmem:s19+$0xFFFFFFE0] =	vst v0  }
0x45: {  	[tilespmem:s19+$0xFFFFFFD0] =	vst v0  }
0x46: {  	[tilespmem:s19+$0xFFFFFFC0] =	vst v0  }
0x47: {  	[tilespmem:s19+$0xFFFFFFB0] =	vst v0  }
0x48: {  	[tilespmem:s19+$0xFFFFFFA0] =	vst v0  }
0x49: {  	[tilespmem:s19+$0xFFFFFF90] =	vst v0  }
0x4a: {  	[tilespmem:s19+$0xFFFFFF80] =	vst v0  }
0x4b: {  	[tilespmem:s19+$0xFFFFFF70] =	vst v0  }
.Ltmp0:
0x4c: {  	[tilespmem:s19+$0xFFFFFF60] =	vst v0;
	(pc) =	sbr.rel @p0 .LBB2_2-.Ltmp0, $4  }
0x4d: {  	[tilespmem:s19+$0xFFFFFF50] =	vst v0  }
0x4e: {  	[tilespmem:s19+$0xFFFFFF40] =	vst v0  }
0x4f: {  	[tilespmem:s19+$0xFFFFFF30] =	vst v0  }
0x50: {  	[tilespmem:s19+$0xFFFFFF20] =	vst v0  }
0x51: {  	[tilespmem:s19+$0xFFFFFF10] =	vst v0  }
0x52: {  	[tilespmem:s13], [sflag:$0x1] =	stream.linear.gather [hbm4b:s4+s3], $0x4000, $0x38;
	[tilespmem:$0x18100] =	vst v63  }
0x53: {  	_ = 	snop  }
0x54: {  	[tilespmem:s14], [sflag:$0x2] =	stream.linear.gather [hbm4b:s5+s3], $0x4000, $0x38;
	[tilespmem:$0x18100] =	vst v63  }
0x55: {  	_ =	swait.ge [sflag:s15], $0x4000  }
0x56: {  	[sflag:s15] =	ssyncset.done $0x0  }
0x57: {  	s20 =	simm.s32 $0x10080;
	[sflag:s15] =	ssyncadd.s32 $0xFFFFC000  }
0x58: {  	v4 =	vld [tilespmem:s20+$0xFFFFFF80];
	_ =	sdelay $0x3  }
0x59: {  	v2 =	vbroadcast v2, $0x2  }
0x5a: {  	v5 =	vshra.s32 v4, $0x10  }
0x5b: {  	v3 =	vand.u32 $0xFF80, v4;
	vm0 =	veq.s32 v5, v2  }
0x5c: {  	v6 =	vand.u32 $0x7F, v4;
	v3 =	vnsel vm0, $0x0, v3  }
0x5d: {  	v3 =	vor.u32 v6, v3;
	v6 =	vld [tilespmem:s20+$0x0];
	_ =	sdelay $0x4  }
0x5e: {  	[tilespmem:v3+s3+$0x0] =	vst.idx.add.f32.msk vm0, v1;
	v3 =	vshra.s32 v6, $0x10  }
0x5f: {  	v8 =	vand.u32 $0xFF80, v6;
	v7 =	vld [tilespmem:s20+$0xFFFFFF90];
	vm0 =	veq.s32 v3, v2  }
0x60: {  	v9 =	vand.u32 $0x7F, v6;
	v8 =	vnsel vm0, $0x0, v8  }
0x61: {  	v8 =	vor.u32 v9, v8;
	_ =	sdelay $0x2  }
0x62: {  	v9 =	vshra.s32 v7, $0x10  }
0x63: {  	v10 =	vand.u32 $0xFF80, v7;
	vm1 =	veq.s32 v9, v2  }
0x64: {  	v11 =	vand.u32 $0x7F, v7;
	v10 =	vnsel vm1, $0x0, v10;
	[tilespmem:v8+s3+$0x0] =	vst.idx.add.f32.msk vm0, v1  }
0x65: {  	v8 =	vor.u32 v11, v10;
	v10 =	vld [tilespmem:s20+$0x10];
	_ =	sdelay $0x4  }
0x66: {  	[tilespmem:v8+s3+$0x0] =	vst.idx.add.f32.msk vm1, v1;
	v8 =	vshra.s32 v10, $0x10  }
0x67: {  	v12 =	vand.u32 $0xFF80, v10;
	v11 =	vld [tilespmem:s20+$0xFFFFFFA0];
	vm0 =	veq.s32 v8, v2  }
0x68: {  	v13 =	vand.u32 $0x7F, v10;
	v12 =	vnsel vm0, $0x0, v12  }
0x69: {  	v12 =	vor.u32 v13, v12;
	_ =	sdelay $0x2  }
0x6a: {  	v14 =	vshra.s32 v11, $0x10  }
0x6b: {  	v13 =	vand.u32 $0xFF80, v11;
	vm1 =	veq.s32 v14, v2  }
0x6c: {  	v15 =	vand.u32 $0x7F, v11;
	v13 =	vnsel vm1, $0x0, v13;
	[tilespmem:v12+s3+$0x0] =	vst.idx.add.f32.msk vm0, v1  }
0x6d: {  	v12 =	vor.u32 v15, v13;
	v16 =	vld [tilespmem:s20+$0x20];
	_ =	sdelay $0x4  }
0x6e: {  	[tilespmem:v12+s3+$0x0] =	vst.idx.add.f32.msk vm1, v1;
	v12 =	vshra.s32 v16, $0x10  }
0x6f: {  	v13 =	vand.u32 $0xFF80, v16;
	v15 =	vld [tilespmem:s20+$0xFFFFFFB0];
	vm0 =	veq.s32 v12, v2  }
0x70: {  	v17 =	vand.u32 $0x7F, v16;
	v13 =	vnsel vm0, $0x0, v13  }
0x71: {  	v13 =	vor.u32 v17, v13;
	_ =	sdelay $0x2  }
0x72: {  	v17 =	vshra.s32 v15, $0x10  }
0x73: {  	v18 =	vand.u32 $0xFF80, v15;
	vm1 =	veq.s32 v17, v2  }
0x74: {  	v19 =	vand.u32 $0x7F, v15;
	v18 =	vnsel vm1, $0x0, v18;
	[tilespmem:v13+s3+$0x0] =	vst.idx.add.f32.msk vm0, v1  }
0x75: {  	v18 =	vor.u32 v19, v18;
	v19 =	vld [tilespmem:s20+$0x30];
	_ =	sdelay $0x1  }
0x76: {  	vm0 =	vgt.s32 v3, v2  }
0x77: {  	s19 =	simm.s32 $0x10180;
	v6 =	vnsel vm0, $0x0, v6;
	vm0 =	vgt.s32 v9, v2  }
0x78: {  	v7 =	vnsel vm0, $0x0, v7;
	vm0 =	vgt.s32 v8, v2;
	v8 =	vld [tilespmem:s19+$0x0]  }
0x79: {  	[tilespmem:v18+s3+$0x0] =	vst.idx.add.f32.msk vm1, v1;
	v9 =	vshra.s32 v19, $0x10  }
0x7a: {  	v3 =	vand.u32 $0xFF80, v19;
	v20 =	vld [tilespmem:s20+$0xFFFFFFC0];
	vm2 =	veq.s32 v9, v2  }
0x7b: {  	v22 =	vnsel vm0, $0x0, v10;
	v21 =	vand.u32 $0x7F, v19;
	v10 =	vnsel vm2, $0x0, v3;
	v3 =	vld [tilespmem:s19+$0xFFFFFF80]  }
0x7c: {  	vm1 =	vgt.s32 v5, v2;
	v5 =	vor.u32 v21, v10  }
0x7d: {  	vm3 =	vgt.s32 v17, v2;
	v13 =	vimm.f32 $0.0e+00;
	vm0 =	vgt.s32 v14, v2  }
0x7e: {  	v15 =	vnsel vm3, $0x0, v15;
	v11 =	vnsel vm0, $0x0, v11;
	v4 =	vnsel vm1, $0x0, v4  }
0x7f: {  	v23 =	vshra.s32 v8, $0x10;
	v10 =	vshra.s32 v20, $0x10;
	v14 =	vand.u32 $0xFF80, v20  }
0x80: {  	vm1 =	veq.s32 v10, v2;
	v21 =	vshra.s32 v3, $0x10;
	v24 =	vand.u32 $0xFF80, v3  }
0x81: {  	vm3 =	veq.s32 v21, v2;
	[tilespmem:v5+s3+$0x0] =	vst.idx.add.f32.msk vm2, v1;
	v5 =	vand.u32 $0x7F, v20;
	v14 =	vnsel vm1, $0x0, v14  }
0x82: {  	v25 =	vand.u32 $0x7F, v3;
	v24 =	vnsel vm3, $0x0, v24;
	v5 =	vor.u32 v5, v14  }
0x83: {  	v17 =	vand.u32 $0xFF80, v8;
	vm2 =	veq.s32 v23, v2;
	v26 =	vld [tilespmem:s20+$0x40];
	v24 =	vor.u32 v25, v24  }
0x84: {  	vm0 =	vgt.s32 v9, v2;
	v17 =	vnsel vm2, $0x0, v17;
	v25 =	vand.u32 $0x7F, v8  }
0x85: {  	v9 =	vadd.f32 v4, v13;
	vm4 =	vgt.s32 v10, v2;
	v10 =	vor.u32 v25, v17  }
0x86: {  	v62 =	vmul.f32 v15, v15;
	v4 =	vmul.f32 v4, v4;
	v14 =	vnsel vm4, $0x0, v20  }
0x87: {  	v18 =	vmul.f32 v6, v6;
	v9 =	vadd.f32 v14, v9;
	[tilespmem:v5+s3+$0x0] =	vst.idx.add.f32.msk vm1, v1  }
0x88: {  	v4 =	vadd.f32 v4, v13;
	v14 =	vmul.f32 v14, v14;
	v20 =	vshra.s32 v26, $0x10;
	[tilespmem:v24+s3+$0x0] =	vst.idx.add.f32.msk vm3, v1  }
0x89: {  	v6 =	vadd.f32 v6, v9;
	v9 =	vand.u32 $0xFF80, v26;
	vm3 =	veq.s32 v20, v2;
	v24 =	vld [tilespmem:s19+$0xFFFFFF90]  }
0x8a: {  	vm4 =	vgt.s32 v20, v2;
	v20 =	vand.u32 $0x7F, v26;
	v9 =	vnsel vm3, $0x0, v9;
	[tilespmem:v10+s3+$0x0] =	vst.idx.add.f32.msk vm2, v1  }
0x8b: {  	v4 =	vadd.f32 v14, v4;
	v14 =	vor.u32 v20, v9;
	v9 =	vnsel vm0, $0x0, v19;
	v19 =	vld [tilespmem:s20+$0xFFFFFFD0]  }
0x8c: {  	v17 =	vmul.f32 v7, v7;
	vm1 =	vgt.s32 v12, v2;
	v20 =	vnsel vm4, $0x0, v26;
	v12 =	vld [tilespmem:s19+$0x10]  }
0x8d: {  	v18 =	vadd.f32 v18, v4;
	vm0 =	vgt.s32 v23, v2;
	v5 =	vmul.f32 v20, v20  }
0x8e: {  	v26 =	vnsel vm1, $0x0, v16;
	v10 =	vadd.f32 v20, v6;
	v6 =	vnsel vm0, $0x0, v8  }
0x8f: {  	v8 =	vadd.f32 v5, v18;
	v18 =	vadd.f32 v7, v13;
	v16 =	vshra.s32 v24, $0x10  }
0x90: {  	v5 =	vand.u32 $0xFF80, v24;
	v7 =	vand.u32 $0x7F, v24;
	vm0 =	veq.s32 v16, v2  }
0x91: {  	[tilespmem:v14+s3+$0x0] =	vst.idx.add.f32.msk vm3, v1;
	v14 =	vadd.f32 v17, v13;
	v20 =	vshra.s32 v19, $0x10;
	v27 =	vshra.s32 v12, $0x10  }
0x92: {  	v28 =	vand.u32 $0xFF80, v12;
	v29 =	vand.u32 $0x7F, v19;
	v5 =	vnsel vm0, $0x0, v5  }
0x93: {  	v30 =	vand.u32 $0x7F, v12;
	v17 =	vld [tilespmem:s20+$0x50];
	vm2 =	veq.s32 v27, v2;
	v5 =	vor.u32 v7, v5  }
0x94: {  	vm1 =	veq.s32 v20, v2;
	v7 =	vand.u32 $0xFF80, v19;
	v28 =	vnsel vm2, $0x0, v28  }
0x95: {  	vm3 =	vgt.s32 v16, v2;
	v7 =	vnsel vm1, $0x0, v7;
	v16 =	vor.u32 v30, v28  }
0x96: {  	v63 =	vadd.f32 v15, v13;
	v25 =	vmul.f32 v11, v11;
	v29 =	vor.u32 v29, v7  }
0x97: {  	v23 =	vmul.f32 v22, v22;
	v7 =	vnsel vm3, $0x0, v24;
	vm3 =	vgt.s32 v20, v2  }
0x98: {  	v19 =	vnsel vm3, $0x0, v19;
	v28 =	vshra.s32 v17, $0x10;
	v20 =	vand.u32 $0x7F, v17;
	[tilespmem:v5+s3+$0x0] =	vst.idx.add.f32.msk vm0, v1  }
0x99: {  	v18 =	vadd.f32 v19, v18;
	vm0 =	veq.s32 v28, v2;
	v5 =	vand.u32 $0xFF80, v17;
	v24 =	vld [tilespmem:s19+$0xFFFFFFA0]  }
0x9a: {  	v19 =	vmul.f32 v19, v19;
	vm3 =	vgt.s32 v28, v2;
	v5 =	vnsel vm0, $0x0, v5;
	[tilespmem:v16+s3+$0x0] =	vst.idx.add.f32.msk vm2, v1  }
0x9b: {  	v4 =	vmul.f32 v6, v6;
	v17 =	vnsel vm3, $0x0, v17;
	v28 =	vor.u32 v20, v5;
	[tilespmem:v29+s3+$0x0] =	vst.idx.add.f32.msk vm1, v1  }
0x9c: {  	v14 =	vadd.f32 v19, v14;
	v16 =	vadd.f32 v22, v18;
	vm1 =	vgt.s32 v27, v2;
	v27 =	vld [tilespmem:s20+$0xFFFFFFE0]  }
0x9d: {  	v19 =	vadd.f32 v11, v13;
	v29 =	vmul.f32 v26, v26;
	v5 =	vnsel vm1, $0x0, v12;
	v12 =	vld [tilespmem:s19+$0x20]  }
0x9e: {  	v30 =	vmul.f32 v17, v17;
	v22 =	vadd.f32 v23, v14;
	v18 =	vshra.s32 v24, $0x10  }
0x9f: {  	v23 =	vadd.f32 v25, v13;
	v11 =	vand.u32 $0xFF80, v24;
	vm1 =	veq.s32 v18, v2  }
0xa0: {  	v14 =	vand.u32 $0x7F, v24;
	[tilespmem:v28+s3+$0x0] =	vst.idx.add.f32.msk vm0, v1;
	vm4 =	vgt.s32 v18, v2;
	v11 =	vnsel vm1, $0x0, v11  }
0xa1: {  	v25 =	vld [tilespmem:s20+$0x60];
	v28 =	vand.u32 $0xFF80, v27;
	v11 =	vor.u32 v14, v11;
	v14 =	vshra.s32 v27, $0x10  }
0xa2: {  	v31 =	vand.u32 $0x7F, v27;
	v33 =	vand.u32 $0xFF80, v12;
	vm0 =	veq.s32 v14, v2  }
0xa3: {  	vm2 =	vgt.s32 v14, v2;
	v14 =	vshra.s32 v12, $0x10;
	v28 =	vnsel vm0, $0x0, v28  }
0xa4: {  	vm3 =	veq.s32 v14, v2;
	v27 =	vnsel vm2, $0x0, v27;
	v28 =	vor.u32 v31, v28  }
0xa5: {  	v32 =	vand.u32 $0x7F, v12;
	v18 =	vnsel vm3, $0x0, v33;
	v60 =	vmul.f32 v27, v27  }
0xa6: {  	v31 =	vshra.s32 v25, $0x10;
	[tilespmem:v11+s3+$0x0] =	vst.idx.add.f32.msk vm1, v1;
	v11 =	vnsel vm4, $0x0, v24;
	v24 =	vor.u32 v32, v18  }
0xa7: {  	vm1 =	veq.s32 v31, v2;
	vm2 =	vgt.s32 v31, v2;
	v31 =	vand.u32 $0xFF80, v25  }
0xa8: {  	v19 =	vadd.f32 v27, v19;
	v61 =	vand.u32 $0x7F, v25;
	v18 =	vld [tilespmem:s19+$0xFFFFFFB0];
	v31 =	vnsel vm1, $0x0, v31  }
0xa9: {  	v23 =	vadd.f32 v60, v23;
	v27 =	vor.u32 v61, v31;
	[tilespmem:v28+s3+$0x0] =	vst.idx.add.f32.msk vm0, v1  }
0xaa: {  	v20 =	vmul.f32 v9, v9;
	v16 =	vadd.f32 v17, v16;
	v25 =	vnsel vm2, $0x0, v25;
	v28 =	vld [tilespmem:s20+$0xFFFFFFF0]  }
0xab: {  	v26 =	vadd.f32 v26, v19;
	v31 =	vmul.f32 v25, v25;
	v23 =	vadd.f32 v29, v23  }
0xac: {  	v17 =	vadd.f32 v30, v22;
	v29 =	vadd.f32 v62, v13;
	[tilespmem:v24+s3+$0x0] =	vst.idx.add.f32.msk vm3, v1  }
0xad: {  	v15 =	vadd.f32 v25, v26;
	v13 =	vadd.f32 v31, v23;
	v22 =	vshra.s32 v18, $0x10;
	v19 =	vld [tilespmem:s19+$0x30]  }
0xae: {  	v30 =	vand.u32 $0xFF80, v18;
	v24 =	vand.u32 $0x7F, v18;
	vm3 =	veq.s32 v22, v2;
	[tilespmem:v27+s3+$0x0] =	vst.idx.add.f32.msk vm1, v1  }
0xaf: {  	v25 =	vnsel vm3, $0x0, v30;
	v23 =	vld [tilespmem:s20+$0x70];
	v26 =	vshra.s32 v28, $0x10;
	v27 =	vand.u32 $0xFF80, v28  }
0xb0: {  	v25 =	vor.u32 v24, v25;
	vm1 =	veq.s32 v26, v2;
	vm0 =	vgt.s32 v26, v2  }
0xb1: {  	v26 =	vnsel vm1, $0x0, v27;
	v27 =	vand.u32 $0x7F, v28;
	v28 =	vnsel vm0, $0x0, v28  }
0xb2: {  	v24 =	vshra.s32 v19, $0x10;
	vm0 =	vgt.s32 v21, v2;
	v30 =	vmul.f32 v28, v28  }
0xb3: {  	v26 =	vor.u32 v27, v26;
	vm2 =	veq.s32 v24, v2;
	v27 =	vand.u32 $0xFF80, v19  }
0xb4: {  	s21 =	simm.s32 $0x10280;
	s20 =	simm.s32 $0x2;
	v31 =	vadd.f32 v28, v63;
	v33 =	vshra.s32 v23, $0x10;
	v36 =	vadd.f32 v30, v29  }
.LBB2_4:
0xb5: {  	s20 =	sadd.s32 $0x2, s20;
	[tilespmem:v25+s3+$0x0] =	vst.idx.add.f32.msk vm3, v1;
	v21 =	vnsel vm2, $0x0, v27;
	vm4 =	veq.s32 v33, v2;
	v25 =	vand.u32 $0xFF80, v23  }
0xb6: {  	v28 =	vand.u32 $0x7F, v23;
	p0 =	slt.u32 s20, $0x7E;
	v27 =	vld [tilespmem:s19+$0xFFFFFFC0];
	v20 =	vadd.f32 v20, v36;
	v25 =	vnsel vm4, $0x0, v25  }
0xb7: {  	vm5 =	vgt.s32 v22, v2;
	vm3 =	vgt.s32 v24, v2;
	v29 =	vld [tilespmem:s21+$0x0];
	v24 =	vor.u32 v28, v25  }
0xb8: {  	v22 =	vand.u32 $0x7F, v19;
	v9 =	vadd.f32 v9, v31;
	vm6 =	vgt.s32 v33, v2;
	v25 =	vld [tilespmem:s21+$0xFFFFFF80]  }
0xb9: {  	v3 =	vnsel vm0, $0x0, v3;
	v28 =	vor.u32 v22, v21;
	v21 =	vnsel vm6, $0x0, v23;
	[tilespmem:v26+s3+$0x0] =	vst.idx.add.f32.msk vm1, v1  }
0xba: {  	v22 =	vnsel vm5, $0x0, v18;
	v23 =	vadd.f32 v21, v9;
	v9 =	vmul.f32 v21, v21  }
0xbb: {  	v10 =	vadd.f32 v3, v10;
	v18 =	vshra.s32 v27, $0x10;
	v26 =	vand.u32 $0xFF80, v27  }
0xbc: {  	v31 =	vmul.f32 v3, v3;
	v30 =	vand.u32 $0xFF80, v29;
	vm0 =	veq.s32 v18, v2;
	[tilespmem:v24+s3+$0x0] =	vst.idx.add.f32.msk vm4, v1  }
0xbd: {  	v32 =	vshra.s32 v29, $0x10;
	v24 =	vadd.f32 v9, v20;
	v21 =	vshra.s32 v25, $0x10;
	v3 =	vmovc v25  }
0xbe: {  	v20 =	vand.u32 $0x7F, v27;
	vm1 =	veq.s32 v21, v2;
	v9 =	vand.u32 $0xFF80, v3;
	[tilespmem:v28+s3+$0x0] =	vst.idx.add.f32.msk vm2, v1  }
0xbf: {  	v26 =	vnsel vm0, $0x0, v26;
	v25 =	vand.u32 $0x7F, v3;
	v9 =	vnsel vm1, $0x0, v9;
	v28 =	vld [tilespmem:s19+$0x40]  }
0xc0: {  	vm2 =	veq.s32 v32, v2;
	v20 =	vor.u32 v20, v26;
	v25 =	vor.u32 v25, v9  }
0xc1: {  	vm4 =	vgt.s32 v18, v2;
	v26 =	vand.u32 $0x7F, v29;
	v9 =	vnsel vm2, $0x0, v30  }
0xc2: {  	v18 =	vor.u32 v26, v9;
	v26 =	vmul.f32 v7, v7;
	v9 =	vnsel vm4, $0x0, v27  }
0xc3: {  	v10 =	vadd.f32 v9, v10;
	v27 =	vmul.f32 v9, v9;
	v9 =	vnsel vm3, $0x0, v19  }
0xc4: {  	v8 =	vadd.f32 v31, v8;
	v19 =	vmul.f32 v11, v11;
	v30 =	vshra.s32 v28, $0x10  }
0xc5: {  	v6 =	vadd.f32 v6, v10;
	v10 =	vand.u32 $0xFF80, v28;
	[tilespmem:v25+s3+$0x0] =	vst.idx.add.f32.msk vm1, v1;
	vm1 =	veq.s32 v30, v2  }
0xc6: {  	vm3 =	vgt.s32 v30, v2;
	v30 =	vand.u32 $0x7F, v28;
	v25 =	vld [tilespmem:s21+$0xFFFFFF90];
	v10 =	vnsel vm1, $0x0, v10  }
0xc7: {  	v8 =	vadd.f32 v27, v8;
	v27 =	vnsel vm3, $0x0, v28;
	[tilespmem:v18+s3+$0x0] =	vst.idx.add.f32.msk vm2, v1;
	v18 =	vor.u32 v30, v10  }
0xc8: {  	v10 =	vadd.f32 v27, v6;
	[tilespmem:v20+s3+$0x0] =	vst.idx.add.f32.msk vm0, v1;
	v20 =	vmul.f32 v27, v27  }
0xc9: {  	v8 =	vadd.f32 v4, v8;
	vm2 =	vgt.s32 v14, v2;
	vm0 =	vgt.s32 v32, v2;
	v27 =	vld [tilespmem:s19+$0xFFFFFFD0]  }
0xca: {  	v28 =	vmul.f32 v5, v5;
	v6 =	vnsel vm0, $0x0, v29;
	v29 =	vnsel vm2, $0x0, v12;
	v14 =	vld [tilespmem:s21+$0x10]  }
0xcb: {  	v4 =	vmul.f32 v6, v6;
	v8 =	vadd.f32 v20, v8;
	v12 =	vshra.s32 v25, $0x10  }
0xcc: {  	v16 =	vadd.f32 v7, v16;
	v20 =	vand.u32 $0xFF80, v25;
	vm2 =	veq.s32 v12, v2;
	[tilespmem:v18+s3+$0x0] =	vst.idx.add.f32.msk vm1, v1  }
0xcd: {  	v17 =	vadd.f32 v26, v17;
	v18 =	vand.u32 $0x7F, v25;
	v7 =	vnsel vm2, $0x0, v20;
	v20 =	vld [tilespmem:s19+$0x50]  }
0xce: {  	v7 =	vor.u32 v18, v7;
	v18 =	vshra.s32 v27, $0x10;
	v26 =	vand.u32 $0xFF80, v27  }
0xcf: {  	v30 =	vshra.s32 v14, $0x10;
	v31 =	vand.u32 $0xFF80, v14;
	vm3 =	veq.s32 v18, v2  }
0xd0: {  	v32 =	vand.u32 $0x7F, v27;
	vm0 =	veq.s32 v30, v2;
	v26 =	vnsel vm3, $0x0, v26  }
0xd1: {  	v33 =	vand.u32 $0x7F, v14;
	v31 =	vnsel vm0, $0x0, v31;
	v26 =	vor.u32 v32, v26  }
0xd2: {  	vm1 =	vgt.s32 v12, v2;
	v12 =	vor.u32 v33, v31;
	v31 =	vshra.s32 v20, $0x10  }
0xd3: {  	[tilespmem:v7+s3+$0x0] =	vst.idx.add.f32.msk vm2, v1;
	v7 =	vnsel vm1, $0x0, v25;
	vm1 =	veq.s32 v31, v2;
	v25 =	vand.u32 $0xFF80, v20  }
0xd4: {  	vm2 =	vgt.s32 v18, v2;
	v32 =	vld [tilespmem:s21+$0xFFFFFFA0];
	v18 =	vnsel vm1, $0x0, v25;
	v25 =	vand.u32 $0x7F, v20  }
0xd5: {  	v27 =	vnsel vm2, $0x0, v27;
	vm2 =	vgt.s32 v31, v2;
	v18 =	vor.u32 v25, v18  }
0xd6: {  	v16 =	vadd.f32 v27, v16;
	v25 =	vmul.f32 v27, v27;
	[tilespmem:v26+s3+$0x0] =	vst.idx.add.f32.msk vm3, v1;
	v26 =	vnsel vm2, $0x0, v20  }
0xd7: {  	vm2 =	vgt.s32 v30, v2;
	v30 =	vmul.f32 v29, v29;
	v27 =	vld [tilespmem:s19+$0xFFFFFFE0];
	v31 =	vmul.f32 v26, v26  }
0xd8: {  	v17 =	vadd.f32 v25, v17;
	v16 =	vadd.f32 v5, v16;
	v5 =	vnsel vm2, $0x0, v14;
	[tilespmem:v12+s3+$0x0] =	vst.idx.add.f32.msk vm0, v1  }
0xd9: {  	v15 =	vadd.f32 v11, v15;
	v20 =	vmul.f32 v9, v9;
	v25 =	vshra.s32 v32, $0x10;
	v12 =	vld [tilespmem:s21+$0x20]  }
0xda: {  	v11 =	vand.u32 $0xFF80, v32;
	v17 =	vadd.f32 v28, v17;
	vm2 =	veq.s32 v25, v2;
	[tilespmem:v18+s3+$0x0] =	vst.idx.add.f32.msk vm1, v1  }
0xdb: {  	v13 =	vadd.f32 v19, v13;
	v14 =	vand.u32 $0x7F, v32;
	v11 =	vnsel vm2, $0x0, v11;
	v19 =	vld [tilespmem:s19+$0x60]  }
0xdc: {  	v11 =	vor.u32 v14, v11;
	v14 =	vshra.s32 v27, $0x10;
	v18 =	vand.u32 $0xFF80, v27  }
0xdd: {  	v28 =	vand.u32 $0x7F, v27;
	vm3 =	veq.s32 v14, v2;
	vm4 =	vgt.s32 v14, v2  }
0xde: {  	v14 =	vshra.s32 v12, $0x10;
	v33 =	vand.u32 $0x7F, v12;
	v18 =	vnsel vm3, $0x0, v18  }
0xdf: {  	v34 =	vand.u32 $0xFF80, v12;
	vm0 =	veq.s32 v14, v2;
	v28 =	vor.u32 v28, v18  }
0xe0: {  	vm1 =	vgt.s32 v25, v2;
	v18 =	vnsel vm0, $0x0, v34;
	v25 =	vshra.s32 v19, $0x10  }
0xe1: {  	[tilespmem:v11+s3+$0x0] =	vst.idx.add.f32.msk vm2, v1;
	v11 =	vnsel vm1, $0x0, v32;
	v32 =	vor.u32 v33, v18;
	vm1 =	veq.s32 v25, v2  }
0xe2: {  	v27 =	vnsel vm4, $0x0, v27;
	vm2 =	vgt.s32 v25, v2;
	v25 =	vand.u32 $0xFF80, v19;
	v18 =	vld [tilespmem:s21+$0xFFFFFFB0]  }
0xe3: {  	v34 =	vand.u32 $0x7F, v19;
	v33 =	vmul.f32 v27, v27;
	v25 =	vnsel vm1, $0x0, v25  }
0xe4: {  	v15 =	vadd.f32 v27, v15;
	v27 =	vnsel vm2, $0x0, v19;
	v25 =	vor.u32 v34, v25;
	[tilespmem:v28+s3+$0x0] =	vst.idx.add.f32.msk vm3, v1  }
0xe5: {  	v16 =	vadd.f32 v26, v16;
	v13 =	vadd.f32 v33, v13;
	v26 =	vmul.f32 v27, v27;
	v28 =	vld [tilespmem:s19+$0xFFFFFFF0]  }
0xe6: {  	v17 =	vadd.f32 v31, v17;
	v15 =	vadd.f32 v29, v15;
	v33 =	vmul.f32 v22, v22  }
0xe7: {  	v31 =	vadd.f32 v22, v23;
	v13 =	vadd.f32 v30, v13;
	v29 =	vand.u32 $0xFF80, v18;
	[tilespmem:v32+s3+$0x0] =	vst.idx.add.f32.msk vm0, v1  }
0xe8: {  	v15 =	vadd.f32 v27, v15;
	v30 =	vadd.f32 v33, v24;
	v22 =	vshra.s32 v18, $0x10;
	v19 =	vld [tilespmem:s21+$0x30]  }
0xe9: {  	v24 =	vand.u32 $0x7F, v18;
	v13 =	vadd.f32 v26, v13;
	vm3 =	veq.s32 v22, v2;
	[tilespmem:v25+s3+$0x0] =	vst.idx.add.f32.msk vm1, v1  }
0xea: {  	v25 =	vnsel vm3, $0x0, v29;
	v26 =	vshra.s32 v28, $0x10;
	v27 =	vand.u32 $0xFF80, v28;
	v23 =	vld [tilespmem:s19+$0x70];
	s19 =	smov.u32 s21  }
.Ltmp1:
0xeb: {  	v25 =	vor.u32 v24, v25;
	vm1 =	veq.s32 v26, v2;
	vm0 =	vgt.s32 v26, v2;
	(pc) =	sbr.rel @p0 .LBB2_4-.Ltmp1, $4  }
0xec: {  	v26 =	vnsel vm1, $0x0, v27;
	v27 =	vand.u32 $0x7F, v28;
	v28 =	vnsel vm0, $0x0, v28  }
0xed: {  	v24 =	vshra.s32 v19, $0x10;
	v26 =	vor.u32 v27, v26;
	v29 =	vmul.f32 v28, v28  }
0xee: {  	v27 =	vand.u32 $0xFF80, v19;
	v31 =	vadd.f32 v28, v31;
	vm2 =	veq.s32 v24, v2  }
0xef: {  	s21 =	sadd.s32 $0x100, s21;
	vm0 =	vgt.s32 v21, v2;
	v36 =	vadd.f32 v29, v30;
	v33 =	vshra.s32 v23, $0x10  }
0xf0: {  	_ = 	snop  }
0xf1: {  	v21 =	vnsel vm2, $0x0, v27;
	v27 =	vand.u32 $0x7F, v19  }
0xf2: {  	v21 =	vor.u32 v27, v21;
	_ =	sdelay $0x2  }
0xf3: {  	[tilespmem:v25+s3+$0x0] =	vst.idx.add.f32.msk vm3, v1  }
0xf4: {  	v37 =	vld [tilespmem:s19+$0xFFFFFFC0]  }
0xf5: {  	[tilespmem:v21+s3+$0x0] =	vst.idx.add.f32.msk vm2, v1  }
0xf6: {  	v34 =	vld [tilespmem:s19+$0x40];
	_ =	sdelay $0x2  }
0xf7: {  	v38 =	vshra.s32 v37, $0x10  }
0xf8: {  	v21 =	vand.u32 $0xFF80, v37;
	vm2 =	veq.s32 v38, v2  }
0xf9: {  	v25 =	vand.u32 $0x7F, v37;
	v21 =	vnsel vm2, $0x0, v21;
	v39 =	vshra.s32 v34, $0x10  }
0xfa: {  	v21 =	vor.u32 v25, v21;
	v25 =	vand.u32 $0xFF80, v34;
	vm3 =	veq.s32 v39, v2  }
0xfb: {  	v27 =	vand.u32 $0x7F, v34;
	v25 =	vnsel vm3, $0x0, v25  }
0xfc: {  	v25 =	vor.u32 v27, v25;
	_ =	sdelay $0x2  }
0xfd: {  	[tilespmem:v21+s3+$0x0] =	vst.idx.add.f32.msk vm2, v1  }
0xfe: {  	v40 =	vld [tilespmem:s19+$0xFFFFFFD0]  }
0xff: {  	[tilespmem:v25+s3+$0x0] =	vst.idx.add.f32.msk vm3, v1  }
0x100: {  	v28 =	vld [tilespmem:s19+$0x50];
	_ =	sdelay $0x2  }
0x101: {  	v41 =	vshra.s32 v40, $0x10  }
0x102: {  	v21 =	vand.u32 $0xFF80, v40;
	vm2 =	veq.s32 v41, v2  }
0x103: {  	v25 =	vand.u32 $0x7F, v40;
	v21 =	vnsel vm2, $0x0, v21;
	v42 =	vshra.s32 v28, $0x10  }
0x104: {  	v21 =	vor.u32 v25, v21;
	v25 =	vand.u32 $0xFF80, v28;
	vm3 =	veq.s32 v42, v2  }
0x105: {  	v27 =	vand.u32 $0x7F, v28;
	v25 =	vnsel vm3, $0x0, v25  }
0x106: {  	v25 =	vor.u32 v27, v25;
	_ =	sdelay $0x2  }
0x107: {  	[tilespmem:v21+s3+$0x0] =	vst.idx.add.f32.msk vm2, v1  }
0x108: {  	v32 =	vld [tilespmem:s19+$0xFFFFFFE0]  }
0x109: {  	[tilespmem:v25+s3+$0x0] =	vst.idx.add.f32.msk vm3, v1  }
0x10a: {  	v27 =	vld [tilespmem:s19+$0x60];
	_ =	sdelay $0x2  }
0x10b: {  	v43 =	vshra.s32 v32, $0x10  }
0x10c: {  	v21 =	vand.u32 $0xFF80, v32;
	vm2 =	veq.s32 v43, v2  }
0x10d: {  	v25 =	vand.u32 $0x7F, v32;
	v21 =	vnsel vm2, $0x0, v21;
	v44 =	vshra.s32 v27, $0x10  }
0x10e: {  	v21 =	vor.u32 v25, v21;
	v25 =	vand.u32 $0xFF80, v27;
	vm3 =	veq.s32 v44, v2  }
0x10f: {  	v29 =	vand.u32 $0x7F, v27;
	v25 =	vnsel vm3, $0x0, v25  }
0x110: {  	v25 =	vor.u32 v29, v25;
	_ =	sdelay $0x2  }
0x111: {  	[tilespmem:v21+s3+$0x0] =	vst.idx.add.f32.msk vm2, v1  }
0x112: {  	v30 =	vld [tilespmem:s19+$0xFFFFFFF0]  }
0x113: {  	[tilespmem:v25+s3+$0x0] =	vst.idx.add.f32.msk vm3, v1  }
0x114: {  	v25 =	vld [tilespmem:s19+$0x70];
	_ =	sdelay $0x1  }
0x115: {  	vm2 =	veq.s32 v33, v2;
	v21 =	vand.u32 $0xFF80, v23  }
0x116: {  	v21 =	vnsel vm2, $0x0, v21;
	v29 =	vand.u32 $0x7F, v23  }
0x117: {  	v21 =	vor.u32 v29, v21;
	v35 =	vshra.s32 v30, $0x10;
	v45 =	vand.u32 $0xFF80, v30  }
0x118: {  	v46 =	vand.u32 $0x7F, v30;
	vm3 =	veq.s32 v35, v2;
	v29 =	vshra.s32 v25, $0x10  }
0x119: {  	v45 =	vnsel vm3, $0x0, v45;
	v47 =	vand.u32 $0xFF80, v25;
	vm4 =	veq.s32 v29, v2  }
0x11a: {  	v45 =	vor.u32 v46, v45;
	v58 =	vand.u32 $0x7F, v25;
	v57 =	vnsel vm4, $0x0, v47  }
0x11b: {  	v46 =	vor.u32 v58, v57;
	_ =	sdelay $0x1  }
0x11c: {  	[tilespmem:v26+s3+$0x0] =	vst.idx.add.f32.msk vm1, v1  }
0x11d: {  	[tilespmem:v21+s3+$0x0] =	vst.idx.add.f32.msk vm2, v1  }
0x11e: {  	[tilespmem:v45+s3+$0x0] =	vst.idx.add.f32.msk vm3, v1  }
0x11f: {  	[tilespmem:v46+s3+$0x0] =	vst.idx.add.f32.msk vm4, v1  }
0x120: {  	[tilespmem:s13], [sflag:$0x1] =	stream.linear.gather [hbm4b:s6+s3], $0x4000, $0x38;
	[tilespmem:$0x18100] =	vst v63  }
0x121: {  	_ =	swait.ge [sflag:s16], $0x4000  }
0x122: {  	[sflag:s16] =	ssyncset.done $0x0  }
0x123: {  	s20 =	simm.s32 $0x14080;
	[sflag:s16] =	ssyncadd.s32 $0xFFFFC000  }
0x124: {  	v21 =	vld [tilespmem:s20+$0xFFFFFF80];
	_ =	sdelay $0x4  }
0x125: {  	v26 =	vshra.s32 v21, $0x10  }
0x126: {  	v59 =	vand.u32 $0xFF80, v21;
	vm1 =	veq.s32 v26, v2  }
0x127: {  	v60 =	vand.u32 $0x7F, v21;
	v45 =	vnsel vm1, $0x0, v59  }
0x128: {  	v61 =	vld [tilespmem:s20+$0x0];
	v45 =	vor.u32 v60, v45;
	_ =	sdelay $0x4  }
0x129: {  	v62 =	vshra.s32 v61, $0x10;
	[tilespmem:v45+s3+$0x0] =	vst.idx.add.f32.msk vm1, v1  }
0x12a: {  	v63 =	vand.u32 $0xFF80, v61;
	vm1 =	veq.s32 v62, v2;
	v48 =	vld [tilespmem:s20+$0xFFFFFF90]  }
0x12b: {  	v49 =	vand.u32 $0x7F, v61;
	v45 =	vnsel vm1, $0x0, v63  }
0x12c: {  	v3 =	vnsel vm0, $0x0, v3;
	v45 =	vor.u32 v49, v45  }
0x12d: {  	v10 =	vadd.f32 v3, v10;
	v3 =	vmul.f32 v3, v3  }
0x12e: {  	v9 =	vadd.f32 v9, v31;
	vm0 =	vgt.s32 v22, v2;
	vm3 =	vgt.s32 v38, v2  }
0x12f: {  	v3 =	vadd.f32 v3, v8;
	v22 =	vnsel vm3, $0x0, v37;
	v51 =	vshra.s32 v48, $0x10  }
0x130: {  	v8 =	vadd.f32 v22, v10;
	v31 =	vand.u32 $0xFF80, v48;
	vm2 =	veq.s32 v51, v2  }
0x131: {  	v10 =	vmul.f32 v22, v22;
	v52 =	vand.u32 $0x7F, v48;
	[tilespmem:v45+s3+$0x0] =	vst.idx.add.f32.msk vm1, v1;
	v31 =	vnsel vm2, $0x0, v31  }
0x132: {  	v53 =	vld [tilespmem:s20+$0x10];
	v31 =	vor.u32 v52, v31  }
0x133: {  	v3 =	vadd.f32 v10, v3  }
0x134: {  	v20 =	vadd.f32 v20, v36;
	vm5 =	vgt.s32 v43, v2  }
0x135: {  	v6 =	vadd.f32 v6, v8;
	v3 =	vadd.f32 v4, v3;
	vm1 =	vgt.s32 v33, v2  }
0x136: {  	vm4 =	vgt.s32 v42, v2;
	v23 =	vnsel vm1, $0x0, v23;
	vm1 =	vgt.s32 v24, v2  }
0x137: {  	v24 =	vmul.f32 v5, v5;
	v54 =	vmul.f32 v23, v23;
	v8 =	vshra.s32 v53, $0x10;
	[tilespmem:v31+s3+$0x0] =	vst.idx.add.f32.msk vm2, v1  }
0x138: {  	v9 =	vadd.f32 v23, v9;
	v10 =	vand.u32 $0xFF80, v53;
	vm3 =	veq.s32 v8, v2;
	v22 =	vld [tilespmem:s20+$0xFFFFFFA0]  }
0x139: {  	vm2 =	vgt.s32 v39, v2;
	v4 =	vnsel vm3, $0x0, v10;
	v10 =	vand.u32 $0x7F, v53  }
0x13a: {  	v20 =	vadd.f32 v54, v20;
	v23 =	vnsel vm2, $0x0, v34;
	v4 =	vor.u32 v10, v4  }
0x13b: {  	vm2 =	vgt.s32 v41, v2;
	v10 =	vmul.f32 v7, v7;
	v6 =	vadd.f32 v23, v6  }
0x13c: {  	v23 =	vmul.f32 v23, v23;
	v7 =	vadd.f32 v7, v16;
	v16 =	vnsel vm2, $0x0, v40  }
0x13d: {  	v10 =	vadd.f32 v10, v17;
	v17 =	vmul.f32 v16, v16;
	v31 =	vshra.s32 v22, $0x10  }
0x13e: {  	v7 =	vadd.f32 v16, v7;
	v16 =	vand.u32 $0xFF80, v22;
	vm2 =	veq.s32 v31, v2  }
0x13f: {  	v10 =	vadd.f32 v17, v10;
	[tilespmem:v4+s3+$0x0] =	vst.idx.add.f32.msk vm3, v1;
	v4 =	vnsel vm2, $0x0, v16;
	v16 =	vand.u32 $0x7F, v22  }
0x140: {  	v17 =	vadd.f32 v23, v3;
	v5 =	vadd.f32 v5, v7;
	v3 =	vor.u32 v16, v4;
	v4 =	vld [tilespmem:s20+$0x20]  }
0x141: {  	vm3 =	vgt.s32 v14, v2;
	v14 =	vnsel vm0, $0x0, v18;
	vm0 =	vgt.s32 v44, v2  }
0x142: {  	v7 =	vadd.f32 v24, v10;
	v10 =	vadd.f32 v11, v15;
	v11 =	vmul.f32 v11, v11  }
0x143: {  	v15 =	vnsel vm1, $0x0, v19;
	v12 =	vnsel vm3, $0x0, v12;
	v9 =	vadd.f32 v14, v9  }
0x144: {  	v16 =	vnsel vm4, $0x0, v28;
	v11 =	vadd.f32 v11, v13;
	v13 =	vnsel vm5, $0x0, v32  }
0x145: {  	v5 =	vadd.f32 v16, v5;
	v18 =	vmul.f32 v13, v13;
	v23 =	vshra.s32 v4, $0x10;
	[tilespmem:v3+s3+$0x0] =	vst.idx.add.f32.msk vm2, v1  }
0x146: {  	v3 =	vadd.f32 v13, v10;
	v10 =	vand.u32 $0xFF80, v4;
	vm1 =	veq.s32 v23, v2;
	v19 =	vld [tilespmem:s20+$0xFFFFFFB0]  }
0x147: {  	v11 =	vadd.f32 v18, v11;
	v13 =	vand.u32 $0x7F, v4;
	v10 =	vnsel vm1, $0x0, v10  }
0x148: {  	v18 =	vnsel vm0, $0x0, v27;
	vm0 =	vgt.s32 v35, v2;
	v10 =	vor.u32 v13, v10  }
0x149: {  	v3 =	vadd.f32 v12, v3;
	v13 =	vmul.f32 v12, v12;
	v12 =	vmul.f32 v14, v14  }
0x14a: {  	v16 =	vmul.f32 v16, v16;
	v28 =	vmul.f32 v18, v18;
	v14 =	vnsel vm0, $0x0, v30  }
0x14b: {  	v24 =	vmul.f32 v14, v14;
	v12 =	vadd.f32 v12, v20;
	v20 =	vshra.s32 v19, $0x10  }
0x14c: {  	v9 =	vadd.f32 v14, v9;
	v27 =	vand.u32 $0xFF80, v19;
	vm0 =	veq.s32 v20, v2  }
0x14d: {  	v11 =	vadd.f32 v13, v11;
	[tilespmem:v10+s3+$0x0] =	vst.idx.add.f32.msk vm1, v1;
	v10 =	vand.u32 $0x7F, v19;
	v14 =	vnsel vm0, $0x0, v27  }
0x14e: {  	v7 =	vadd.f32 v16, v7;
	v9 =	vadd.f32 v15, v9;
	v10 =	vor.u32 v10, v14  }
0x14f: {  	v12 =	vadd.f32 v24, v12;
	v11 =	vadd.f32 v28, v11;
	v16 =	vld [tilespmem:s20+$0x30]  }
0x150: {  	vm3 =	vgt.s32 v20, v2;
	v27 =	vmul.f32 v15, v15;
	vm1 =	vgt.s32 v29, v2  }
0x151: {  	v19 =	vnsel vm3, $0x0, v19;
	v13 =	vnsel vm1, $0x0, v25;
	v14 =	vadd.f32 v18, v3  }
0x152: {  	vm1 =	vgt.s32 v62, v2;
	v3 =	vadd.f32 v27, v12;
	v12 =	vmul.f32 v13, v13  }
0x153: {  	v15 =	vadd.f32 v13, v9;
	v9 =	vnsel vm1, $0x0, v61;
	vm1 =	vgt.s32 v51, v2;
	[tilespmem:v10+s3+$0x0] =	vst.idx.add.f32.msk vm0, v1  }
0x154: {  	s19 =	simm.s32 $0x14180;
	v18 =	vnsel vm1, $0x0, v48;
	v13 =	vadd.f32 v12, v3;
	v10 =	vshra.s32 v16, $0x10;
	v24 =	vld [tilespmem:s20+$0xFFFFFFC0]  }
0x155: {  	vm0 =	vgt.s32 v8, v2;
	v3 =	vand.u32 $0xFF80, v16;
	v8 =	vld [tilespmem:s19+$0x0];
	vm2 =	veq.s32 v10, v2  }
0x156: {  	vm1 =	vgt.s32 v26, v2;
	v28 =	vand.u32 $0x7F, v16;
	v27 =	vnsel vm2, $0x0, v3;
	v3 =	vld [tilespmem:s19+$0xFFFFFF80]  }
0x157: {  	v63 =	vmul.f32 v19, v19;
	v20 =	vnsel vm1, $0x0, v21;
	v26 =	vor.u32 v28, v27  }
0x158: {  	v5 =	vadd.f32 v18, v5;
	v25 =	vnsel vm0, $0x0, v53;
	vm0 =	vgt.s32 v31, v2  }
0x159: {  	v22 =	vnsel vm0, $0x0, v22;
	vm0 =	vgt.s32 v10, v2;
	v10 =	vshra.s32 v24, $0x10  }
0x15a: {  	v29 =	vshra.s32 v8, $0x10;
	v27 =	vand.u32 $0xFF80, v24;
	vm1 =	veq.s32 v10, v2  }
0x15b: {  	v21 =	vshra.s32 v3, $0x10;
	v30 =	vand.u32 $0xFF80, v3;
	v31 =	vand.u32 $0x7F, v3  }
0x15c: {  	vm3 =	veq.s32 v21, v2;
	[tilespmem:v26+s3+$0x0] =	vst.idx.add.f32.msk vm2, v1;
	v26 =	vand.u32 $0x7F, v24;
	v27 =	vnsel vm1, $0x0, v27  }
0x15d: {  	vm4 =	vgt.s32 v10, v2;
	v30 =	vnsel vm3, $0x0, v30;
	v10 =	vor.u32 v26, v27  }
0x15e: {  	v28 =	vand.u32 $0xFF80, v8;
	vm2 =	veq.s32 v29, v2;
	v55 =	vld [tilespmem:s20+$0x40];
	v30 =	vor.u32 v31, v30  }
0x15f: {  	v6 =	vadd.f32 v20, v6;
	v28 =	vnsel vm2, $0x0, v28;
	v31 =	vand.u32 $0x7F, v8  }
0x160: {  	v20 =	vmul.f32 v20, v20;
	v24 =	vnsel vm4, $0x0, v24;
	v26 =	vor.u32 v31, v28  }
0x161: {  	v12 =	vmul.f32 v9, v9;
	v32 =	vadd.f32 v63, v13;
	v6 =	vadd.f32 v24, v6  }
0x162: {  	v17 =	vadd.f32 v20, v17;
	v24 =	vmul.f32 v24, v24;
	[tilespmem:v10+s3+$0x0] =	vst.idx.add.f32.msk vm1, v1  }
0x163: {  	v27 =	vmul.f32 v18, v18;
	v6 =	vadd.f32 v9, v6;
	v20 =	vshra.s32 v55, $0x10;
	[tilespmem:v30+s3+$0x0] =	vst.idx.add.f32.msk vm3, v1  }
0x164: {  	v17 =	vadd.f32 v24, v17;
	v9 =	vand.u32 $0xFF80, v55;
	vm3 =	veq.s32 v20, v2;
	v30 =	vld [tilespmem:s19+$0xFFFFFF90]  }
0x165: {  	vm4 =	vgt.s32 v20, v2;
	v20 =	vand.u32 $0x7F, v55;
	v9 =	vnsel vm3, $0x0, v9;
	[tilespmem:v26+s3+$0x0] =	vst.idx.add.f32.msk vm2, v1  }
0x166: {  	v12 =	vadd.f32 v12, v17;
	v24 =	vnsel vm4, $0x0, v55;
	v20 =	vor.u32 v20, v9;
	v17 =	vld [tilespmem:s19+$0x10]  }
0x167: {  	v9 =	vnsel vm0, $0x0, v16;
	v10 =	vadd.f32 v24, v6;
	v16 =	vmul.f32 v24, v24;
	v24 =	vld [tilespmem:s20+$0xFFFFFFD0]  }
0x168: {  	v18 =	vadd.f32 v27, v7;
	vm1 =	vgt.s32 v23, v2;
	vm0 =	vgt.s32 v29, v2  }
0x169: {  	v26 =	vnsel vm1, $0x0, v4;
	v6 =	vnsel vm0, $0x0, v8;
	v8 =	vadd.f32 v16, v12  }
0x16a: {  	v29 =	vshra.s32 v30, $0x10;
	v12 =	vand.u32 $0xFF80, v30;
	v16 =	vand.u32 $0x7F, v30  }
0x16b: {  	vm0 =	veq.s32 v29, v2;
	[tilespmem:v20+s3+$0x0] =	vst.idx.add.f32.msk vm3, v1;
	v27 =	vshra.s32 v17, $0x10;
	v31 =	vand.u32 $0xFF80, v17  }
0x16c: {  	v56 =	vand.u32 $0x7F, v24;
	v57 =	vand.u32 $0x7F, v17;
	v12 =	vnsel vm0, $0x0, v12;
	v20 =	vld [tilespmem:s20+$0x50]  }
0x16d: {  	vm2 =	veq.s32 v27, v2;
	v7 =	vor.u32 v16, v12;
	v12 =	vshra.s32 v24, $0x10  }
0x16e: {  	v16 =	vand.u32 $0xFF80, v24;
	v31 =	vnsel vm2, $0x0, v31;
	vm1 =	veq.s32 v12, v2  }
0x16f: {  	vm3 =	vgt.s32 v29, v2;
	v29 =	vor.u32 v57, v31;
	v16 =	vnsel vm1, $0x0, v16  }
0x170: {  	v28 =	vmul.f32 v22, v22;
	v22 =	vadd.f32 v22, v14;
	v16 =	vor.u32 v56, v16  }
0x171: {  	v23 =	vmul.f32 v25, v25;
	v4 =	vmul.f32 v6, v6;
	v31 =	vshra.s32 v20, $0x10  }
0x172: {  	[tilespmem:v7+s3+$0x0] =	vst.idx.add.f32.msk vm0, v1;
	v7 =	vnsel vm3, $0x0, v30;
	vm0 =	veq.s32 v31, v2;
	v30 =	vand.u32 $0xFF80, v20  }
0x173: {  	vm3 =	vgt.s32 v12, v2;
	v58 =	vld [tilespmem:s19+$0xFFFFFFA0];
	v12 =	vnsel vm0, $0x0, v30;
	v30 =	vand.u32 $0x7F, v20  }
0x174: {  	v24 =	vnsel vm3, $0x0, v24;
	vm3 =	vgt.s32 v31, v2;
	[tilespmem:v29+s3+$0x0] =	vst.idx.add.f32.msk vm2, v1;
	v30 =	vor.u32 v30, v12  }
0x175: {  	v12 =	vadd.f32 v24, v5;
	[tilespmem:v16+s3+$0x0] =	vst.idx.add.f32.msk vm1, v1;
	v16 =	vmul.f32 v24, v24  }
0x176: {  	v31 =	vmul.f32 v26, v26;
	v24 =	vnsel vm3, $0x0, v20;
	vm1 =	vgt.s32 v27, v2;
	v27 =	vld [tilespmem:s20+$0xFFFFFFE0]  }
0x177: {  	v5 =	vnsel vm1, $0x0, v17;
	v17 =	vadd.f32 v25, v12;
	v12 =	vld [tilespmem:s19+$0x20];
	v16 =	vadd.f32 v16, v18  }
0x178: {  	v20 =	vmul.f32 v9, v9;
	v25 =	vadd.f32 v28, v11;
	v18 =	vshra.s32 v58, $0x10  }
0x179: {  	v14 =	vand.u32 $0xFF80, v58;
	vm1 =	veq.s32 v18, v2;
	v23 =	vadd.f32 v23, v16  }
0x17a: {  	[tilespmem:v30+s3+$0x0] =	vst.idx.add.f32.msk vm0, v1;
	v16 =	vand.u32 $0x7F, v58;
	vm4 =	vgt.s32 v18, v2;
	v14 =	vnsel vm1, $0x0, v14  }
0x17b: {  	v28 =	vld [tilespmem:s20+$0x60];
	v11 =	vor.u32 v16, v14;
	v14 =	vshra.s32 v27, $0x10;
	v16 =	vand.u32 $0xFF80, v27  }
0x17c: {  	v29 =	vand.u32 $0x7F, v27;
	v60 =	vand.u32 $0xFF80, v12;
	vm0 =	veq.s32 v14, v2  }
0x17d: {  	vm2 =	vgt.s32 v14, v2;
	v14 =	vshra.s32 v12, $0x10;
	v16 =	vnsel vm0, $0x0, v16  }
0x17e: {  	vm3 =	veq.s32 v14, v2;
	v27 =	vnsel vm2, $0x0, v27;
	v16 =	vor.u32 v29, v16  }
0x17f: {  	v30 =	vand.u32 $0x7F, v12;
	v18 =	vnsel vm3, $0x0, v60;
	v61 =	vmul.f32 v27, v27  }
0x180: {  	v22 =	vadd.f32 v27, v22;
	v29 =	vshra.s32 v28, $0x10;
	v30 =	vor.u32 v30, v18  }
0x181: {  	[tilespmem:v11+s3+$0x0] =	vst.idx.add.f32.msk vm1, v1;
	vm1 =	veq.s32 v29, v2;
	vm2 =	vgt.s32 v29, v2;
	v29 =	vand.u32 $0xFF80, v28  }
0x182: {  	v62 =	vand.u32 $0x7F, v28;
	v25 =	vadd.f32 v61, v25;
	v18 =	vld [tilespmem:s19+$0xFFFFFFB0];
	v29 =	vnsel vm1, $0x0, v29  }
0x183: {  	v59 =	vmul.f32 v24, v24;
	v27 =	vor.u32 v62, v29;
	[tilespmem:v16+s3+$0x0] =	vst.idx.add.f32.msk vm0, v1  }
0x184: {  	v26 =	vadd.f32 v26, v22;
	v28 =	vnsel vm2, $0x0, v28;
	v25 =	vadd.f32 v31, v25;
	v29 =	vld [tilespmem:s20+$0xFFFFFFF0]  }
0x185: {  	v16 =	vadd.f32 v24, v17;
	v24 =	vmul.f32 v28, v28;
	[tilespmem:v30+s3+$0x0] =	vst.idx.add.f32.msk vm3, v1  }
0x186: {  	v11 =	vnsel vm4, $0x0, v58;
	v17 =	vadd.f32 v59, v23;
	v30 =	vadd.f32 v19, v15;
	v19 =	vld [tilespmem:s19+$0x30]  }
0x187: {  	v15 =	vadd.f32 v28, v26;
	v13 =	vadd.f32 v24, v25;
	v22 =	vshra.s32 v18, $0x10  }
0x188: {  	v23 =	vand.u32 $0xFF80, v18;
	v26 =	vand.u32 $0x7F, v18;
	vm3 =	veq.s32 v22, v2;
	[tilespmem:v27+s3+$0x0] =	vst.idx.add.f32.msk vm1, v1  }
0x189: {  	v24 =	vnsel vm3, $0x0, v23;
	v23 =	vld [tilespmem:s20+$0x70];
	v27 =	vshra.s32 v29, $0x10;
	v28 =	vand.u32 $0xFF80, v29  }
0x18a: {  	v25 =	vor.u32 v26, v24;
	vm1 =	veq.s32 v27, v2;
	vm0 =	vgt.s32 v27, v2  }
0x18b: {  	v24 =	vshra.s32 v19, $0x10;
	v26 =	vnsel vm1, $0x0, v28;
	v28 =	vnsel vm0, $0x0, v29  }
0x18c: {  	v27 =	vand.u32 $0x7F, v29;
	vm2 =	veq.s32 v24, v2;
	v29 =	vmul.f32 v28, v28  }
0x18d: {  	vm0 =	vgt.s32 v21, v2;
	v26 =	vor.u32 v27, v26;
	v27 =	vand.u32 $0xFF80, v19  }
0x18e: {  	s21 =	simm.s32 $0x14280;
	s20 =	simm.s32 $0x2;
	v31 =	vadd.f32 v28, v30;
	v33 =	vshra.s32 v23, $0x10;
	v36 =	vadd.f32 v29, v32  }
.LBB2_6:
0x18f: {  	s20 =	sadd.s32 $0x2, s20;
	[tilespmem:v25+s3+$0x0] =	vst.idx.add.f32.msk vm3, v1;
	v21 =	vnsel vm2, $0x0, v27;
	vm4 =	veq.s32 v33, v2;
	v25 =	vand.u32 $0xFF80, v23  }
0x190: {  	v28 =	vand.u32 $0x7F, v23;
	p0 =	slt.u32 s20, $0x7E;
	v27 =	vld [tilespmem:s19+$0xFFFFFFC0];
	v20 =	vadd.f32 v20, v36;
	v25 =	vnsel vm4, $0x0, v25  }
0x191: {  	vm5 =	vgt.s32 v22, v2;
	vm3 =	vgt.s32 v24, v2;
	v29 =	vld [tilespmem:s21+$0x0];
	v24 =	vor.u32 v28, v25  }
0x192: {  	v22 =	vand.u32 $0x7F, v19;
	v9 =	vadd.f32 v9, v31;
	vm6 =	vgt.s32 v33, v2;
	v25 =	vld [tilespmem:s21+$0xFFFFFF80]  }
0x193: {  	v3 =	vnsel vm0, $0x0, v3;
	v28 =	vor.u32 v22, v21;
	v21 =	vnsel vm6, $0x0, v23;
	[tilespmem:v26+s3+$0x0] =	vst.idx.add.f32.msk vm1, v1  }
0x194: {  	v22 =	vnsel vm5, $0x0, v18;
	v23 =	vadd.f32 v21, v9;
	v9 =	vmul.f32 v21, v21  }
0x195: {  	v10 =	vadd.f32 v3, v10;
	v18 =	vshra.s32 v27, $0x10;
	v26 =	vand.u32 $0xFF80, v27  }
0x196: {  	v31 =	vmul.f32 v3, v3;
	v30 =	vand.u32 $0xFF80, v29;
	vm0 =	veq.s32 v18, v2;
	[tilespmem:v24+s3+$0x0] =	vst.idx.add.f32.msk vm4, v1  }
0x197: {  	v32 =	vshra.s32 v29, $0x10;
	v24 =	vadd.f32 v9, v20;
	v21 =	vshra.s32 v25, $0x10;
	v3 =	vmovc v25  }
0x198: {  	v20 =	vand.u32 $0x7F, v27;
	vm1 =	veq.s32 v21, v2;
	v9 =	vand.u32 $0xFF80, v3;
	[tilespmem:v28+s3+$0x0] =	vst.idx.add.f32.msk vm2, v1  }
0x199: {  	v26 =	vnsel vm0, $0x0, v26;
	v25 =	vand.u32 $0x7F, v3;
	v9 =	vnsel vm1, $0x0, v9;
	v28 =	vld [tilespmem:s19+$0x40]  }
0x19a: {  	vm2 =	veq.s32 v32, v2;
	v20 =	vor.u32 v20, v26;
	v25 =	vor.u32 v25, v9  }
0x19b: {  	vm4 =	vgt.s32 v18, v2;
	v26 =	vand.u32 $0x7F, v29;
	v9 =	vnsel vm2, $0x0, v30  }
0x19c: {  	v18 =	vor.u32 v26, v9;
	v26 =	vmul.f32 v7, v7;
	v9 =	vnsel vm4, $0x0, v27  }
0x19d: {  	v10 =	vadd.f32 v9, v10;
	v27 =	vmul.f32 v9, v9;
	v9 =	vnsel vm3, $0x0, v19  }
0x19e: {  	v8 =	vadd.f32 v31, v8;
	v19 =	vmul.f32 v11, v11;
	v30 =	vshra.s32 v28, $0x10  }
0x19f: {  	v6 =	vadd.f32 v6, v10;
	v10 =	vand.u32 $0xFF80, v28;
	[tilespmem:v25+s3+$0x0] =	vst.idx.add.f32.msk vm1, v1;
	vm1 =	veq.s32 v30, v2  }
0x1a0: {  	vm3 =	vgt.s32 v30, v2;
	v30 =	vand.u32 $0x7F, v28;
	v25 =	vld [tilespmem:s21+$0xFFFFFF90];
	v10 =	vnsel vm1, $0x0, v10  }
0x1a1: {  	v8 =	vadd.f32 v27, v8;
	v27 =	vnsel vm3, $0x0, v28;
	[tilespmem:v18+s3+$0x0] =	vst.idx.add.f32.msk vm2, v1;
	v18 =	vor.u32 v30, v10  }
0x1a2: {  	v10 =	vadd.f32 v27, v6;
	[tilespmem:v20+s3+$0x0] =	vst.idx.add.f32.msk vm0, v1;
	v20 =	vmul.f32 v27, v27  }
0x1a3: {  	v8 =	vadd.f32 v4, v8;
	vm2 =	vgt.s32 v14, v2;
	vm0 =	vgt.s32 v32, v2;
	v27 =	vld [tilespmem:s19+$0xFFFFFFD0]  }
0x1a4: {  	v28 =	vmul.f32 v5, v5;
	v6 =	vnsel vm0, $0x0, v29;
	v29 =	vnsel vm2, $0x0, v12;
	v14 =	vld [tilespmem:s21+$0x10]  }
0x1a5: {  	v4 =	vmul.f32 v6, v6;
	v8 =	vadd.f32 v20, v8;
	v12 =	vshra.s32 v25, $0x10  }
0x1a6: {  	v16 =	vadd.f32 v7, v16;
	v20 =	vand.u32 $0xFF80, v25;
	vm2 =	veq.s32 v12, v2;
	[tilespmem:v18+s3+$0x0] =	vst.idx.add.f32.msk vm1, v1  }
0x1a7: {  	v17 =	vadd.f32 v26, v17;
	v18 =	vand.u32 $0x7F, v25;
	v7 =	vnsel vm2, $0x0, v20;
	v20 =	vld [tilespmem:s19+$0x50]  }
0x1a8: {  	v7 =	vor.u32 v18, v7;
	v18 =	vshra.s32 v27, $0x10;
	v26 =	vand.u32 $0xFF80, v27  }
0x1a9: {  	v30 =	vshra.s32 v14, $0x10;
	v31 =	vand.u32 $0xFF80, v14;
	vm3 =	veq.s32 v18, v2  }
0x1aa: {  	v32 =	vand.u32 $0x7F, v27;
	vm0 =	veq.s32 v30, v2;
	v26 =	vnsel vm3, $0x0, v26  }
0x1ab: {  	v33 =	vand.u32 $0x7F, v14;
	v31 =	vnsel vm0, $0x0, v31;
	v26 =	vor.u32 v32, v26  }
0x1ac: {  	vm1 =	vgt.s32 v12, v2;
	v12 =	vor.u32 v33, v31;
	v31 =	vshra.s32 v20, $0x10  }
0x1ad: {  	[tilespmem:v7+s3+$0x0] =	vst.idx.add.f32.msk vm2, v1;
	v7 =	vnsel vm1, $0x0, v25;
	vm1 =	veq.s32 v31, v2;
	v25 =	vand.u32 $0xFF80, v20  }
0x1ae: {  	vm2 =	vgt.s32 v18, v2;
	v32 =	vld [tilespmem:s21+$0xFFFFFFA0];
	v18 =	vnsel vm1, $0x0, v25;
	v25 =	vand.u32 $0x7F, v20  }
0x1af: {  	v27 =	vnsel vm2, $0x0, v27;
	vm2 =	vgt.s32 v31, v2;
	v18 =	vor.u32 v25, v18  }
0x1b0: {  	v16 =	vadd.f32 v27, v16;
	v25 =	vmul.f32 v27, v27;
	[tilespmem:v26+s3+$0x0] =	vst.idx.add.f32.msk vm3, v1;
	v26 =	vnsel vm2, $0x0, v20  }
0x1b1: {  	vm2 =	vgt.s32 v30, v2;
	v30 =	vmul.f32 v29, v29;
	v27 =	vld [tilespmem:s19+$0xFFFFFFE0];
	v31 =	vmul.f32 v26, v26  }
0x1b2: {  	v17 =	vadd.f32 v25, v17;
	v16 =	vadd.f32 v5, v16;
	v5 =	vnsel vm2, $0x0, v14;
	[tilespmem:v12+s3+$0x0] =	vst.idx.add.f32.msk vm0, v1  }
0x1b3: {  	v15 =	vadd.f32 v11, v15;
	v20 =	vmul.f32 v9, v9;
	v25 =	vshra.s32 v32, $0x10;
	v12 =	vld [tilespmem:s21+$0x20]  }
0x1b4: {  	v11 =	vand.u32 $0xFF80, v32;
	v17 =	vadd.f32 v28, v17;
	vm2 =	veq.s32 v25, v2;
	[tilespmem:v18+s3+$0x0] =	vst.idx.add.f32.msk vm1, v1  }
0x1b5: {  	v13 =	vadd.f32 v19, v13;
	v14 =	vand.u32 $0x7F, v32;
	v11 =	vnsel vm2, $0x0, v11;
	v19 =	vld [tilespmem:s19+$0x60]  }
0x1b6: {  	v11 =	vor.u32 v14, v11;
	v14 =	vshra.s32 v27, $0x10;
	v18 =	vand.u32 $0xFF80, v27  }
0x1b7: {  	v28 =	vand.u32 $0x7F, v27;
	vm3 =	veq.s32 v14, v2;
	vm4 =	vgt.s32 v14, v2  }
0x1b8: {  	v14 =	vshra.s32 v12, $0x10;
	v33 =	vand.u32 $0x7F, v12;
	v18 =	vnsel vm3, $0x0, v18  }
0x1b9: {  	v34 =	vand.u32 $0xFF80, v12;
	vm0 =	veq.s32 v14, v2;
	v28 =	vor.u32 v28, v18  }
0x1ba: {  	vm1 =	vgt.s32 v25, v2;
	v18 =	vnsel vm0, $0x0, v34;
	v25 =	vshra.s32 v19, $0x10  }
0x1bb: {  	[tilespmem:v11+s3+$0x0] =	vst.idx.add.f32.msk vm2, v1;
	v11 =	vnsel vm1, $0x0, v32;
	v32 =	vor.u32 v33, v18;
	vm1 =	veq.s32 v25, v2  }
0x1bc: {  	v27 =	vnsel vm4, $0x0, v27;
	vm2 =	vgt.s32 v25, v2;
	v25 =	vand.u32 $0xFF80, v19;
	v18 =	vld [tilespmem:s21+$0xFFFFFFB0]  }
0x1bd: {  	v34 =	vand.u32 $0x7F, v19;
	v33 =	vmul.f32 v27, v27;
	v25 =	vnsel vm1, $0x0, v25  }
0x1be: {  	v15 =	vadd.f32 v27, v15;
	v27 =	vnsel vm2, $0x0, v19;
	v25 =	vor.u32 v34, v25;
	[tilespmem:v28+s3+$0x0] =	vst.idx.add.f32.msk vm3, v1  }
0x1bf: {  	v16 =	vadd.f32 v26, v16;
	v13 =	vadd.f32 v33, v13;
	v26 =	vmul.f32 v27, v27;
	v28 =	vld [tilespmem:s19+$0xFFFFFFF0]  }
0x1c0: {  	v17 =	vadd.f32 v31, v17;
	v15 =	vadd.f32 v29, v15;
	v33 =	vmul.f32 v22, v22  }
0x1c1: {  	v31 =	vadd.f32 v22, v23;
	v13 =	vadd.f32 v30, v13;
	v29 =	vand.u32 $0xFF80, v18;
	[tilespmem:v32+s3+$0x0] =	vst.idx.add.f32.msk vm0, v1  }
0x1c2: {  	v15 =	vadd.f32 v27, v15;
	v30 =	vadd.f32 v33, v24;
	v22 =	vshra.s32 v18, $0x10;
	v19 =	vld [tilespmem:s21+$0x30]  }
0x1c3: {  	v24 =	vand.u32 $0x7F, v18;
	v13 =	vadd.f32 v26, v13;
	vm3 =	veq.s32 v22, v2;
	[tilespmem:v25+s3+$0x0] =	vst.idx.add.f32.msk vm1, v1  }
0x1c4: {  	v25 =	vnsel vm3, $0x0, v29;
	v26 =	vshra.s32 v28, $0x10;
	v27 =	vand.u32 $0xFF80, v28;
	v23 =	vld [tilespmem:s19+$0x70];
	s19 =	smov.u32 s21  }
.Ltmp2:
0x1c5: {  	v25 =	vor.u32 v24, v25;
	vm1 =	veq.s32 v26, v2;
	vm0 =	vgt.s32 v26, v2;
	(pc) =	sbr.rel @p0 .LBB2_6-.Ltmp2, $4  }
0x1c6: {  	v26 =	vnsel vm1, $0x0, v27;
	v27 =	vand.u32 $0x7F, v28;
	v28 =	vnsel vm0, $0x0, v28  }
0x1c7: {  	v24 =	vshra.s32 v19, $0x10;
	v26 =	vor.u32 v27, v26;
	v29 =	vmul.f32 v28, v28  }
0x1c8: {  	v27 =	vand.u32 $0xFF80, v19;
	v31 =	vadd.f32 v28, v31;
	vm2 =	veq.s32 v24, v2  }
0x1c9: {  	s21 =	sadd.s32 $0x100, s21;
	vm0 =	vgt.s32 v21, v2;
	v36 =	vadd.f32 v29, v30;
	v33 =	vshra.s32 v23, $0x10  }
0x1ca: {  	_ = 	snop  }
0x1cb: {  	v21 =	vnsel vm2, $0x0, v27;
	v27 =	vand.u32 $0x7F, v19  }
0x1cc: {  	v21 =	vor.u32 v27, v21;
	_ =	sdelay $0x2  }
0x1cd: {  	[tilespmem:v25+s3+$0x0] =	vst.idx.add.f32.msk vm3, v1  }
0x1ce: {  	v37 =	vld [tilespmem:s19+$0xFFFFFFC0]  }
0x1cf: {  	[tilespmem:v21+s3+$0x0] =	vst.idx.add.f32.msk vm2, v1  }
0x1d0: {  	v34 =	vld [tilespmem:s19+$0x40];
	_ =	sdelay $0x2  }
0x1d1: {  	v38 =	vshra.s32 v37, $0x10  }
0x1d2: {  	v21 =	vand.u32 $0xFF80, v37;
	vm2 =	veq.s32 v38, v2  }
0x1d3: {  	v25 =	vand.u32 $0x7F, v37;
	v21 =	vnsel vm2, $0x0, v21;
	v39 =	vshra.s32 v34, $0x10  }
0x1d4: {  	v21 =	vor.u32 v25, v21;
	v25 =	vand.u32 $0xFF80, v34;
	vm3 =	veq.s32 v39, v2  }
0x1d5: {  	v27 =	vand.u32 $0x7F, v34;
	v25 =	vnsel vm3, $0x0, v25  }
0x1d6: {  	v25 =	vor.u32 v27, v25;
	_ =	sdelay $0x2  }
0x1d7: {  	[tilespmem:v21+s3+$0x0] =	vst.idx.add.f32.msk vm2, v1  }
0x1d8: {  	v40 =	vld [tilespmem:s19+$0xFFFFFFD0]  }
0x1d9: {  	[tilespmem:v25+s3+$0x0] =	vst.idx.add.f32.msk vm3, v1  }
0x1da: {  	v28 =	vld [tilespmem:s19+$0x50];
	_ =	sdelay $0x2  }
0x1db: {  	v41 =	vshra.s32 v40, $0x10  }
0x1dc: {  	v21 =	vand.u32 $0xFF80, v40;
	vm2 =	veq.s32 v41, v2  }
0x1dd: {  	v25 =	vand.u32 $0x7F, v40;
	v21 =	vnsel vm2, $0x0, v21;
	v42 =	vshra.s32 v28, $0x10  }
0x1de: {  	v21 =	vor.u32 v25, v21;
	v25 =	vand.u32 $0xFF80, v28;
	vm3 =	veq.s32 v42, v2  }
0x1df: {  	v27 =	vand.u32 $0x7F, v28;
	v25 =	vnsel vm3, $0x0, v25  }
0x1e0: {  	v25 =	vor.u32 v27, v25;
	_ =	sdelay $0x2  }
0x1e1: {  	[tilespmem:v21+s3+$0x0] =	vst.idx.add.f32.msk vm2, v1  }
0x1e2: {  	v32 =	vld [tilespmem:s19+$0xFFFFFFE0]  }
0x1e3: {  	[tilespmem:v25+s3+$0x0] =	vst.idx.add.f32.msk vm3, v1  }
0x1e4: {  	v27 =	vld [tilespmem:s19+$0x60];
	_ =	sdelay $0x2  }
0x1e5: {  	v43 =	vshra.s32 v32, $0x10  }
0x1e6: {  	v21 =	vand.u32 $0xFF80, v32;
	vm2 =	veq.s32 v43, v2  }
0x1e7: {  	v25 =	vand.u32 $0x7F, v32;
	v21 =	vnsel vm2, $0x0, v21;
	v44 =	vshra.s32 v27, $0x10  }
0x1e8: {  	v21 =	vor.u32 v25, v21;
	v25 =	vand.u32 $0xFF80, v27;
	vm3 =	veq.s32 v44, v2  }
0x1e9: {  	v29 =	vand.u32 $0x7F, v27;
	v25 =	vnsel vm3, $0x0, v25  }
0x1ea: {  	v25 =	vor.u32 v29, v25;
	_ =	sdelay $0x2  }
0x1eb: {  	[tilespmem:v21+s3+$0x0] =	vst.idx.add.f32.msk vm2, v1  }
0x1ec: {  	v30 =	vld [tilespmem:s19+$0xFFFFFFF0]  }
0x1ed: {  	[tilespmem:v25+s3+$0x0] =	vst.idx.add.f32.msk vm3, v1  }
0x1ee: {  	v25 =	vld [tilespmem:s19+$0x70];
	_ =	sdelay $0x1  }
0x1ef: {  	vm2 =	veq.s32 v33, v2;
	v21 =	vand.u32 $0xFF80, v23  }
0x1f0: {  	v21 =	vnsel vm2, $0x0, v21;
	v29 =	vand.u32 $0x7F, v23  }
0x1f1: {  	v21 =	vor.u32 v29, v21;
	v35 =	vshra.s32 v30, $0x10;
	v45 =	vand.u32 $0xFF80, v30  }
0x1f2: {  	v46 =	vand.u32 $0x7F, v30;
	vm3 =	veq.s32 v35, v2;
	v29 =	vshra.s32 v25, $0x10  }
0x1f3: {  	v45 =	vnsel vm3, $0x0, v45;
	v47 =	vand.u32 $0xFF80, v25;
	vm4 =	veq.s32 v29, v2  }
0x1f4: {  	v45 =	vor.u32 v46, v45;
	v58 =	vand.u32 $0x7F, v25;
	v57 =	vnsel vm4, $0x0, v47  }
0x1f5: {  	v46 =	vor.u32 v58, v57;
	_ =	sdelay $0x1  }
0x1f6: {  	[tilespmem:v26+s3+$0x0] =	vst.idx.add.f32.msk vm1, v1  }
0x1f7: {  	[tilespmem:v21+s3+$0x0] =	vst.idx.add.f32.msk vm2, v1  }
0x1f8: {  	[tilespmem:v45+s3+$0x0] =	vst.idx.add.f32.msk vm3, v1  }
0x1f9: {  	[tilespmem:v46+s3+$0x0] =	vst.idx.add.f32.msk vm4, v1  }
0x1fa: {  	[tilespmem:s14], [sflag:$0x2] =	stream.linear.gather [hbm4b:s7+s3], $0x4000, $0x38;
	[tilespmem:$0x18100] =	vst v63  }
0x1fb: {  	_ =	swait.ge [sflag:s15], $0x4000  }
0x1fc: {  	[sflag:s15] =	ssyncset.done $0x0  }
0x1fd: {  	s20 =	simm.s32 $0x10080;
	[sflag:s15] =	ssyncadd.s32 $0xFFFFC000  }
0x1fe: {  	v21 =	vld [tilespmem:s20+$0xFFFFFF80];
	_ =	sdelay $0x4  }
0x1ff: {  	v26 =	vshra.s32 v21, $0x10  }
0x200: {  	v59 =	vand.u32 $0xFF80, v21;
	vm1 =	veq.s32 v26, v2  }
0x201: {  	v60 =	vand.u32 $0x7F, v21;
	v45 =	vnsel vm1, $0x0, v59  }
0x202: {  	v61 =	vld [tilespmem:s20+$0x0];
	v45 =	vor.u32 v60, v45;
	_ =	sdelay $0x4  }
0x203: {  	v62 =	vshra.s32 v61, $0x10;
	[tilespmem:v45+s3+$0x0] =	vst.idx.add.f32.msk vm1, v1  }
0x204: {  	v63 =	vand.u32 $0xFF80, v61;
	vm1 =	veq.s32 v62, v2;
	v48 =	vld [tilespmem:s20+$0xFFFFFF90]  }
0x205: {  	v49 =	vand.u32 $0x7F, v61;
	v45 =	vnsel vm1, $0x0, v63  }
0x206: {  	v3 =	vnsel vm0, $0x0, v3;
	v45 =	vor.u32 v49, v45  }
0x207: {  	v10 =	vadd.f32 v3, v10;
	v3 =	vmul.f32 v3, v3  }
0x208: {  	v9 =	vadd.f32 v9, v31;
	vm0 =	vgt.s32 v22, v2;
	vm3 =	vgt.s32 v38, v2  }
0x209: {  	v3 =	vadd.f32 v3, v8;
	v22 =	vnsel vm3, $0x0, v37;
	v51 =	vshra.s32 v48, $0x10  }
0x20a: {  	v8 =	vadd.f32 v22, v10;
	v31 =	vand.u32 $0xFF80, v48;
	vm2 =	veq.s32 v51, v2  }
0x20b: {  	v10 =	vmul.f32 v22, v22;
	v52 =	vand.u32 $0x7F, v48;
	[tilespmem:v45+s3+$0x0] =	vst.idx.add.f32.msk vm1, v1;
	v31 =	vnsel vm2, $0x0, v31  }
0x20c: {  	v53 =	vld [tilespmem:s20+$0x10];
	v31 =	vor.u32 v52, v31  }
0x20d: {  	v3 =	vadd.f32 v10, v3  }
0x20e: {  	v20 =	vadd.f32 v20, v36;
	vm5 =	vgt.s32 v43, v2  }
0x20f: {  	v6 =	vadd.f32 v6, v8;
	v3 =	vadd.f32 v4, v3;
	vm1 =	vgt.s32 v33, v2  }
0x210: {  	vm4 =	vgt.s32 v42, v2;
	v23 =	vnsel vm1, $0x0, v23;
	vm1 =	vgt.s32 v24, v2  }
0x211: {  	v24 =	vmul.f32 v5, v5;
	v54 =	vmul.f32 v23, v23;
	v8 =	vshra.s32 v53, $0x10;
	[tilespmem:v31+s3+$0x0] =	vst.idx.add.f32.msk vm2, v1  }
0x212: {  	v9 =	vadd.f32 v23, v9;
	v10 =	vand.u32 $0xFF80, v53;
	vm3 =	veq.s32 v8, v2;
	v22 =	vld [tilespmem:s20+$0xFFFFFFA0]  }
0x213: {  	vm2 =	vgt.s32 v39, v2;
	v4 =	vnsel vm3, $0x0, v10;
	v10 =	vand.u32 $0x7F, v53  }
0x214: {  	v20 =	vadd.f32 v54, v20;
	v23 =	vnsel vm2, $0x0, v34;
	v4 =	vor.u32 v10, v4  }
0x215: {  	vm2 =	vgt.s32 v41, v2;
	v10 =	vmul.f32 v7, v7;
	v6 =	vadd.f32 v23, v6  }
0x216: {  	v23 =	vmul.f32 v23, v23;
	v7 =	vadd.f32 v7, v16;
	v16 =	vnsel vm2, $0x0, v40  }
0x217: {  	v10 =	vadd.f32 v10, v17;
	v17 =	vmul.f32 v16, v16;
	v31 =	vshra.s32 v22, $0x10  }
0x218: {  	v7 =	vadd.f32 v16, v7;
	v16 =	vand.u32 $0xFF80, v22;
	vm2 =	veq.s32 v31, v2  }
0x219: {  	v10 =	vadd.f32 v17, v10;
	[tilespmem:v4+s3+$0x0] =	vst.idx.add.f32.msk vm3, v1;
	v4 =	vnsel vm2, $0x0, v16;
	v16 =	vand.u32 $0x7F, v22  }
0x21a: {  	v17 =	vadd.f32 v23, v3;
	v5 =	vadd.f32 v5, v7;
	v3 =	vor.u32 v16, v4;
	v4 =	vld [tilespmem:s20+$0x20]  }
0x21b: {  	vm3 =	vgt.s32 v14, v2;
	v14 =	vnsel vm0, $0x0, v18;
	vm0 =	vgt.s32 v44, v2  }
0x21c: {  	v7 =	vadd.f32 v24, v10;
	v10 =	vadd.f32 v11, v15;
	v11 =	vmul.f32 v11, v11  }
0x21d: {  	v15 =	vnsel vm1, $0x0, v19;
	v12 =	vnsel vm3, $0x0, v12;
	v9 =	vadd.f32 v14, v9  }
0x21e: {  	v16 =	vnsel vm4, $0x0, v28;
	v11 =	vadd.f32 v11, v13;
	v13 =	vnsel vm5, $0x0, v32  }
0x21f: {  	v5 =	vadd.f32 v16, v5;
	v18 =	vmul.f32 v13, v13;
	v23 =	vshra.s32 v4, $0x10;
	[tilespmem:v3+s3+$0x0] =	vst.idx.add.f32.msk vm2, v1  }
0x220: {  	v3 =	vadd.f32 v13, v10;
	v10 =	vand.u32 $0xFF80, v4;
	vm1 =	veq.s32 v23, v2;
	v19 =	vld [tilespmem:s20+$0xFFFFFFB0]  }
0x221: {  	v11 =	vadd.f32 v18, v11;
	v13 =	vand.u32 $0x7F, v4;
	v10 =	vnsel vm1, $0x0, v10  }
0x222: {  	v18 =	vnsel vm0, $0x0, v27;
	vm0 =	vgt.s32 v35, v2;
	v10 =	vor.u32 v13, v10  }
0x223: {  	v3 =	vadd.f32 v12, v3;
	v13 =	vmul.f32 v12, v12;
	v12 =	vmul.f32 v14, v14  }
0x224: {  	v16 =	vmul.f32 v16, v16;
	v28 =	vmul.f32 v18, v18;
	v14 =	vnsel vm0, $0x0, v30  }
0x225: {  	v24 =	vmul.f32 v14, v14;
	v12 =	vadd.f32 v12, v20;
	v20 =	vshra.s32 v19, $0x10  }
0x226: {  	v9 =	vadd.f32 v14, v9;
	v27 =	vand.u32 $0xFF80, v19;
	vm0 =	veq.s32 v20, v2  }
0x227: {  	v11 =	vadd.f32 v13, v11;
	[tilespmem:v10+s3+$0x0] =	vst.idx.add.f32.msk vm1, v1;
	v10 =	vand.u32 $0x7F, v19;
	v14 =	vnsel vm0, $0x0, v27  }
0x228: {  	v7 =	vadd.f32 v16, v7;
	v9 =	vadd.f32 v15, v9;
	v10 =	vor.u32 v10, v14  }
0x229: {  	v12 =	vadd.f32 v24, v12;
	v11 =	vadd.f32 v28, v11;
	v16 =	vld [tilespmem:s20+$0x30]  }
0x22a: {  	vm3 =	vgt.s32 v20, v2;
	v27 =	vmul.f32 v15, v15;
	vm1 =	vgt.s32 v29, v2  }
0x22b: {  	v19 =	vnsel vm3, $0x0, v19;
	v13 =	vnsel vm1, $0x0, v25;
	v14 =	vadd.f32 v18, v3  }
0x22c: {  	vm1 =	vgt.s32 v62, v2;
	v3 =	vadd.f32 v27, v12;
	v12 =	vmul.f32 v13, v13  }
0x22d: {  	v15 =	vadd.f32 v13, v9;
	v9 =	vnsel vm1, $0x0, v61;
	vm1 =	vgt.s32 v51, v2;
	[tilespmem:v10+s3+$0x0] =	vst.idx.add.f32.msk vm0, v1  }
0x22e: {  	s19 =	simm.s32 $0x10180;
	v18 =	vnsel vm1, $0x0, v48;
	v13 =	vadd.f32 v12, v3;
	v10 =	vshra.s32 v16, $0x10;
	v24 =	vld [tilespmem:s20+$0xFFFFFFC0]  }
0x22f: {  	vm0 =	vgt.s32 v8, v2;
	v3 =	vand.u32 $0xFF80, v16;
	v8 =	vld [tilespmem:s19+$0x0];
	vm2 =	veq.s32 v10, v2  }
0x230: {  	vm1 =	vgt.s32 v26, v2;
	v28 =	vand.u32 $0x7F, v16;
	v27 =	vnsel vm2, $0x0, v3;
	v3 =	vld [tilespmem:s19+$0xFFFFFF80]  }
0x231: {  	v63 =	vmul.f32 v19, v19;
	v20 =	vnsel vm1, $0x0, v21;
	v26 =	vor.u32 v28, v27  }
0x232: {  	v5 =	vadd.f32 v18, v5;
	v25 =	vnsel vm0, $0x0, v53;
	vm0 =	vgt.s32 v31, v2  }
0x233: {  	v22 =	vnsel vm0, $0x0, v22;
	vm0 =	vgt.s32 v10, v2;
	v10 =	vshra.s32 v24, $0x10  }
0x234: {  	v29 =	vshra.s32 v8, $0x10;
	v27 =	vand.u32 $0xFF80, v24;
	vm1 =	veq.s32 v10, v2  }
0x235: {  	v21 =	vshra.s32 v3, $0x10;
	v30 =	vand.u32 $0xFF80, v3;
	v31 =	vand.u32 $0x7F, v3  }
0x236: {  	vm3 =	veq.s32 v21, v2;
	[tilespmem:v26+s3+$0x0] =	vst.idx.add.f32.msk vm2, v1;
	v26 =	vand.u32 $0x7F, v24;
	v27 =	vnsel vm1, $0x0, v27  }
0x237: {  	vm4 =	vgt.s32 v10, v2;
	v30 =	vnsel vm3, $0x0, v30;
	v10 =	vor.u32 v26, v27  }
0x238: {  	v28 =	vand.u32 $0xFF80, v8;
	vm2 =	veq.s32 v29, v2;
	v55 =	vld [tilespmem:s20+$0x40];
	v30 =	vor.u32 v31, v30  }
0x239: {  	v6 =	vadd.f32 v20, v6;
	v28 =	vnsel vm2, $0x0, v28;
	v31 =	vand.u32 $0x7F, v8  }
0x23a: {  	v20 =	vmul.f32 v20, v20;
	v24 =	vnsel vm4, $0x0, v24;
	v26 =	vor.u32 v31, v28  }
0x23b: {  	v12 =	vmul.f32 v9, v9;
	v32 =	vadd.f32 v63, v13;
	v6 =	vadd.f32 v24, v6  }
0x23c: {  	v17 =	vadd.f32 v20, v17;
	v24 =	vmul.f32 v24, v24;
	[tilespmem:v10+s3+$0x0] =	vst.idx.add.f32.msk vm1, v1  }
0x23d: {  	v27 =	vmul.f32 v18, v18;
	v6 =	vadd.f32 v9, v6;
	v20 =	vshra.s32 v55, $0x10;
	[tilespmem:v30+s3+$0x0] =	vst.idx.add.f32.msk vm3, v1  }
0x23e: {  	v17 =	vadd.f32 v24, v17;
	v9 =	vand.u32 $0xFF80, v55;
	vm3 =	veq.s32 v20, v2;
	v30 =	vld [tilespmem:s19+$0xFFFFFF90]  }
0x23f: {  	vm4 =	vgt.s32 v20, v2;
	v20 =	vand.u32 $0x7F, v55;
	v9 =	vnsel vm3, $0x0, v9;
	[tilespmem:v26+s3+$0x0] =	vst.idx.add.f32.msk vm2, v1  }
0x240: {  	v12 =	vadd.f32 v12, v17;
	v24 =	vnsel vm4, $0x0, v55;
	v20 =	vor.u32 v20, v9;
	v17 =	vld [tilespmem:s19+$0x10]  }
0x241: {  	v9 =	vnsel vm0, $0x0, v16;
	v10 =	vadd.f32 v24, v6;
	v16 =	vmul.f32 v24, v24;
	v24 =	vld [tilespmem:s20+$0xFFFFFFD0]  }
0x242: {  	v18 =	vadd.f32 v27, v7;
	vm1 =	vgt.s32 v23, v2;
	vm0 =	vgt.s32 v29, v2  }
0x243: {  	v26 =	vnsel vm1, $0x0, v4;
	v6 =	vnsel vm0, $0x0, v8;
	v8 =	vadd.f32 v16, v12  }
0x244: {  	v29 =	vshra.s32 v30, $0x10;
	v12 =	vand.u32 $0xFF80, v30;
	v16 =	vand.u32 $0x7F, v30  }
0x245: {  	vm0 =	veq.s32 v29, v2;
	[tilespmem:v20+s3+$0x0] =	vst.idx.add.f32.msk vm3, v1;
	v27 =	vshra.s32 v17, $0x10;
	v31 =	vand.u32 $0xFF80, v17  }
0x246: {  	v56 =	vand.u32 $0x7F, v24;
	v57 =	vand.u32 $0x7F, v17;
	v12 =	vnsel vm0, $0x0, v12;
	v20 =	vld [tilespmem:s20+$0x50]  }
0x247: {  	vm2 =	veq.s32 v27, v2;
	v7 =	vor.u32 v16, v12;
	v12 =	vshra.s32 v24, $0x10  }
0x248: {  	v16 =	vand.u32 $0xFF80, v24;
	v31 =	vnsel vm2, $0x0, v31;
	vm1 =	veq.s32 v12, v2  }
0x249: {  	vm3 =	vgt.s32 v29, v2;
	v29 =	vor.u32 v57, v31;
	v16 =	vnsel vm1, $0x0, v16  }
0x24a: {  	v28 =	vmul.f32 v22, v22;
	v22 =	vadd.f32 v22, v14;
	v16 =	vor.u32 v56, v16  }
0x24b: {  	v23 =	vmul.f32 v25, v25;
	v4 =	vmul.f32 v6, v6;
	v31 =	vshra.s32 v20, $0x10  }
0x24c: {  	[tilespmem:v7+s3+$0x0] =	vst.idx.add.f32.msk vm0, v1;
	v7 =	vnsel vm3, $0x0, v30;
	vm0 =	veq.s32 v31, v2;
	v30 =	vand.u32 $0xFF80, v20  }
0x24d: {  	vm3 =	vgt.s32 v12, v2;
	v58 =	vld [tilespmem:s19+$0xFFFFFFA0];
	v12 =	vnsel vm0, $0x0, v30;
	v30 =	vand.u32 $0x7F, v20  }
0x24e: {  	v24 =	vnsel vm3, $0x0, v24;
	vm3 =	vgt.s32 v31, v2;
	[tilespmem:v29+s3+$0x0] =	vst.idx.add.f32.msk vm2, v1;
	v30 =	vor.u32 v30, v12  }
0x24f: {  	v12 =	vadd.f32 v24, v5;
	[tilespmem:v16+s3+$0x0] =	vst.idx.add.f32.msk vm1, v1;
	v16 =	vmul.f32 v24, v24  }
0x250: {  	v31 =	vmul.f32 v26, v26;
	v24 =	vnsel vm3, $0x0, v20;
	vm1 =	vgt.s32 v27, v2;
	v27 =	vld [tilespmem:s20+$0xFFFFFFE0]  }
0x251: {  	v5 =	vnsel vm1, $0x0, v17;
	v17 =	vadd.f32 v25, v12;
	v12 =	vld [tilespmem:s19+$0x20];
	v16 =	vadd.f32 v16, v18  }
0x252: {  	v20 =	vmul.f32 v9, v9;
	v25 =	vadd.f32 v28, v11;
	v18 =	vshra.s32 v58, $0x10  }
0x253: {  	v14 =	vand.u32 $0xFF80, v58;
	vm1 =	veq.s32 v18, v2;
	v23 =	vadd.f32 v23, v16  }
0x254: {  	[tilespmem:v30+s3+$0x0] =	vst.idx.add.f32.msk vm0, v1;
	v16 =	vand.u32 $0x7F, v58;
	vm4 =	vgt.s32 v18, v2;
	v14 =	vnsel vm1, $0x0, v14  }
0x255: {  	v28 =	vld [tilespmem:s20+$0x60];
	v11 =	vor.u32 v16, v14;
	v14 =	vshra.s32 v27, $0x10;
	v16 =	vand.u32 $0xFF80, v27  }
0x256: {  	v29 =	vand.u32 $0x7F, v27;
	v60 =	vand.u32 $0xFF80, v12;
	vm0 =	veq.s32 v14, v2  }
0x257: {  	vm2 =	vgt.s32 v14, v2;
	v14 =	vshra.s32 v12, $0x10;
	v16 =	vnsel vm0, $0x0, v16  }
0x258: {  	vm3 =	veq.s32 v14, v2;
	v27 =	vnsel vm2, $0x0, v27;
	v16 =	vor.u32 v29, v16  }
0x259: {  	v30 =	vand.u32 $0x7F, v12;
	v18 =	vnsel vm3, $0x0, v60;
	v61 =	vmul.f32 v27, v27  }
0x25a: {  	v22 =	vadd.f32 v27, v22;
	v29 =	vshra.s32 v28, $0x10;
	v30 =	vor.u32 v30, v18  }
0x25b: {  	[tilespmem:v11+s3+$0x0] =	vst.idx.add.f32.msk vm1, v1;
	vm1 =	veq.s32 v29, v2;
	vm2 =	vgt.s32 v29, v2;
	v29 =	vand.u32 $0xFF80, v28  }
0x25c: {  	v62 =	vand.u32 $0x7F, v28;
	v25 =	vadd.f32 v61, v25;
	v18 =	vld [tilespmem:s19+$0xFFFFFFB0];
	v29 =	vnsel vm1, $0x0, v29  }
0x25d: {  	v59 =	vmul.f32 v24, v24;
	v27 =	vor.u32 v62, v29;
	[tilespmem:v16+s3+$0x0] =	vst.idx.add.f32.msk vm0, v1  }
0x25e: {  	v26 =	vadd.f32 v26, v22;
	v28 =	vnsel vm2, $0x0, v28;
	v25 =	vadd.f32 v31, v25;
	v29 =	vld [tilespmem:s20+$0xFFFFFFF0]  }
0x25f: {  	v16 =	vadd.f32 v24, v17;
	v24 =	vmul.f32 v28, v28;
	[tilespmem:v30+s3+$0x0] =	vst.idx.add.f32.msk vm3, v1  }
0x260: {  	v11 =	vnsel vm4, $0x0, v58;
	v17 =	vadd.f32 v59, v23;
	v30 =	vadd.f32 v19, v15;
	v19 =	vld [tilespmem:s19+$0x30]  }
0x261: {  	v15 =	vadd.f32 v28, v26;
	v13 =	vadd.f32 v24, v25;
	v22 =	vshra.s32 v18, $0x10  }
0x262: {  	v23 =	vand.u32 $0xFF80, v18;
	v26 =	vand.u32 $0x7F, v18;
	vm3 =	veq.s32 v22, v2;
	[tilespmem:v27+s3+$0x0] =	vst.idx.add.f32.msk vm1, v1  }
0x263: {  	v24 =	vnsel vm3, $0x0, v23;
	v23 =	vld [tilespmem:s20+$0x70];
	v27 =	vshra.s32 v29, $0x10;
	v28 =	vand.u32 $0xFF80, v29  }
0x264: {  	v25 =	vor.u32 v26, v24;
	vm1 =	veq.s32 v27, v2;
	vm0 =	vgt.s32 v27, v2  }
0x265: {  	v24 =	vshra.s32 v19, $0x10;
	v26 =	vnsel vm1, $0x0, v28;
	v28 =	vnsel vm0, $0x0, v29  }
0x266: {  	v27 =	vand.u32 $0x7F, v29;
	vm2 =	veq.s32 v24, v2;
	v29 =	vmul.f32 v28, v28  }
0x267: {  	vm0 =	vgt.s32 v21, v2;
	v26 =	vor.u32 v27, v26;
	v27 =	vand.u32 $0xFF80, v19  }
0x268: {  	s21 =	simm.s32 $0x10280;
	s20 =	simm.s32 $0x2;
	v31 =	vadd.f32 v28, v30;
	v33 =	vshra.s32 v23, $0x10;
	v34 =	vadd.f32 v29, v32  }
.LBB2_8:
0x269: {  	s20 =	sadd.s32 $0x2, s20;
	[tilespmem:v25+s3+$0x0] =	vst.idx.add.f32.msk vm3, v1;
	v21 =	vnsel vm2, $0x0, v27;
	vm4 =	veq.s32 v33, v2;
	v25 =	vand.u32 $0xFF80, v23  }
0x26a: {  	v28 =	vand.u32 $0x7F, v23;
	p0 =	slt.u32 s20, $0x7E;
	v27 =	vld [tilespmem:s19+$0xFFFFFFC0];
	v20 =	vadd.f32 v20, v34;
	v25 =	vnsel vm4, $0x0, v25  }
0x26b: {  	vm5 =	vgt.s32 v22, v2;
	vm3 =	vgt.s32 v24, v2;
	v29 =	vld [tilespmem:s21+$0x0];
	v24 =	vor.u32 v28, v25  }
0x26c: {  	v22 =	vand.u32 $0x7F, v19;
	v9 =	vadd.f32 v9, v31;
	vm6 =	vgt.s32 v33, v2;
	v25 =	vld [tilespmem:s21+$0xFFFFFF80]  }
0x26d: {  	v3 =	vnsel vm0, $0x0, v3;
	v28 =	vor.u32 v22, v21;
	v21 =	vnsel vm6, $0x0, v23;
	[tilespmem:v26+s3+$0x0] =	vst.idx.add.f32.msk vm1, v1  }
0x26e: {  	v22 =	vnsel vm5, $0x0, v18;
	v23 =	vadd.f32 v21, v9;
	v9 =	vmul.f32 v21, v21  }
0x26f: {  	v10 =	vadd.f32 v3, v10;
	v18 =	vshra.s32 v27, $0x10;
	v26 =	vand.u32 $0xFF80, v27  }
0x270: {  	v31 =	vmul.f32 v3, v3;
	v30 =	vand.u32 $0xFF80, v29;
	vm0 =	veq.s32 v18, v2;
	[tilespmem:v24+s3+$0x0] =	vst.idx.add.f32.msk vm4, v1  }
0x271: {  	v32 =	vshra.s32 v29, $0x10;
	v24 =	vadd.f32 v9, v20;
	v21 =	vshra.s32 v25, $0x10;
	v3 =	vmovc v25  }
0x272: {  	v20 =	vand.u32 $0x7F, v27;
	vm1 =	veq.s32 v21, v2;
	v9 =	vand.u32 $0xFF80, v3;
	[tilespmem:v28+s3+$0x0] =	vst.idx.add.f32.msk vm2, v1  }
0x273: {  	v26 =	vnsel vm0, $0x0, v26;
	v25 =	vand.u32 $0x7F, v3;
	v9 =	vnsel vm1, $0x0, v9;
	v28 =	vld [tilespmem:s19+$0x40]  }
0x274: {  	vm2 =	veq.s32 v32, v2;
	v20 =	vor.u32 v20, v26;
	v25 =	vor.u32 v25, v9  }
0x275: {  	vm4 =	vgt.s32 v18, v2;
	v26 =	vand.u32 $0x7F, v29;
	v9 =	vnsel vm2, $0x0, v30  }
0x276: {  	v18 =	vor.u32 v26, v9;
	v26 =	vmul.f32 v7, v7;
	v9 =	vnsel vm4, $0x0, v27  }
0x277: {  	v10 =	vadd.f32 v9, v10;
	v27 =	vmul.f32 v9, v9;
	v9 =	vnsel vm3, $0x0, v19  }
0x278: {  	v8 =	vadd.f32 v31, v8;
	v19 =	vmul.f32 v11, v11;
	v30 =	vshra.s32 v28, $0x10  }
0x279: {  	v6 =	vadd.f32 v6, v10;
	v10 =	vand.u32 $0xFF80, v28;
	[tilespmem:v25+s3+$0x0] =	vst.idx.add.f32.msk vm1, v1;
	vm1 =	veq.s32 v30, v2  }
0x27a: {  	vm3 =	vgt.s32 v30, v2;
	v30 =	vand.u32 $0x7F, v28;
	v25 =	vld [tilespmem:s21+$0xFFFFFF90];
	v10 =	vnsel vm1, $0x0, v10  }
0x27b: {  	v8 =	vadd.f32 v27, v8;
	v27 =	vnsel vm3, $0x0, v28;
	[tilespmem:v18+s3+$0x0] =	vst.idx.add.f32.msk vm2, v1;
	v18 =	vor.u32 v30, v10  }
0x27c: {  	v10 =	vadd.f32 v27, v6;
	[tilespmem:v20+s3+$0x0] =	vst.idx.add.f32.msk vm0, v1;
	v20 =	vmul.f32 v27, v27  }
0x27d: {  	v8 =	vadd.f32 v4, v8;
	vm2 =	vgt.s32 v14, v2;
	vm0 =	vgt.s32 v32, v2;
	v27 =	vld [tilespmem:s19+$0xFFFFFFD0]  }
0x27e: {  	v28 =	vmul.f32 v5, v5;
	v6 =	vnsel vm0, $0x0, v29;
	v29 =	vnsel vm2, $0x0, v12;
	v14 =	vld [tilespmem:s21+$0x10]  }
0x27f: {  	v4 =	vmul.f32 v6, v6;
	v8 =	vadd.f32 v20, v8;
	v12 =	vshra.s32 v25, $0x10  }
0x280: {  	v16 =	vadd.f32 v7, v16;
	v20 =	vand.u32 $0xFF80, v25;
	vm2 =	veq.s32 v12, v2;
	[tilespmem:v18+s3+$0x0] =	vst.idx.add.f32.msk vm1, v1  }
0x281: {  	v17 =	vadd.f32 v26, v17;
	v18 =	vand.u32 $0x7F, v25;
	v7 =	vnsel vm2, $0x0, v20;
	v20 =	vld [tilespmem:s19+$0x50]  }
0x282: {  	v7 =	vor.u32 v18, v7;
	v18 =	vshra.s32 v27, $0x10;
	v26 =	vand.u32 $0xFF80, v27  }
0x283: {  	v30 =	vshra.s32 v14, $0x10;
	v31 =	vand.u32 $0xFF80, v14;
	vm3 =	veq.s32 v18, v2  }
0x284: {  	v32 =	vand.u32 $0x7F, v27;
	vm0 =	veq.s32 v30, v2;
	v26 =	vnsel vm3, $0x0, v26  }
0x285: {  	v33 =	vand.u32 $0x7F, v14;
	v31 =	vnsel vm0, $0x0, v31;
	v26 =	vor.u32 v32, v26  }
0x286: {  	vm1 =	vgt.s32 v12, v2;
	v12 =	vor.u32 v33, v31;
	v31 =	vshra.s32 v20, $0x10  }
0x287: {  	[tilespmem:v7+s3+$0x0] =	vst.idx.add.f32.msk vm2, v1;
	v7 =	vnsel vm1, $0x0, v25;
	vm1 =	veq.s32 v31, v2;
	v25 =	vand.u32 $0xFF80, v20  }
0x288: {  	vm2 =	vgt.s32 v18, v2;
	v32 =	vld [tilespmem:s21+$0xFFFFFFA0];
	v18 =	vnsel vm1, $0x0, v25;
	v25 =	vand.u32 $0x7F, v20  }
0x289: {  	v27 =	vnsel vm2, $0x0, v27;
	vm2 =	vgt.s32 v31, v2;
	v18 =	vor.u32 v25, v18  }
0x28a: {  	v16 =	vadd.f32 v27, v16;
	v25 =	vmul.f32 v27, v27;
	[tilespmem:v26+s3+$0x0] =	vst.idx.add.f32.msk vm3, v1;
	v26 =	vnsel vm2, $0x0, v20  }
0x28b: {  	vm2 =	vgt.s32 v30, v2;
	v30 =	vmul.f32 v29, v29;
	v27 =	vld [tilespmem:s19+$0xFFFFFFE0];
	v31 =	vmul.f32 v26, v26  }
0x28c: {  	v17 =	vadd.f32 v25, v17;
	v16 =	vadd.f32 v5, v16;
	v5 =	vnsel vm2, $0x0, v14;
	[tilespmem:v12+s3+$0x0] =	vst.idx.add.f32.msk vm0, v1  }
0x28d: {  	v15 =	vadd.f32 v11, v15;
	v20 =	vmul.f32 v9, v9;
	v25 =	vshra.s32 v32, $0x10;
	v12 =	vld [tilespmem:s21+$0x20]  }
0x28e: {  	v11 =	vand.u32 $0xFF80, v32;
	v17 =	vadd.f32 v28, v17;
	vm2 =	veq.s32 v25, v2;
	[tilespmem:v18+s3+$0x0] =	vst.idx.add.f32.msk vm1, v1  }
0x28f: {  	v13 =	vadd.f32 v19, v13;
	v14 =	vand.u32 $0x7F, v32;
	v11 =	vnsel vm2, $0x0, v11;
	v19 =	vld [tilespmem:s19+$0x60]  }
0x290: {  	v11 =	vor.u32 v14, v11;
	v14 =	vshra.s32 v27, $0x10;
	v18 =	vand.u32 $0xFF80, v27  }
0x291: {  	v28 =	vand.u32 $0x7F, v27;
	vm3 =	veq.s32 v14, v2;
	vm4 =	vgt.s32 v14, v2  }
0x292: {  	v14 =	vshra.s32 v12, $0x10;
	v33 =	vand.u32 $0x7F, v12;
	v18 =	vnsel vm3, $0x0, v18  }
0x293: {  	v34 =	vand.u32 $0xFF80, v12;
	vm0 =	veq.s32 v14, v2;
	v28 =	vor.u32 v28, v18  }
0x294: {  	vm1 =	vgt.s32 v25, v2;
	v18 =	vnsel vm0, $0x0, v34;
	v25 =	vshra.s32 v19, $0x10  }
0x295: {  	[tilespmem:v11+s3+$0x0] =	vst.idx.add.f32.msk vm2, v1;
	v11 =	vnsel vm1, $0x0, v32;
	v32 =	vor.u32 v33, v18;
	vm1 =	veq.s32 v25, v2  }
0x296: {  	v27 =	vnsel vm4, $0x0, v27;
	vm2 =	vgt.s32 v25, v2;
	v25 =	vand.u32 $0xFF80, v19;
	v18 =	vld [tilespmem:s21+$0xFFFFFFB0]  }
0x297: {  	v34 =	vand.u32 $0x7F, v19;
	v33 =	vmul.f32 v27, v27;
	v25 =	vnsel vm1, $0x0, v25  }
0x298: {  	v15 =	vadd.f32 v27, v15;
	v27 =	vnsel vm2, $0x0, v19;
	v25 =	vor.u32 v34, v25;
	[tilespmem:v28+s3+$0x0] =	vst.idx.add.f32.msk vm3, v1  }
0x299: {  	v16 =	vadd.f32 v26, v16;
	v13 =	vadd.f32 v33, v13;
	v26 =	vmul.f32 v27, v27;
	v28 =	vld [tilespmem:s19+$0xFFFFFFF0]  }
0x29a: {  	v17 =	vadd.f32 v31, v17;
	v15 =	vadd.f32 v29, v15;
	v33 =	vmul.f32 v22, v22  }
0x29b: {  	v31 =	vadd.f32 v22, v23;
	v13 =	vadd.f32 v30, v13;
	v29 =	vand.u32 $0xFF80, v18;
	[tilespmem:v32+s3+$0x0] =	vst.idx.add.f32.msk vm0, v1  }
0x29c: {  	v15 =	vadd.f32 v27, v15;
	v30 =	vadd.f32 v33, v24;
	v22 =	vshra.s32 v18, $0x10;
	v19 =	vld [tilespmem:s21+$0x30]  }
0x29d: {  	v24 =	vand.u32 $0x7F, v18;
	v13 =	vadd.f32 v26, v13;
	vm3 =	veq.s32 v22, v2;
	[tilespmem:v25+s3+$0x0] =	vst.idx.add.f32.msk vm1, v1  }
0x29e: {  	v25 =	vnsel vm3, $0x0, v29;
	v26 =	vshra.s32 v28, $0x10;
	v27 =	vand.u32 $0xFF80, v28;
	v23 =	vld [tilespmem:s19+$0x70];
	s19 =	smov.u32 s21  }
.Ltmp3:
0x29f: {  	v25 =	vor.u32 v24, v25;
	vm1 =	veq.s32 v26, v2;
	vm0 =	vgt.s32 v26, v2;
	(pc) =	sbr.rel @p0 .LBB2_8-.Ltmp3, $4  }
0x2a0: {  	v26 =	vnsel vm1, $0x0, v27;
	v27 =	vand.u32 $0x7F, v28;
	v28 =	vnsel vm0, $0x0, v28  }
0x2a1: {  	v24 =	vshra.s32 v19, $0x10;
	v26 =	vor.u32 v27, v26;
	v29 =	vmul.f32 v28, v28  }
0x2a2: {  	v27 =	vand.u32 $0xFF80, v19;
	v31 =	vadd.f32 v28, v31;
	vm2 =	veq.s32 v24, v2  }
0x2a3: {  	s21 =	sadd.s32 $0x100, s21;
	vm0 =	vgt.s32 v21, v2;
	v34 =	vadd.f32 v29, v30;
	v33 =	vshra.s32 v23, $0x10  }
0x2a4: {  	_ = 	snop  }
0x2a5: {  	v21 =	vnsel vm2, $0x0, v27;
	v27 =	vand.u32 $0x7F, v19  }
0x2a6: {  	v21 =	vor.u32 v27, v21;
	_ =	sdelay $0x2  }
0x2a7: {  	[tilespmem:v25+s3+$0x0] =	vst.idx.add.f32.msk vm3, v1  }
0x2a8: {  	v35 =	vld [tilespmem:s19+$0xFFFFFFC0]  }
0x2a9: {  	[tilespmem:v21+s3+$0x0] =	vst.idx.add.f32.msk vm2, v1  }
0x2aa: {  	v36 =	vld [tilespmem:s19+$0x40];
	_ =	sdelay $0x2  }
0x2ab: {  	v37 =	vshra.s32 v35, $0x10  }
0x2ac: {  	v21 =	vand.u32 $0xFF80, v35;
	vm2 =	veq.s32 v37, v2  }
0x2ad: {  	v25 =	vand.u32 $0x7F, v35;
	v21 =	vnsel vm2, $0x0, v21;
	v38 =	vshra.s32 v36, $0x10  }
0x2ae: {  	v21 =	vor.u32 v25, v21;
	v25 =	vand.u32 $0xFF80, v36;
	vm3 =	veq.s32 v38, v2  }
0x2af: {  	v27 =	vand.u32 $0x7F, v36;
	v25 =	vnsel vm3, $0x0, v25  }
0x2b0: {  	v25 =	vor.u32 v27, v25;
	_ =	sdelay $0x2  }
0x2b1: {  	[tilespmem:v21+s3+$0x0] =	vst.idx.add.f32.msk vm2, v1  }
0x2b2: {  	v39 =	vld [tilespmem:s19+$0xFFFFFFD0]  }
0x2b3: {  	[tilespmem:v25+s3+$0x0] =	vst.idx.add.f32.msk vm3, v1  }
0x2b4: {  	v28 =	vld [tilespmem:s19+$0x50];
	_ =	sdelay $0x2  }
0x2b5: {  	v40 =	vshra.s32 v39, $0x10  }
0x2b6: {  	v21 =	vand.u32 $0xFF80, v39;
	vm2 =	veq.s32 v40, v2  }
0x2b7: {  	v25 =	vand.u32 $0x7F, v39;
	v21 =	vnsel vm2, $0x0, v21;
	v41 =	vshra.s32 v28, $0x10  }
0x2b8: {  	v21 =	vor.u32 v25, v21;
	v25 =	vand.u32 $0xFF80, v28;
	vm3 =	veq.s32 v41, v2  }
0x2b9: {  	v27 =	vand.u32 $0x7F, v28;
	v25 =	vnsel vm3, $0x0, v25  }
0x2ba: {  	v25 =	vor.u32 v27, v25;
	_ =	sdelay $0x2  }
0x2bb: {  	[tilespmem:v21+s3+$0x0] =	vst.idx.add.f32.msk vm2, v1  }
0x2bc: {  	v32 =	vld [tilespmem:s19+$0xFFFFFFE0]  }
0x2bd: {  	[tilespmem:v25+s3+$0x0] =	vst.idx.add.f32.msk vm3, v1  }
0x2be: {  	v27 =	vld [tilespmem:s19+$0x60];
	_ =	sdelay $0x2  }
0x2bf: {  	v42 =	vshra.s32 v32, $0x10  }
0x2c0: {  	v21 =	vand.u32 $0xFF80, v32;
	vm2 =	veq.s32 v42, v2  }
0x2c1: {  	v25 =	vand.u32 $0x7F, v32;
	v21 =	vnsel vm2, $0x0, v21;
	v43 =	vshra.s32 v27, $0x10  }
0x2c2: {  	v21 =	vor.u32 v25, v21;
	v25 =	vand.u32 $0xFF80, v27;
	vm3 =	veq.s32 v43, v2  }
0x2c3: {  	v29 =	vand.u32 $0x7F, v27;
	v25 =	vnsel vm3, $0x0, v25  }
0x2c4: {  	v25 =	vor.u32 v29, v25;
	_ =	sdelay $0x2  }
0x2c5: {  	[tilespmem:v21+s3+$0x0] =	vst.idx.add.f32.msk vm2, v1  }
0x2c6: {  	v30 =	vld [tilespmem:s19+$0xFFFFFFF0]  }
0x2c7: {  	[tilespmem:v25+s3+$0x0] =	vst.idx.add.f32.msk vm3, v1  }
0x2c8: {  	v25 =	vld [tilespmem:s19+$0x70];
	_ =	sdelay $0x1  }
0x2c9: {  	vm2 =	veq.s32 v33, v2;
	v21 =	vand.u32 $0xFF80, v23  }
0x2ca: {  	v21 =	vnsel vm2, $0x0, v21;
	v29 =	vand.u32 $0x7F, v23  }
0x2cb: {  	v21 =	vor.u32 v29, v21;
	v44 =	vshra.s32 v30, $0x10;
	v45 =	vand.u32 $0xFF80, v30  }
0x2cc: {  	v46 =	vand.u32 $0x7F, v30;
	vm3 =	veq.s32 v44, v2;
	v29 =	vshra.s32 v25, $0x10  }
0x2cd: {  	v45 =	vnsel vm3, $0x0, v45;
	v47 =	vand.u32 $0xFF80, v25;
	vm4 =	veq.s32 v29, v2  }
0x2ce: {  	v45 =	vor.u32 v46, v45;
	v57 =	vand.u32 $0x7F, v25;
	v56 =	vnsel vm4, $0x0, v47  }
0x2cf: {  	v46 =	vor.u32 v57, v56;
	_ =	sdelay $0x1  }
0x2d0: {  	[tilespmem:v26+s3+$0x0] =	vst.idx.add.f32.msk vm1, v1  }
0x2d1: {  	[tilespmem:v21+s3+$0x0] =	vst.idx.add.f32.msk vm2, v1  }
0x2d2: {  	[tilespmem:v45+s3+$0x0] =	vst.idx.add.f32.msk vm3, v1  }
0x2d3: {  	[tilespmem:v46+s3+$0x0] =	vst.idx.add.f32.msk vm4, v1  }
0x2d4: {  	_ =	swait.ge [sflag:s16], $0x4000  }
0x2d5: {  	[sflag:s16] =	ssyncset.done $0x0  }
0x2d6: {  	s20 =	simm.s32 $0x14080;
	[sflag:s16] =	ssyncadd.s32 $0xFFFFC000  }
0x2d7: {  	v21 =	vld [tilespmem:s20+$0xFFFFFF80];
	_ =	sdelay $0x4  }
0x2d8: {  	v26 =	vshra.s32 v21, $0x10  }
0x2d9: {  	v58 =	vand.u32 $0xFF80, v21;
	vm1 =	veq.s32 v26, v2  }
0x2da: {  	v59 =	vand.u32 $0x7F, v21;
	v45 =	vnsel vm1, $0x0, v58  }
0x2db: {  	v60 =	vld [tilespmem:s20+$0x0];
	v45 =	vor.u32 v59, v45;
	_ =	sdelay $0x4  }
0x2dc: {  	v61 =	vshra.s32 v60, $0x10;
	[tilespmem:v45+s3+$0x0] =	vst.idx.add.f32.msk vm1, v1  }
0x2dd: {  	v62 =	vand.u32 $0xFF80, v60;
	vm1 =	veq.s32 v61, v2;
	v48 =	vld [tilespmem:s20+$0xFFFFFF90]  }
0x2de: {  	v49 =	vand.u32 $0x7F, v60;
	v45 =	vnsel vm1, $0x0, v62  }
0x2df: {  	v3 =	vnsel vm0, $0x0, v3;
	v45 =	vor.u32 v49, v45  }
0x2e0: {  	v10 =	vadd.f32 v3, v10;
	v3 =	vmul.f32 v3, v3  }
0x2e1: {  	v9 =	vadd.f32 v9, v31;
	vm0 =	vgt.s32 v22, v2;
	vm3 =	vgt.s32 v37, v2  }
0x2e2: {  	v3 =	vadd.f32 v3, v8;
	v22 =	vnsel vm3, $0x0, v35;
	v63 =	vshra.s32 v48, $0x10  }
0x2e3: {  	v8 =	vadd.f32 v22, v10;
	v31 =	vand.u32 $0xFF80, v48;
	vm2 =	veq.s32 v63, v2  }
0x2e4: {  	v10 =	vmul.f32 v22, v22;
	v49 =	vand.u32 $0x7F, v48;
	[tilespmem:v45+s3+$0x0] =	vst.idx.add.f32.msk vm1, v1;
	v31 =	vnsel vm2, $0x0, v31  }
0x2e5: {  	v50 =	vld [tilespmem:s20+$0x10];
	v31 =	vor.u32 v49, v31  }
0x2e6: {  	v3 =	vadd.f32 v10, v3  }
0x2e7: {  	v20 =	vadd.f32 v20, v34;
	vm5 =	vgt.s32 v42, v2  }
0x2e8: {  	v6 =	vadd.f32 v6, v8;
	v3 =	vadd.f32 v4, v3;
	vm1 =	vgt.s32 v33, v2  }
0x2e9: {  	vm4 =	vgt.s32 v41, v2;
	v23 =	vnsel vm1, $0x0, v23;
	vm1 =	vgt.s32 v24, v2  }
0x2ea: {  	v24 =	vmul.f32 v5, v5;
	v51 =	vmul.f32 v23, v23;
	v8 =	vshra.s32 v50, $0x10;
	[tilespmem:v31+s3+$0x0] =	vst.idx.add.f32.msk vm2, v1  }
0x2eb: {  	v9 =	vadd.f32 v23, v9;
	v10 =	vand.u32 $0xFF80, v50;
	vm3 =	veq.s32 v8, v2;
	v22 =	vld [tilespmem:s20+$0xFFFFFFA0]  }
0x2ec: {  	vm2 =	vgt.s32 v38, v2;
	v4 =	vnsel vm3, $0x0, v10;
	v10 =	vand.u32 $0x7F, v50  }
0x2ed: {  	v20 =	vadd.f32 v51, v20;
	v23 =	vnsel vm2, $0x0, v36;
	v4 =	vor.u32 v10, v4  }
0x2ee: {  	vm2 =	vgt.s32 v40, v2;
	v10 =	vmul.f32 v7, v7;
	v6 =	vadd.f32 v23, v6  }
0x2ef: {  	v23 =	vmul.f32 v23, v23;
	v7 =	vadd.f32 v7, v16;
	v16 =	vnsel vm2, $0x0, v39  }
0x2f0: {  	v10 =	vadd.f32 v10, v17;
	v17 =	vmul.f32 v16, v16;
	v31 =	vshra.s32 v22, $0x10  }
0x2f1: {  	v7 =	vadd.f32 v16, v7;
	v16 =	vand.u32 $0xFF80, v22;
	vm2 =	veq.s32 v31, v2  }
0x2f2: {  	v10 =	vadd.f32 v17, v10;
	[tilespmem:v4+s3+$0x0] =	vst.idx.add.f32.msk vm3, v1;
	v4 =	vnsel vm2, $0x0, v16;
	v16 =	vand.u32 $0x7F, v22  }
0x2f3: {  	v17 =	vadd.f32 v23, v3;
	v5 =	vadd.f32 v5, v7;
	v3 =	vor.u32 v16, v4;
	v4 =	vld [tilespmem:s20+$0x20]  }
0x2f4: {  	vm3 =	vgt.s32 v14, v2;
	v14 =	vnsel vm0, $0x0, v18;
	vm0 =	vgt.s32 v43, v2  }
0x2f5: {  	v7 =	vadd.f32 v24, v10;
	v10 =	vadd.f32 v11, v15;
	v11 =	vmul.f32 v11, v11  }
0x2f6: {  	v15 =	vnsel vm1, $0x0, v19;
	v12 =	vnsel vm3, $0x0, v12;
	v16 =	vnsel vm4, $0x0, v28  }
0x2f7: {  	v11 =	vadd.f32 v11, v13;
	v13 =	vnsel vm5, $0x0, v32;
	v5 =	vadd.f32 v16, v5  }
0x2f8: {  	v16 =	vmul.f32 v16, v16;
	v18 =	vmul.f32 v13, v13;
	v19 =	vshra.s32 v4, $0x10;
	[tilespmem:v3+s3+$0x0] =	vst.idx.add.f32.msk vm2, v1  }
0x2f9: {  	v3 =	vadd.f32 v13, v10;
	v10 =	vand.u32 $0xFF80, v4;
	vm1 =	veq.s32 v19, v2;
	v23 =	vld [tilespmem:s20+$0xFFFFFFB0]  }
0x2fa: {  	v11 =	vadd.f32 v18, v11;
	v13 =	vand.u32 $0x7F, v4;
	v10 =	vnsel vm1, $0x0, v10  }
0x2fb: {  	v18 =	vnsel vm0, $0x0, v27;
	vm0 =	vgt.s32 v44, v2;
	v10 =	vor.u32 v13, v10  }
0x2fc: {  	v3 =	vadd.f32 v12, v3;
	v13 =	vmul.f32 v12, v12;
	v12 =	vmul.f32 v14, v14  }
0x2fd: {  	v9 =	vadd.f32 v14, v9;
	v7 =	vadd.f32 v16, v7;
	v14 =	vnsel vm0, $0x0, v30  }
0x2fe: {  	v24 =	vmul.f32 v14, v14;
	v12 =	vadd.f32 v12, v20;
	v20 =	vshra.s32 v23, $0x10  }
0x2ff: {  	v9 =	vadd.f32 v14, v9;
	v27 =	vand.u32 $0xFF80, v23;
	vm0 =	veq.s32 v20, v2  }
0x300: {  	v11 =	vadd.f32 v13, v11;
	[tilespmem:v10+s3+$0x0] =	vst.idx.add.f32.msk vm1, v1;
	v10 =	vand.u32 $0x7F, v23;
	v14 =	vnsel vm0, $0x0, v27  }
0x301: {  	v9 =	vadd.f32 v15, v9;
	v12 =	vadd.f32 v24, v12;
	v10 =	vor.u32 v10, v14  }
0x302: {  	vm3 =	vgt.s32 v20, v2;
	v27 =	vmul.f32 v15, v15;
	vm1 =	vgt.s32 v29, v2;
	v16 =	vld [tilespmem:s20+$0x30]  }
0x303: {  	v15 =	vadd.f32 v18, v3;
	v20 =	vnsel vm3, $0x0, v23;
	v14 =	vmul.f32 v18, v18  }
0x304: {  	v13 =	vnsel vm1, $0x0, v25;
	vm1 =	vgt.s32 v61, v2;
	v62 =	vmul.f32 v20, v20  }
0x305: {  	v3 =	vadd.f32 v27, v12;
	v12 =	vmul.f32 v13, v13;
	v11 =	vadd.f32 v14, v11  }
0x306: {  	s19 =	simm.s32 $0x14180;
	v14 =	vadd.f32 v13, v9;
	v9 =	vnsel vm1, $0x0, v60;
	vm1 =	vgt.s32 v63, v2;
	[tilespmem:v10+s3+$0x0] =	vst.idx.add.f32.msk vm0, v1  }
0x307: {  	v13 =	vadd.f32 v12, v3;
	v10 =	vshra.s32 v16, $0x10;
	vm0 =	vgt.s32 v8, v2;
	v8 =	vld [tilespmem:s19+$0x0]  }
0x308: {  	v24 =	vnsel vm1, $0x0, v48;
	v3 =	vand.u32 $0xFF80, v16;
	v25 =	vld [tilespmem:s20+$0xFFFFFFC0];
	vm2 =	veq.s32 v10, v2  }
0x309: {  	vm1 =	vgt.s32 v26, v2;
	v28 =	vand.u32 $0x7F, v16;
	v18 =	vnsel vm2, $0x0, v3;
	v3 =	vld [tilespmem:s19+$0xFFFFFF80]  }
0x30a: {  	v27 =	vnsel vm0, $0x0, v50;
	vm0 =	vgt.s32 v31, v2;
	v26 =	vor.u32 v28, v18  }
0x30b: {  	v5 =	vadd.f32 v24, v5;
	v22 =	vnsel vm0, $0x0, v22;
	v18 =	vnsel vm1, $0x0, v21  }
0x30c: {  	vm0 =	vgt.s32 v10, v2;
	v6 =	vadd.f32 v18, v6;
	v28 =	vmul.f32 v18, v18  }
0x30d: {  	v29 =	vshra.s32 v8, $0x10;
	v10 =	vshra.s32 v25, $0x10;
	v21 =	vand.u32 $0xFF80, v25  }
0x30e: {  	vm1 =	veq.s32 v10, v2;
	v18 =	vshra.s32 v3, $0x10;
	v30 =	vand.u32 $0xFF80, v3  }
0x30f: {  	vm3 =	veq.s32 v18, v2;
	[tilespmem:v26+s3+$0x0] =	vst.idx.add.f32.msk vm2, v1;
	v26 =	vand.u32 $0x7F, v25;
	v21 =	vnsel vm1, $0x0, v21  }
0x310: {  	v31 =	vand.u32 $0x7F, v3;
	v30 =	vnsel vm3, $0x0, v30;
	v52 =	vld [tilespmem:s20+$0x40];
	v21 =	vor.u32 v26, v21  }
0x311: {  	v23 =	vand.u32 $0xFF80, v8;
	vm2 =	veq.s32 v29, v2;
	v30 =	vor.u32 v31, v30  }
0x312: {  	vm4 =	vgt.s32 v10, v2;
	v23 =	vnsel vm2, $0x0, v23;
	v31 =	vand.u32 $0x7F, v8  }
0x313: {  	v63 =	vadd.f32 v62, v13;
	v10 =	vor.u32 v31, v23;
	v23 =	vnsel vm4, $0x0, v25  }
0x314: {  	v12 =	vmul.f32 v9, v9;
	v17 =	vadd.f32 v28, v17;
	v6 =	vadd.f32 v23, v6  }
0x315: {  	v26 =	vmul.f32 v22, v22;
	v23 =	vmul.f32 v23, v23;
	v28 =	vshra.s32 v52, $0x10;
	[tilespmem:v21+s3+$0x0] =	vst.idx.add.f32.msk vm1, v1  }
0x316: {  	v6 =	vadd.f32 v9, v6;
	v9 =	vand.u32 $0xFF80, v52;
	[tilespmem:v30+s3+$0x0] =	vst.idx.add.f32.msk vm3, v1;
	vm3 =	veq.s32 v28, v2  }
0x317: {  	vm4 =	vgt.s32 v28, v2;
	v28 =	vand.u32 $0x7F, v52;
	v30 =	vld [tilespmem:s19+$0xFFFFFF90];
	v9 =	vnsel vm3, $0x0, v9  }
0x318: {  	v25 =	vmul.f32 v24, v24;
	v17 =	vadd.f32 v23, v17;
	v21 =	vld [tilespmem:s20+$0xFFFFFFD0];
	v23 =	vor.u32 v28, v9  }
0x319: {  	v26 =	vadd.f32 v26, v11;
	vm1 =	vgt.s32 v19, v2;
	[tilespmem:v10+s3+$0x0] =	vst.idx.add.f32.msk vm2, v1;
	v10 =	vnsel vm0, $0x0, v16  }
0x31a: {  	vm0 =	vgt.s32 v29, v2;
	v12 =	vadd.f32 v12, v17;
	v28 =	vnsel vm4, $0x0, v52  }
0x31b: {  	v29 =	vnsel vm1, $0x0, v4;
	v17 =	vld [tilespmem:s19+$0x10];
	v9 =	vadd.f32 v28, v6;
	v16 =	vmul.f32 v28, v28  }
0x31c: {  	v6 =	vnsel vm0, $0x0, v8;
	v28 =	vmul.f32 v27, v27;
	v19 =	vshra.s32 v30, $0x10  }
0x31d: {  	v8 =	vadd.f32 v16, v12;
	v12 =	vand.u32 $0xFF80, v30;
	vm0 =	veq.s32 v19, v2;
	[tilespmem:v23+s3+$0x0] =	vst.idx.add.f32.msk vm3, v1  }
0x31e: {  	v53 =	vand.u32 $0x7F, v21;
	v16 =	vand.u32 $0x7F, v30;
	v12 =	vnsel vm0, $0x0, v12;
	v24 =	vld [tilespmem:s20+$0x50]  }
0x31f: {  	v23 =	vadd.f32 v25, v7;
	v7 =	vor.u32 v16, v12;
	v12 =	vshra.s32 v21, $0x10  }
0x320: {  	v25 =	vshra.s32 v17, $0x10;
	v16 =	vand.u32 $0xFF80, v21;
	vm1 =	veq.s32 v12, v2  }
0x321: {  	v31 =	vand.u32 $0xFF80, v17;
	vm2 =	veq.s32 v25, v2;
	v16 =	vnsel vm1, $0x0, v16  }
0x322: {  	v54 =	vand.u32 $0x7F, v17;
	v31 =	vnsel vm2, $0x0, v31;
	v16 =	vor.u32 v53, v16  }
0x323: {  	vm3 =	vgt.s32 v19, v2;
	v19 =	vor.u32 v54, v31;
	v31 =	vshra.s32 v24, $0x10  }
0x324: {  	[tilespmem:v7+s3+$0x0] =	vst.idx.add.f32.msk vm0, v1;
	v7 =	vnsel vm3, $0x0, v30;
	vm0 =	veq.s32 v31, v2;
	v30 =	vand.u32 $0xFF80, v24  }
0x325: {  	v4 =	vmul.f32 v6, v6;
	vm3 =	vgt.s32 v12, v2;
	v55 =	vld [tilespmem:s19+$0xFFFFFFA0];
	v12 =	vnsel vm0, $0x0, v30  }
0x326: {  	v30 =	vand.u32 $0x7F, v24;
	v21 =	vnsel vm3, $0x0, v21;
	vm3 =	vgt.s32 v31, v2  }
0x327: {  	v30 =	vor.u32 v30, v12;
	v12 =	vadd.f32 v21, v5;
	[tilespmem:v16+s3+$0x0] =	vst.idx.add.f32.msk vm1, v1  }
0x328: {  	v16 =	vmul.f32 v21, v21;
	v21 =	vnsel vm3, $0x0, v24;
	vm1 =	vgt.s32 v25, v2;
	v24 =	vld [tilespmem:s20+$0xFFFFFFE0]  }
0x329: {  	[tilespmem:v19+s3+$0x0] =	vst.idx.add.f32.msk vm2, v1;
	v19 =	vmul.f32 v10, v10;
	v25 =	vmul.f32 v29, v29;
	v5 =	vnsel vm1, $0x0, v17  }
0x32a: {  	v17 =	vadd.f32 v27, v12;
	v12 =	vld [tilespmem:s19+$0x20];
	v16 =	vadd.f32 v16, v23;
	v23 =	vshra.s32 v55, $0x10  }
0x32b: {  	v27 =	vadd.f32 v22, v15;
	v15 =	vand.u32 $0xFF80, v55;
	vm1 =	veq.s32 v23, v2  }
0x32c: {  	v28 =	vadd.f32 v28, v16;
	[tilespmem:v30+s3+$0x0] =	vst.idx.add.f32.msk vm0, v1;
	v16 =	vand.u32 $0x7F, v55;
	v15 =	vnsel vm1, $0x0, v15  }
0x32d: {  	vm4 =	vgt.s32 v23, v2;
	v30 =	vld [tilespmem:s20+$0x60];
	v11 =	vor.u32 v16, v15;
	v15 =	vshra.s32 v24, $0x10  }
0x32e: {  	v16 =	vand.u32 $0xFF80, v24;
	v22 =	vand.u32 $0x7F, v24;
	vm0 =	veq.s32 v15, v2  }
0x32f: {  	vm2 =	vgt.s32 v15, v2;
	v15 =	vshra.s32 v12, $0x10;
	v16 =	vnsel vm0, $0x0, v16  }
0x330: {  	v57 =	vand.u32 $0xFF80, v12;
	vm3 =	veq.s32 v15, v2;
	v16 =	vor.u32 v22, v16  }
0x331: {  	v56 =	vand.u32 $0x7F, v12;
	v24 =	vnsel vm2, $0x0, v24;
	v22 =	vnsel vm3, $0x0, v57  }
0x332: {  	v59 =	vmul.f32 v24, v24;
	v23 =	vshra.s32 v30, $0x10;
	v58 =	vor.u32 v56, v22  }
0x333: {  	[tilespmem:v11+s3+$0x0] =	vst.idx.add.f32.msk vm1, v1;
	vm1 =	veq.s32 v23, v2;
	vm2 =	vgt.s32 v23, v2;
	v23 =	vand.u32 $0xFF80, v30  }
0x334: {  	v24 =	vadd.f32 v24, v27;
	v60 =	vand.u32 $0x7F, v30;
	v22 =	vld [tilespmem:s19+$0xFFFFFFB0];
	v23 =	vnsel vm1, $0x0, v23  }
0x335: {  	v31 =	vmul.f32 v21, v21;
	v27 =	vor.u32 v60, v23;
	[tilespmem:v16+s3+$0x0] =	vst.idx.add.f32.msk vm0, v1  }
0x336: {  	v24 =	vadd.f32 v29, v24;
	v30 =	vnsel vm2, $0x0, v30;
	v23 =	vadd.f32 v59, v26;
	v26 =	vld [tilespmem:s20+$0xFFFFFFF0]  }
0x337: {  	v61 =	vmul.f32 v30, v30;
	v16 =	vadd.f32 v21, v17;
	v17 =	vadd.f32 v31, v28  }
0x338: {  	v11 =	vnsel vm4, $0x0, v55;
	v31 =	vadd.f32 v20, v14;
	[tilespmem:v58+s3+$0x0] =	vst.idx.add.f32.msk vm3, v1;
	v20 =	vadd.f32 v25, v23  }
0x339: {  	v14 =	vadd.f32 v30, v24;
	v23 =	vld [tilespmem:s19+$0x30];
	v28 =	vand.u32 $0xFF80, v22;
	v21 =	vshra.s32 v22, $0x10  }
0x33a: {  	v25 =	vand.u32 $0x7F, v22;
	v13 =	vadd.f32 v61, v20;
	vm3 =	veq.s32 v21, v2;
	[tilespmem:v27+s3+$0x0] =	vst.idx.add.f32.msk vm1, v1  }
0x33b: {  	v20 =	vnsel vm3, $0x0, v28;
	v24 =	vld [tilespmem:s20+$0x70];
	v28 =	vshra.s32 v26, $0x10;
	v29 =	vand.u32 $0xFF80, v26  }
0x33c: {  	v27 =	vor.u32 v25, v20;
	vm0 =	veq.s32 v28, v2;
	vm1 =	vgt.s32 v28, v2  }
0x33d: {  	v28 =	vand.u32 $0x7F, v26;
	v20 =	vnsel vm0, $0x0, v29;
	v26 =	vnsel vm1, $0x0, v26  }
0x33e: {  	v25 =	vshra.s32 v23, $0x10;
	v20 =	vor.u32 v28, v20;
	v28 =	vmul.f32 v26, v26  }
0x33f: {  	vm2 =	vgt.s32 v18, v2;
	vm1 =	veq.s32 v25, v2;
	v29 =	vand.u32 $0xFF80, v23  }
0x340: {  	s21 =	simm.s32 $0x14280;
	s20 =	simm.s32 $0x2;
	v26 =	vadd.f32 v26, v31;
	v18 =	vshra.s32 v24, $0x10;
	v28 =	vadd.f32 v28, v63  }
.LBB2_10:
0x341: {  	s20 =	sadd.s32 $0x2, s20;
	[tilespmem:v27+s3+$0x0] =	vst.idx.add.f32.msk vm3, v1;
	v27 =	vnsel vm1, $0x0, v29;
	vm4 =	veq.s32 v18, v2;
	v29 =	vand.u32 $0xFF80, v24  }
0x342: {  	p0 =	slt.u32 s20, $0x7E;
	v30 =	vld [tilespmem:s19+$0xFFFFFFC0];
	v19 =	vadd.f32 v19, v28;
	v28 =	vnsel vm4, $0x0, v29;
	v29 =	vand.u32 $0x7F, v24  }
0x343: {  	vm5 =	vgt.s32 v21, v2;
	vm3 =	vgt.s32 v25, v2;
	v31 =	vld [tilespmem:s21+$0x0];
	v25 =	vor.u32 v29, v28  }
0x344: {  	v21 =	vand.u32 $0x7F, v23;
	v10 =	vadd.f32 v10, v26;
	vm6 =	vgt.s32 v18, v2;
	v28 =	vld [tilespmem:s21+$0xFFFFFF80]  }
0x345: {  	v3 =	vnsel vm2, $0x0, v3;
	v26 =	vor.u32 v21, v27;
	v18 =	vnsel vm6, $0x0, v24;
	[tilespmem:v20+s3+$0x0] =	vst.idx.add.f32.msk vm0, v1  }
0x346: {  	v21 =	vadd.f32 v18, v10;
	v10 =	vmul.f32 v18, v18;
	v20 =	vnsel vm5, $0x0, v22  }
0x347: {  	v9 =	vadd.f32 v3, v9;
	v22 =	vshra.s32 v30, $0x10;
	v27 =	vand.u32 $0xFF80, v30  }
0x348: {  	v32 =	vmul.f32 v3, v3;
	v29 =	vand.u32 $0xFF80, v31;
	vm0 =	veq.s32 v22, v2;
	[tilespmem:v25+s3+$0x0] =	vst.idx.add.f32.msk vm4, v1  }
0x349: {  	v24 =	vadd.f32 v10, v19;
	v25 =	vshra.s32 v31, $0x10;
	v18 =	vshra.s32 v28, $0x10;
	v3 =	vmovc v28  }
0x34a: {  	v19 =	vand.u32 $0x7F, v30;
	vm2 =	veq.s32 v18, v2;
	v10 =	vand.u32 $0xFF80, v3;
	[tilespmem:v26+s3+$0x0] =	vst.idx.add.f32.msk vm1, v1  }
0x34b: {  	v27 =	vnsel vm0, $0x0, v27;
	v26 =	vand.u32 $0x7F, v3;
	v10 =	vnsel vm2, $0x0, v10;
	v28 =	vld [tilespmem:s19+$0x40]  }
0x34c: {  	vm4 =	veq.s32 v25, v2;
	v19 =	vor.u32 v19, v27;
	v26 =	vor.u32 v26, v10  }
0x34d: {  	v27 =	vand.u32 $0x7F, v31;
	vm1 =	vgt.s32 v22, v2;
	v10 =	vnsel vm4, $0x0, v29  }
0x34e: {  	v22 =	vor.u32 v27, v10;
	v27 =	vmul.f32 v7, v7;
	v10 =	vnsel vm1, $0x0, v30  }
0x34f: {  	v9 =	vadd.f32 v10, v9;
	v29 =	vmul.f32 v10, v10;
	v10 =	vnsel vm3, $0x0, v23  }
0x350: {  	v8 =	vadd.f32 v32, v8;
	v23 =	vmul.f32 v11, v11;
	v30 =	vshra.s32 v28, $0x10  }
0x351: {  	v6 =	vadd.f32 v6, v9;
	v9 =	vand.u32 $0xFF80, v28;
	[tilespmem:v26+s3+$0x0] =	vst.idx.add.f32.msk vm2, v1;
	vm1 =	veq.s32 v30, v2  }
0x352: {  	vm2 =	vgt.s32 v30, v2;
	v30 =	vand.u32 $0x7F, v28;
	v26 =	vld [tilespmem:s21+$0xFFFFFF90];
	v9 =	vnsel vm1, $0x0, v9  }
0x353: {  	v8 =	vadd.f32 v29, v8;
	v28 =	vnsel vm2, $0x0, v28;
	[tilespmem:v22+s3+$0x0] =	vst.idx.add.f32.msk vm4, v1;
	v22 =	vor.u32 v30, v9  }
0x354: {  	v9 =	vadd.f32 v28, v6;
	[tilespmem:v19+s3+$0x0] =	vst.idx.add.f32.msk vm0, v1;
	v19 =	vmul.f32 v28, v28  }
0x355: {  	v8 =	vadd.f32 v4, v8;
	vm2 =	vgt.s32 v15, v2;
	vm0 =	vgt.s32 v25, v2;
	v25 =	vld [tilespmem:s19+$0xFFFFFFD0]  }
0x356: {  	v29 =	vnsel vm2, $0x0, v12;
	v28 =	vmul.f32 v5, v5;
	v6 =	vnsel vm0, $0x0, v31;
	v15 =	vld [tilespmem:s21+$0x10]  }
0x357: {  	v4 =	vmul.f32 v6, v6;
	v8 =	vadd.f32 v19, v8;
	v12 =	vshra.s32 v26, $0x10  }
0x358: {  	v16 =	vadd.f32 v7, v16;
	v19 =	vand.u32 $0xFF80, v26;
	vm2 =	veq.s32 v12, v2;
	[tilespmem:v22+s3+$0x0] =	vst.idx.add.f32.msk vm1, v1  }
0x359: {  	v17 =	vadd.f32 v27, v17;
	v7 =	vnsel vm2, $0x0, v19;
	v19 =	vand.u32 $0x7F, v26;
	v22 =	vld [tilespmem:s19+$0x50]  }
0x35a: {  	v7 =	vor.u32 v19, v7;
	v19 =	vshra.s32 v25, $0x10;
	v27 =	vand.u32 $0xFF80, v25  }
0x35b: {  	v30 =	vshra.s32 v15, $0x10;
	v31 =	vand.u32 $0xFF80, v15;
	vm3 =	veq.s32 v19, v2  }
0x35c: {  	v32 =	vand.u32 $0x7F, v25;
	vm0 =	veq.s32 v30, v2;
	v27 =	vnsel vm3, $0x0, v27  }
0x35d: {  	v33 =	vand.u32 $0x7F, v15;
	v31 =	vnsel vm0, $0x0, v31;
	v27 =	vor.u32 v32, v27  }
0x35e: {  	vm1 =	vgt.s32 v12, v2;
	v12 =	vor.u32 v33, v31;
	v31 =	vshra.s32 v22, $0x10  }
0x35f: {  	[tilespmem:v7+s3+$0x0] =	vst.idx.add.f32.msk vm2, v1;
	v7 =	vnsel vm1, $0x0, v26;
	vm1 =	veq.s32 v31, v2;
	v26 =	vand.u32 $0xFF80, v22  }
0x360: {  	vm2 =	vgt.s32 v19, v2;
	v32 =	vld [tilespmem:s21+$0xFFFFFFA0];
	v19 =	vnsel vm1, $0x0, v26;
	v26 =	vand.u32 $0x7F, v22  }
0x361: {  	v25 =	vnsel vm2, $0x0, v25;
	vm2 =	vgt.s32 v31, v2;
	v26 =	vor.u32 v26, v19  }
0x362: {  	v16 =	vadd.f32 v25, v16;
	v19 =	vmul.f32 v25, v25;
	v25 =	vnsel vm2, $0x0, v22;
	[tilespmem:v27+s3+$0x0] =	vst.idx.add.f32.msk vm3, v1  }
0x363: {  	vm2 =	vgt.s32 v30, v2;
	v30 =	vmul.f32 v29, v29;
	v31 =	vmul.f32 v25, v25;
	v27 =	vld [tilespmem:s19+$0xFFFFFFE0]  }
0x364: {  	v17 =	vadd.f32 v19, v17;
	v16 =	vadd.f32 v5, v16;
	v5 =	vnsel vm2, $0x0, v15;
	[tilespmem:v12+s3+$0x0] =	vst.idx.add.f32.msk vm0, v1  }
0x365: {  	v14 =	vadd.f32 v11, v14;
	v19 =	vmul.f32 v10, v10;
	v22 =	vshra.s32 v32, $0x10;
	v12 =	vld [tilespmem:s21+$0x20]  }
0x366: {  	v11 =	vand.u32 $0xFF80, v32;
	v17 =	vadd.f32 v28, v17;
	vm2 =	veq.s32 v22, v2;
	[tilespmem:v26+s3+$0x0] =	vst.idx.add.f32.msk vm1, v1  }
0x367: {  	v13 =	vadd.f32 v23, v13;
	v15 =	vand.u32 $0x7F, v32;
	v11 =	vnsel vm2, $0x0, v11;
	v23 =	vld [tilespmem:s19+$0x60]  }
0x368: {  	v11 =	vor.u32 v15, v11;
	v15 =	vshra.s32 v27, $0x10;
	v26 =	vand.u32 $0xFF80, v27  }
0x369: {  	v28 =	vand.u32 $0x7F, v27;
	vm3 =	veq.s32 v15, v2;
	vm4 =	vgt.s32 v15, v2  }
0x36a: {  	v15 =	vshra.s32 v12, $0x10;
	v33 =	vand.u32 $0x7F, v12;
	v26 =	vnsel vm3, $0x0, v26  }
0x36b: {  	v34 =	vand.u32 $0xFF80, v12;
	vm0 =	veq.s32 v15, v2;
	v26 =	vor.u32 v28, v26  }
0x36c: {  	vm1 =	vgt.s32 v22, v2;
	v22 =	vnsel vm0, $0x0, v34;
	v28 =	vshra.s32 v23, $0x10  }
0x36d: {  	[tilespmem:v11+s3+$0x0] =	vst.idx.add.f32.msk vm2, v1;
	v11 =	vnsel vm1, $0x0, v32;
	v32 =	vor.u32 v33, v22;
	vm1 =	veq.s32 v28, v2  }
0x36e: {  	v27 =	vnsel vm4, $0x0, v27;
	vm2 =	vgt.s32 v28, v2;
	v28 =	vand.u32 $0xFF80, v23;
	v22 =	vld [tilespmem:s21+$0xFFFFFFB0]  }
0x36f: {  	v34 =	vand.u32 $0x7F, v23;
	v33 =	vmul.f32 v27, v27;
	v28 =	vnsel vm1, $0x0, v28  }
0x370: {  	v14 =	vadd.f32 v27, v14;
	v27 =	vnsel vm2, $0x0, v23;
	[tilespmem:v26+s3+$0x0] =	vst.idx.add.f32.msk vm3, v1;
	v26 =	vor.u32 v34, v28  }
0x371: {  	v16 =	vadd.f32 v25, v16;
	v13 =	vadd.f32 v33, v13;
	v25 =	vmul.f32 v27, v27;
	v28 =	vld [tilespmem:s19+$0xFFFFFFF0]  }
0x372: {  	v17 =	vadd.f32 v31, v17;
	v14 =	vadd.f32 v29, v14;
	v33 =	vmul.f32 v20, v20  }
0x373: {  	v31 =	vadd.f32 v20, v21;
	v13 =	vadd.f32 v30, v13;
	v29 =	vand.u32 $0xFF80, v22;
	[tilespmem:v32+s3+$0x0] =	vst.idx.add.f32.msk vm0, v1  }
0x374: {  	v14 =	vadd.f32 v27, v14;
	v30 =	vadd.f32 v33, v24;
	v21 =	vshra.s32 v22, $0x10;
	v23 =	vld [tilespmem:s21+$0x30]  }
0x375: {  	v20 =	vand.u32 $0x7F, v22;
	v13 =	vadd.f32 v25, v13;
	vm3 =	veq.s32 v21, v2;
	[tilespmem:v26+s3+$0x0] =	vst.idx.add.f32.msk vm1, v1  }
0x376: {  	v25 =	vnsel vm3, $0x0, v29;
	v26 =	vshra.s32 v28, $0x10;
	v29 =	vand.u32 $0xFF80, v28;
	v24 =	vld [tilespmem:s19+$0x70];
	s19 =	smov.u32 s21  }
.Ltmp4:
0x377: {  	v27 =	vor.u32 v20, v25;
	vm0 =	veq.s32 v26, v2;
	vm1 =	vgt.s32 v26, v2;
	(pc) =	sbr.rel @p0 .LBB2_10-.Ltmp4, $4  }
0x378: {  	v26 =	vand.u32 $0x7F, v28;
	v20 =	vnsel vm0, $0x0, v29;
	v28 =	vnsel vm1, $0x0, v28  }
0x379: {  	v25 =	vshra.s32 v23, $0x10;
	v20 =	vor.u32 v26, v20;
	v32 =	vmul.f32 v28, v28  }
0x37a: {  	v29 =	vand.u32 $0xFF80, v23;
	v26 =	vadd.f32 v28, v31;
	vm1 =	veq.s32 v25, v2  }
0x37b: {  	vm2 =	vgt.s32 v18, v2;
	s21 =	sadd.s32 $0x100, s21;
	v28 =	vadd.f32 v32, v30;
	v18 =	vshra.s32 v24, $0x10  }
0x37c: {  	_ =	sdelay $0x2  }
0x37d: {  	v29 =	vnsel vm1, $0x0, v29;
	v30 =	vand.u32 $0x7F, v23  }
0x37e: {  	v29 =	vor.u32 v30, v29  }
0x37f: {  	[tilespmem:v27+s3+$0x0] =	vst.idx.add.f32.msk vm3, v1  }
0x380: {  	v27 =	vld [tilespmem:s19+$0xFFFFFFC0];
	_ =	sdelay $0x2  }
0x381: {  	[tilespmem:v29+s3+$0x0] =	vst.idx.add.f32.msk vm1, v1  }
0x382: {  	v29 =	vld [tilespmem:s19+$0x40]  }
0x383: {  	v62 =	vshra.s32 v27, $0x10  }
0x384: {  	v31 =	vand.u32 $0xFF80, v27;
	vm7 =	veq.s32 v62, v2  }
0x385: {  	v32 =	vand.u32 $0x7F, v27;
	v31 =	vnsel vm7, $0x0, v31  }
0x386: {  	v31 =	vor.u32 v32, v31  }
0x387: {  	v63 =	vshra.s32 v29, $0x10  }
0x388: {  	v33 =	vand.u32 $0xFF80, v29;
	vm8 =	veq.s32 v63, v2  }
0x389: {  	v34 =	vand.u32 $0x7F, v29;
	v33 =	vnsel vm8, $0x0, v33  }
0x38a: {  	v33 =	vor.u32 v34, v33  }
0x38b: {  	[tilespmem:v31+s3+$0x0] =	vst.idx.add.f32.msk vm7, v1  }
0x38c: {  	v31 =	vld [tilespmem:s19+$0xFFFFFFD0];
	_ =	sdelay $0x1  }
0x38d: {  	v36 =	vand.u32 $0xFF80, v24;
	vm4 =	vgt.s32 v21, v2;
	vm9 =	vgt.s32 v25, v2  }
0x38e: {  	v38 =	vand.u32 $0x7F, v24;
	v10 =	vadd.f32 v10, v26;
	vm5 =	vgt.s32 v18, v2;
	[tilespmem:v33+s3+$0x0] =	vst.idx.add.f32.msk vm8, v1  }
0x38f: {  	v3 =	vnsel vm2, $0x0, v3;
	v55 =	vmul.f32 v7, v7;
	v58 =	vmul.f32 v11, v11;
	v33 =	vld [tilespmem:s19+$0x50]  }
0x390: {  	vm13 =	vgt.s32 v15, v2;
	v60 =	vmul.f32 v5, v5;
	v39 =	vshra.s32 v31, $0x10  }
0x391: {  	v61 =	vadd.f32 v7, v16;
	v40 =	vand.u32 $0xFF80, v31;
	vm6 =	veq.s32 v39, v2  }
0x392: {  	vm1 =	veq.s32 v18, v2;
	v41 =	vand.u32 $0x7F, v31;
	v18 =	vnsel vm6, $0x0, v40  }
0x393: {  	v19 =	vadd.f32 v19, v28;
	v42 =	vnsel vm5, $0x0, v24;
	v18 =	vor.u32 v41, v18  }
0x394: {  	v44 =	vmul.f32 v3, v3;
	v3 =	vadd.f32 v3, v9;
	v43 =	vshra.s32 v33, $0x10  }
0x395: {  	v52 =	vnsel vm4, $0x0, v22;
	v45 =	vand.u32 $0xFF80, v33;
	vm10 =	veq.s32 v43, v2  }
0x396: {  	v50 =	vmul.f32 v42, v42;
	v47 =	vand.u32 $0x7F, v33;
	v46 =	vnsel vm10, $0x0, v45  }
0x397: {  	v10 =	vadd.f32 v42, v10;
	vm11 =	vgt.s32 v62, v2;
	v49 =	vor.u32 v47, v46  }
0x398: {  	v12 =	vnsel vm13, $0x0, v12;
	v8 =	vadd.f32 v44, v8;
	v48 =	vnsel vm11, $0x0, v27;
	[tilespmem:v18+s3+$0x0] =	vst.idx.add.f32.msk vm6, v1  }
0x399: {  	v53 =	vadd.f32 v50, v19;
	v9 =	vadd.f32 v52, v10;
	v51 =	vmul.f32 v48, v48;
	v54 =	vld [tilespmem:s19+$0xFFFFFFE0]  }
0x39a: {  	v37 =	vnsel vm1, $0x0, v36;
	v62 =	vadd.f32 v55, v17;
	v3 =	vadd.f32 v48, v3  }
0x39b: {  	v21 =	vor.u32 v38, v37;
	v38 =	vmul.f32 v12, v12;
	v8 =	vadd.f32 v51, v8  }
0x39c: {  	v23 =	vnsel vm9, $0x0, v23;
	v3 =	vadd.f32 v6, v3;
	vm12 =	vgt.s32 v63, v2;
	[tilespmem:v49+s3+$0x0] =	vst.idx.add.f32.msk vm10, v1  }
0x39d: {  	v4 =	vadd.f32 v4, v8;
	v8 =	vadd.f32 v58, v13;
	v56 =	vnsel vm12, $0x0, v29;
	v59 =	vld [tilespmem:s19+$0x60]  }
0x39e: {  	v57 =	vmul.f32 v56, v56;
	vm14 =	vgt.s32 v39, v2;
	v63 =	vshra.s32 v54, $0x10  }
0x39f: {  	v31 =	vnsel vm14, $0x0, v31;
	v30 =	vand.u32 $0xFF80, v54;
	vm15 =	veq.s32 v63, v2  }
0x3a0: {  	v24 =	vmul.f32 v31, v31;
	v32 =	vand.u32 $0x7F, v54;
	v22 =	vnsel vm15, $0x0, v30  }
0x3a1: {  	v3 =	vadd.f32 v56, v3;
	v7 =	vadd.f32 v31, v61;
	v22 =	vor.u32 v32, v22  }
0x3a2: {  	v4 =	vadd.f32 v57, v4;
	v16 =	vadd.f32 v24, v62;
	v34 =	vshra.s32 v59, $0x10  }
0x3a3: {  	v40 =	vadd.f32 v5, v7;
	v35 =	vand.u32 $0xFF80, v59;
	vm9 =	veq.s32 v34, v2  }
0x3a4: {  	vm8 =	vgt.s32 v43, v2;
	v36 =	vand.u32 $0x7F, v59;
	v26 =	vnsel vm9, $0x0, v35  }
0x3a5: {  	v15 =	vadd.f32 v60, v16;
	v37 =	vnsel vm8, $0x0, v33;
	v26 =	vor.u32 v36, v26  }
0x3a6: {  	v39 =	vmul.f32 v37, v37;
	vm10 =	vgt.s32 v63, v2;
	[tilespmem:v22+s3+$0x0] =	vst.idx.add.f32.msk vm15, v1  }
0x3a7: {  	v41 =	vadd.f32 v11, v14;
	v46 =	vmul.f32 v52, v52;
	v42 =	vnsel vm10, $0x0, v54;
	v45 =	vld [tilespmem:s19+$0xFFFFFFF0]  }
0x3a8: {  	v5 =	vadd.f32 v37, v40;
	v47 =	vadd.f32 v39, v15;
	v44 =	vmul.f32 v42, v42  }
0x3a9: {  	v43 =	vmul.f32 v23, v23;
	v50 =	vadd.f32 v46, v53;
	v7 =	vadd.f32 v42, v41  }
0x3aa: {  	v3 =	vadd.f32 v5, v3;
	v8 =	vadd.f32 v44, v8;
	[tilespmem:v26+s3+$0x0] =	vst.idx.add.f32.msk vm9, v1  }
0x3ab: {  	v4 =	vadd.f32 v47, v4;
	v7 =	vadd.f32 v12, v7;
	vm11 =	vgt.s32 v34, v2;
	v48 =	vld [tilespmem:s19+$0x70]  }
0x3ac: {  	v8 =	vadd.f32 v38, v8;
	v6 =	vnsel vm11, $0x0, v59;
	v51 =	vshra.s32 v45, $0x10  }
0x3ad: {  	v49 =	vmul.f32 v6, v6;
	v6 =	vadd.f32 v6, v7;
	vm13 =	vgt.s32 v51, v2  }
0x3ae: {  	v52 =	vand.u32 $0xFF80, v45;
	vm12 =	veq.s32 v51, v2;
	v55 =	vnsel vm13, $0x0, v45  }
0x3af: {  	v54 =	vand.u32 $0x7F, v45;
	v53 =	vnsel vm12, $0x0, v52;
	v57 =	vmul.f32 v55, v55  }
0x3b0: {  	v7 =	vor.u32 v54, v53;
	v9 =	vadd.f32 v55, v9;
	v56 =	vshra.s32 v48, $0x10  }
0x3b1: {  	v10 =	vadd.f32 v57, v50;
	v58 =	vand.u32 $0xFF80, v48;
	vm14 =	veq.s32 v56, v2  }
0x3b2: {  	v60 =	vand.u32 $0x7F, v48;
	vm15 =	vgt.s32 v56, v2;
	v59 =	vnsel vm14, $0x0, v58  }
0x3b3: {  	v2 =	vadd.f32 v23, v9;
	v61 =	vnsel vm15, $0x0, v48;
	v15 =	vor.u32 v60, v59  }
0x3b4: {  	v8 =	vadd.f32 v49, v8;
	v62 =	vadd.f32 v43, v10;
	v63 =	vmul.f32 v61, v61  }
0x3b5: {  	[tilespmem:v20+s3+$0x0] =	vst.idx.add.f32.msk vm0, v1;
	v3 =	vadd.f32 v6, v3;
	v2 =	vadd.f32 v61, v2  }
0x3b6: {  	[tilespmem:v21+s3+$0x0] =	vst.idx.add.f32.msk vm1, v1;
	v4 =	vadd.f32 v8, v4;
	v5 =	vadd.f32 v63, v62  }
0x3b7: {  	[tilespmem:v7+s3+$0x0] =	vst.idx.add.f32.msk vm12, v1;
	v2 =	vadd.f32 v2, v3  }
0x3b8: {  	v3 =	vadd.f32 v5, v4;
	[tilespmem:v15+s3+$0x0] =	vst.idx.add.f32.msk vm14, v1  }
0x3b9: {  	[tilespmem:$0x18000] =	vst v2  }
0x3ba: {  	[tilespmem:$0x18010] =	vst v3  }
0x3bb: {  	[tilespmem:$0x18020] =	vst v0  }
0x3bc: {  	[tilespmem:$0x18030] =	vst v0  }
0x3bd: {  	[tilespmem:$0x18040] =	vst v0  }
0x3be: {  	[tilespmem:$0x18050] =	vst v0  }
0x3bf: {  	[tilespmem:$0x18060] =	vst v0  }
0x3c0: {  	[tilespmem:$0x18070] =	vst v0  }
0x3c1: {  	[hbm4b:s8+s3] =	stream.linear.scatter [tilespmem:s3], [sflag:$0x3], $0x10000, $0x38;
	[tilespmem:$0x18100] =	vst v63  }
0x3c2: {  	s18 =	sadd.s32 $0x1, s18;
	_ =	swait.ge [sflag:s12], $0x10000  }
0x3c3: {  	p0 =	sne.s32 s18, s10;
	[sflag:s12] =	ssyncset.done $0x0  }
.Ltmp5:
0x3c4: {  	[sflag:s12] =	ssyncadd.s32 $0xFFFF0000;
	(pc) =	sbr.rel @p0 .LBB2_1-.Ltmp5, $4  }
0x3c5: {  	[hbm4b:s9+s3] =	stream.linear.scatter [tilespmem:s17], [sflag:$0x3], $0x80, $0x38;
	[tilespmem:$0x18100] =	vst v63  }
0x3c6: {  	_ =	swait.ge [sflag:s12], $0x80  }
0x3c7: {  	[sflag:s12] =	ssyncset.done $0x0  }
0x3c8: {  	[sflag:s12] =	ssyncadd.s32 $0xFFFFFF80  }
0x3c9: {  	_ =	sfence.sel $0x180000  }
0x3ca: {  	[bflag:$0x0] =	sbarrier.arrive $0xFFFF  }
0x3cb: {  	p0 =	sne.s32 s1, $0x0;
	_ =	strace $0x9000004A  }
0x3cc: {  	s0 =	sadd.s32 @!p0 $0x100000, s0;
	[bflag:$0x2] =	sbarrier.arrive $0xFFFF  }
0x3cd: {  	[sflag:s0] =	ssyncadd.tile.s32 @!p0 $0x1;
	_ =	shalt  }
.Lfunc_end2:
_tile_overlayer_lowered:
.L_overlay_start_2:
0x3ce: {  	(tag) =	ssettag $0x2  }
0x3cf: {  	s0 =	rddreg [dreg:$0x0];
	s2 =	stileid.u32  }
0x3d0: {  	s1 =	rddreg [dreg:$0x1];
	p0 =	sne.s32 s2, $0x0  }
0x3d1: {  	s3 =	rddreg [dreg:$0x2];
	[bflag:$0x3] =	sbarrier.arrive $0xFFFF;
	s2 =	simm.s32 @!p0 $0x1C03  }
0x3d2: {  	[timem:s3], [sflag:s2] =	dma.local @!p0 [hbm:s0], s1  }
0x3d3: {  	s0 =	simm.s32 @!p0 $0x3  }
0x3d4: {  	_ =	swait.ge @!p0 [sflag:s0], s1  }
0x3d5: {  	s1 =	ssub.s32 @!p0 $0x0, s1;
	[sflag:s0] =	ssyncset.done @!p0 $0x0  }
0x3d6: {  	[sflag:s0] =	ssyncadd.s32 @!p0 s1  }
0x3d7: {  	[bflag:$0x3] =	sbarrier.arrive $0xFFFF  }
0x3d8: {  	_ =	shalt  }

</sc_bundles>
